<compile_context>
chip_gen: v7x
topology: tpu7x:2x2x1
jax: 0.10.2.dev20260603
libtpu: 0.0.44.dev20260713+nightly
codegen_flags: <defaults>
</compile_context>

<pallas_src>
import functools

import jax
import jax.numpy as jnp
from jax import lax
from jax.experimental import pallas as pl
from jax.experimental.pallas import tpu as pltpu
from jax.experimental.pallas import tpu_sc as plsc

VOCAB = 1000000
BATCH = 16384
UNITS = 10

_NC = 2
_NS = 16
_NW = _NC * _NS
_BPW = BATCH // _NW
_ICH = 128
_KCH = _BPW // _ICH
_LANES = 16

_mesh = plsc.VectorSubcoreMesh(
    core_axis_name="c", subcore_axis_name="s", num_cores=_NC, num_subcores=_NS
)


@functools.partial(
    pl.kernel,
    out_type=jax.ShapeDtypeStruct((_NW, _KCH, UNITS, _ICH), jnp.float32),
    mesh=_mesh,
    scratch_types=[
        pltpu.VMEM((_KCH, _ICH), jnp.int32),
        pltpu.VMEM((_BPW,), jnp.int32),
        pltpu.VMEM((2, _LANES), jnp.float32),
        pltpu.VMEM((_KCH, UNITS, _ICH), jnp.float32),
        pltpu.SemaphoreType.DMA,
        pltpu.SemaphoreType.DMA,
        pltpu.SemaphoreType.DMA,
        pltpu.SemaphoreType.DMA,
        pltpu.SemaphoreType.DMA,
        pltpu.SemaphoreType.DMA,
    ],
)
def _lookup_affine(
    table_h, idx_h, wb_h, out_h, idx_v, ids_v, wb_v, out_v, wb_sem, *sems
):
    gsems, osem = sems[:_KCH], sems[_KCH]
    wid = lax.axis_index("s") * _NC + lax.axis_index("c")
    wcp = pltpu.async_copy(wb_h, wb_v, wb_sem)
    pltpu.sync_copy(idx_h.at[wid], idx_v)
    copies = [
        pltpu.async_copy(
            table_h.at[idx_v.at[k]], ids_v.at[pl.ds(k * _ICH, _ICH)], gsems[k]
        )
        for k in range(_KCH)
    ]
    wcp.wait()
    wrow = wb_v[0]
    brow = wb_v[1]
    ws = [wrow[j] for j in range(UNITS)]
    bs = [brow[j] for j in range(UNITS)]
    ocs = []
    for k in range(_KCH):
        copies[k].wait()
        for i in range(_ICH // _LANES):
            v = ids_v[pl.ds(k * _ICH + i * _LANES, _LANES)].astype(jnp.float32)
            for j in range(UNITS):
                out_v[k, j, pl.ds(i * _LANES, _LANES)] = v * ws[j] + bs[j]
        ocs.append(pltpu.async_copy(out_v.at[k], out_h.at[wid, k], osem))
    for oc in ocs:
        oc.wait()


def kernel(inputs, lookup_table, W, b):
    idx = inputs.reshape(-1).astype(jnp.int32).reshape(_NW, _KCH, _ICH)
    wb = jnp.zeros((2, _LANES), jnp.float32)
    wb = wb.at[0, :UNITS].set(W[0].astype(jnp.float32))
    wb = wb.at[1, :UNITS].set(b.astype(jnp.float32))
    out = _lookup_affine(lookup_table, idx, wb)
    return out.transpose(0, 1, 3, 2).reshape(BATCH, UNITS)

# --- scband reference (transcript-rebuilt; emitter-appended) ---
"""Pipeline reference for scband-my-model-87522843559397 (READ-ONLY COPY).

The authoritative reference and input builder live on the scoring server;
editing this copy changes nothing except your own understanding.
"""

import jax, jax.numpy as jnp
import numpy as np

VOCAB = 1000000
BATCH = 16384
UNITS = 10


def setup_inputs(seed: int = 0) -> dict:
    key = jax.random.key(seed)
    k1, k2, k3 = jax.random.split(key, 3)
    inputs = jax.random.randint(k1, (BATCH, 1), 0, VOCAB, dtype=jnp.int64)
    # StringLookup with output_mode='int', mask_token=None maps each token to an
    # integer id (0 reserved for OOV, vocab ids start at 1). We model the string
    # hash->id mapping as an integer lookup table over the token universe.
    lookup_table = jax.random.randint(k2, (VOCAB,), 0, VOCAB + 1, dtype=jnp.int32)
    # Dense(10) applied to the integer id (last dim = 1)
    W = jax.random.normal(k3, (1, UNITS), dtype=jnp.float32) * 0.05
    b = jnp.zeros((UNITS,), dtype=jnp.float32)
    return {"inputs": inputs, "lookup_table": lookup_table, "W": W, "b": b}


def reference(inputs, lookup_table, W, b):
    # StringLookup: gather id from vocabulary table
    ids = jnp.take(lookup_table, inputs.squeeze(-1), axis=0)  # [B]
    ids = ids[:, None]  # [B, 1]
    x = ids.astype(jnp.float32)
    # Dense(10): x @ W + b
    out = jnp.dot(x, W) + b  # [B, 10]
    return out

if __name__ == "__main__":
    import jax
    _d = setup_inputs()
    print(jax.jit(kernel)(*tuple(_d.values())))

</pallas_src>

<mosaic_0001>
#map = affine_map<(d0, d1) -> (0)>
#map1 = affine_map<(d0, d1) -> (0, 0, 0)>
#map2 = affine_map<(d0, d1) -> (0, 0)>
#map3 = affine_map<(d0, d1) -> (0, 0, 0, 0)>
module attributes {stable_mosaic.version = 14 : i64} {
  func.func @_lookup_affine(%arg0: i32, %arg1: i32, %arg2: memref<1000000xi32, #tpu.memory_space<hbm>>, %arg3: memref<32x4x128xi32, #tpu.memory_space<hbm>>, %arg4: memref<2x16xf32, #tpu.memory_space<hbm>>, %arg5: memref<32x4x10x128xf32, #tpu.memory_space<hbm>>, %arg6: memref<4x128xi32, #tpu.memory_space<vmem>>, %arg7: memref<512xi32, #tpu.memory_space<vmem>>, %arg8: memref<2x16xf32, #tpu.memory_space<vmem>>, %arg9: memref<4x10x128xf32, #tpu.memory_space<vmem>>, %arg10: memref<!tpu.dma_semaphore, #tpu.memory_space<semaphore_mem>>, %arg11: memref<!tpu.dma_semaphore, #tpu.memory_space<semaphore_mem>>, %arg12: memref<!tpu.dma_semaphore, #tpu.memory_space<semaphore_mem>>, %arg13: memref<!tpu.dma_semaphore, #tpu.memory_space<semaphore_mem>>, %arg14: memref<!tpu.dma_semaphore, #tpu.memory_space<semaphore_mem>>, %arg15: memref<!tpu.dma_semaphore, #tpu.memory_space<semaphore_mem>>) attributes {dimension_semantics = [#tpu.dimension_semantics<core_parallel>, #tpu.dimension_semantics<subcore_parallel>], iteration_bounds = array<i64: 2, 16>, scalar_prefetch = 0 : i64, scratch_operands = 10 : i64, tpu.core_type = #tpu.core_type<sc_vector_subcore>, window_params = [{transform_indices = #map}, {transform_indices = #map1}, {transform_indices = #map2}, {transform_indices = #map3}]} {
    %mul3A = arith.constant 2 : i32
    %mul3A_0 = arith.muli %arg1, %mul3A : i32
    %add3A = arith.addi %mul3A_0, %arg0 : i32
    tpu.enqueue_dma source(%arg4 : memref<2x16xf32, #tpu.memory_space<hbm>>) target(%arg8 : memref<2x16xf32, #tpu.memory_space<vmem>>) target_semaphore(%arg10 : memref<!tpu.dma_semaphore, #tpu.memory_space<semaphore_mem>>)
    "tpu.region"() ({
      %run_scoped3A = tpu.sem_alloc : memref<!tpu.dma_semaphore, #tpu.memory_space<semaphore_mem>>
      %dma_start3A_4220 = arith.constant 0 : i32
      %dma_start3A_4221 = arith.constant 0 : i32
      %dma_start3A_4222 = tpu.memref_slice %arg3[%add3A, %dma_start3A_4220, %dma_start3A_4221] : memref<32x4x128xi32, #tpu.memory_space<hbm>> -> memref<1x4x128xi32, #tpu.memory_space<hbm>>
      %dma_start3A_4223 = tpu.memref_squeeze %dma_start3A_4222 : memref<1x4x128xi32, #tpu.memory_space<hbm>> -> memref<4x128xi32, #tpu.memory_space<hbm>>
      %dma_start3A_4224 = arith.constant 0 : i32
      %dma_start3A_4225 = arith.constant 0 : i32
      %dma_start3A_4226 = tpu.memref_slice %arg3[%add3A, %dma_start3A_4224, %dma_start3A_4225] : memref<32x4x128xi32, #tpu.memory_space<hbm>> -> memref<1x4x128xi32, #tpu.memory_space<hbm>>
      %dma_start3A_4227 = tpu.memref_squeeze %dma_start3A_4226 : memref<1x4x128xi32, #tpu.memory_space<hbm>> -> memref<4x128xi32, #tpu.memory_space<hbm>>
      tpu.enqueue_dma source(%dma_start3A_4227 : memref<4x128xi32, #tpu.memory_space<hbm>>) target(%arg6 : memref<4x128xi32, #tpu.memory_space<vmem>>) target_semaphore(%run_scoped3A : memref<!tpu.dma_semaphore, #tpu.memory_space<semaphore_mem>>)
      %dma_wait3A_4228 = arith.constant 0 : i32
      %dma_wait3A_4229 = arith.constant 0 : i32
      %dma_wait3A_4230 = tpu.memref_slice %arg3[%add3A, %dma_wait3A_4228, %dma_wait3A_4229] : memref<32x4x128xi32, #tpu.memory_space<hbm>> -> memref<1x4x128xi32, #tpu.memory_space<hbm>>
      %dma_wait3A_4231 = tpu.memref_squeeze %dma_wait3A_4230 : memref<1x4x128xi32, #tpu.memory_space<hbm>> -> memref<4x128xi32, #tpu.memory_space<hbm>>
      %dma_wait3A_4232 = arith.constant 0 : i32
      %dma_wait3A_4233 = arith.constant 0 : i32
      %dma_wait3A_4234 = tpu.memref_slice %arg3[%add3A, %dma_wait3A_4232, %dma_wait3A_4233] : memref<32x4x128xi32, #tpu.memory_space<hbm>> -> memref<1x4x128xi32, #tpu.memory_space<hbm>>
      %dma_wait3A_4235 = tpu.memref_squeeze %dma_wait3A_4234 : memref<1x4x128xi32, #tpu.memory_space<hbm>> -> memref<4x128xi32, #tpu.memory_space<hbm>>
      tpu.wait_dma2 semaphore(%run_scoped3A : memref<!tpu.dma_semaphore, #tpu.memory_space<semaphore_mem>>) src(%dma_wait3A_4235 : memref<4x128xi32, #tpu.memory_space<hbm>>) dst(%arg6 : memref<4x128xi32, #tpu.memory_space<vmem>>)
      tpu.yield
    }) : () -> ()
    %dma_start3A = arith.constant 0 : i32
    %dma_start3A_1 = arith.constant 0 : i32
    %dma_start3A_2 = tpu.memref_slice %arg7[%dma_start3A_1] : memref<512xi32, #tpu.memory_space<vmem>> -> memref<128xi32, #tpu.memory_space<vmem>>
    %dma_start3A_3 = arith.constant 0 : i32
    %dma_start3A_4 = tpu.memref_slice %arg6[%dma_start3A, %dma_start3A_3] : memref<4x128xi32, #tpu.memory_space<vmem>> -> memref<1x128xi32, #tpu.memory_space<vmem>>
    %dma_start3A_5 = tpu.memref_squeeze %dma_start3A_4 : memref<1x128xi32, #tpu.memory_space<vmem>> -> memref<128xi32, #tpu.memory_space<vmem>>
    %dma_start3A_6 = arith.constant 0 : i32
    %dma_start3A_7 = tpu.memref_slice %arg2[%dma_start3A_6] : memref<1000000xi32, #tpu.memory_space<hbm>> -> memref<1000000xi32, #tpu.memory_space<hbm>>
    tpu.enqueue_indirect_dma source(%dma_start3A_7 : memref<1000000xi32, #tpu.memory_space<hbm>>) target(%dma_start3A_2 : memref<128xi32, #tpu.memory_space<vmem>>) offsets(%dma_start3A_5 : memref<128xi32, #tpu.memory_space<vmem>>) semaphore(%arg11 : memref<!tpu.dma_semaphore, #tpu.memory_space<semaphore_mem>>)
    %dma_start3A_8 = arith.constant 1 : i32
    %dma_start3A_9 = arith.constant 128 : i32
    %dma_start3A_10 = tpu.memref_slice %arg7[%dma_start3A_9] : memref<512xi32, #tpu.memory_space<vmem>> -> memref<128xi32, #tpu.memory_space<vmem>>
    %dma_start3A_11 = arith.constant 0 : i32
    %dma_start3A_12 = tpu.memref_slice %arg6[%dma_start3A_8, %dma_start3A_11] : memref<4x128xi32, #tpu.memory_space<vmem>> -> memref<1x128xi32, #tpu.memory_space<vmem>>
    %dma_start3A_13 = tpu.memref_squeeze %dma_start3A_12 : memref<1x128xi32, #tpu.memory_space<vmem>> -> memref<128xi32, #tpu.memory_space<vmem>>
    %dma_start3A_14 = arith.constant 0 : i32
    %dma_start3A_15 = tpu.memref_slice %arg2[%dma_start3A_14] : memref<1000000xi32, #tpu.memory_space<hbm>> -> memref<1000000xi32, #tpu.memory_space<hbm>>
    tpu.enqueue_indirect_dma source(%dma_start3A_15 : memref<1000000xi32, #tpu.memory_space<hbm>>) target(%dma_start3A_10 : memref<128xi32, #tpu.memory_space<vmem>>) offsets(%dma_start3A_13 : memref<128xi32, #tpu.memory_space<vmem>>) semaphore(%arg12 : memref<!tpu.dma_semaphore, #tpu.memory_space<semaphore_mem>>)
    %dma_start3A_16 = arith.constant 2 : i32
    %dma_start3A_17 = arith.constant 256 : i32
    %dma_start3A_18 = tpu.memref_slice %arg7[%dma_start3A_17] : memref<512xi32, #tpu.memory_space<vmem>> -> memref<128xi32, #tpu.memory_space<vmem>>
    %dma_start3A_19 = arith.constant 0 : i32
    %dma_start3A_20 = tpu.memref_slice %arg6[%dma_start3A_16, %dma_start3A_19] : memref<4x128xi32, #tpu.memory_space<vmem>> -> memref<1x128xi32, #tpu.memory_space<vmem>>
    %dma_start3A_21 = tpu.memref_squeeze %dma_start3A_20 : memref<1x128xi32, #tpu.memory_space<vmem>> -> memref<128xi32, #tpu.memory_space<vmem>>
    %dma_start3A_22 = arith.constant 0 : i32
    %dma_start3A_23 = tpu.memref_slice %arg2[%dma_start3A_22] : memref<1000000xi32, #tpu.memory_space<hbm>> -> memref<1000000xi32, #tpu.memory_space<hbm>>
    tpu.enqueue_indirect_dma source(%dma_start3A_23 : memref<1000000xi32, #tpu.memory_space<hbm>>) target(%dma_start3A_18 : memref<128xi32, #tpu.memory_space<vmem>>) offsets(%dma_start3A_21 : memref<128xi32, #tpu.memory_space<vmem>>) semaphore(%arg13 : memref<!tpu.dma_semaphore, #tpu.memory_space<semaphore_mem>>)
    %dma_start3A_24 = arith.constant 3 : i32
    %dma_start3A_25 = arith.constant 384 : i32
    %dma_start3A_26 = tpu.memref_slice %arg7[%dma_start3A_25] : memref<512xi32, #tpu.memory_space<vmem>> -> memref<128xi32, #tpu.memory_space<vmem>>
    %dma_start3A_27 = arith.constant 0 : i32
    %dma_start3A_28 = tpu.memref_slice %arg6[%dma_start3A_24, %dma_start3A_27] : memref<4x128xi32, #tpu.memory_space<vmem>> -> memref<1x128xi32, #tpu.memory_space<vmem>>
    %dma_start3A_29 = tpu.memref_squeeze %dma_start3A_28 : memref<1x128xi32, #tpu.memory_space<vmem>> -> memref<128xi32, #tpu.memory_space<vmem>>
    %dma_start3A_30 = arith.constant 0 : i32
    %dma_start3A_31 = tpu.memref_slice %arg2[%dma_start3A_30] : memref<1000000xi32, #tpu.memory_space<hbm>> -> memref<1000000xi32, #tpu.memory_space<hbm>>
    tpu.enqueue_indirect_dma source(%dma_start3A_31 : memref<1000000xi32, #tpu.memory_space<hbm>>) target(%dma_start3A_26 : memref<128xi32, #tpu.memory_space<vmem>>) offsets(%dma_start3A_29 : memref<128xi32, #tpu.memory_space<vmem>>) semaphore(%arg14 : memref<!tpu.dma_semaphore, #tpu.memory_space<semaphore_mem>>)
    tpu.wait_dma2 semaphore(%arg10 : memref<!tpu.dma_semaphore, #tpu.memory_space<semaphore_mem>>) src(%arg4 : memref<2x16xf32, #tpu.memory_space<hbm>>) dst(%arg8 : memref<2x16xf32, #tpu.memory_space<vmem>>)
    %get3A = arith.constant 0 : i32
    %get3A_32 = arith.index_cast %get3A : i32 to index
    %get3A_33 = arith.constant 0 : index
    %get3A_34 = tpu.vector_load %arg8[%get3A_32, %get3A_33] {strides = array<i32>} : memref<2x16xf32, #tpu.memory_space<vmem>>, vector<1x16xf32>,
    %get3A_35 = vector.shape_cast %get3A_34 : vector<1x16xf32> to vector<16xf32>
    %get3A_36 = arith.constant 1 : i32
    %get3A_37 = arith.index_cast %get3A_36 : i32 to index
    %get3A_38 = arith.constant 0 : index
    %get3A_39 = tpu.vector_load %arg8[%get3A_37, %get3A_38] {strides = array<i32>} : memref<2x16xf32, #tpu.memory_space<vmem>>, vector<1x16xf32>,
    %get3A_40 = vector.shape_cast %get3A_39 : vector<1x16xf32> to vector<16xf32>
    %slice3A = vector.extract_strided_slice %get3A_35 {offsets = [0], sizes = [1], strides = [1]} : vector<16xf32> to vector<1xf32>
    %squeeze3A = vector.extract %slice3A[0] : f32 from vector<1xf32>
    %slice3A_41 = vector.extract_strided_slice %get3A_35 {offsets = [1], sizes = [1], strides = [1]} : vector<16xf32> to vector<1xf32>
    %squeeze3A_42 = vector.extract %slice3A_41[0] : f32 from vector<1xf32>
    %slice3A_43 = vector.extract_strided_slice %get3A_35 {offsets = [2], sizes = [1], strides = [1]} : vector<16xf32> to vector<1xf32>
    %squeeze3A_44 = vector.extract %slice3A_43[0] : f32 from vector<1xf32>
    %slice3A_45 = vector.extract_strided_slice %get3A_35 {offsets = [3], sizes = [1], strides = [1]} : vector<16xf32> to vector<1xf32>
    %squeeze3A_46 = vector.extract %slice3A_45[0] : f32 from vector<1xf32>
    %slice3A_47 = vector.extract_strided_slice %get3A_35 {offsets = [4], sizes = [1], strides = [1]} : vector<16xf32> to vector<1xf32>
    %squeeze3A_48 = vector.extract %slice3A_47[0] : f32 from vector<1xf32>
    %slice3A_49 = vector.extract_strided_slice %get3A_35 {offsets = [5], sizes = [1], strides = [1]} : vector<16xf32> to vector<1xf32>
    %squeeze3A_50 = vector.extract %slice3A_49[0] : f32 from vector<1xf32>
    %slice3A_51 = vector.extract_strided_slice %get3A_35 {offsets = [6], sizes = [1], strides = [1]} : vector<16xf32> to vector<1xf32>
    %squeeze3A_52 = vector.extract %slice3A_51[0] : f32 from vector<1xf32>
    %slice3A_53 = vector.extract_strided_slice %get3A_35 {offsets = [7], sizes = [1], strides = [1]} : vector<16xf32> to vector<1xf32>
    %squeeze3A_54 = vector.extract %slice3A_53[0] : f32 from vector<1xf32>
    %slice3A_55 = vector.extract_strided_slice %get3A_35 {offsets = [8], sizes = [1], strides = [1]} : vector<16xf32> to vector<1xf32>
    %squeeze3A_56 = vector.extract %slice3A_55[0] : f32 from vector<1xf32>
    %slice3A_57 = vector.extract_strided_slice %get3A_35 {offsets = [9], sizes = [1], strides = [1]} : vector<16xf32> to vector<1xf32>
    %squeeze3A_58 = vector.extract %slice3A_57[0] : f32 from vector<1xf32>
    %slice3A_59 = vector.extract_strided_slice %get3A_40 {offsets = [0], sizes = [1], strides = [1]} : vector<16xf32> to vector<1xf32>
    %squeeze3A_60 = vector.extract %slice3A_59[0] : f32 from vector<1xf32>
    %slice3A_61 = vector.extract_strided_slice %get3A_40 {offsets = [1], sizes = [1], strides = [1]} : vector<16xf32> to vector<1xf32>
    %squeeze3A_62 = vector.extract %slice3A_61[0] : f32 from vector<1xf32>
    %slice3A_63 = vector.extract_strided_slice %get3A_40 {offsets = [2], sizes = [1], strides = [1]} : vector<16xf32> to vector<1xf32>
    %squeeze3A_64 = vector.extract %slice3A_63[0] : f32 from vector<1xf32>
    %slice3A_65 = vector.extract_strided_slice %get3A_40 {offsets = [3], sizes = [1], strides = [1]} : vector<16xf32> to vector<1xf32>
    %squeeze3A_66 = vector.extract %slice3A_65[0] : f32 from vector<1xf32>
    %slice3A_67 = vector.extract_strided_slice %get3A_40 {offsets = [4], sizes = [1], strides = [1]} : vector<16xf32> to vector<1xf32>
    %squeeze3A_68 = vector.extract %slice3A_67[0] : f32 from vector<1xf32>
    %slice3A_69 = vector.extract_strided_slice %get3A_40 {offsets = [5], sizes = [1], strides = [1]} : vector<16xf32> to vector<1xf32>
    %squeeze3A_70 = vector.extract %slice3A_69[0] : f32 from vector<1xf32>
    %slice3A_71 = vector.extract_strided_slice %get3A_40 {offsets = [6], sizes = [1], strides = [1]} : vector<16xf32> to vector<1xf32>
    %squeeze3A_72 = vector.extract %slice3A_71[0] : f32 from vector<1xf32>
    %slice3A_73 = vector.extract_strided_slice %get3A_40 {offsets = [7], sizes = [1], strides = [1]} : vector<16xf32> to vector<1xf32>
    %squeeze3A_74 = vector.extract %slice3A_73[0] : f32 from vector<1xf32>
    %slice3A_75 = vector.extract_strided_slice %get3A_40 {offsets = [8], sizes = [1], strides = [1]} : vector<16xf32> to vector<1xf32>
    %squeeze3A_76 = vector.extract %slice3A_75[0] : f32 from vector<1xf32>
    %slice3A_77 = vector.extract_strided_slice %get3A_40 {offsets = [9], sizes = [1], strides = [1]} : vector<16xf32> to vector<1xf32>
    %squeeze3A_78 = vector.extract %slice3A_77[0] : f32 from vector<1xf32>
    %dma_wait3A = arith.constant 0 : i32
    %dma_wait3A_79 = arith.constant 0 : i32
    %dma_wait3A_80 = tpu.memref_slice %arg7[%dma_wait3A_79] : memref<512xi32, #tpu.memory_space<vmem>> -> memref<128xi32, #tpu.memory_space<vmem>>
    %dma_wait3A_81 = arith.constant 0 : i32
    %dma_wait3A_82 = tpu.memref_slice %arg6[%dma_wait3A, %dma_wait3A_81] : memref<4x128xi32, #tpu.memory_space<vmem>> -> memref<1x128xi32, #tpu.memory_space<vmem>>
    %dma_wait3A_83 = tpu.memref_squeeze %dma_wait3A_82 : memref<1x128xi32, #tpu.memory_space<vmem>> -> memref<128xi32, #tpu.memory_space<vmem>>
    %dma_wait3A_84 = arith.constant 0 : i32
    %dma_wait3A_85 = tpu.memref_slice %arg2[%dma_wait3A_84] : memref<1000000xi32, #tpu.memory_space<hbm>> -> memref<1000000xi32, #tpu.memory_space<hbm>>
    tpu.wait_indirect_dma semaphore(%arg11 : memref<!tpu.dma_semaphore, #tpu.memory_space<semaphore_mem>>) src(%dma_wait3A_85 : memref<1000000xi32, #tpu.memory_space<hbm>>) dst(%dma_wait3A_80 : memref<128xi32, #tpu.memory_space<vmem>>)
    %get3A_86 = arith.constant 0 : index
    %get3A_87 = tpu.vector_load %arg7[%get3A_86] {strides = array<i32>} : memref<512xi32, #tpu.memory_space<vmem>>, vector<16xi32>,
    %get3A_88 = vector.shape_cast %get3A_87 : vector<16xi32> to vector<16xi32>
    %convert_element_type3A = arith.sitofp %get3A_88 : vector<16xi32> to vector<16xf32>
    %mul3A_89 = vector.broadcast %squeeze3A : f32 to vector<16xf32>
    %mul3A_90 = arith.mulf %convert_element_type3A, %mul3A_89 : vector<16xf32>
    %add3A_91 = vector.broadcast %squeeze3A_60 : f32 to vector<16xf32>
    %add3A_92 = arith.addf %mul3A_90, %add3A_91 : vector<16xf32>
    %swap3A = arith.constant 0 : i32
    %swap3A_93 = arith.constant 0 : i32
    %swap3A_94 = arith.index_cast %swap3A : i32 to index
    %swap3A_95 = arith.index_cast %swap3A_93 : i32 to index
    %swap3A_96 = arith.constant 0 : index
    %swap3A_97 = tpu.vector_load %arg9[%swap3A_94, %swap3A_95, %swap3A_96] {strides = array<i32>} : memref<4x10x128xf32, #tpu.memory_space<vmem>>, vector<1x1x16xf32>,
    %swap3A_98 = vector.shape_cast %swap3A_97 : vector<1x1x16xf32> to vector<16xf32>
    %swap3A_99 = vector.shape_cast %add3A_92 : vector<16xf32> to vector<1x1x16xf32>
    tpu.vector_store %arg9[%swap3A_94, %swap3A_95, %swap3A_96], %swap3A_99 {strides = array<i32>} : memref<4x10x128xf32, #tpu.memory_space<vmem>>, vector<1x1x16xf32>,
    %mul3A_100 = vector.broadcast %squeeze3A_42 : f32 to vector<16xf32>
    %mul3A_101 = arith.mulf %convert_element_type3A, %mul3A_100 : vector<16xf32>
    %add3A_102 = vector.broadcast %squeeze3A_62 : f32 to vector<16xf32>
    %add3A_103 = arith.addf %mul3A_101, %add3A_102 : vector<16xf32>
    %swap3A_104 = arith.constant 0 : i32
    %swap3A_105 = arith.constant 1 : i32
    %swap3A_106 = arith.index_cast %swap3A_104 : i32 to index
    %swap3A_107 = arith.index_cast %swap3A_105 : i32 to index
    %swap3A_108 = arith.constant 0 : index
    %swap3A_109 = tpu.vector_load %arg9[%swap3A_106, %swap3A_107, %swap3A_108] {strides = array<i32>} : memref<4x10x128xf32, #tpu.memory_space<vmem>>, vector<1x1x16xf32>,
    %swap3A_110 = vector.shape_cast %swap3A_109 : vector<1x1x16xf32> to vector<16xf32>
    %swap3A_111 = vector.shape_cast %add3A_103 : vector<16xf32> to vector<1x1x16xf32>
    tpu.vector_store %arg9[%swap3A_106, %swap3A_107, %swap3A_108], %swap3A_111 {strides = array<i32>} : memref<4x10x128xf32, #tpu.memory_space<vmem>>, vector<1x1x16xf32>,
    %mul3A_112 = vector.broadcast %squeeze3A_44 : f32 to vector<16xf32>
    %mul3A_113 = arith.mulf %convert_element_type3A, %mul3A_112 : vector<16xf32>
    %add3A_114 = vector.broadcast %squeeze3A_64 : f32 to vector<16xf32>
    %add3A_115 = arith.addf %mul3A_113, %add3A_114 : vector<16xf32>
    %swap3A_116 = arith.constant 0 : i32
    %swap3A_117 = arith.constant 2 : i32
    %swap3A_118 = arith.index_cast %swap3A_116 : i32 to index
    %swap3A_119 = arith.index_cast %swap3A_117 : i32 to index
    %swap3A_120 = arith.constant 0 : index
    %swap3A_121 = tpu.vector_load %arg9[%swap3A_118, %swap3A_119, %swap3A_120] {strides = array<i32>} : memref<4x10x128xf32, #tpu.memory_space<vmem>>, vector<1x1x16xf32>,
    %swap3A_122 = vector.shape_cast %swap3A_121 : vector<1x1x16xf32> to vector<16xf32>
    %swap3A_123 = vector.shape_cast %add3A_115 : vector<16xf32> to vector<1x1x16xf32>
    tpu.vector_store %arg9[%swap3A_118, %swap3A_119, %swap3A_120], %swap3A_123 {strides = array<i32>} : memref<4x10x128xf32, #tpu.memory_space<vmem>>, vector<1x1x16xf32>,
    %mul3A_124 = vector.broadcast %squeeze3A_46 : f32 to vector<16xf32>
    %mul3A_125 = arith.mulf %convert_element_type3A, %mul3A_124 : vector<16xf32>
    %add3A_126 = vector.broadcast %squeeze3A_66 : f32 to vector<16xf32>
    %add3A_127 = arith.addf %mul3A_125, %add3A_126 : vector<16xf32>
    %swap3A_128 = arith.constant 0 : i32
    %swap3A_129 = arith.constant 3 : i32
    %swap3A_130 = arith.index_cast %swap3A_128 : i32 to index
    %swap3A_131 = arith.index_cast %swap3A_129 : i32 to index
    %swap3A_132 = arith.constant 0 : index
    %swap3A_133 = tpu.vector_load %arg9[%swap3A_130, %swap3A_131, %swap3A_132] {strides = array<i32>} : memref<4x10x128xf32, #tpu.memory_space<vmem>>, vector<1x1x16xf32>,
    %swap3A_134 = vector.shape_cast %swap3A_133 : vector<1x1x16xf32> to vector<16xf32>
    %swap3A_135 = vector.shape_cast %add3A_127 : vector<16xf32> to vector<1x1x16xf32>
    tpu.vector_store %arg9[%swap3A_130, %swap3A_131, %swap3A_132], %swap3A_135 {strides = array<i32>} : memref<4x10x128xf32, #tpu.memory_space<vmem>>, vector<1x1x16xf32>,
    %mul3A_136 = vector.broadcast %squeeze3A_48 : f32 to vector<16xf32>
    %mul3A_137 = arith.mulf %convert_element_type3A, %mul3A_136 : vector<16xf32>
    %add3A_138 = vector.broadcast %squeeze3A_68 : f32 to vector<16xf32>
    %add3A_139 = arith.addf %mul3A_137, %add3A_138 : vector<16xf32>
    %swap3A_140 = arith.constant 0 : i32
    %swap3A_141 = arith.constant 4 : i32
    %swap3A_142 = arith.index_cast %swap3A_140 : i32 to index
    %swap3A_143 = arith.index_cast %swap3A_141 : i32 to index
    %swap3A_144 = arith.constant 0 : index
    %swap3A_145 = tpu.vector_load %arg9[%swap3A_142, %swap3A_143, %swap3A_144] {strides = array<i32>} : memref<4x10x128xf32, #tpu.memory_space<vmem>>, vector<1x1x16xf32>,
    %swap3A_146 = vector.shape_cast %swap3A_145 : vector<1x1x16xf32> to vector<16xf32>
    %swap3A_147 = vector.shape_cast %add3A_139 : vector<16xf32> to vector<1x1x16xf32>
    tpu.vector_store %arg9[%swap3A_142, %swap3A_143, %swap3A_144], %swap3A_147 {strides = array<i32>} : memref<4x10x128xf32, #tpu.memory_space<vmem>>, vector<1x1x16xf32>,
    %mul3A_148 = vector.broadcast %squeeze3A_50 : f32 to vector<16xf32>
    %mul3A_149 = arith.mulf %convert_element_type3A, %mul3A_148 : vector<16xf32>
    %add3A_150 = vector.broadcast %squeeze3A_70 : f32 to vector<16xf32>
    %add3A_151 = arith.addf %mul3A_149, %add3A_150 : vector<16xf32>
    %swap3A_152 = arith.constant 0 : i32
    %swap3A_153 = arith.constant 5 : i32
    %swap3A_154 = arith.index_cast %swap3A_152 : i32 to index
    %swap3A_155 = arith.index_cast %swap3A_153 : i32 to index
    %swap3A_156 = arith.constant 0 : index
    %swap3A_157 = tpu.vector_load %arg9[%swap3A_154, %swap3A_155, %swap3A_156] {strides = array<i32>} : memref<4x10x128xf32, #tpu.memory_space<vmem>>, vector<1x1x16xf32>,
    %swap3A_158 = vector.shape_cast %swap3A_157 : vector<1x1x16xf32> to vector<16xf32>
    %swap3A_159 = vector.shape_cast %add3A_151 : vector<16xf32> to vector<1x1x16xf32>
    tpu.vector_store %arg9[%swap3A_154, %swap3A_155, %swap3A_156], %swap3A_159 {strides = array<i32>} : memref<4x10x128xf32, #tpu.memory_space<vmem>>, vector<1x1x16xf32>,
    %mul3A_160 = vector.broadcast %squeeze3A_52 : f32 to vector<16xf32>
    %mul3A_161 = arith.mulf %convert_element_type3A, %mul3A_160 : vector<16xf32>
    %add3A_162 = vector.broadcast %squeeze3A_72 : f32 to vector<16xf32>
    %add3A_163 = arith.addf %mul3A_161, %add3A_162 : vector<16xf32>
    %swap3A_164 = arith.constant 0 : i32
    %swap3A_165 = arith.constant 6 : i32
    %swap3A_166 = arith.index_cast %swap3A_164 : i32 to index
    %swap3A_167 = arith.index_cast %swap3A_165 : i32 to index
    %swap3A_168 = arith.constant 0 : index
    %swap3A_169 = tpu.vector_load %arg9[%swap3A_166, %swap3A_167, %swap3A_168] {strides = array<i32>} : memref<4x10x128xf32, #tpu.memory_space<vmem>>, vector<1x1x16xf32>,
    %swap3A_170 = vector.shape_cast %swap3A_169 : vector<1x1x16xf32> to vector<16xf32>
    %swap3A_171 = vector.shape_cast %add3A_163 : vector<16xf32> to vector<1x1x16xf32>
    tpu.vector_store %arg9[%swap3A_166, %swap3A_167, %swap3A_168], %swap3A_171 {strides = array<i32>} : memref<4x10x128xf32, #tpu.memory_space<vmem>>, vector<1x1x16xf32>,
    %mul3A_172 = vector.broadcast %squeeze3A_54 : f32 to vector<16xf32>
    %mul3A_173 = arith.mulf %convert_element_type3A, %mul3A_172 : vector<16xf32>
    %add3A_174 = vector.broadcast %squeeze3A_74 : f32 to vector<16xf32>
    %add3A_175 = arith.addf %mul3A_173, %add3A_174 : vector<16xf32>
    %swap3A_176 = arith.constant 0 : i32
    %swap3A_177 = arith.constant 7 : i32
    %swap3A_178 = arith.index_cast %swap3A_176 : i32 to index
    %swap3A_179 = arith.index_cast %swap3A_177 : i32 to index
    %swap3A_180 = arith.constant 0 : index
    %swap3A_181 = tpu.vector_load %arg9[%swap3A_178, %swap3A_179, %swap3A_180] {strides = array<i32>} : memref<4x10x128xf32, #tpu.memory_space<vmem>>, vector<1x1x16xf32>,
    %swap3A_182 = vector.shape_cast %swap3A_181 : vector<1x1x16xf32> to vector<16xf32>
    %swap3A_183 = vector.shape_cast %add3A_175 : vector<16xf32> to vector<1x1x16xf32>
    tpu.vector_store %arg9[%swap3A_178, %swap3A_179, %swap3A_180], %swap3A_183 {strides = array<i32>} : memref<4x10x128xf32, #tpu.memory_space<vmem>>, vector<1x1x16xf32>,
    %mul3A_184 = vector.broadcast %squeeze3A_56 : f32 to vector<16xf32>
    %mul3A_185 = arith.mulf %convert_element_type3A, %mul3A_184 : vector<16xf32>
    %add3A_186 = vector.broadcast %squeeze3A_76 : f32 to vector<16xf32>
    %add3A_187 = arith.addf %mul3A_185, %add3A_186 : vector<16xf32>
    %swap3A_188 = arith.constant 0 : i32
    %swap3A_189 = arith.constant 8 : i32
    %swap3A_190 = arith.index_cast %swap3A_188 : i32 to index
    %swap3A_191 = arith.index_cast %swap3A_189 : i32 to index
    %swap3A_192 = arith.constant 0 : index
    %swap3A_193 = tpu.vector_load %arg9[%swap3A_190, %swap3A_191, %swap3A_192] {strides = array<i32>} : memref<4x10x128xf32, #tpu.memory_space<vmem>>, vector<1x1x16xf32>,
    %swap3A_194 = vector.shape_cast %swap3A_193 : vector<1x1x16xf32> to vector<16xf32>
    %swap3A_195 = vector.shape_cast %add3A_187 : vector<16xf32> to vector<1x1x16xf32>
    tpu.vector_store %arg9[%swap3A_190, %swap3A_191, %swap3A_192], %swap3A_195 {strides = array<i32>} : memref<4x10x128xf32, #tpu.memory_space<vmem>>, vector<1x1x16xf32>,
    %mul3A_196 = vector.broadcast %squeeze3A_58 : f32 to vector<16xf32>
    %mul3A_197 = arith.mulf %convert_element_type3A, %mul3A_196 : vector<16xf32>
    %add3A_198 = vector.broadcast %squeeze3A_78 : f32 to vector<16xf32>
    %add3A_199 = arith.addf %mul3A_197, %add3A_198 : vector<16xf32>
    %swap3A_200 = arith.constant 0 : i32
    %swap3A_201 = arith.constant 9 : i32
    %swap3A_202 = arith.index_cast %swap3A_200 : i32 to index
    %swap3A_203 = arith.index_cast %swap3A_201 : i32 to index
    %swap3A_204 = arith.constant 0 : index
    %swap3A_205 = tpu.vector_load %arg9[%swap3A_202, %swap3A_203, %swap3A_204] {strides = array<i32>} : memref<4x10x128xf32, #tpu.memory_space<vmem>>, vector<1x1x16xf32>,
    %swap3A_206 = vector.shape_cast %swap3A_205 : vector<1x1x16xf32> to vector<16xf32>
    %swap3A_207 = vector.shape_cast %add3A_199 : vector<16xf32> to vector<1x1x16xf32>
    tpu.vector_store %arg9[%swap3A_202, %swap3A_203, %swap3A_204], %swap3A_207 {strides = array<i32>} : memref<4x10x128xf32, #tpu.memory_space<vmem>>, vector<1x1x16xf32>,
    %get3A_208 = arith.constant 16 : index
    %get3A_209 = tpu.vector_load %arg7[%get3A_208] {strides = array<i32>} : memref<512xi32, #tpu.memory_space<vmem>>, vector<16xi32>,
    %get3A_210 = vector.shape_cast %get3A_209 : vector<16xi32> to vector<16xi32>
    %convert_element_type3A_211 = arith.sitofp %get3A_210 : vector<16xi32> to vector<16xf32>
    %mul3A_212 = vector.broadcast %squeeze3A : f32 to vector<16xf32>
    %mul3A_213 = arith.mulf %convert_element_type3A_211, %mul3A_212 : vector<16xf32>
    %add3A_214 = vector.broadcast %squeeze3A_60 : f32 to vector<16xf32>
    %add3A_215 = arith.addf %mul3A_213, %add3A_214 : vector<16xf32>
    %swap3A_216 = arith.constant 0 : i32
    %swap3A_217 = arith.constant 0 : i32
    %swap3A_218 = arith.index_cast %swap3A_216 : i32 to index
    %swap3A_219 = arith.index_cast %swap3A_217 : i32 to index
    %swap3A_220 = arith.constant 16 : index
    %swap3A_221 = tpu.vector_load %arg9[%swap3A_218, %swap3A_219, %swap3A_220] {strides = array<i32>} : memref<4x10x128xf32, #tpu.memory_space<vmem>>, vector<1x1x16xf32>,
    %swap3A_222 = vector.shape_cast %swap3A_221 : vector<1x1x16xf32> to vector<16xf32>
    %swap3A_223 = vector.shape_cast %add3A_215 : vector<16xf32> to vector<1x1x16xf32>
    tpu.vector_store %arg9[%swap3A_218, %swap3A_219, %swap3A_220], %swap3A_223 {strides = array<i32>} : memref<4x10x128xf32, #tpu.memory_space<vmem>>, vector<1x1x16xf32>,
    %mul3A_224 = vector.broadcast %squeeze3A_42 : f32 to vector<16xf32>
    %mul3A_225 = arith.mulf %convert_element_type3A_211, %mul3A_224 : vector<16xf32>
    %add3A_226 = vector.broadcast %squeeze3A_62 : f32 to vector<16xf32>
    %add3A_227 = arith.addf %mul3A_225, %add3A_226 : vector<16xf32>
    %swap3A_228 = arith.constant 0 : i32
    %swap3A_229 = arith.constant 1 : i32
    %swap3A_230 = arith.index_cast %swap3A_228 : i32 to index
    %swap3A_231 = arith.index_cast %swap3A_229 : i32 to index
    %swap3A_232 = arith.constant 16 : index
    %swap3A_233 = tpu.vector_load %arg9[%swap3A_230, %swap3A_231, %swap3A_232] {strides = array<i32>} : memref<4x10x128xf32, #tpu.memory_space<vmem>>, vector<1x1x16xf32>,
    %swap3A_234 = vector.shape_cast %swap3A_233 : vector<1x1x16xf32> to vector<16xf32>
    %swap3A_235 = vector.shape_cast %add3A_227 : vector<16xf32> to vector<1x1x16xf32>
    tpu.vector_store %arg9[%swap3A_230, %swap3A_231, %swap3A_232], %swap3A_235 {strides = array<i32>} : memref<4x10x128xf32, #tpu.memory_space<vmem>>, vector<1x1x16xf32>,
    %mul3A_236 = vector.broadcast %squeeze3A_44 : f32 to vector<16xf32>
    %mul3A_237 = arith.mulf %convert_element_type3A_211, %mul3A_236 : vector<16xf32>
    %add3A_238 = vector.broadcast %squeeze3A_64 : f32 to vector<16xf32>
    %add3A_239 = arith.addf %mul3A_237, %add3A_238 : vector<16xf32>
    %swap3A_240 = arith.constant 0 : i32
    %swap3A_241 = arith.constant 2 : i32
    %swap3A_242 = arith.index_cast %swap3A_240 : i32 to index
    %swap3A_243 = arith.index_cast %swap3A_241 : i32 to index
    %swap3A_244 = arith.constant 16 : index
    %swap3A_245 = tpu.vector_load %arg9[%swap3A_242, %swap3A_243, %swap3A_244] {strides = array<i32>} : memref<4x10x128xf32, #tpu.memory_space<vmem>>, vector<1x1x16xf32>,
    %swap3A_246 = vector.shape_cast %swap3A_245 : vector<1x1x16xf32> to vector<16xf32>
    %swap3A_247 = vector.shape_cast %add3A_239 : vector<16xf32> to vector<1x1x16xf32>
    tpu.vector_store %arg9[%swap3A_242, %swap3A_243, %swap3A_244], %swap3A_247 {strides = array<i32>} : memref<4x10x128xf32, #tpu.memory_space<vmem>>, vector<1x1x16xf32>,
    %mul3A_248 = vector.broadcast %squeeze3A_46 : f32 to vector<16xf32>
    %mul3A_249 = arith.mulf %convert_element_type3A_211, %mul3A_248 : vector<16xf32>
    %add3A_250 = vector.broadcast %squeeze3A_66 : f32 to vector<16xf32>
    %add3A_251 = arith.addf %mul3A_249, %add3A_250 : vector<16xf32>
    %swap3A_252 = arith.constant 0 : i32
    %swap3A_253 = arith.constant 3 : i32
    %swap3A_254 = arith.index_cast %swap3A_252 : i32 to index
    %swap3A_255 = arith.index_cast %swap3A_253 : i32 to index
    %swap3A_256 = arith.constant 16 : index
    %swap3A_257 = tpu.vector_load %arg9[%swap3A_254, %swap3A_255, %swap3A_256] {strides = array<i32>} : memref<4x10x128xf32, #tpu.memory_space<vmem>>, vector<1x1x16xf32>,
    %swap3A_258 = vector.shape_cast %swap3A_257 : vector<1x1x16xf32> to vector<16xf32>
    %swap3A_259 = vector.shape_cast %add3A_251 : vector<16xf32> to vector<1x1x16xf32>
    tpu.vector_store %arg9[%swap3A_254, %swap3A_255, %swap3A_256], %swap3A_259 {strides = array<i32>} : memref<4x10x128xf32, #tpu.memory_space<vmem>>, vector<1x1x16xf32>,
    %mul3A_260 = vector.broadcast %squeeze3A_48 : f32 to vector<16xf32>
    %mul3A_261 = arith.mulf %convert_element_type3A_211, %mul3A_260 : vector<16xf32>
    %add3A_262 = vector.broadcast %squeeze3A_68 : f32 to vector<16xf32>
    %add3A_263 = arith.addf %mul3A_261, %add3A_262 : vector<16xf32>
    %swap3A_264 = arith.constant 0 : i32
    %swap3A_265 = arith.constant 4 : i32
    %swap3A_266 = arith.index_cast %swap3A_264 : i32 to index
    %swap3A_267 = arith.index_cast %swap3A_265 : i32 to index
    %swap3A_268 = arith.constant 16 : index
    %swap3A_269 = tpu.vector_load %arg9[%swap3A_266, %swap3A_267, %swap3A_268] {strides = array<i32>} : memref<4x10x128xf32, #tpu.memory_space<vmem>>, vector<1x1x16xf32>,
    %swap3A_270 = vector.shape_cast %swap3A_269 : vector<1x1x16xf32> to vector<16xf32>
    %swap3A_271 = vector.shape_cast %add3A_263 : vector<16xf32> to vector<1x1x16xf32>
    tpu.vector_store %arg9[%swap3A_266, %swap3A_267, %swap3A_268], %swap3A_271 {strides = array<i32>} : memref<4x10x128xf32, #tpu.memory_space<vmem>>, vector<1x1x16xf32>,
    %mul3A_272 = vector.broadcast %squeeze3A_50 : f32 to vector<16xf32>
    %mul3A_273 = arith.mulf %convert_element_type3A_211, %mul3A_272 : vector<16xf32>
    %add3A_274 = vector.broadcast %squeeze3A_70 : f32 to vector<16xf32>
    %add3A_275 = arith.addf %mul3A_273, %add3A_274 : vector<16xf32>
    %swap3A_276 = arith.constant 0 : i32
    %swap3A_277 = arith.constant 5 : i32
    %swap3A_278 = arith.index_cast %swap3A_276 : i32 to index
    %swap3A_279 = arith.index_cast %swap3A_277 : i32 to index
    %swap3A_280 = arith.constant 16 : index
    %swap3A_281 = tpu.vector_load %arg9[%swap3A_278, %swap3A_279, %swap3A_280] {strides = array<i32>} : memref<4x10x128xf32, #tpu.memory_space<vmem>>, vector<1x1x16xf32>,
    %swap3A_282 = vector.shape_cast %swap3A_281 : vector<1x1x16xf32> to vector<16xf32>
    %swap3A_283 = vector.shape_cast %add3A_275 : vector<16xf32> to vector<1x1x16xf32>
    tpu.vector_store %arg9[%swap3A_278, %swap3A_279, %swap3A_280], %swap3A_283 {strides = array<i32>} : memref<4x10x128xf32, #tpu.memory_space<vmem>>, vector<1x1x16xf32>,
    %mul3A_284 = vector.broadcast %squeeze3A_52 : f32 to vector<16xf32>
    %mul3A_285 = arith.mulf %convert_element_type3A_211, %mul3A_284 : vector<16xf32>
    %add3A_286 = vector.broadcast %squeeze3A_72 : f32 to vector<16xf32>
    %add3A_287 = arith.addf %mul3A_285, %add3A_286 : vector<16xf32>
    %swap3A_288 = arith.constant 0 : i32
    %swap3A_289 = arith.constant 6 : i32
    %swap3A_290 = arith.index_cast %swap3A_288 : i32 to index
    %swap3A_291 = arith.index_cast %swap3A_289 : i32 to index
    %swap3A_292 = arith.constant 16 : index
    %swap3A_293 = tpu.vector_load %arg9[%swap3A_290, %swap3A_291, %swap3A_292] {strides = array<i32>} : memref<4x10x128xf32, #tpu.memory_space<vmem>>, vector<1x1x16xf32>,
    %swap3A_294 = vector.shape_cast %swap3A_293 : vector<1x1x16xf32> to vector<16xf32>
    %swap3A_295 = vector.shape_cast %add3A_287 : vector<16xf32> to vector<1x1x16xf32>
    tpu.vector_store %arg9[%swap3A_290, %swap3A_291, %swap3A_292], %swap3A_295 {strides = array<i32>} : memref<4x10x128xf32, #tpu.memory_space<vmem>>, vector<1x1x16xf32>,
    %mul3A_296 = vector.broadcast %squeeze3A_54 : f32 to vector<16xf32>
    %mul3A_297 = arith.mulf %convert_element_type3A_211, %mul3A_296 : vector<16xf32>
    %add3A_298 = vector.broadcast %squeeze3A_74 : f32 to vector<16xf32>
    %add3A_299 = arith.addf %mul3A_297, %add3A_298 : vector<16xf32>
    %swap3A_300 = arith.constant 0 : i32
    %swap3A_301 = arith.constant 7 : i32
    %swap3A_302 = arith.index_cast %swap3A_300 : i32 to index
    %swap3A_303 = arith.index_cast %swap3A_301 : i32 to index
    %swap3A_304 = arith.constant 16 : index
    %swap3A_305 = tpu.vector_load %arg9[%swap3A_302, %swap3A_303, %swap3A_304] {strides = array<i32>} : memref<4x10x128xf32, #tpu.memory_space<vmem>>, vector<1x1x16xf32>,
    %swap3A_306 = vector.shape_cast %swap3A_305 : vector<1x1x16xf32> to vector<16xf32>
    %swap3A_307 = vector.shape_cast %add3A_299 : vector<16xf32> to vector<1x1x16xf32>
    tpu.vector_store %arg9[%swap3A_302, %swap3A_303, %swap3A_304], %swap3A_307 {strides = array<i32>} : memref<4x10x128xf32, #tpu.memory_space<vmem>>, vector<1x1x16xf32>,
    %mul3A_308 = vector.broadcast %squeeze3A_56 : f32 to vector<16xf32>
    %mul3A_309 = arith.mulf %convert_element_type3A_211, %mul3A_308 : vector<16xf32>
    %add3A_310 = vector.broadcast %squeeze3A_76 : f32 to vector<16xf32>
    %add3A_311 = arith.addf %mul3A_309, %add3A_310 : vector<16xf32>
    %swap3A_312 = arith.constant 0 : i32
    %swap3A_313 = arith.constant 8 : i32
    %swap3A_314 = arith.index_cast %swap3A_312 : i32 to index
    %swap3A_315 = arith.index_cast %swap3A_313 : i32 to index
    %swap3A_316 = arith.constant 16 : index
    %swap3A_317 = tpu.vector_load %arg9[%swap3A_314, %swap3A_315, %swap3A_316] {strides = array<i32>} : memref<4x10x128xf32, #tpu.memory_space<vmem>>, vector<1x1x16xf32>,
    %swap3A_318 = vector.shape_cast %swap3A_317 : vector<1x1x16xf32> to vector<16xf32>
    %swap3A_319 = vector.shape_cast %add3A_311 : vector<16xf32> to vector<1x1x16xf32>
    tpu.vector_store %arg9[%swap3A_314, %swap3A_315, %swap3A_316], %swap3A_319 {strides = array<i32>} : memref<4x10x128xf32, #tpu.memory_space<vmem>>, vector<1x1x16xf32>,
    %mul3A_320 = vector.broadcast %squeeze3A_58 : f32 to vector<16xf32>
    %mul3A_321 = arith.mulf %convert_element_type3A_211, %mul3A_320 : vector<16xf32>
    %add3A_322 = vector.broadcast %squeeze3A_78 : f32 to vector<16xf32>
    %add3A_323 = arith.addf %mul3A_321, %add3A_322 : vector<16xf32>
    %swap3A_324 = arith.constant 0 : i32
    %swap3A_325 = arith.constant 9 : i32
    %swap3A_326 = arith.index_cast %swap3A_324 : i32 to index
    %swap3A_327 = arith.index_cast %swap3A_325 : i32 to index
    %swap3A_328 = arith.constant 16 : index
    %swap3A_329 = tpu.vector_load %arg9[%swap3A_326, %swap3A_327, %swap3A_328] {strides = array<i32>} : memref<4x10x128xf32, #tpu.memory_space<vmem>>, vector<1x1x16xf32>,
    %swap3A_330 = vector.shape_cast %swap3A_329 : vector<1x1x16xf32> to vector<16xf32>
    %swap3A_331 = vector.shape_cast %add3A_323 : vector<16xf32> to vector<1x1x16xf32>
    tpu.vector_store %arg9[%swap3A_326, %swap3A_327, %swap3A_328], %swap3A_331 {strides = array<i32>} : memref<4x10x128xf32, #tpu.memory_space<vmem>>, vector<1x1x16xf32>,
    %get3A_332 = arith.constant 32 : index
    %get3A_333 = tpu.vector_load %arg7[%get3A_332] {strides = array<i32>} : memref<512xi32, #tpu.memory_space<vmem>>, vector<16xi32>,
    %get3A_334 = vector.shape_cast %get3A_333 : vector<16xi32> to vector<16xi32>
    %convert_element_type3A_335 = arith.sitofp %get3A_334 : vector<16xi32> to vector<16xf32>
    %mul3A_336 = vector.broadcast %squeeze3A : f32 to vector<16xf32>
    %mul3A_337 = arith.mulf %convert_element_type3A_335, %mul3A_336 : vector<16xf32>
    %add3A_338 = vector.broadcast %squeeze3A_60 : f32 to vector<16xf32>
    %add3A_339 = arith.addf %mul3A_337, %add3A_338 : vector<16xf32>
    %swap3A_340 = arith.constant 0 : i32
    %swap3A_341 = arith.constant 0 : i32
    %swap3A_342 = arith.index_cast %swap3A_340 : i32 to index
    %swap3A_343 = arith.index_cast %swap3A_341 : i32 to index
    %swap3A_344 = arith.constant 32 : index
    %swap3A_345 = tpu.vector_load %arg9[%swap3A_342, %swap3A_343, %swap3A_344] {strides = array<i32>} : memref<4x10x128xf32, #tpu.memory_space<vmem>>, vector<1x1x16xf32>,
    %swap3A_346 = vector.shape_cast %swap3A_345 : vector<1x1x16xf32> to vector<16xf32>
    %swap3A_347 = vector.shape_cast %add3A_339 : vector<16xf32> to vector<1x1x16xf32>
    tpu.vector_store %arg9[%swap3A_342, %swap3A_343, %swap3A_344], %swap3A_347 {strides = array<i32>} : memref<4x10x128xf32, #tpu.memory_space<vmem>>, vector<1x1x16xf32>,
    %mul3A_348 = vector.broadcast %squeeze3A_42 : f32 to vector<16xf32>
    %mul3A_349 = arith.mulf %convert_element_type3A_335, %mul3A_348 : vector<16xf32>
    %add3A_350 = vector.broadcast %squeeze3A_62 : f32 to vector<16xf32>
    %add3A_351 = arith.addf %mul3A_349, %add3A_350 : vector<16xf32>
    %swap3A_352 = arith.constant 0 : i32
    %swap3A_353 = arith.constant 1 : i32
    %swap3A_354 = arith.index_cast %swap3A_352 : i32 to index
    %swap3A_355 = arith.index_cast %swap3A_353 : i32 to index
    %swap3A_356 = arith.constant 32 : index
    %swap3A_357 = tpu.vector_load %arg9[%swap3A_354, %swap3A_355, %swap3A_356] {strides = array<i32>} : memref<4x10x128xf32, #tpu.memory_space<vmem>>, vector<1x1x16xf32>,
    %swap3A_358 = vector.shape_cast %swap3A_357 : vector<1x1x16xf32> to vector<16xf32>
    %swap3A_359 = vector.shape_cast %add3A_351 : vector<16xf32> to vector<1x1x16xf32>
    tpu.vector_store %arg9[%swap3A_354, %swap3A_355, %swap3A_356], %swap3A_359 {strides = array<i32>} : memref<4x10x128xf32, #tpu.memory_space<vmem>>, vector<1x1x16xf32>,
    %mul3A_360 = vector.broadcast %squeeze3A_44 : f32 to vector<16xf32>
    %mul3A_361 = arith.mulf %convert_element_type3A_335, %mul3A_360 : vector<16xf32>
    %add3A_362 = vector.broadcast %squeeze3A_64 : f32 to vector<16xf32>
    %add3A_363 = arith.addf %mul3A_361, %add3A_362 : vector<16xf32>
    %swap3A_364 = arith.constant 0 : i32
    %swap3A_365 = arith.constant 2 : i32
    %swap3A_366 = arith.index_cast %swap3A_364 : i32 to index
    %swap3A_367 = arith.index_cast %swap3A_365 : i32 to index
    %swap3A_368 = arith.constant 32 : index
    %swap3A_369 = tpu.vector_load %arg9[%swap3A_366, %swap3A_367, %swap3A_368] {strides = array<i32>} : memref<4x10x128xf32, #tpu.memory_space<vmem>>, vector<1x1x16xf32>,
    %swap3A_370 = vector.shape_cast %swap3A_369 : vector<1x1x16xf32> to vector<16xf32>
    %swap3A_371 = vector.shape_cast %add3A_363 : vector<16xf32> to vector<1x1x16xf32>
    tpu.vector_store %arg9[%swap3A_366, %swap3A_367, %swap3A_368], %swap3A_371 {strides = array<i32>} : memref<4x10x128xf32, #tpu.memory_space<vmem>>, vector<1x1x16xf32>,
    %mul3A_372 = vector.broadcast %squeeze3A_46 : f32 to vector<16xf32>
    %mul3A_373 = arith.mulf %convert_element_type3A_335, %mul3A_372 : vector<16xf32>
    %add3A_374 = vector.broadcast %squeeze3A_66 : f32 to vector<16xf32>
    %add3A_375 = arith.addf %mul3A_373, %add3A_374 : vector<16xf32>
    %swap3A_376 = arith.constant 0 : i32
    %swap3A_377 = arith.constant 3 : i32
    %swap3A_378 = arith.index_cast %swap3A_376 : i32 to index
    %swap3A_379 = arith.index_cast %swap3A_377 : i32 to index
    %swap3A_380 = arith.constant 32 : index
    %swap3A_381 = tpu.vector_load %arg9[%swap3A_378, %swap3A_379, %swap3A_380] {strides = array<i32>} : memref<4x10x128xf32, #tpu.memory_space<vmem>>, vector<1x1x16xf32>,
    %swap3A_382 = vector.shape_cast %swap3A_381 : vector<1x1x16xf32> to vector<16xf32>
    %swap3A_383 = vector.shape_cast %add3A_375 : vector<16xf32> to vector<1x1x16xf32>
    tpu.vector_store %arg9[%swap3A_378, %swap3A_379, %swap3A_380], %swap3A_383 {strides = array<i32>} : memref<4x10x128xf32, #tpu.memory_space<vmem>>, vector<1x1x16xf32>,
    %mul3A_384 = vector.broadcast %squeeze3A_48 : f32 to vector<16xf32>
    %mul3A_385 = arith.mulf %convert_element_type3A_335, %mul3A_384 : vector<16xf32>
    %add3A_386 = vector.broadcast %squeeze3A_68 : f32 to vector<16xf32>
    %add3A_387 = arith.addf %mul3A_385, %add3A_386 : vector<16xf32>
    %swap3A_388 = arith.constant 0 : i32
    %swap3A_389 = arith.constant 4 : i32
    %swap3A_390 = arith.index_cast %swap3A_388 : i32 to index
    %swap3A_391 = arith.index_cast %swap3A_389 : i32 to index
    %swap3A_392 = arith.constant 32 : index
    %swap3A_393 = tpu.vector_load %arg9[%swap3A_390, %swap3A_391, %swap3A_392] {strides = array<i32>} : memref<4x10x128xf32, #tpu.memory_space<vmem>>, vector<1x1x16xf32>,
    %swap3A_394 = vector.shape_cast %swap3A_393 : vector<1x1x16xf32> to vector<16xf32>
    %swap3A_395 = vector.shape_cast %add3A_387 : vector<16xf32> to vector<1x1x16xf32>
    tpu.vector_store %arg9[%swap3A_390, %swap3A_391, %swap3A_392], %swap3A_395 {strides = array<i32>} : memref<4x10x128xf32, #tpu.memory_space<vmem>>, vector<1x1x16xf32>,
    %mul3A_396 = vector.broadcast %squeeze3A_50 : f32 to vector<16xf32>
    %mul3A_397 = arith.mulf %convert_element_type3A_335, %mul3A_396 : vector<16xf32>
    %add3A_398 = vector.broadcast %squeeze3A_70 : f32 to vector<16xf32>
    %add3A_399 = arith.addf %mul3A_397, %add3A_398 : vector<16xf32>
    %swap3A_400 = arith.constant 0 : i32
    %swap3A_401 = arith.constant 5 : i32
    %swap3A_402 = arith.index_cast %swap3A_400 : i32 to index
    %swap3A_403 = arith.index_cast %swap3A_401 : i32 to index
    %swap3A_404 = arith.constant 32 : index
    %swap3A_405 = tpu.vector_load %arg9[%swap3A_402, %swap3A_403, %swap3A_404] {strides = array<i32>} : memref<4x10x128xf32, #tpu.memory_space<vmem>>, vector<1x1x16xf32>,
    %swap3A_406 = vector.shape_cast %swap3A_405 : vector<1x1x16xf32> to vector<16xf32>
    %swap3A_407 = vector.shape_cast %add3A_399 : vector<16xf32> to vector<1x1x16xf32>
    tpu.vector_store %arg9[%swap3A_402, %swap3A_403, %swap3A_404], %swap3A_407 {strides = array<i32>} : memref<4x10x128xf32, #tpu.memory_space<vmem>>, vector<1x1x16xf32>,
    %mul3A_408 = vector.broadcast %squeeze3A_52 : f32 to vector<16xf32>
    %mul3A_409 = arith.mulf %convert_element_type3A_335, %mul3A_408 : vector<16xf32>
    %add3A_410 = vector.broadcast %squeeze3A_72 : f32 to vector<16xf32>
    %add3A_411 = arith.addf %mul3A_409, %add3A_410 : vector<16xf32>
    %swap3A_412 = arith.constant 0 : i32
    %swap3A_413 = arith.constant 6 : i32
    %swap3A_414 = arith.index_cast %swap3A_412 : i32 to index
    %swap3A_415 = arith.index_cast %swap3A_413 : i32 to index
    %swap3A_416 = arith.constant 32 : index
    %swap3A_417 = tpu.vector_load %arg9[%swap3A_414, %swap3A_415, %swap3A_416] {strides = array<i32>} : memref<4x10x128xf32, #tpu.memory_space<vmem>>, vector<1x1x16xf32>,
    %swap3A_418 = vector.shape_cast %swap3A_417 : vector<1x1x16xf32> to vector<16xf32>
    %swap3A_419 = vector.shape_cast %add3A_411 : vector<16xf32> to vector<1x1x16xf32>
    tpu.vector_store %arg9[%swap3A_414, %swap3A_415, %swap3A_416], %swap3A_419 {strides = array<i32>} : memref<4x10x128xf32, #tpu.memory_space<vmem>>, vector<1x1x16xf32>,
    %mul3A_420 = vector.broadcast %squeeze3A_54 : f32 to vector<16xf32>
    %mul3A_421 = arith.mulf %convert_element_type3A_335, %mul3A_420 : vector<16xf32>
    %add3A_422 = vector.broadcast %squeeze3A_74 : f32 to vector<16xf32>
    %add3A_423 = arith.addf %mul3A_421, %add3A_422 : vector<16xf32>
    %swap3A_424 = arith.constant 0 : i32
    %swap3A_425 = arith.constant 7 : i32
    %swap3A_426 = arith.index_cast %swap3A_424 : i32 to index
    %swap3A_427 = arith.index_cast %swap3A_425 : i32 to index
    %swap3A_428 = arith.constant 32 : index
    %swap3A_429 = tpu.vector_load %arg9[%swap3A_426, %swap3A_427, %swap3A_428] {strides = array<i32>} : memref<4x10x128xf32, #tpu.memory_space<vmem>>, vector<1x1x16xf32>,
    %swap3A_430 = vector.shape_cast %swap3A_429 : vector<1x1x16xf32> to vector<16xf32>
    %swap3A_431 = vector.shape_cast %add3A_423 : vector<16xf32> to vector<1x1x16xf32>
    tpu.vector_store %arg9[%swap3A_426, %swap3A_427, %swap3A_428], %swap3A_431 {strides = array<i32>} : memref<4x10x128xf32, #tpu.memory_space<vmem>>, vector<1x1x16xf32>,
    %mul3A_432 = vector.broadcast %squeeze3A_56 : f32 to vector<16xf32>
    %mul3A_433 = arith.mulf %convert_element_type3A_335, %mul3A_432 : vector<16xf32>
    %add3A_434 = vector.broadcast %squeeze3A_76 : f32 to vector<16xf32>
    %add3A_435 = arith.addf %mul3A_433, %add3A_434 : vector<16xf32>
    %swap3A_436 = arith.constant 0 : i32
    %swap3A_437 = arith.constant 8 : i32
    %swap3A_438 = arith.index_cast %swap3A_436 : i32 to index
    %swap3A_439 = arith.index_cast %swap3A_437 : i32 to index
    %swap3A_440 = arith.constant 32 : index
    %swap3A_441 = tpu.vector_load %arg9[%swap3A_438, %swap3A_439, %swap3A_440] {strides = array<i32>} : memref<4x10x128xf32, #tpu.memory_space<vmem>>, vector<1x1x16xf32>,
    %swap3A_442 = vector.shape_cast %swap3A_441 : vector<1x1x16xf32> to vector<16xf32>
    %swap3A_443 = vector.shape_cast %add3A_435 : vector<16xf32> to vector<1x1x16xf32>
    tpu.vector_store %arg9[%swap3A_438, %swap3A_439, %swap3A_440], %swap3A_443 {strides = array<i32>} : memref<4x10x128xf32, #tpu.memory_space<vmem>>, vector<1x1x16xf32>,
    %mul3A_444 = vector.broadcast %squeeze3A_58 : f32 to vector<16xf32>
    %mul3A_445 = arith.mulf %convert_element_type3A_335, %mul3A_444 : vector<16xf32>
    %add3A_446 = vector.broadcast %squeeze3A_78 : f32 to vector<16xf32>
    %add3A_447 = arith.addf %mul3A_445, %add3A_446 : vector<16xf32>
    %swap3A_448 = arith.constant 0 : i32
    %swap3A_449 = arith.constant 9 : i32
    %swap3A_450 = arith.index_cast %swap3A_448 : i32 to index
    %swap3A_451 = arith.index_cast %swap3A_449 : i32 to index
    %swap3A_452 = arith.constant 32 : index
    %swap3A_453 = tpu.vector_load %arg9[%swap3A_450, %swap3A_451, %swap3A_452] {strides = array<i32>} : memref<4x10x128xf32, #tpu.memory_space<vmem>>, vector<1x1x16xf32>,
    %swap3A_454 = vector.shape_cast %swap3A_453 : vector<1x1x16xf32> to vector<16xf32>
    %swap3A_455 = vector.shape_cast %add3A_447 : vector<16xf32> to vector<1x1x16xf32>
    tpu.vector_store %arg9[%swap3A_450, %swap3A_451, %swap3A_452], %swap3A_455 {strides = array<i32>} : memref<4x10x128xf32, #tpu.memory_space<vmem>>, vector<1x1x16xf32>,
    %get3A_456 = arith.constant 48 : index
    %get3A_457 = tpu.vector_load %arg7[%get3A_456] {strides = array<i32>} : memref<512xi32, #tpu.memory_space<vmem>>, vector<16xi32>,
    %get3A_458 = vector.shape_cast %get3A_457 : vector<16xi32> to vector<16xi32>
    %convert_element_type3A_459 = arith.sitofp %get3A_458 : vector<16xi32> to vector<16xf32>
    %mul3A_460 = vector.broadcast %squeeze3A : f32 to vector<16xf32>
    %mul3A_461 = arith.mulf %convert_element_type3A_459, %mul3A_460 : vector<16xf32>
    %add3A_462 = vector.broadcast %squeeze3A_60 : f32 to vector<16xf32>
    %add3A_463 = arith.addf %mul3A_461, %add3A_462 : vector<16xf32>
    %swap3A_464 = arith.constant 0 : i32
    %swap3A_465 = arith.constant 0 : i32
    %swap3A_466 = arith.index_cast %swap3A_464 : i32 to index
    %swap3A_467 = arith.index_cast %swap3A_465 : i32 to index
    %swap3A_468 = arith.constant 48 : index
    %swap3A_469 = tpu.vector_load %arg9[%swap3A_466, %swap3A_467, %swap3A_468] {strides = array<i32>} : memref<4x10x128xf32, #tpu.memory_space<vmem>>, vector<1x1x16xf32>,
    %swap3A_470 = vector.shape_cast %swap3A_469 : vector<1x1x16xf32> to vector<16xf32>
    %swap3A_471 = vector.shape_cast %add3A_463 : vector<16xf32> to vector<1x1x16xf32>
    tpu.vector_store %arg9[%swap3A_466, %swap3A_467, %swap3A_468], %swap3A_471 {strides = array<i32>} : memref<4x10x128xf32, #tpu.memory_space<vmem>>, vector<1x1x16xf32>,
    %mul3A_472 = vector.broadcast %squeeze3A_42 : f32 to vector<16xf32>
    %mul3A_473 = arith.mulf %convert_element_type3A_459, %mul3A_472 : vector<16xf32>
    %add3A_474 = vector.broadcast %squeeze3A_62 : f32 to vector<16xf32>
    %add3A_475 = arith.addf %mul3A_473, %add3A_474 : vector<16xf32>
    %swap3A_476 = arith.constant 0 : i32
    %swap3A_477 = arith.constant 1 : i32
    %swap3A_478 = arith.index_cast %swap3A_476 : i32 to index
    %swap3A_479 = arith.index_cast %swap3A_477 : i32 to index
    %swap3A_480 = arith.constant 48 : index
    %swap3A_481 = tpu.vector_load %arg9[%swap3A_478, %swap3A_479, %swap3A_480] {strides = array<i32>} : memref<4x10x128xf32, #tpu.memory_space<vmem>>, vector<1x1x16xf32>,
    %swap3A_482 = vector.shape_cast %swap3A_481 : vector<1x1x16xf32> to vector<16xf32>
    %swap3A_483 = vector.shape_cast %add3A_475 : vector<16xf32> to vector<1x1x16xf32>
    tpu.vector_store %arg9[%swap3A_478, %swap3A_479, %swap3A_480], %swap3A_483 {strides = array<i32>} : memref<4x10x128xf32, #tpu.memory_space<vmem>>, vector<1x1x16xf32>,
    %mul3A_484 = vector.broadcast %squeeze3A_44 : f32 to vector<16xf32>
    %mul3A_485 = arith.mulf %convert_element_type3A_459, %mul3A_484 : vector<16xf32>
    %add3A_486 = vector.broadcast %squeeze3A_64 : f32 to vector<16xf32>
    %add3A_487 = arith.addf %mul3A_485, %add3A_486 : vector<16xf32>
    %swap3A_488 = arith.constant 0 : i32
    %swap3A_489 = arith.constant 2 : i32
    %swap3A_490 = arith.index_cast %swap3A_488 : i32 to index
    %swap3A_491 = arith.index_cast %swap3A_489 : i32 to index
    %swap3A_492 = arith.constant 48 : index
    %swap3A_493 = tpu.vector_load %arg9[%swap3A_490, %swap3A_491, %swap3A_492] {strides = array<i32>} : memref<4x10x128xf32, #tpu.memory_space<vmem>>, vector<1x1x16xf32>,
    %swap3A_494 = vector.shape_cast %swap3A_493 : vector<1x1x16xf32> to vector<16xf32>
    %swap3A_495 = vector.shape_cast %add3A_487 : vector<16xf32> to vector<1x1x16xf32>
    tpu.vector_store %arg9[%swap3A_490, %swap3A_491, %swap3A_492], %swap3A_495 {strides = array<i32>} : memref<4x10x128xf32, #tpu.memory_space<vmem>>, vector<1x1x16xf32>,
    %mul3A_496 = vector.broadcast %squeeze3A_46 : f32 to vector<16xf32>
    %mul3A_497 = arith.mulf %convert_element_type3A_459, %mul3A_496 : vector<16xf32>
    %add3A_498 = vector.broadcast %squeeze3A_66 : f32 to vector<16xf32>
    %add3A_499 = arith.addf %mul3A_497, %add3A_498 : vector<16xf32>
    %swap3A_500 = arith.constant 0 : i32
    %swap3A_501 = arith.constant 3 : i32
    %swap3A_502 = arith.index_cast %swap3A_500 : i32 to index
    %swap3A_503 = arith.index_cast %swap3A_501 : i32 to index
    %swap3A_504 = arith.constant 48 : index
    %swap3A_505 = tpu.vector_load %arg9[%swap3A_502, %swap3A_503, %swap3A_504] {strides = array<i32>} : memref<4x10x128xf32, #tpu.memory_space<vmem>>, vector<1x1x16xf32>,
    %swap3A_506 = vector.shape_cast %swap3A_505 : vector<1x1x16xf32> to vector<16xf32>
    %swap3A_507 = vector.shape_cast %add3A_499 : vector<16xf32> to vector<1x1x16xf32>
    tpu.vector_store %arg9[%swap3A_502, %swap3A_503, %swap3A_504], %swap3A_507 {strides = array<i32>} : memref<4x10x128xf32, #tpu.memory_space<vmem>>, vector<1x1x16xf32>,
    %mul3A_508 = vector.broadcast %squeeze3A_48 : f32 to vector<16xf32>
    %mul3A_509 = arith.mulf %convert_element_type3A_459, %mul3A_508 : vector<16xf32>
    %add3A_510 = vector.broadcast %squeeze3A_68 : f32 to vector<16xf32>
    %add3A_511 = arith.addf %mul3A_509, %add3A_510 : vector<16xf32>
    %swap3A_512 = arith.constant 0 : i32
    %swap3A_513 = arith.constant 4 : i32
    %swap3A_514 = arith.index_cast %swap3A_512 : i32 to index
    %swap3A_515 = arith.index_cast %swap3A_513 : i32 to index
    %swap3A_516 = arith.constant 48 : index
    %swap3A_517 = tpu.vector_load %arg9[%swap3A_514, %swap3A_515, %swap3A_516] {strides = array<i32>} : memref<4x10x128xf32, #tpu.memory_space<vmem>>, vector<1x1x16xf32>,
    %swap3A_518 = vector.shape_cast %swap3A_517 : vector<1x1x16xf32> to vector<16xf32>
    %swap3A_519 = vector.shape_cast %add3A_511 : vector<16xf32> to vector<1x1x16xf32>
    tpu.vector_store %arg9[%swap3A_514, %swap3A_515, %swap3A_516], %swap3A_519 {strides = array<i32>} : memref<4x10x128xf32, #tpu.memory_space<vmem>>, vector<1x1x16xf32>,
    %mul3A_520 = vector.broadcast %squeeze3A_50 : f32 to vector<16xf32>
    %mul3A_521 = arith.mulf %convert_element_type3A_459, %mul3A_520 : vector<16xf32>
    %add3A_522 = vector.broadcast %squeeze3A_70 : f32 to vector<16xf32>
    %add3A_523 = arith.addf %mul3A_521, %add3A_522 : vector<16xf32>
    %swap3A_524 = arith.constant 0 : i32
    %swap3A_525 = arith.constant 5 : i32
    %swap3A_526 = arith.index_cast %swap3A_524 : i32 to index
    %swap3A_527 = arith.index_cast %swap3A_525 : i32 to index
    %swap3A_528 = arith.constant 48 : index
    %swap3A_529 = tpu.vector_load %arg9[%swap3A_526, %swap3A_527, %swap3A_528] {strides = array<i32>} : memref<4x10x128xf32, #tpu.memory_space<vmem>>, vector<1x1x16xf32>,
    %swap3A_530 = vector.shape_cast %swap3A_529 : vector<1x1x16xf32> to vector<16xf32>
    %swap3A_531 = vector.shape_cast %add3A_523 : vector<16xf32> to vector<1x1x16xf32>
    tpu.vector_store %arg9[%swap3A_526, %swap3A_527, %swap3A_528], %swap3A_531 {strides = array<i32>} : memref<4x10x128xf32, #tpu.memory_space<vmem>>, vector<1x1x16xf32>,
    %mul3A_532 = vector.broadcast %squeeze3A_52 : f32 to vector<16xf32>
    %mul3A_533 = arith.mulf %convert_element_type3A_459, %mul3A_532 : vector<16xf32>
    %add3A_534 = vector.broadcast %squeeze3A_72 : f32 to vector<16xf32>
    %add3A_535 = arith.addf %mul3A_533, %add3A_534 : vector<16xf32>
    %swap3A_536 = arith.constant 0 : i32
    %swap3A_537 = arith.constant 6 : i32
    %swap3A_538 = arith.index_cast %swap3A_536 : i32 to index
    %swap3A_539 = arith.index_cast %swap3A_537 : i32 to index
    %swap3A_540 = arith.constant 48 : index
    %swap3A_541 = tpu.vector_load %arg9[%swap3A_538, %swap3A_539, %swap3A_540] {strides = array<i32>} : memref<4x10x128xf32, #tpu.memory_space<vmem>>, vector<1x1x16xf32>,
    %swap3A_542 = vector.shape_cast %swap3A_541 : vector<1x1x16xf32> to vector<16xf32>
    %swap3A_543 = vector.shape_cast %add3A_535 : vector<16xf32> to vector<1x1x16xf32>
    tpu.vector_store %arg9[%swap3A_538, %swap3A_539, %swap3A_540], %swap3A_543 {strides = array<i32>} : memref<4x10x128xf32, #tpu.memory_space<vmem>>, vector<1x1x16xf32>,
    %mul3A_544 = vector.broadcast %squeeze3A_54 : f32 to vector<16xf32>
    %mul3A_545 = arith.mulf %convert_element_type3A_459, %mul3A_544 : vector<16xf32>
    %add3A_546 = vector.broadcast %squeeze3A_74 : f32 to vector<16xf32>
    %add3A_547 = arith.addf %mul3A_545, %add3A_546 : vector<16xf32>
    %swap3A_548 = arith.constant 0 : i32
    %swap3A_549 = arith.constant 7 : i32
    %swap3A_550 = arith.index_cast %swap3A_548 : i32 to index
    %swap3A_551 = arith.index_cast %swap3A_549 : i32 to index
    %swap3A_552 = arith.constant 48 : index
    %swap3A_553 = tpu.vector_load %arg9[%swap3A_550, %swap3A_551, %swap3A_552] {strides = array<i32>} : memref<4x10x128xf32, #tpu.memory_space<vmem>>, vector<1x1x16xf32>,
    %swap3A_554 = vector.shape_cast %swap3A_553 : vector<1x1x16xf32> to vector<16xf32>
    %swap3A_555 = vector.shape_cast %add3A_547 : vector<16xf32> to vector<1x1x16xf32>
    tpu.vector_store %arg9[%swap3A_550, %swap3A_551, %swap3A_552], %swap3A_555 {strides = array<i32>} : memref<4x10x128xf32, #tpu.memory_space<vmem>>, vector<1x1x16xf32>,
    %mul3A_556 = vector.broadcast %squeeze3A_56 : f32 to vector<16xf32>
    %mul3A_557 = arith.mulf %convert_element_type3A_459, %mul3A_556 : vector<16xf32>
    %add3A_558 = vector.broadcast %squeeze3A_76 : f32 to vector<16xf32>
    %add3A_559 = arith.addf %mul3A_557, %add3A_558 : vector<16xf32>
    %swap3A_560 = arith.constant 0 : i32
    %swap3A_561 = arith.constant 8 : i32
    %swap3A_562 = arith.index_cast %swap3A_560 : i32 to index
    %swap3A_563 = arith.index_cast %swap3A_561 : i32 to index
    %swap3A_564 = arith.constant 48 : index
    %swap3A_565 = tpu.vector_load %arg9[%swap3A_562, %swap3A_563, %swap3A_564] {strides = array<i32>} : memref<4x10x128xf32, #tpu.memory_space<vmem>>, vector<1x1x16xf32>,
    %swap3A_566 = vector.shape_cast %swap3A_565 : vector<1x1x16xf32> to vector<16xf32>
    %swap3A_567 = vector.shape_cast %add3A_559 : vector<16xf32> to vector<1x1x16xf32>
    tpu.vector_store %arg9[%swap3A_562, %swap3A_563, %swap3A_564], %swap3A_567 {strides = array<i32>} : memref<4x10x128xf32, #tpu.memory_space<vmem>>, vector<1x1x16xf32>,
    %mul3A_568 = vector.broadcast %squeeze3A_58 : f32 to vector<16xf32>
    %mul3A_569 = arith.mulf %convert_element_type3A_459, %mul3A_568 : vector<16xf32>
    %add3A_570 = vector.broadcast %squeeze3A_78 : f32 to vector<16xf32>
    %add3A_571 = arith.addf %mul3A_569, %add3A_570 : vector<16xf32>
    %swap3A_572 = arith.constant 0 : i32
    %swap3A_573 = arith.constant 9 : i32
    %swap3A_574 = arith.index_cast %swap3A_572 : i32 to index
    %swap3A_575 = arith.index_cast %swap3A_573 : i32 to index
    %swap3A_576 = arith.constant 48 : index
    %swap3A_577 = tpu.vector_load %arg9[%swap3A_574, %swap3A_575, %swap3A_576] {strides = array<i32>} : memref<4x10x128xf32, #tpu.memory_space<vmem>>, vector<1x1x16xf32>,
    %swap3A_578 = vector.shape_cast %swap3A_577 : vector<1x1x16xf32> to vector<16xf32>
    %swap3A_579 = vector.shape_cast %add3A_571 : vector<16xf32> to vector<1x1x16xf32>
    tpu.vector_store %arg9[%swap3A_574, %swap3A_575, %swap3A_576], %swap3A_579 {strides = array<i32>} : memref<4x10x128xf32, #tpu.memory_space<vmem>>, vector<1x1x16xf32>,
    %get3A_580 = arith.constant 64 : index
    %get3A_581 = tpu.vector_load %arg7[%get3A_580] {strides = array<i32>} : memref<512xi32, #tpu.memory_space<vmem>>, vector<16xi32>,
    %get3A_582 = vector.shape_cast %get3A_581 : vector<16xi32> to vector<16xi32>
    %convert_element_type3A_583 = arith.sitofp %get3A_582 : vector<16xi32> to vector<16xf32>
    %mul3A_584 = vector.broadcast %squeeze3A : f32 to vector<16xf32>
    %mul3A_585 = arith.mulf %convert_element_type3A_583, %mul3A_584 : vector<16xf32>
    %add3A_586 = vector.broadcast %squeeze3A_60 : f32 to vector<16xf32>
    %add3A_587 = arith.addf %mul3A_585, %add3A_586 : vector<16xf32>
    %swap3A_588 = arith.constant 0 : i32
    %swap3A_589 = arith.constant 0 : i32
    %swap3A_590 = arith.index_cast %swap3A_588 : i32 to index
    %swap3A_591 = arith.index_cast %swap3A_589 : i32 to index
    %swap3A_592 = arith.constant 64 : index
    %swap3A_593 = tpu.vector_load %arg9[%swap3A_590, %swap3A_591, %swap3A_592] {strides = array<i32>} : memref<4x10x128xf32, #tpu.memory_space<vmem>>, vector<1x1x16xf32>,
    %swap3A_594 = vector.shape_cast %swap3A_593 : vector<1x1x16xf32> to vector<16xf32>
    %swap3A_595 = vector.shape_cast %add3A_587 : vector<16xf32> to vector<1x1x16xf32>
    tpu.vector_store %arg9[%swap3A_590, %swap3A_591, %swap3A_592], %swap3A_595 {strides = array<i32>} : memref<4x10x128xf32, #tpu.memory_space<vmem>>, vector<1x1x16xf32>,
    %mul3A_596 = vector.broadcast %squeeze3A_42 : f32 to vector<16xf32>
    %mul3A_597 = arith.mulf %convert_element_type3A_583, %mul3A_596 : vector<16xf32>
    %add3A_598 = vector.broadcast %squeeze3A_62 : f32 to vector<16xf32>
    %add3A_599 = arith.addf %mul3A_597, %add3A_598 : vector<16xf32>
    %swap3A_600 = arith.constant 0 : i32
    %swap3A_601 = arith.constant 1 : i32
    %swap3A_602 = arith.index_cast %swap3A_600 : i32 to index
    %swap3A_603 = arith.index_cast %swap3A_601 : i32 to index
    %swap3A_604 = arith.constant 64 : index
    %swap3A_605 = tpu.vector_load %arg9[%swap3A_602, %swap3A_603, %swap3A_604] {strides = array<i32>} : memref<4x10x128xf32, #tpu.memory_space<vmem>>, vector<1x1x16xf32>,
    %swap3A_606 = vector.shape_cast %swap3A_605 : vector<1x1x16xf32> to vector<16xf32>
    %swap3A_607 = vector.shape_cast %add3A_599 : vector<16xf32> to vector<1x1x16xf32>
    tpu.vector_store %arg9[%swap3A_602, %swap3A_603, %swap3A_604], %swap3A_607 {strides = array<i32>} : memref<4x10x128xf32, #tpu.memory_space<vmem>>, vector<1x1x16xf32>,
    %mul3A_608 = vector.broadcast %squeeze3A_44 : f32 to vector<16xf32>
    %mul3A_609 = arith.mulf %convert_element_type3A_583, %mul3A_608 : vector<16xf32>
    %add3A_610 = vector.broadcast %squeeze3A_64 : f32 to vector<16xf32>
    %add3A_611 = arith.addf %mul3A_609, %add3A_610 : vector<16xf32>
    %swap3A_612 = arith.constant 0 : i32
    %swap3A_613 = arith.constant 2 : i32
    %swap3A_614 = arith.index_cast %swap3A_612 : i32 to index
    %swap3A_615 = arith.index_cast %swap3A_613 : i32 to index
    %swap3A_616 = arith.constant 64 : index
    %swap3A_617 = tpu.vector_load %arg9[%swap3A_614, %swap3A_615, %swap3A_616] {strides = array<i32>} : memref<4x10x128xf32, #tpu.memory_space<vmem>>, vector<1x1x16xf32>,
    %swap3A_618 = vector.shape_cast %swap3A_617 : vector<1x1x16xf32> to vector<16xf32>
    %swap3A_619 = vector.shape_cast %add3A_611 : vector<16xf32> to vector<1x1x16xf32>
    tpu.vector_store %arg9[%swap3A_614, %swap3A_615, %swap3A_616], %swap3A_619 {strides = array<i32>} : memref<4x10x128xf32, #tpu.memory_space<vmem>>, vector<1x1x16xf32>,
    %mul3A_620 = vector.broadcast %squeeze3A_46 : f32 to vector<16xf32>
    %mul3A_621 = arith.mulf %convert_element_type3A_583, %mul3A_620 : vector<16xf32>
    %add3A_622 = vector.broadcast %squeeze3A_66 : f32 to vector<16xf32>
    %add3A_623 = arith.addf %mul3A_621, %add3A_622 : vector<16xf32>
    %swap3A_624 = arith.constant 0 : i32
    %swap3A_625 = arith.constant 3 : i32
    %swap3A_626 = arith.index_cast %swap3A_624 : i32 to index
    %swap3A_627 = arith.index_cast %swap3A_625 : i32 to index
    %swap3A_628 = arith.constant 64 : index
    %swap3A_629 = tpu.vector_load %arg9[%swap3A_626, %swap3A_627, %swap3A_628] {strides = array<i32>} : memref<4x10x128xf32, #tpu.memory_space<vmem>>, vector<1x1x16xf32>,
    %swap3A_630 = vector.shape_cast %swap3A_629 : vector<1x1x16xf32> to vector<16xf32>
    %swap3A_631 = vector.shape_cast %add3A_623 : vector<16xf32> to vector<1x1x16xf32>
    tpu.vector_store %arg9[%swap3A_626, %swap3A_627, %swap3A_628], %swap3A_631 {strides = array<i32>} : memref<4x10x128xf32, #tpu.memory_space<vmem>>, vector<1x1x16xf32>,
    %mul3A_632 = vector.broadcast %squeeze3A_48 : f32 to vector<16xf32>
    %mul3A_633 = arith.mulf %convert_element_type3A_583, %mul3A_632 : vector<16xf32>
    %add3A_634 = vector.broadcast %squeeze3A_68 : f32 to vector<16xf32>
    %add3A_635 = arith.addf %mul3A_633, %add3A_634 : vector<16xf32>
    %swap3A_636 = arith.constant 0 : i32
    %swap3A_637 = arith.constant 4 : i32
    %swap3A_638 = arith.index_cast %swap3A_636 : i32 to index
    %swap3A_639 = arith.index_cast %swap3A_637 : i32 to index
    %swap3A_640 = arith.constant 64 : index
    %swap3A_641 = tpu.vector_load %arg9[%swap3A_638, %swap3A_639, %swap3A_640] {strides = array<i32>} : memref<4x10x128xf32, #tpu.memory_space<vmem>>, vector<1x1x16xf32>,
    %swap3A_642 = vector.shape_cast %swap3A_641 : vector<1x1x16xf32> to vector<16xf32>
    %swap3A_643 = vector.shape_cast %add3A_635 : vector<16xf32> to vector<1x1x16xf32>
    tpu.vector_store %arg9[%swap3A_638, %swap3A_639, %swap3A_640], %swap3A_643 {strides = array<i32>} : memref<4x10x128xf32, #tpu.memory_space<vmem>>, vector<1x1x16xf32>,
    %mul3A_644 = vector.broadcast %squeeze3A_50 : f32 to vector<16xf32>
    %mul3A_645 = arith.mulf %convert_element_type3A_583, %mul3A_644 : vector<16xf32>
    %add3A_646 = vector.broadcast %squeeze3A_70 : f32 to vector<16xf32>
    %add3A_647 = arith.addf %mul3A_645, %add3A_646 : vector<16xf32>
    %swap3A_648 = arith.constant 0 : i32
    %swap3A_649 = arith.constant 5 : i32
    %swap3A_650 = arith.index_cast %swap3A_648 : i32 to index
    %swap3A_651 = arith.index_cast %swap3A_649 : i32 to index
    %swap3A_652 = arith.constant 64 : index
    %swap3A_653 = tpu.vector_load %arg9[%swap3A_650, %swap3A_651, %swap3A_652] {strides = array<i32>} : memref<4x10x128xf32, #tpu.memory_space<vmem>>, vector<1x1x16xf32>,
    %swap3A_654 = vector.shape_cast %swap3A_653 : vector<1x1x16xf32> to vector<16xf32>
    %swap3A_655 = vector.shape_cast %add3A_647 : vector<16xf32> to vector<1x1x16xf32>
    tpu.vector_store %arg9[%swap3A_650, %swap3A_651, %swap3A_652], %swap3A_655 {strides = array<i32>} : memref<4x10x128xf32, #tpu.memory_space<vmem>>, vector<1x1x16xf32>,
    %mul3A_656 = vector.broadcast %squeeze3A_52 : f32 to vector<16xf32>
    %mul3A_657 = arith.mulf %convert_element_type3A_583, %mul3A_656 : vector<16xf32>
    %add3A_658 = vector.broadcast %squeeze3A_72 : f32 to vector<16xf32>
    %add3A_659 = arith.addf %mul3A_657, %add3A_658 : vector<16xf32>
    %swap3A_660 = arith.constant 0 : i32
    %swap3A_661 = arith.constant 6 : i32
    %swap3A_662 = arith.index_cast %swap3A_660 : i32 to index
    %swap3A_663 = arith.index_cast %swap3A_661 : i32 to index
    %swap3A_664 = arith.constant 64 : index
    %swap3A_665 = tpu.vector_load %arg9[%swap3A_662, %swap3A_663, %swap3A_664] {strides = array<i32>} : memref<4x10x128xf32, #tpu.memory_space<vmem>>, vector<1x1x16xf32>,
    %swap3A_666 = vector.shape_cast %swap3A_665 : vector<1x1x16xf32> to vector<16xf32>
    %swap3A_667 = vector.shape_cast %add3A_659 : vector<16xf32> to vector<1x1x16xf32>
    tpu.vector_store %arg9[%swap3A_662, %swap3A_663, %swap3A_664], %swap3A_667 {strides = array<i32>} : memref<4x10x128xf32, #tpu.memory_space<vmem>>, vector<1x1x16xf32>,
    %mul3A_668 = vector.broadcast %squeeze3A_54 : f32 to vector<16xf32>
    %mul3A_669 = arith.mulf %convert_element_type3A_583, %mul3A_668 : vector<16xf32>
    %add3A_670 = vector.broadcast %squeeze3A_74 : f32 to vector<16xf32>
    %add3A_671 = arith.addf %mul3A_669, %add3A_670 : vector<16xf32>
    %swap3A_672 = arith.constant 0 : i32
    %swap3A_673 = arith.constant 7 : i32
    %swap3A_674 = arith.index_cast %swap3A_672 : i32 to index
    %swap3A_675 = arith.index_cast %swap3A_673 : i32 to index
    %swap3A_676 = arith.constant 64 : index
    %swap3A_677 = tpu.vector_load %arg9[%swap3A_674, %swap3A_675, %swap3A_676] {strides = array<i32>} : memref<4x10x128xf32, #tpu.memory_space<vmem>>, vector<1x1x16xf32>,
    %swap3A_678 = vector.shape_cast %swap3A_677 : vector<1x1x16xf32> to vector<16xf32>
    %swap3A_679 = vector.shape_cast %add3A_671 : vector<16xf32> to vector<1x1x16xf32>
    tpu.vector_store %arg9[%swap3A_674, %swap3A_675, %swap3A_676], %swap3A_679 {strides = array<i32>} : memref<4x10x128xf32, #tpu.memory_space<vmem>>, vector<1x1x16xf32>,
    %mul3A_680 = vector.broadcast %squeeze3A_56 : f32 to vector<16xf32>
    %mul3A_681 = arith.mulf %convert_element_type3A_583, %mul3A_680 : vector<16xf32>
    %add3A_682 = vector.broadcast %squeeze3A_76 : f32 to vector<16xf32>
    %add3A_683 = arith.addf %mul3A_681, %add3A_682 : vector<16xf32>
    %swap3A_684 = arith.constant 0 : i32
    %swap3A_685 = arith.constant 8 : i32
    %swap3A_686 = arith.index_cast %swap3A_684 : i32 to index
    %swap3A_687 = arith.index_cast %swap3A_685 : i32 to index
    %swap3A_688 = arith.constant 64 : index
    %swap3A_689 = tpu.vector_load %arg9[%swap3A_686, %swap3A_687, %swap3A_688] {strides = array<i32>} : memref<4x10x128xf32, #tpu.memory_space<vmem>>, vector<1x1x16xf32>,
    %swap3A_690 = vector.shape_cast %swap3A_689 : vector<1x1x16xf32> to vector<16xf32>
    %swap3A_691 = vector.shape_cast %add3A_683 : vector<16xf32> to vector<1x1x16xf32>
    tpu.vector_store %arg9[%swap3A_686, %swap3A_687, %swap3A_688], %swap3A_691 {strides = array<i32>} : memref<4x10x128xf32, #tpu.memory_space<vmem>>, vector<1x1x16xf32>,
    %mul3A_692 = vector.broadcast %squeeze3A_58 : f32 to vector<16xf32>
    %mul3A_693 = arith.mulf %convert_element_type3A_583, %mul3A_692 : vector<16xf32>
    %add3A_694 = vector.broadcast %squeeze3A_78 : f32 to vector<16xf32>
    %add3A_695 = arith.addf %mul3A_693, %add3A_694 : vector<16xf32>
    %swap3A_696 = arith.constant 0 : i32
    %swap3A_697 = arith.constant 9 : i32
    %swap3A_698 = arith.index_cast %swap3A_696 : i32 to index
    %swap3A_699 = arith.index_cast %swap3A_697 : i32 to index
    %swap3A_700 = arith.constant 64 : index
    %swap3A_701 = tpu.vector_load %arg9[%swap3A_698, %swap3A_699, %swap3A_700] {strides = array<i32>} : memref<4x10x128xf32, #tpu.memory_space<vmem>>, vector<1x1x16xf32>,
    %swap3A_702 = vector.shape_cast %swap3A_701 : vector<1x1x16xf32> to vector<16xf32>
    %swap3A_703 = vector.shape_cast %add3A_695 : vector<16xf32> to vector<1x1x16xf32>
    tpu.vector_store %arg9[%swap3A_698, %swap3A_699, %swap3A_700], %swap3A_703 {strides = array<i32>} : memref<4x10x128xf32, #tpu.memory_space<vmem>>, vector<1x1x16xf32>,
    %get3A_704 = arith.constant 80 : index
    %get3A_705 = tpu.vector_load %arg7[%get3A_704] {strides = array<i32>} : memref<512xi32, #tpu.memory_space<vmem>>, vector<16xi32>,
    %get3A_706 = vector.shape_cast %get3A_705 : vector<16xi32> to vector<16xi32>
    %convert_element_type3A_707 = arith.sitofp %get3A_706 : vector<16xi32> to vector<16xf32>
    %mul3A_708 = vector.broadcast %squeeze3A : f32 to vector<16xf32>
    %mul3A_709 = arith.mulf %convert_element_type3A_707, %mul3A_708 : vector<16xf32>
    %add3A_710 = vector.broadcast %squeeze3A_60 : f32 to vector<16xf32>
    %add3A_711 = arith.addf %mul3A_709, %add3A_710 : vector<16xf32>
    %swap3A_712 = arith.constant 0 : i32
    %swap3A_713 = arith.constant 0 : i32
    %swap3A_714 = arith.index_cast %swap3A_712 : i32 to index
    %swap3A_715 = arith.index_cast %swap3A_713 : i32 to index
    %swap3A_716 = arith.constant 80 : index
    %swap3A_717 = tpu.vector_load %arg9[%swap3A_714, %swap3A_715, %swap3A_716] {strides = array<i32>} : memref<4x10x128xf32, #tpu.memory_space<vmem>>, vector<1x1x16xf32>,
    %swap3A_718 = vector.shape_cast %swap3A_717 : vector<1x1x16xf32> to vector<16xf32>
    %swap3A_719 = vector.shape_cast %add3A_711 : vector<16xf32> to vector<1x1x16xf32>
    tpu.vector_store %arg9[%swap3A_714, %swap3A_715, %swap3A_716], %swap3A_719 {strides = array<i32>} : memref<4x10x128xf32, #tpu.memory_space<vmem>>, vector<1x1x16xf32>,
    %mul3A_720 = vector.broadcast %squeeze3A_42 : f32 to vector<16xf32>
    %mul3A_721 = arith.mulf %convert_element_type3A_707, %mul3A_720 : vector<16xf32>
    %add3A_722 = vector.broadcast %squeeze3A_62 : f32 to vector<16xf32>
    %add3A_723 = arith.addf %mul3A_721, %add3A_722 : vector<16xf32>
    %swap3A_724 = arith.constant 0 : i32
    %swap3A_725 = arith.constant 1 : i32
    %swap3A_726 = arith.index_cast %swap3A_724 : i32 to index
    %swap3A_727 = arith.index_cast %swap3A_725 : i32 to index
    %swap3A_728 = arith.constant 80 : index
    %swap3A_729 = tpu.vector_load %arg9[%swap3A_726, %swap3A_727, %swap3A_728] {strides = array<i32>} : memref<4x10x128xf32, #tpu.memory_space<vmem>>, vector<1x1x16xf32>,
    %swap3A_730 = vector.shape_cast %swap3A_729 : vector<1x1x16xf32> to vector<16xf32>
    %swap3A_731 = vector.shape_cast %add3A_723 : vector<16xf32> to vector<1x1x16xf32>
    tpu.vector_store %arg9[%swap3A_726, %swap3A_727, %swap3A_728], %swap3A_731 {strides = array<i32>} : memref<4x10x128xf32, #tpu.memory_space<vmem>>, vector<1x1x16xf32>,
    %mul3A_732 = vector.broadcast %squeeze3A_44 : f32 to vector<16xf32>
    %mul3A_733 = arith.mulf %convert_element_type3A_707, %mul3A_732 : vector<16xf32>
    %add3A_734 = vector.broadcast %squeeze3A_64 : f32 to vector<16xf32>
    %add3A_735 = arith.addf %mul3A_733, %add3A_734 : vector<16xf32>
    %swap3A_736 = arith.constant 0 : i32
    %swap3A_737 = arith.constant 2 : i32
    %swap3A_738 = arith.index_cast %swap3A_736 : i32 to index
    %swap3A_739 = arith.index_cast %swap3A_737 : i32 to index
    %swap3A_740 = arith.constant 80 : index
    %swap3A_741 = tpu.vector_load %arg9[%swap3A_738, %swap3A_739, %swap3A_740] {strides = array<i32>} : memref<4x10x128xf32, #tpu.memory_space<vmem>>, vector<1x1x16xf32>,
    %swap3A_742 = vector.shape_cast %swap3A_741 : vector<1x1x16xf32> to vector<16xf32>
    %swap3A_743 = vector.shape_cast %add3A_735 : vector<16xf32> to vector<1x1x16xf32>
    tpu.vector_store %arg9[%swap3A_738, %swap3A_739, %swap3A_740], %swap3A_743 {strides = array<i32>} : memref<4x10x128xf32, #tpu.memory_space<vmem>>, vector<1x1x16xf32>,
    %mul3A_744 = vector.broadcast %squeeze3A_46 : f32 to vector<16xf32>
    %mul3A_745 = arith.mulf %convert_element_type3A_707, %mul3A_744 : vector<16xf32>
    %add3A_746 = vector.broadcast %squeeze3A_66 : f32 to vector<16xf32>
    %add3A_747 = arith.addf %mul3A_745, %add3A_746 : vector<16xf32>
    %swap3A_748 = arith.constant 0 : i32
    %swap3A_749 = arith.constant 3 : i32
    %swap3A_750 = arith.index_cast %swap3A_748 : i32 to index
    %swap3A_751 = arith.index_cast %swap3A_749 : i32 to index
    %swap3A_752 = arith.constant 80 : index
    %swap3A_753 = tpu.vector_load %arg9[%swap3A_750, %swap3A_751, %swap3A_752] {strides = array<i32>} : memref<4x10x128xf32, #tpu.memory_space<vmem>>, vector<1x1x16xf32>,
    %swap3A_754 = vector.shape_cast %swap3A_753 : vector<1x1x16xf32> to vector<16xf32>
    %swap3A_755 = vector.shape_cast %add3A_747 : vector<16xf32> to vector<1x1x16xf32>
    tpu.vector_store %arg9[%swap3A_750, %swap3A_751, %swap3A_752], %swap3A_755 {strides = array<i32>} : memref<4x10x128xf32, #tpu.memory_space<vmem>>, vector<1x1x16xf32>,
    %mul3A_756 = vector.broadcast %squeeze3A_48 : f32 to vector<16xf32>
    %mul3A_757 = arith.mulf %convert_element_type3A_707, %mul3A_756 : vector<16xf32>
    %add3A_758 = vector.broadcast %squeeze3A_68 : f32 to vector<16xf32>
    %add3A_759 = arith.addf %mul3A_757, %add3A_758 : vector<16xf32>
    %swap3A_760 = arith.constant 0 : i32
    %swap3A_761 = arith.constant 4 : i32
    %swap3A_762 = arith.index_cast %swap3A_760 : i32 to index
    %swap3A_763 = arith.index_cast %swap3A_761 : i32 to index
    %swap3A_764 = arith.constant 80 : index
    %swap3A_765 = tpu.vector_load %arg9[%swap3A_762, %swap3A_763, %swap3A_764] {strides = array<i32>} : memref<4x10x128xf32, #tpu.memory_space<vmem>>, vector<1x1x16xf32>,
    %swap3A_766 = vector.shape_cast %swap3A_765 : vector<1x1x16xf32> to vector<16xf32>
    %swap3A_767 = vector.shape_cast %add3A_759 : vector<16xf32> to vector<1x1x16xf32>
    tpu.vector_store %arg9[%swap3A_762, %swap3A_763, %swap3A_764], %swap3A_767 {strides = array<i32>} : memref<4x10x128xf32, #tpu.memory_space<vmem>>, vector<1x1x16xf32>,
    %mul3A_768 = vector.broadcast %squeeze3A_50 : f32 to vector<16xf32>
    %mul3A_769 = arith.mulf %convert_element_type3A_707, %mul3A_768 : vector<16xf32>
    %add3A_770 = vector.broadcast %squeeze3A_70 : f32 to vector<16xf32>
    %add3A_771 = arith.addf %mul3A_769, %add3A_770 : vector<16xf32>
    %swap3A_772 = arith.constant 0 : i32
    %swap3A_773 = arith.constant 5 : i32
    %swap3A_774 = arith.index_cast %swap3A_772 : i32 to index
    %swap3A_775 = arith.index_cast %swap3A_773 : i32 to index
    %swap3A_776 = arith.constant 80 : index
    %swap3A_777 = tpu.vector_load %arg9[%swap3A_774, %swap3A_775, %swap3A_776] {strides = array<i32>} : memref<4x10x128xf32, #tpu.memory_space<vmem>>, vector<1x1x16xf32>,
    %swap3A_778 = vector.shape_cast %swap3A_777 : vector<1x1x16xf32> to vector<16xf32>
    %swap3A_779 = vector.shape_cast %add3A_771 : vector<16xf32> to vector<1x1x16xf32>
    tpu.vector_store %arg9[%swap3A_774, %swap3A_775, %swap3A_776], %swap3A_779 {strides = array<i32>} : memref<4x10x128xf32, #tpu.memory_space<vmem>>, vector<1x1x16xf32>,
    %mul3A_780 = vector.broadcast %squeeze3A_52 : f32 to vector<16xf32>
    %mul3A_781 = arith.mulf %convert_element_type3A_707, %mul3A_780 : vector<16xf32>
    %add3A_782 = vector.broadcast %squeeze3A_72 : f32 to vector<16xf32>
    %add3A_783 = arith.addf %mul3A_781, %add3A_782 : vector<16xf32>
    %swap3A_784 = arith.constant 0 : i32
    %swap3A_785 = arith.constant 6 : i32
    %swap3A_786 = arith.index_cast %swap3A_784 : i32 to index
    %swap3A_787 = arith.index_cast %swap3A_785 : i32 to index
    %swap3A_788 = arith.constant 80 : index
    %swap3A_789 = tpu.vector_load %arg9[%swap3A_786, %swap3A_787, %swap3A_788] {strides = array<i32>} : memref<4x10x128xf32, #tpu.memory_space<vmem>>, vector<1x1x16xf32>,
    %swap3A_790 = vector.shape_cast %swap3A_789 : vector<1x1x16xf32> to vector<16xf32>
    %swap3A_791 = vector.shape_cast %add3A_783 : vector<16xf32> to vector<1x1x16xf32>
    tpu.vector_store %arg9[%swap3A_786, %swap3A_787, %swap3A_788], %swap3A_791 {strides = array<i32>} : memref<4x10x128xf32, #tpu.memory_space<vmem>>, vector<1x1x16xf32>,
    %mul3A_792 = vector.broadcast %squeeze3A_54 : f32 to vector<16xf32>
    %mul3A_793 = arith.mulf %convert_element_type3A_707, %mul3A_792 : vector<16xf32>
    %add3A_794 = vector.broadcast %squeeze3A_74 : f32 to vector<16xf32>
    %add3A_795 = arith.addf %mul3A_793, %add3A_794 : vector<16xf32>
    %swap3A_796 = arith.constant 0 : i32
    %swap3A_797 = arith.constant 7 : i32
    %swap3A_798 = arith.index_cast %swap3A_796 : i32 to index
    %swap3A_799 = arith.index_cast %swap3A_797 : i32 to index
    %swap3A_800 = arith.constant 80 : index
    %swap3A_801 = tpu.vector_load %arg9[%swap3A_798, %swap3A_799, %swap3A_800] {strides = array<i32>} : memref<4x10x128xf32, #tpu.memory_space<vmem>>, vector<1x1x16xf32>,
    %swap3A_802 = vector.shape_cast %swap3A_801 : vector<1x1x16xf32> to vector<16xf32>
    %swap3A_803 = vector.shape_cast %add3A_795 : vector<16xf32> to vector<1x1x16xf32>
    tpu.vector_store %arg9[%swap3A_798, %swap3A_799, %swap3A_800], %swap3A_803 {strides = array<i32>} : memref<4x10x128xf32, #tpu.memory_space<vmem>>, vector<1x1x16xf32>,
    %mul3A_804 = vector.broadcast %squeeze3A_56 : f32 to vector<16xf32>
    %mul3A_805 = arith.mulf %convert_element_type3A_707, %mul3A_804 : vector<16xf32>
    %add3A_806 = vector.broadcast %squeeze3A_76 : f32 to vector<16xf32>
    %add3A_807 = arith.addf %mul3A_805, %add3A_806 : vector<16xf32>
    %swap3A_808 = arith.constant 0 : i32
    %swap3A_809 = arith.constant 8 : i32
    %swap3A_810 = arith.index_cast %swap3A_808 : i32 to index
    %swap3A_811 = arith.index_cast %swap3A_809 : i32 to index
    %swap3A_812 = arith.constant 80 : index
    %swap3A_813 = tpu.vector_load %arg9[%swap3A_810, %swap3A_811, %swap3A_812] {strides = array<i32>} : memref<4x10x128xf32, #tpu.memory_space<vmem>>, vector<1x1x16xf32>,
    %swap3A_814 = vector.shape_cast %swap3A_813 : vector<1x1x16xf32> to vector<16xf32>
    %swap3A_815 = vector.shape_cast %add3A_807 : vector<16xf32> to vector<1x1x16xf32>
    tpu.vector_store %arg9[%swap3A_810, %swap3A_811, %swap3A_812], %swap3A_815 {strides = array<i32>} : memref<4x10x128xf32, #tpu.memory_space<vmem>>, vector<1x1x16xf32>,
    %mul3A_816 = vector.broadcast %squeeze3A_58 : f32 to vector<16xf32>
    %mul3A_817 = arith.mulf %convert_element_type3A_707, %mul3A_816 : vector<16xf32>
    %add3A_818 = vector.broadcast %squeeze3A_78 : f32 to vector<16xf32>
    %add3A_819 = arith.addf %mul3A_817, %add3A_818 : vector<16xf32>
    %swap3A_820 = arith.constant 0 : i32
    %swap3A_821 = arith.constant 9 : i32
    %swap3A_822 = arith.index_cast %swap3A_820 : i32 to index
    %swap3A_823 = arith.index_cast %swap3A_821 : i32 to index
    %swap3A_824 = arith.constant 80 : index
    %swap3A_825 = tpu.vector_load %arg9[%swap3A_822, %swap3A_823, %swap3A_824] {strides = array<i32>} : memref<4x10x128xf32, #tpu.memory_space<vmem>>, vector<1x1x16xf32>,
    %swap3A_826 = vector.shape_cast %swap3A_825 : vector<1x1x16xf32> to vector<16xf32>
    %swap3A_827 = vector.shape_cast %add3A_819 : vector<16xf32> to vector<1x1x16xf32>
    tpu.vector_store %arg9[%swap3A_822, %swap3A_823, %swap3A_824], %swap3A_827 {strides = array<i32>} : memref<4x10x128xf32, #tpu.memory_space<vmem>>, vector<1x1x16xf32>,
    %get3A_828 = arith.constant 96 : index
    %get3A_829 = tpu.vector_load %arg7[%get3A_828] {strides = array<i32>} : memref<512xi32, #tpu.memory_space<vmem>>, vector<16xi32>,
    %get3A_830 = vector.shape_cast %get3A_829 : vector<16xi32> to vector<16xi32>
    %convert_element_type3A_831 = arith.sitofp %get3A_830 : vector<16xi32> to vector<16xf32>
    %mul3A_832 = vector.broadcast %squeeze3A : f32 to vector<16xf32>
    %mul3A_833 = arith.mulf %convert_element_type3A_831, %mul3A_832 : vector<16xf32>
    %add3A_834 = vector.broadcast %squeeze3A_60 : f32 to vector<16xf32>
    %add3A_835 = arith.addf %mul3A_833, %add3A_834 : vector<16xf32>
    %swap3A_836 = arith.constant 0 : i32
    %swap3A_837 = arith.constant 0 : i32
    %swap3A_838 = arith.index_cast %swap3A_836 : i32 to index
    %swap3A_839 = arith.index_cast %swap3A_837 : i32 to index
    %swap3A_840 = arith.constant 96 : index
    %swap3A_841 = tpu.vector_load %arg9[%swap3A_838, %swap3A_839, %swap3A_840] {strides = array<i32>} : memref<4x10x128xf32, #tpu.memory_space<vmem>>, vector<1x1x16xf32>,
    %swap3A_842 = vector.shape_cast %swap3A_841 : vector<1x1x16xf32> to vector<16xf32>
    %swap3A_843 = vector.shape_cast %add3A_835 : vector<16xf32> to vector<1x1x16xf32>
    tpu.vector_store %arg9[%swap3A_838, %swap3A_839, %swap3A_840], %swap3A_843 {strides = array<i32>} : memref<4x10x128xf32, #tpu.memory_space<vmem>>, vector<1x1x16xf32>,
    %mul3A_844 = vector.broadcast %squeeze3A_42 : f32 to vector<16xf32>
    %mul3A_845 = arith.mulf %convert_element_type3A_831, %mul3A_844 : vector<16xf32>
    %add3A_846 = vector.broadcast %squeeze3A_62 : f32 to vector<16xf32>
    %add3A_847 = arith.addf %mul3A_845, %add3A_846 : vector<16xf32>
    %swap3A_848 = arith.constant 0 : i32
    %swap3A_849 = arith.constant 1 : i32
    %swap3A_850 = arith.index_cast %swap3A_848 : i32 to index
    %swap3A_851 = arith.index_cast %swap3A_849 : i32 to index
    %swap3A_852 = arith.constant 96 : index
    %swap3A_853 = tpu.vector_load %arg9[%swap3A_850, %swap3A_851, %swap3A_852] {strides = array<i32>} : memref<4x10x128xf32, #tpu.memory_space<vmem>>, vector<1x1x16xf32>,
    %swap3A_854 = vector.shape_cast %swap3A_853 : vector<1x1x16xf32> to vector<16xf32>
    %swap3A_855 = vector.shape_cast %add3A_847 : vector<16xf32> to vector<1x1x16xf32>
    tpu.vector_store %arg9[%swap3A_850, %swap3A_851, %swap3A_852], %swap3A_855 {strides = array<i32>} : memref<4x10x128xf32, #tpu.memory_space<vmem>>, vector<1x1x16xf32>,
    %mul3A_856 = vector.broadcast %squeeze3A_44 : f32 to vector<16xf32>
    %mul3A_857 = arith.mulf %convert_element_type3A_831, %mul3A_856 : vector<16xf32>
    %add3A_858 = vector.broadcast %squeeze3A_64 : f32 to vector<16xf32>
    %add3A_859 = arith.addf %mul3A_857, %add3A_858 : vector<16xf32>
    %swap3A_860 = arith.constant 0 : i32
    %swap3A_861 = arith.constant 2 : i32
    %swap3A_862 = arith.index_cast %swap3A_860 : i32 to index
    %swap3A_863 = arith.index_cast %swap3A_861 : i32 to index
    %swap3A_864 = arith.constant 96 : index
    %swap3A_865 = tpu.vector_load %arg9[%swap3A_862, %swap3A_863, %swap3A_864] {strides = array<i32>} : memref<4x10x128xf32, #tpu.memory_space<vmem>>, vector<1x1x16xf32>,
    %swap3A_866 = vector.shape_cast %swap3A_865 : vector<1x1x16xf32> to vector<16xf32>
    %swap3A_867 = vector.shape_cast %add3A_859 : vector<16xf32> to vector<1x1x16xf32>
    tpu.vector_store %arg9[%swap3A_862, %swap3A_863, %swap3A_864], %swap3A_867 {strides = array<i32>} : memref<4x10x128xf32, #tpu.memory_space<vmem>>, vector<1x1x16xf32>,
    %mul3A_868 = vector.broadcast %squeeze3A_46 : f32 to vector<16xf32>
    %mul3A_869 = arith.mulf %convert_element_type3A_831, %mul3A_868 : vector<16xf32>
    %add3A_870 = vector.broadcast %squeeze3A_66 : f32 to vector<16xf32>
    %add3A_871 = arith.addf %mul3A_869, %add3A_870 : vector<16xf32>
    %swap3A_872 = arith.constant 0 : i32
    %swap3A_873 = arith.constant 3 : i32
    %swap3A_874 = arith.index_cast %swap3A_872 : i32 to index
    %swap3A_875 = arith.index_cast %swap3A_873 : i32 to index
    %swap3A_876 = arith.constant 96 : index
    %swap3A_877 = tpu.vector_load %arg9[%swap3A_874, %swap3A_875, %swap3A_876] {strides = array<i32>} : memref<4x10x128xf32, #tpu.memory_space<vmem>>, vector<1x1x16xf32>,
    %swap3A_878 = vector.shape_cast %swap3A_877 : vector<1x1x16xf32> to vector<16xf32>
    %swap3A_879 = vector.shape_cast %add3A_871 : vector<16xf32> to vector<1x1x16xf32>
    tpu.vector_store %arg9[%swap3A_874, %swap3A_875, %swap3A_876], %swap3A_879 {strides = array<i32>} : memref<4x10x128xf32, #tpu.memory_space<vmem>>, vector<1x1x16xf32>,
    %mul3A_880 = vector.broadcast %squeeze3A_48 : f32 to vector<16xf32>
    %mul3A_881 = arith.mulf %convert_element_type3A_831, %mul3A_880 : vector<16xf32>
    %add3A_882 = vector.broadcast %squeeze3A_68 : f32 to vector<16xf32>
    %add3A_883 = arith.addf %mul3A_881, %add3A_882 : vector<16xf32>
    %swap3A_884 = arith.constant 0 : i32
    %swap3A_885 = arith.constant 4 : i32
    %swap3A_886 = arith.index_cast %swap3A_884 : i32 to index
    %swap3A_887 = arith.index_cast %swap3A_885 : i32 to index
    %swap3A_888 = arith.constant 96 : index
    %swap3A_889 = tpu.vector_load %arg9[%swap3A_886, %swap3A_887, %swap3A_888] {strides = array<i32>} : memref<4x10x128xf32, #tpu.memory_space<vmem>>, vector<1x1x16xf32>,
    %swap3A_890 = vector.shape_cast %swap3A_889 : vector<1x1x16xf32> to vector<16xf32>
    %swap3A_891 = vector.shape_cast %add3A_883 : vector<16xf32> to vector<1x1x16xf32>
    tpu.vector_store %arg9[%swap3A_886, %swap3A_887, %swap3A_888], %swap3A_891 {strides = array<i32>} : memref<4x10x128xf32, #tpu.memory_space<vmem>>, vector<1x1x16xf32>,
    %mul3A_892 = vector.broadcast %squeeze3A_50 : f32 to vector<16xf32>
    %mul3A_893 = arith.mulf %convert_element_type3A_831, %mul3A_892 : vector<16xf32>
    %add3A_894 = vector.broadcast %squeeze3A_70 : f32 to vector<16xf32>
    %add3A_895 = arith.addf %mul3A_893, %add3A_894 : vector<16xf32>
    %swap3A_896 = arith.constant 0 : i32
    %swap3A_897 = arith.constant 5 : i32
    %swap3A_898 = arith.index_cast %swap3A_896 : i32 to index
    %swap3A_899 = arith.index_cast %swap3A_897 : i32 to index
    %swap3A_900 = arith.constant 96 : index
    %swap3A_901 = tpu.vector_load %arg9[%swap3A_898, %swap3A_899, %swap3A_900] {strides = array<i32>} : memref<4x10x128xf32, #tpu.memory_space<vmem>>, vector<1x1x16xf32>,
    %swap3A_902 = vector.shape_cast %swap3A_901 : vector<1x1x16xf32> to vector<16xf32>
    %swap3A_903 = vector.shape_cast %add3A_895 : vector<16xf32> to vector<1x1x16xf32>
    tpu.vector_store %arg9[%swap3A_898, %swap3A_899, %swap3A_900], %swap3A_903 {strides = array<i32>} : memref<4x10x128xf32, #tpu.memory_space<vmem>>, vector<1x1x16xf32>,
    %mul3A_904 = vector.broadcast %squeeze3A_52 : f32 to vector<16xf32>
    %mul3A_905 = arith.mulf %convert_element_type3A_831, %mul3A_904 : vector<16xf32>
    %add3A_906 = vector.broadcast %squeeze3A_72 : f32 to vector<16xf32>
    %add3A_907 = arith.addf %mul3A_905, %add3A_906 : vector<16xf32>
    %swap3A_908 = arith.constant 0 : i32
    %swap3A_909 = arith.constant 6 : i32
    %swap3A_910 = arith.index_cast %swap3A_908 : i32 to index
    %swap3A_911 = arith.index_cast %swap3A_909 : i32 to index
    %swap3A_912 = arith.constant 96 : index
    %swap3A_913 = tpu.vector_load %arg9[%swap3A_910, %swap3A_911, %swap3A_912] {strides = array<i32>} : memref<4x10x128xf32, #tpu.memory_space<vmem>>, vector<1x1x16xf32>,
    %swap3A_914 = vector.shape_cast %swap3A_913 : vector<1x1x16xf32> to vector<16xf32>
    %swap3A_915 = vector.shape_cast %add3A_907 : vector<16xf32> to vector<1x1x16xf32>
    tpu.vector_store %arg9[%swap3A_910, %swap3A_911, %swap3A_912], %swap3A_915 {strides = array<i32>} : memref<4x10x128xf32, #tpu.memory_space<vmem>>, vector<1x1x16xf32>,
    %mul3A_916 = vector.broadcast %squeeze3A_54 : f32 to vector<16xf32>
    %mul3A_917 = arith.mulf %convert_element_type3A_831, %mul3A_916 : vector<16xf32>
    %add3A_918 = vector.broadcast %squeeze3A_74 : f32 to vector<16xf32>
    %add3A_919 = arith.addf %mul3A_917, %add3A_918 : vector<16xf32>
    %swap3A_920 = arith.constant 0 : i32
    %swap3A_921 = arith.constant 7 : i32
    %swap3A_922 = arith.index_cast %swap3A_920 : i32 to index
    %swap3A_923 = arith.index_cast %swap3A_921 : i32 to index
    %swap3A_924 = arith.constant 96 : index
    %swap3A_925 = tpu.vector_load %arg9[%swap3A_922, %swap3A_923, %swap3A_924] {strides = array<i32>} : memref<4x10x128xf32, #tpu.memory_space<vmem>>, vector<1x1x16xf32>,
    %swap3A_926 = vector.shape_cast %swap3A_925 : vector<1x1x16xf32> to vector<16xf32>
    %swap3A_927 = vector.shape_cast %add3A_919 : vector<16xf32> to vector<1x1x16xf32>
    tpu.vector_store %arg9[%swap3A_922, %swap3A_923, %swap3A_924], %swap3A_927 {strides = array<i32>} : memref<4x10x128xf32, #tpu.memory_space<vmem>>, vector<1x1x16xf32>,
    %mul3A_928 = vector.broadcast %squeeze3A_56 : f32 to vector<16xf32>
    %mul3A_929 = arith.mulf %convert_element_type3A_831, %mul3A_928 : vector<16xf32>
    %add3A_930 = vector.broadcast %squeeze3A_76 : f32 to vector<16xf32>
    %add3A_931 = arith.addf %mul3A_929, %add3A_930 : vector<16xf32>
    %swap3A_932 = arith.constant 0 : i32
    %swap3A_933 = arith.constant 8 : i32
    %swap3A_934 = arith.index_cast %swap3A_932 : i32 to index
    %swap3A_935 = arith.index_cast %swap3A_933 : i32 to index
    %swap3A_936 = arith.constant 96 : index
    %swap3A_937 = tpu.vector_load %arg9[%swap3A_934, %swap3A_935, %swap3A_936] {strides = array<i32>} : memref<4x10x128xf32, #tpu.memory_space<vmem>>, vector<1x1x16xf32>,
    %swap3A_938 = vector.shape_cast %swap3A_937 : vector<1x1x16xf32> to vector<16xf32>
    %swap3A_939 = vector.shape_cast %add3A_931 : vector<16xf32> to vector<1x1x16xf32>
    tpu.vector_store %arg9[%swap3A_934, %swap3A_935, %swap3A_936], %swap3A_939 {strides = array<i32>} : memref<4x10x128xf32, #tpu.memory_space<vmem>>, vector<1x1x16xf32>,
    %mul3A_940 = vector.broadcast %squeeze3A_58 : f32 to vector<16xf32>
    %mul3A_941 = arith.mulf %convert_element_type3A_831, %mul3A_940 : vector<16xf32>
    %add3A_942 = vector.broadcast %squeeze3A_78 : f32 to vector<16xf32>
    %add3A_943 = arith.addf %mul3A_941, %add3A_942 : vector<16xf32>
    %swap3A_944 = arith.constant 0 : i32
    %swap3A_945 = arith.constant 9 : i32
    %swap3A_946 = arith.index_cast %swap3A_944 : i32 to index
    %swap3A_947 = arith.index_cast %swap3A_945 : i32 to index
    %swap3A_948 = arith.constant 96 : index
    %swap3A_949 = tpu.vector_load %arg9[%swap3A_946, %swap3A_947, %swap3A_948] {strides = array<i32>} : memref<4x10x128xf32, #tpu.memory_space<vmem>>, vector<1x1x16xf32>,
    %swap3A_950 = vector.shape_cast %swap3A_949 : vector<1x1x16xf32> to vector<16xf32>
    %swap3A_951 = vector.shape_cast %add3A_943 : vector<16xf32> to vector<1x1x16xf32>
    tpu.vector_store %arg9[%swap3A_946, %swap3A_947, %swap3A_948], %swap3A_951 {strides = array<i32>} : memref<4x10x128xf32, #tpu.memory_space<vmem>>, vector<1x1x16xf32>,
    %get3A_952 = arith.constant 112 : index
    %get3A_953 = tpu.vector_load %arg7[%get3A_952] {strides = array<i32>} : memref<512xi32, #tpu.memory_space<vmem>>, vector<16xi32>,
    %get3A_954 = vector.shape_cast %get3A_953 : vector<16xi32> to vector<16xi32>
    %convert_element_type3A_955 = arith.sitofp %get3A_954 : vector<16xi32> to vector<16xf32>
    %mul3A_956 = vector.broadcast %squeeze3A : f32 to vector<16xf32>
    %mul3A_957 = arith.mulf %convert_element_type3A_955, %mul3A_956 : vector<16xf32>
    %add3A_958 = vector.broadcast %squeeze3A_60 : f32 to vector<16xf32>
    %add3A_959 = arith.addf %mul3A_957, %add3A_958 : vector<16xf32>
    %swap3A_960 = arith.constant 0 : i32
    %swap3A_961 = arith.constant 0 : i32
    %swap3A_962 = arith.index_cast %swap3A_960 : i32 to index
    %swap3A_963 = arith.index_cast %swap3A_961 : i32 to index
    %swap3A_964 = arith.constant 112 : index
    %swap3A_965 = tpu.vector_load %arg9[%swap3A_962, %swap3A_963, %swap3A_964] {strides = array<i32>} : memref<4x10x128xf32, #tpu.memory_space<vmem>>, vector<1x1x16xf32>,
    %swap3A_966 = vector.shape_cast %swap3A_965 : vector<1x1x16xf32> to vector<16xf32>
    %swap3A_967 = vector.shape_cast %add3A_959 : vector<16xf32> to vector<1x1x16xf32>
    tpu.vector_store %arg9[%swap3A_962, %swap3A_963, %swap3A_964], %swap3A_967 {strides = array<i32>} : memref<4x10x128xf32, #tpu.memory_space<vmem>>, vector<1x1x16xf32>,
    %mul3A_968 = vector.broadcast %squeeze3A_42 : f32 to vector<16xf32>
    %mul3A_969 = arith.mulf %convert_element_type3A_955, %mul3A_968 : vector<16xf32>
    %add3A_970 = vector.broadcast %squeeze3A_62 : f32 to vector<16xf32>
    %add3A_971 = arith.addf %mul3A_969, %add3A_970 : vector<16xf32>
    %swap3A_972 = arith.constant 0 : i32
    %swap3A_973 = arith.constant 1 : i32
    %swap3A_974 = arith.index_cast %swap3A_972 : i32 to index
    %swap3A_975 = arith.index_cast %swap3A_973 : i32 to index
    %swap3A_976 = arith.constant 112 : index
    %swap3A_977 = tpu.vector_load %arg9[%swap3A_974, %swap3A_975, %swap3A_976] {strides = array<i32>} : memref<4x10x128xf32, #tpu.memory_space<vmem>>, vector<1x1x16xf32>,
    %swap3A_978 = vector.shape_cast %swap3A_977 : vector<1x1x16xf32> to vector<16xf32>
    %swap3A_979 = vector.shape_cast %add3A_971 : vector<16xf32> to vector<1x1x16xf32>
    tpu.vector_store %arg9[%swap3A_974, %swap3A_975, %swap3A_976], %swap3A_979 {strides = array<i32>} : memref<4x10x128xf32, #tpu.memory_space<vmem>>, vector<1x1x16xf32>,
    %mul3A_980 = vector.broadcast %squeeze3A_44 : f32 to vector<16xf32>
    %mul3A_981 = arith.mulf %convert_element_type3A_955, %mul3A_980 : vector<16xf32>
    %add3A_982 = vector.broadcast %squeeze3A_64 : f32 to vector<16xf32>
    %add3A_983 = arith.addf %mul3A_981, %add3A_982 : vector<16xf32>
    %swap3A_984 = arith.constant 0 : i32
    %swap3A_985 = arith.constant 2 : i32
    %swap3A_986 = arith.index_cast %swap3A_984 : i32 to index
    %swap3A_987 = arith.index_cast %swap3A_985 : i32 to index
    %swap3A_988 = arith.constant 112 : index
    %swap3A_989 = tpu.vector_load %arg9[%swap3A_986, %swap3A_987, %swap3A_988] {strides = array<i32>} : memref<4x10x128xf32, #tpu.memory_space<vmem>>, vector<1x1x16xf32>,
    %swap3A_990 = vector.shape_cast %swap3A_989 : vector<1x1x16xf32> to vector<16xf32>
    %swap3A_991 = vector.shape_cast %add3A_983 : vector<16xf32> to vector<1x1x16xf32>
    tpu.vector_store %arg9[%swap3A_986, %swap3A_987, %swap3A_988], %swap3A_991 {strides = array<i32>} : memref<4x10x128xf32, #tpu.memory_space<vmem>>, vector<1x1x16xf32>,
    %mul3A_992 = vector.broadcast %squeeze3A_46 : f32 to vector<16xf32>
    %mul3A_993 = arith.mulf %convert_element_type3A_955, %mul3A_992 : vector<16xf32>
    %add3A_994 = vector.broadcast %squeeze3A_66 : f32 to vector<16xf32>
    %add3A_995 = arith.addf %mul3A_993, %add3A_994 : vector<16xf32>
    %swap3A_996 = arith.constant 0 : i32
    %swap3A_997 = arith.constant 3 : i32
    %swap3A_998 = arith.index_cast %swap3A_996 : i32 to index
    %swap3A_999 = arith.index_cast %swap3A_997 : i32 to index
    %swap3A_1000 = arith.constant 112 : index
    %swap3A_1001 = tpu.vector_load %arg9[%swap3A_998, %swap3A_999, %swap3A_1000] {strides = array<i32>} : memref<4x10x128xf32, #tpu.memory_space<vmem>>, vector<1x1x16xf32>,
    %swap3A_1002 = vector.shape_cast %swap3A_1001 : vector<1x1x16xf32> to vector<16xf32>
    %swap3A_1003 = vector.shape_cast %add3A_995 : vector<16xf32> to vector<1x1x16xf32>
    tpu.vector_store %arg9[%swap3A_998, %swap3A_999, %swap3A_1000], %swap3A_1003 {strides = array<i32>} : memref<4x10x128xf32, #tpu.memory_space<vmem>>, vector<1x1x16xf32>,
    %mul3A_1004 = vector.broadcast %squeeze3A_48 : f32 to vector<16xf32>
    %mul3A_1005 = arith.mulf %convert_element_type3A_955, %mul3A_1004 : vector<16xf32>
    %add3A_1006 = vector.broadcast %squeeze3A_68 : f32 to vector<16xf32>
    %add3A_1007 = arith.addf %mul3A_1005, %add3A_1006 : vector<16xf32>
    %swap3A_1008 = arith.constant 0 : i32
    %swap3A_1009 = arith.constant 4 : i32
    %swap3A_1010 = arith.index_cast %swap3A_1008 : i32 to index
    %swap3A_1011 = arith.index_cast %swap3A_1009 : i32 to index
    %swap3A_1012 = arith.constant 112 : index
    %swap3A_1013 = tpu.vector_load %arg9[%swap3A_1010, %swap3A_1011, %swap3A_1012] {strides = array<i32>} : memref<4x10x128xf32, #tpu.memory_space<vmem>>, vector<1x1x16xf32>,
    %swap3A_1014 = vector.shape_cast %swap3A_1013 : vector<1x1x16xf32> to vector<16xf32>
    %swap3A_1015 = vector.shape_cast %add3A_1007 : vector<16xf32> to vector<1x1x16xf32>
    tpu.vector_store %arg9[%swap3A_1010, %swap3A_1011, %swap3A_1012], %swap3A_1015 {strides = array<i32>} : memref<4x10x128xf32, #tpu.memory_space<vmem>>, vector<1x1x16xf32>,
    %mul3A_1016 = vector.broadcast %squeeze3A_50 : f32 to vector<16xf32>
    %mul3A_1017 = arith.mulf %convert_element_type3A_955, %mul3A_1016 : vector<16xf32>
    %add3A_1018 = vector.broadcast %squeeze3A_70 : f32 to vector<16xf32>
    %add3A_1019 = arith.addf %mul3A_1017, %add3A_1018 : vector<16xf32>
    %swap3A_1020 = arith.constant 0 : i32
    %swap3A_1021 = arith.constant 5 : i32
    %swap3A_1022 = arith.index_cast %swap3A_1020 : i32 to index
    %swap3A_1023 = arith.index_cast %swap3A_1021 : i32 to index
    %swap3A_1024 = arith.constant 112 : index
    %swap3A_1025 = tpu.vector_load %arg9[%swap3A_1022, %swap3A_1023, %swap3A_1024] {strides = array<i32>} : memref<4x10x128xf32, #tpu.memory_space<vmem>>, vector<1x1x16xf32>,
    %swap3A_1026 = vector.shape_cast %swap3A_1025 : vector<1x1x16xf32> to vector<16xf32>
    %swap3A_1027 = vector.shape_cast %add3A_1019 : vector<16xf32> to vector<1x1x16xf32>
    tpu.vector_store %arg9[%swap3A_1022, %swap3A_1023, %swap3A_1024], %swap3A_1027 {strides = array<i32>} : memref<4x10x128xf32, #tpu.memory_space<vmem>>, vector<1x1x16xf32>,
    %mul3A_1028 = vector.broadcast %squeeze3A_52 : f32 to vector<16xf32>
    %mul3A_1029 = arith.mulf %convert_element_type3A_955, %mul3A_1028 : vector<16xf32>
    %add3A_1030 = vector.broadcast %squeeze3A_72 : f32 to vector<16xf32>
    %add3A_1031 = arith.addf %mul3A_1029, %add3A_1030 : vector<16xf32>
    %swap3A_1032 = arith.constant 0 : i32
    %swap3A_1033 = arith.constant 6 : i32
    %swap3A_1034 = arith.index_cast %swap3A_1032 : i32 to index
    %swap3A_1035 = arith.index_cast %swap3A_1033 : i32 to index
    %swap3A_1036 = arith.constant 112 : index
    %swap3A_1037 = tpu.vector_load %arg9[%swap3A_1034, %swap3A_1035, %swap3A_1036] {strides = array<i32>} : memref<4x10x128xf32, #tpu.memory_space<vmem>>, vector<1x1x16xf32>,
    %swap3A_1038 = vector.shape_cast %swap3A_1037 : vector<1x1x16xf32> to vector<16xf32>
    %swap3A_1039 = vector.shape_cast %add3A_1031 : vector<16xf32> to vector<1x1x16xf32>
    tpu.vector_store %arg9[%swap3A_1034, %swap3A_1035, %swap3A_1036], %swap3A_1039 {strides = array<i32>} : memref<4x10x128xf32, #tpu.memory_space<vmem>>, vector<1x1x16xf32>,
    %mul3A_1040 = vector.broadcast %squeeze3A_54 : f32 to vector<16xf32>
    %mul3A_1041 = arith.mulf %convert_element_type3A_955, %mul3A_1040 : vector<16xf32>
    %add3A_1042 = vector.broadcast %squeeze3A_74 : f32 to vector<16xf32>
    %add3A_1043 = arith.addf %mul3A_1041, %add3A_1042 : vector<16xf32>
    %swap3A_1044 = arith.constant 0 : i32
    %swap3A_1045 = arith.constant 7 : i32
    %swap3A_1046 = arith.index_cast %swap3A_1044 : i32 to index
    %swap3A_1047 = arith.index_cast %swap3A_1045 : i32 to index
    %swap3A_1048 = arith.constant 112 : index
    %swap3A_1049 = tpu.vector_load %arg9[%swap3A_1046, %swap3A_1047, %swap3A_1048] {strides = array<i32>} : memref<4x10x128xf32, #tpu.memory_space<vmem>>, vector<1x1x16xf32>,
    %swap3A_1050 = vector.shape_cast %swap3A_1049 : vector<1x1x16xf32> to vector<16xf32>
    %swap3A_1051 = vector.shape_cast %add3A_1043 : vector<16xf32> to vector<1x1x16xf32>
    tpu.vector_store %arg9[%swap3A_1046, %swap3A_1047, %swap3A_1048], %swap3A_1051 {strides = array<i32>} : memref<4x10x128xf32, #tpu.memory_space<vmem>>, vector<1x1x16xf32>,
    %mul3A_1052 = vector.broadcast %squeeze3A_56 : f32 to vector<16xf32>
    %mul3A_1053 = arith.mulf %convert_element_type3A_955, %mul3A_1052 : vector<16xf32>
    %add3A_1054 = vector.broadcast %squeeze3A_76 : f32 to vector<16xf32>
    %add3A_1055 = arith.addf %mul3A_1053, %add3A_1054 : vector<16xf32>
    %swap3A_1056 = arith.constant 0 : i32
    %swap3A_1057 = arith.constant 8 : i32
    %swap3A_1058 = arith.index_cast %swap3A_1056 : i32 to index
    %swap3A_1059 = arith.index_cast %swap3A_1057 : i32 to index
    %swap3A_1060 = arith.constant 112 : index
    %swap3A_1061 = tpu.vector_load %arg9[%swap3A_1058, %swap3A_1059, %swap3A_1060] {strides = array<i32>} : memref<4x10x128xf32, #tpu.memory_space<vmem>>, vector<1x1x16xf32>,
    %swap3A_1062 = vector.shape_cast %swap3A_1061 : vector<1x1x16xf32> to vector<16xf32>
    %swap3A_1063 = vector.shape_cast %add3A_1055 : vector<16xf32> to vector<1x1x16xf32>
    tpu.vector_store %arg9[%swap3A_1058, %swap3A_1059, %swap3A_1060], %swap3A_1063 {strides = array<i32>} : memref<4x10x128xf32, #tpu.memory_space<vmem>>, vector<1x1x16xf32>,
    %mul3A_1064 = vector.broadcast %squeeze3A_58 : f32 to vector<16xf32>
    %mul3A_1065 = arith.mulf %convert_element_type3A_955, %mul3A_1064 : vector<16xf32>
    %add3A_1066 = vector.broadcast %squeeze3A_78 : f32 to vector<16xf32>
    %add3A_1067 = arith.addf %mul3A_1065, %add3A_1066 : vector<16xf32>
    %swap3A_1068 = arith.constant 0 : i32
    %swap3A_1069 = arith.constant 9 : i32
    %swap3A_1070 = arith.index_cast %swap3A_1068 : i32 to index
    %swap3A_1071 = arith.index_cast %swap3A_1069 : i32 to index
    %swap3A_1072 = arith.constant 112 : index
    %swap3A_1073 = tpu.vector_load %arg9[%swap3A_1070, %swap3A_1071, %swap3A_1072] {strides = array<i32>} : memref<4x10x128xf32, #tpu.memory_space<vmem>>, vector<1x1x16xf32>,
    %swap3A_1074 = vector.shape_cast %swap3A_1073 : vector<1x1x16xf32> to vector<16xf32>
    %swap3A_1075 = vector.shape_cast %add3A_1067 : vector<16xf32> to vector<1x1x16xf32>
    tpu.vector_store %arg9[%swap3A_1070, %swap3A_1071, %swap3A_1072], %swap3A_1075 {strides = array<i32>} : memref<4x10x128xf32, #tpu.memory_space<vmem>>, vector<1x1x16xf32>,
    %dma_start3A_1076 = arith.constant 0 : i32
    %dma_start3A_1077 = arith.constant 0 : i32
    %dma_start3A_1078 = arith.constant 0 : i32
    %dma_start3A_1079 = arith.constant 0 : i32
    %dma_start3A_1080 = tpu.memref_slice %arg9[%dma_start3A_1076, %dma_start3A_1078, %dma_start3A_1079] : memref<4x10x128xf32, #tpu.memory_space<vmem>> -> memref<1x10x128xf32, #tpu.memory_space<vmem>>
    %dma_start3A_1081 = tpu.memref_squeeze %dma_start3A_1080 : memref<1x10x128xf32, #tpu.memory_space<vmem>> -> memref<10x128xf32, #tpu.memory_space<vmem>>
    %dma_start3A_1082 = arith.constant 0 : i32
    %dma_start3A_1083 = arith.constant 0 : i32
    %dma_start3A_1084 = tpu.memref_slice %arg5[%add3A, %dma_start3A_1077, %dma_start3A_1082, %dma_start3A_1083] : memref<32x4x10x128xf32, #tpu.memory_space<hbm>> -> memref<1x1x10x128xf32, #tpu.memory_space<hbm>>
    %dma_start3A_1085 = tpu.memref_squeeze %dma_start3A_1084 : memref<1x1x10x128xf32, #tpu.memory_space<hbm>> -> memref<10x128xf32, #tpu.memory_space<hbm>>
    %dma_start3A_1086 = arith.constant 0 : i32
    %dma_start3A_1087 = arith.constant 0 : i32
    %dma_start3A_1088 = tpu.memref_slice %arg5[%add3A, %dma_start3A_1077, %dma_start3A_1086, %dma_start3A_1087] : memref<32x4x10x128xf32, #tpu.memory_space<hbm>> -> memref<1x1x10x128xf32, #tpu.memory_space<hbm>>
    %dma_start3A_1089 = tpu.memref_squeeze %dma_start3A_1088 : memref<1x1x10x128xf32, #tpu.memory_space<hbm>> -> memref<10x128xf32, #tpu.memory_space<hbm>>
    %dma_start3A_1090 = arith.constant 0 : i32
    %dma_start3A_1091 = arith.constant 0 : i32
    %dma_start3A_1092 = tpu.memref_slice %arg9[%dma_start3A_1076, %dma_start3A_1090, %dma_start3A_1091] : memref<4x10x128xf32, #tpu.memory_space<vmem>> -> memref<1x10x128xf32, #tpu.memory_space<vmem>>
    %dma_start3A_1093 = tpu.memref_squeeze %dma_start3A_1092 : memref<1x10x128xf32, #tpu.memory_space<vmem>> -> memref<10x128xf32, #tpu.memory_space<vmem>>
    tpu.enqueue_dma source(%dma_start3A_1093 : memref<10x128xf32, #tpu.memory_space<vmem>>) target(%dma_start3A_1089 : memref<10x128xf32, #tpu.memory_space<hbm>>) target_semaphore(%arg15 : memref<!tpu.dma_semaphore, #tpu.memory_space<semaphore_mem>>)
    %dma_wait3A_1094 = arith.constant 1 : i32
    %dma_wait3A_1095 = arith.constant 128 : i32
    %dma_wait3A_1096 = tpu.memref_slice %arg7[%dma_wait3A_1095] : memref<512xi32, #tpu.memory_space<vmem>> -> memref<128xi32, #tpu.memory_space<vmem>>
    %dma_wait3A_1097 = arith.constant 0 : i32
    %dma_wait3A_1098 = tpu.memref_slice %arg6[%dma_wait3A_1094, %dma_wait3A_1097] : memref<4x128xi32, #tpu.memory_space<vmem>> -> memref<1x128xi32, #tpu.memory_space<vmem>>
    %dma_wait3A_1099 = tpu.memref_squeeze %dma_wait3A_1098 : memref<1x128xi32, #tpu.memory_space<vmem>> -> memref<128xi32, #tpu.memory_space<vmem>>
    %dma_wait3A_1100 = arith.constant 0 : i32
    %dma_wait3A_1101 = tpu.memref_slice %arg2[%dma_wait3A_1100] : memref<1000000xi32, #tpu.memory_space<hbm>> -> memref<1000000xi32, #tpu.memory_space<hbm>>
    tpu.wait_indirect_dma semaphore(%arg12 : memref<!tpu.dma_semaphore, #tpu.memory_space<semaphore_mem>>) src(%dma_wait3A_1101 : memref<1000000xi32, #tpu.memory_space<hbm>>) dst(%dma_wait3A_1096 : memref<128xi32, #tpu.memory_space<vmem>>)
    %get3A_1102 = arith.constant 128 : index
    %get3A_1103 = tpu.vector_load %arg7[%get3A_1102] {strides = array<i32>} : memref<512xi32, #tpu.memory_space<vmem>>, vector<16xi32>,
    %get3A_1104 = vector.shape_cast %get3A_1103 : vector<16xi32> to vector<16xi32>
    %convert_element_type3A_1105 = arith.sitofp %get3A_1104 : vector<16xi32> to vector<16xf32>
    %mul3A_1106 = vector.broadcast %squeeze3A : f32 to vector<16xf32>
    %mul3A_1107 = arith.mulf %convert_element_type3A_1105, %mul3A_1106 : vector<16xf32>
    %add3A_1108 = vector.broadcast %squeeze3A_60 : f32 to vector<16xf32>
    %add3A_1109 = arith.addf %mul3A_1107, %add3A_1108 : vector<16xf32>
    %swap3A_1110 = arith.constant 1 : i32
    %swap3A_1111 = arith.constant 0 : i32
    %swap3A_1112 = arith.index_cast %swap3A_1110 : i32 to index
    %swap3A_1113 = arith.index_cast %swap3A_1111 : i32 to index
    %swap3A_1114 = arith.constant 0 : index
    %swap3A_1115 = tpu.vector_load %arg9[%swap3A_1112, %swap3A_1113, %swap3A_1114] {strides = array<i32>} : memref<4x10x128xf32, #tpu.memory_space<vmem>>, vector<1x1x16xf32>,
    %swap3A_1116 = vector.shape_cast %swap3A_1115 : vector<1x1x16xf32> to vector<16xf32>
    %swap3A_1117 = vector.shape_cast %add3A_1109 : vector<16xf32> to vector<1x1x16xf32>
    tpu.vector_store %arg9[%swap3A_1112, %swap3A_1113, %swap3A_1114], %swap3A_1117 {strides = array<i32>} : memref<4x10x128xf32, #tpu.memory_space<vmem>>, vector<1x1x16xf32>,
    %mul3A_1118 = vector.broadcast %squeeze3A_42 : f32 to vector<16xf32>
    %mul3A_1119 = arith.mulf %convert_element_type3A_1105, %mul3A_1118 : vector<16xf32>
    %add3A_1120 = vector.broadcast %squeeze3A_62 : f32 to vector<16xf32>
    %add3A_1121 = arith.addf %mul3A_1119, %add3A_1120 : vector<16xf32>
    %swap3A_1122 = arith.constant 1 : i32
    %swap3A_1123 = arith.constant 1 : i32
    %swap3A_1124 = arith.index_cast %swap3A_1122 : i32 to index
    %swap3A_1125 = arith.index_cast %swap3A_1123 : i32 to index
    %swap3A_1126 = arith.constant 0 : index
    %swap3A_1127 = tpu.vector_load %arg9[%swap3A_1124, %swap3A_1125, %swap3A_1126] {strides = array<i32>} : memref<4x10x128xf32, #tpu.memory_space<vmem>>, vector<1x1x16xf32>,
    %swap3A_1128 = vector.shape_cast %swap3A_1127 : vector<1x1x16xf32> to vector<16xf32>
    %swap3A_1129 = vector.shape_cast %add3A_1121 : vector<16xf32> to vector<1x1x16xf32>
    tpu.vector_store %arg9[%swap3A_1124, %swap3A_1125, %swap3A_1126], %swap3A_1129 {strides = array<i32>} : memref<4x10x128xf32, #tpu.memory_space<vmem>>, vector<1x1x16xf32>,
    %mul3A_1130 = vector.broadcast %squeeze3A_44 : f32 to vector<16xf32>
    %mul3A_1131 = arith.mulf %convert_element_type3A_1105, %mul3A_1130 : vector<16xf32>
    %add3A_1132 = vector.broadcast %squeeze3A_64 : f32 to vector<16xf32>
    %add3A_1133 = arith.addf %mul3A_1131, %add3A_1132 : vector<16xf32>
    %swap3A_1134 = arith.constant 1 : i32
    %swap3A_1135 = arith.constant 2 : i32
    %swap3A_1136 = arith.index_cast %swap3A_1134 : i32 to index
    %swap3A_1137 = arith.index_cast %swap3A_1135 : i32 to index
    %swap3A_1138 = arith.constant 0 : index
    %swap3A_1139 = tpu.vector_load %arg9[%swap3A_1136, %swap3A_1137, %swap3A_1138] {strides = array<i32>} : memref<4x10x128xf32, #tpu.memory_space<vmem>>, vector<1x1x16xf32>,
    %swap3A_1140 = vector.shape_cast %swap3A_1139 : vector<1x1x16xf32> to vector<16xf32>
    %swap3A_1141 = vector.shape_cast %add3A_1133 : vector<16xf32> to vector<1x1x16xf32>
    tpu.vector_store %arg9[%swap3A_1136, %swap3A_1137, %swap3A_1138], %swap3A_1141 {strides = array<i32>} : memref<4x10x128xf32, #tpu.memory_space<vmem>>, vector<1x1x16xf32>,
    %mul3A_1142 = vector.broadcast %squeeze3A_46 : f32 to vector<16xf32>
    %mul3A_1143 = arith.mulf %convert_element_type3A_1105, %mul3A_1142 : vector<16xf32>
    %add3A_1144 = vector.broadcast %squeeze3A_66 : f32 to vector<16xf32>
    %add3A_1145 = arith.addf %mul3A_1143, %add3A_1144 : vector<16xf32>
    %swap3A_1146 = arith.constant 1 : i32
    %swap3A_1147 = arith.constant 3 : i32
    %swap3A_1148 = arith.index_cast %swap3A_1146 : i32 to index
    %swap3A_1149 = arith.index_cast %swap3A_1147 : i32 to index
    %swap3A_1150 = arith.constant 0 : index
    %swap3A_1151 = tpu.vector_load %arg9[%swap3A_1148, %swap3A_1149, %swap3A_1150] {strides = array<i32>} : memref<4x10x128xf32, #tpu.memory_space<vmem>>, vector<1x1x16xf32>,
    %swap3A_1152 = vector.shape_cast %swap3A_1151 : vector<1x1x16xf32> to vector<16xf32>
    %swap3A_1153 = vector.shape_cast %add3A_1145 : vector<16xf32> to vector<1x1x16xf32>
    tpu.vector_store %arg9[%swap3A_1148, %swap3A_1149, %swap3A_1150], %swap3A_1153 {strides = array<i32>} : memref<4x10x128xf32, #tpu.memory_space<vmem>>, vector<1x1x16xf32>,
    %mul3A_1154 = vector.broadcast %squeeze3A_48 : f32 to vector<16xf32>
    %mul3A_1155 = arith.mulf %convert_element_type3A_1105, %mul3A_1154 : vector<16xf32>
    %add3A_1156 = vector.broadcast %squeeze3A_68 : f32 to vector<16xf32>
    %add3A_1157 = arith.addf %mul3A_1155, %add3A_1156 : vector<16xf32>
    %swap3A_1158 = arith.constant 1 : i32
    %swap3A_1159 = arith.constant 4 : i32
    %swap3A_1160 = arith.index_cast %swap3A_1158 : i32 to index
    %swap3A_1161 = arith.index_cast %swap3A_1159 : i32 to index
    %swap3A_1162 = arith.constant 0 : index
    %swap3A_1163 = tpu.vector_load %arg9[%swap3A_1160, %swap3A_1161, %swap3A_1162] {strides = array<i32>} : memref<4x10x128xf32, #tpu.memory_space<vmem>>, vector<1x1x16xf32>,
    %swap3A_1164 = vector.shape_cast %swap3A_1163 : vector<1x1x16xf32> to vector<16xf32>
    %swap3A_1165 = vector.shape_cast %add3A_1157 : vector<16xf32> to vector<1x1x16xf32>
    tpu.vector_store %arg9[%swap3A_1160, %swap3A_1161, %swap3A_1162], %swap3A_1165 {strides = array<i32>} : memref<4x10x128xf32, #tpu.memory_space<vmem>>, vector<1x1x16xf32>,
    %mul3A_1166 = vector.broadcast %squeeze3A_50 : f32 to vector<16xf32>
    %mul3A_1167 = arith.mulf %convert_element_type3A_1105, %mul3A_1166 : vector<16xf32>
    %add3A_1168 = vector.broadcast %squeeze3A_70 : f32 to vector<16xf32>
    %add3A_1169 = arith.addf %mul3A_1167, %add3A_1168 : vector<16xf32>
    %swap3A_1170 = arith.constant 1 : i32
    %swap3A_1171 = arith.constant 5 : i32
    %swap3A_1172 = arith.index_cast %swap3A_1170 : i32 to index
    %swap3A_1173 = arith.index_cast %swap3A_1171 : i32 to index
    %swap3A_1174 = arith.constant 0 : index
    %swap3A_1175 = tpu.vector_load %arg9[%swap3A_1172, %swap3A_1173, %swap3A_1174] {strides = array<i32>} : memref<4x10x128xf32, #tpu.memory_space<vmem>>, vector<1x1x16xf32>,
    %swap3A_1176 = vector.shape_cast %swap3A_1175 : vector<1x1x16xf32> to vector<16xf32>
    %swap3A_1177 = vector.shape_cast %add3A_1169 : vector<16xf32> to vector<1x1x16xf32>
    tpu.vector_store %arg9[%swap3A_1172, %swap3A_1173, %swap3A_1174], %swap3A_1177 {strides = array<i32>} : memref<4x10x128xf32, #tpu.memory_space<vmem>>, vector<1x1x16xf32>,
    %mul3A_1178 = vector.broadcast %squeeze3A_52 : f32 to vector<16xf32>
    %mul3A_1179 = arith.mulf %convert_element_type3A_1105, %mul3A_1178 : vector<16xf32>
    %add3A_1180 = vector.broadcast %squeeze3A_72 : f32 to vector<16xf32>
    %add3A_1181 = arith.addf %mul3A_1179, %add3A_1180 : vector<16xf32>
    %swap3A_1182 = arith.constant 1 : i32
    %swap3A_1183 = arith.constant 6 : i32
    %swap3A_1184 = arith.index_cast %swap3A_1182 : i32 to index
    %swap3A_1185 = arith.index_cast %swap3A_1183 : i32 to index
    %swap3A_1186 = arith.constant 0 : index
    %swap3A_1187 = tpu.vector_load %arg9[%swap3A_1184, %swap3A_1185, %swap3A_1186] {strides = array<i32>} : memref<4x10x128xf32, #tpu.memory_space<vmem>>, vector<1x1x16xf32>,
    %swap3A_1188 = vector.shape_cast %swap3A_1187 : vector<1x1x16xf32> to vector<16xf32>
    %swap3A_1189 = vector.shape_cast %add3A_1181 : vector<16xf32> to vector<1x1x16xf32>
    tpu.vector_store %arg9[%swap3A_1184, %swap3A_1185, %swap3A_1186], %swap3A_1189 {strides = array<i32>} : memref<4x10x128xf32, #tpu.memory_space<vmem>>, vector<1x1x16xf32>,
    %mul3A_1190 = vector.broadcast %squeeze3A_54 : f32 to vector<16xf32>
    %mul3A_1191 = arith.mulf %convert_element_type3A_1105, %mul3A_1190 : vector<16xf32>
    %add3A_1192 = vector.broadcast %squeeze3A_74 : f32 to vector<16xf32>
    %add3A_1193 = arith.addf %mul3A_1191, %add3A_1192 : vector<16xf32>
    %swap3A_1194 = arith.constant 1 : i32
    %swap3A_1195 = arith.constant 7 : i32
    %swap3A_1196 = arith.index_cast %swap3A_1194 : i32 to index
    %swap3A_1197 = arith.index_cast %swap3A_1195 : i32 to index
    %swap3A_1198 = arith.constant 0 : index
    %swap3A_1199 = tpu.vector_load %arg9[%swap3A_1196, %swap3A_1197, %swap3A_1198] {strides = array<i32>} : memref<4x10x128xf32, #tpu.memory_space<vmem>>, vector<1x1x16xf32>,
    %swap3A_1200 = vector.shape_cast %swap3A_1199 : vector<1x1x16xf32> to vector<16xf32>
    %swap3A_1201 = vector.shape_cast %add3A_1193 : vector<16xf32> to vector<1x1x16xf32>
    tpu.vector_store %arg9[%swap3A_1196, %swap3A_1197, %swap3A_1198], %swap3A_1201 {strides = array<i32>} : memref<4x10x128xf32, #tpu.memory_space<vmem>>, vector<1x1x16xf32>,
    %mul3A_1202 = vector.broadcast %squeeze3A_56 : f32 to vector<16xf32>
    %mul3A_1203 = arith.mulf %convert_element_type3A_1105, %mul3A_1202 : vector<16xf32>
    %add3A_1204 = vector.broadcast %squeeze3A_76 : f32 to vector<16xf32>
    %add3A_1205 = arith.addf %mul3A_1203, %add3A_1204 : vector<16xf32>
    %swap3A_1206 = arith.constant 1 : i32
    %swap3A_1207 = arith.constant 8 : i32
    %swap3A_1208 = arith.index_cast %swap3A_1206 : i32 to index
    %swap3A_1209 = arith.index_cast %swap3A_1207 : i32 to index
    %swap3A_1210 = arith.constant 0 : index
    %swap3A_1211 = tpu.vector_load %arg9[%swap3A_1208, %swap3A_1209, %swap3A_1210] {strides = array<i32>} : memref<4x10x128xf32, #tpu.memory_space<vmem>>, vector<1x1x16xf32>,
    %swap3A_1212 = vector.shape_cast %swap3A_1211 : vector<1x1x16xf32> to vector<16xf32>
    %swap3A_1213 = vector.shape_cast %add3A_1205 : vector<16xf32> to vector<1x1x16xf32>
    tpu.vector_store %arg9[%swap3A_1208, %swap3A_1209, %swap3A_1210], %swap3A_1213 {strides = array<i32>} : memref<4x10x128xf32, #tpu.memory_space<vmem>>, vector<1x1x16xf32>,
    %mul3A_1214 = vector.broadcast %squeeze3A_58 : f32 to vector<16xf32>
    %mul3A_1215 = arith.mulf %convert_element_type3A_1105, %mul3A_1214 : vector<16xf32>
    %add3A_1216 = vector.broadcast %squeeze3A_78 : f32 to vector<16xf32>
    %add3A_1217 = arith.addf %mul3A_1215, %add3A_1216 : vector<16xf32>
    %swap3A_1218 = arith.constant 1 : i32
    %swap3A_1219 = arith.constant 9 : i32
    %swap3A_1220 = arith.index_cast %swap3A_1218 : i32 to index
    %swap3A_1221 = arith.index_cast %swap3A_1219 : i32 to index
    %swap3A_1222 = arith.constant 0 : index
    %swap3A_1223 = tpu.vector_load %arg9[%swap3A_1220, %swap3A_1221, %swap3A_1222] {strides = array<i32>} : memref<4x10x128xf32, #tpu.memory_space<vmem>>, vector<1x1x16xf32>,
    %swap3A_1224 = vector.shape_cast %swap3A_1223 : vector<1x1x16xf32> to vector<16xf32>
    %swap3A_1225 = vector.shape_cast %add3A_1217 : vector<16xf32> to vector<1x1x16xf32>
    tpu.vector_store %arg9[%swap3A_1220, %swap3A_1221, %swap3A_1222], %swap3A_1225 {strides = array<i32>} : memref<4x10x128xf32, #tpu.memory_space<vmem>>, vector<1x1x16xf32>,
    %get3A_1226 = arith.constant 144 : index
    %get3A_1227 = tpu.vector_load %arg7[%get3A_1226] {strides = array<i32>} : memref<512xi32, #tpu.memory_space<vmem>>, vector<16xi32>,
    %get3A_1228 = vector.shape_cast %get3A_1227 : vector<16xi32> to vector<16xi32>
    %convert_element_type3A_1229 = arith.sitofp %get3A_1228 : vector<16xi32> to vector<16xf32>
    %mul3A_1230 = vector.broadcast %squeeze3A : f32 to vector<16xf32>
    %mul3A_1231 = arith.mulf %convert_element_type3A_1229, %mul3A_1230 : vector<16xf32>
    %add3A_1232 = vector.broadcast %squeeze3A_60 : f32 to vector<16xf32>
    %add3A_1233 = arith.addf %mul3A_1231, %add3A_1232 : vector<16xf32>
    %swap3A_1234 = arith.constant 1 : i32
    %swap3A_1235 = arith.constant 0 : i32
    %swap3A_1236 = arith.index_cast %swap3A_1234 : i32 to index
    %swap3A_1237 = arith.index_cast %swap3A_1235 : i32 to index
    %swap3A_1238 = arith.constant 16 : index
    %swap3A_1239 = tpu.vector_load %arg9[%swap3A_1236, %swap3A_1237, %swap3A_1238] {strides = array<i32>} : memref<4x10x128xf32, #tpu.memory_space<vmem>>, vector<1x1x16xf32>,
    %swap3A_1240 = vector.shape_cast %swap3A_1239 : vector<1x1x16xf32> to vector<16xf32>
    %swap3A_1241 = vector.shape_cast %add3A_1233 : vector<16xf32> to vector<1x1x16xf32>
    tpu.vector_store %arg9[%swap3A_1236, %swap3A_1237, %swap3A_1238], %swap3A_1241 {strides = array<i32>} : memref<4x10x128xf32, #tpu.memory_space<vmem>>, vector<1x1x16xf32>,
    %mul3A_1242 = vector.broadcast %squeeze3A_42 : f32 to vector<16xf32>
    %mul3A_1243 = arith.mulf %convert_element_type3A_1229, %mul3A_1242 : vector<16xf32>
    %add3A_1244 = vector.broadcast %squeeze3A_62 : f32 to vector<16xf32>
    %add3A_1245 = arith.addf %mul3A_1243, %add3A_1244 : vector<16xf32>
    %swap3A_1246 = arith.constant 1 : i32
    %swap3A_1247 = arith.constant 1 : i32
    %swap3A_1248 = arith.index_cast %swap3A_1246 : i32 to index
    %swap3A_1249 = arith.index_cast %swap3A_1247 : i32 to index
    %swap3A_1250 = arith.constant 16 : index
    %swap3A_1251 = tpu.vector_load %arg9[%swap3A_1248, %swap3A_1249, %swap3A_1250] {strides = array<i32>} : memref<4x10x128xf32, #tpu.memory_space<vmem>>, vector<1x1x16xf32>,
    %swap3A_1252 = vector.shape_cast %swap3A_1251 : vector<1x1x16xf32> to vector<16xf32>
    %swap3A_1253 = vector.shape_cast %add3A_1245 : vector<16xf32> to vector<1x1x16xf32>
    tpu.vector_store %arg9[%swap3A_1248, %swap3A_1249, %swap3A_1250], %swap3A_1253 {strides = array<i32>} : memref<4x10x128xf32, #tpu.memory_space<vmem>>, vector<1x1x16xf32>,
    %mul3A_1254 = vector.broadcast %squeeze3A_44 : f32 to vector<16xf32>
    %mul3A_1255 = arith.mulf %convert_element_type3A_1229, %mul3A_1254 : vector<16xf32>
    %add3A_1256 = vector.broadcast %squeeze3A_64 : f32 to vector<16xf32>
    %add3A_1257 = arith.addf %mul3A_1255, %add3A_1256 : vector<16xf32>
    %swap3A_1258 = arith.constant 1 : i32
    %swap3A_1259 = arith.constant 2 : i32
    %swap3A_1260 = arith.index_cast %swap3A_1258 : i32 to index
    %swap3A_1261 = arith.index_cast %swap3A_1259 : i32 to index
    %swap3A_1262 = arith.constant 16 : index
    %swap3A_1263 = tpu.vector_load %arg9[%swap3A_1260, %swap3A_1261, %swap3A_1262] {strides = array<i32>} : memref<4x10x128xf32, #tpu.memory_space<vmem>>, vector<1x1x16xf32>,
    %swap3A_1264 = vector.shape_cast %swap3A_1263 : vector<1x1x16xf32> to vector<16xf32>
    %swap3A_1265 = vector.shape_cast %add3A_1257 : vector<16xf32> to vector<1x1x16xf32>
    tpu.vector_store %arg9[%swap3A_1260, %swap3A_1261, %swap3A_1262], %swap3A_1265 {strides = array<i32>} : memref<4x10x128xf32, #tpu.memory_space<vmem>>, vector<1x1x16xf32>,
    %mul3A_1266 = vector.broadcast %squeeze3A_46 : f32 to vector<16xf32>
    %mul3A_1267 = arith.mulf %convert_element_type3A_1229, %mul3A_1266 : vector<16xf32>
    %add3A_1268 = vector.broadcast %squeeze3A_66 : f32 to vector<16xf32>
    %add3A_1269 = arith.addf %mul3A_1267, %add3A_1268 : vector<16xf32>
    %swap3A_1270 = arith.constant 1 : i32
    %swap3A_1271 = arith.constant 3 : i32
    %swap3A_1272 = arith.index_cast %swap3A_1270 : i32 to index
    %swap3A_1273 = arith.index_cast %swap3A_1271 : i32 to index
    %swap3A_1274 = arith.constant 16 : index
    %swap3A_1275 = tpu.vector_load %arg9[%swap3A_1272, %swap3A_1273, %swap3A_1274] {strides = array<i32>} : memref<4x10x128xf32, #tpu.memory_space<vmem>>, vector<1x1x16xf32>,
    %swap3A_1276 = vector.shape_cast %swap3A_1275 : vector<1x1x16xf32> to vector<16xf32>
    %swap3A_1277 = vector.shape_cast %add3A_1269 : vector<16xf32> to vector<1x1x16xf32>
    tpu.vector_store %arg9[%swap3A_1272, %swap3A_1273, %swap3A_1274], %swap3A_1277 {strides = array<i32>} : memref<4x10x128xf32, #tpu.memory_space<vmem>>, vector<1x1x16xf32>,
    %mul3A_1278 = vector.broadcast %squeeze3A_48 : f32 to vector<16xf32>
    %mul3A_1279 = arith.mulf %convert_element_type3A_1229, %mul3A_1278 : vector<16xf32>
    %add3A_1280 = vector.broadcast %squeeze3A_68 : f32 to vector<16xf32>
    %add3A_1281 = arith.addf %mul3A_1279, %add3A_1280 : vector<16xf32>
    %swap3A_1282 = arith.constant 1 : i32
    %swap3A_1283 = arith.constant 4 : i32
    %swap3A_1284 = arith.index_cast %swap3A_1282 : i32 to index
    %swap3A_1285 = arith.index_cast %swap3A_1283 : i32 to index
    %swap3A_1286 = arith.constant 16 : index
    %swap3A_1287 = tpu.vector_load %arg9[%swap3A_1284, %swap3A_1285, %swap3A_1286] {strides = array<i32>} : memref<4x10x128xf32, #tpu.memory_space<vmem>>, vector<1x1x16xf32>,
    %swap3A_1288 = vector.shape_cast %swap3A_1287 : vector<1x1x16xf32> to vector<16xf32>
    %swap3A_1289 = vector.shape_cast %add3A_1281 : vector<16xf32> to vector<1x1x16xf32>
    tpu.vector_store %arg9[%swap3A_1284, %swap3A_1285, %swap3A_1286], %swap3A_1289 {strides = array<i32>} : memref<4x10x128xf32, #tpu.memory_space<vmem>>, vector<1x1x16xf32>,
    %mul3A_1290 = vector.broadcast %squeeze3A_50 : f32 to vector<16xf32>
    %mul3A_1291 = arith.mulf %convert_element_type3A_1229, %mul3A_1290 : vector<16xf32>
    %add3A_1292 = vector.broadcast %squeeze3A_70 : f32 to vector<16xf32>
    %add3A_1293 = arith.addf %mul3A_1291, %add3A_1292 : vector<16xf32>
    %swap3A_1294 = arith.constant 1 : i32
    %swap3A_1295 = arith.constant 5 : i32
    %swap3A_1296 = arith.index_cast %swap3A_1294 : i32 to index
    %swap3A_1297 = arith.index_cast %swap3A_1295 : i32 to index
    %swap3A_1298 = arith.constant 16 : index
    %swap3A_1299 = tpu.vector_load %arg9[%swap3A_1296, %swap3A_1297, %swap3A_1298] {strides = array<i32>} : memref<4x10x128xf32, #tpu.memory_space<vmem>>, vector<1x1x16xf32>,
    %swap3A_1300 = vector.shape_cast %swap3A_1299 : vector<1x1x16xf32> to vector<16xf32>
    %swap3A_1301 = vector.shape_cast %add3A_1293 : vector<16xf32> to vector<1x1x16xf32>
    tpu.vector_store %arg9[%swap3A_1296, %swap3A_1297, %swap3A_1298], %swap3A_1301 {strides = array<i32>} : memref<4x10x128xf32, #tpu.memory_space<vmem>>, vector<1x1x16xf32>,
    %mul3A_1302 = vector.broadcast %squeeze3A_52 : f32 to vector<16xf32>
    %mul3A_1303 = arith.mulf %convert_element_type3A_1229, %mul3A_1302 : vector<16xf32>
    %add3A_1304 = vector.broadcast %squeeze3A_72 : f32 to vector<16xf32>
    %add3A_1305 = arith.addf %mul3A_1303, %add3A_1304 : vector<16xf32>
    %swap3A_1306 = arith.constant 1 : i32
    %swap3A_1307 = arith.constant 6 : i32
    %swap3A_1308 = arith.index_cast %swap3A_1306 : i32 to index
    %swap3A_1309 = arith.index_cast %swap3A_1307 : i32 to index
    %swap3A_1310 = arith.constant 16 : index
    %swap3A_1311 = tpu.vector_load %arg9[%swap3A_1308, %swap3A_1309, %swap3A_1310] {strides = array<i32>} : memref<4x10x128xf32, #tpu.memory_space<vmem>>, vector<1x1x16xf32>,
    %swap3A_1312 = vector.shape_cast %swap3A_1311 : vector<1x1x16xf32> to vector<16xf32>
    %swap3A_1313 = vector.shape_cast %add3A_1305 : vector<16xf32> to vector<1x1x16xf32>
    tpu.vector_store %arg9[%swap3A_1308, %swap3A_1309, %swap3A_1310], %swap3A_1313 {strides = array<i32>} : memref<4x10x128xf32, #tpu.memory_space<vmem>>, vector<1x1x16xf32>,
    %mul3A_1314 = vector.broadcast %squeeze3A_54 : f32 to vector<16xf32>
    %mul3A_1315 = arith.mulf %convert_element_type3A_1229, %mul3A_1314 : vector<16xf32>
    %add3A_1316 = vector.broadcast %squeeze3A_74 : f32 to vector<16xf32>
    %add3A_1317 = arith.addf %mul3A_1315, %add3A_1316 : vector<16xf32>
    %swap3A_1318 = arith.constant 1 : i32
    %swap3A_1319 = arith.constant 7 : i32
    %swap3A_1320 = arith.index_cast %swap3A_1318 : i32 to index
    %swap3A_1321 = arith.index_cast %swap3A_1319 : i32 to index
    %swap3A_1322 = arith.constant 16 : index
    %swap3A_1323 = tpu.vector_load %arg9[%swap3A_1320, %swap3A_1321, %swap3A_1322] {strides = array<i32>} : memref<4x10x128xf32, #tpu.memory_space<vmem>>, vector<1x1x16xf32>,
    %swap3A_1324 = vector.shape_cast %swap3A_1323 : vector<1x1x16xf32> to vector<16xf32>
    %swap3A_1325 = vector.shape_cast %add3A_1317 : vector<16xf32> to vector<1x1x16xf32>
    tpu.vector_store %arg9[%swap3A_1320, %swap3A_1321, %swap3A_1322], %swap3A_1325 {strides = array<i32>} : memref<4x10x128xf32, #tpu.memory_space<vmem>>, vector<1x1x16xf32>,
    %mul3A_1326 = vector.broadcast %squeeze3A_56 : f32 to vector<16xf32>
    %mul3A_1327 = arith.mulf %convert_element_type3A_1229, %mul3A_1326 : vector<16xf32>
    %add3A_1328 = vector.broadcast %squeeze3A_76 : f32 to vector<16xf32>
    %add3A_1329 = arith.addf %mul3A_1327, %add3A_1328 : vector<16xf32>
    %swap3A_1330 = arith.constant 1 : i32
    %swap3A_1331 = arith.constant 8 : i32
    %swap3A_1332 = arith.index_cast %swap3A_1330 : i32 to index
    %swap3A_1333 = arith.index_cast %swap3A_1331 : i32 to index
    %swap3A_1334 = arith.constant 16 : index
    %swap3A_1335 = tpu.vector_load %arg9[%swap3A_1332, %swap3A_1333, %swap3A_1334] {strides = array<i32>} : memref<4x10x128xf32, #tpu.memory_space<vmem>>, vector<1x1x16xf32>,
    %swap3A_1336 = vector.shape_cast %swap3A_1335 : vector<1x1x16xf32> to vector<16xf32>
    %swap3A_1337 = vector.shape_cast %add3A_1329 : vector<16xf32> to vector<1x1x16xf32>
    tpu.vector_store %arg9[%swap3A_1332, %swap3A_1333, %swap3A_1334], %swap3A_1337 {strides = array<i32>} : memref<4x10x128xf32, #tpu.memory_space<vmem>>, vector<1x1x16xf32>,
    %mul3A_1338 = vector.broadcast %squeeze3A_58 : f32 to vector<16xf32>
    %mul3A_1339 = arith.mulf %convert_element_type3A_1229, %mul3A_1338 : vector<16xf32>
    %add3A_1340 = vector.broadcast %squeeze3A_78 : f32 to vector<16xf32>
    %add3A_1341 = arith.addf %mul3A_1339, %add3A_1340 : vector<16xf32>
    %swap3A_1342 = arith.constant 1 : i32
    %swap3A_1343 = arith.constant 9 : i32
    %swap3A_1344 = arith.index_cast %swap3A_1342 : i32 to index
    %swap3A_1345 = arith.index_cast %swap3A_1343 : i32 to index
    %swap3A_1346 = arith.constant 16 : index
    %swap3A_1347 = tpu.vector_load %arg9[%swap3A_1344, %swap3A_1345, %swap3A_1346] {strides = array<i32>} : memref<4x10x128xf32, #tpu.memory_space<vmem>>, vector<1x1x16xf32>,
    %swap3A_1348 = vector.shape_cast %swap3A_1347 : vector<1x1x16xf32> to vector<16xf32>
    %swap3A_1349 = vector.shape_cast %add3A_1341 : vector<16xf32> to vector<1x1x16xf32>
    tpu.vector_store %arg9[%swap3A_1344, %swap3A_1345, %swap3A_1346], %swap3A_1349 {strides = array<i32>} : memref<4x10x128xf32, #tpu.memory_space<vmem>>, vector<1x1x16xf32>,
    %get3A_1350 = arith.constant 160 : index
    %get3A_1351 = tpu.vector_load %arg7[%get3A_1350] {strides = array<i32>} : memref<512xi32, #tpu.memory_space<vmem>>, vector<16xi32>,
    %get3A_1352 = vector.shape_cast %get3A_1351 : vector<16xi32> to vector<16xi32>
    %convert_element_type3A_1353 = arith.sitofp %get3A_1352 : vector<16xi32> to vector<16xf32>
    %mul3A_1354 = vector.broadcast %squeeze3A : f32 to vector<16xf32>
    %mul3A_1355 = arith.mulf %convert_element_type3A_1353, %mul3A_1354 : vector<16xf32>
    %add3A_1356 = vector.broadcast %squeeze3A_60 : f32 to vector<16xf32>
    %add3A_1357 = arith.addf %mul3A_1355, %add3A_1356 : vector<16xf32>
    %swap3A_1358 = arith.constant 1 : i32
    %swap3A_1359 = arith.constant 0 : i32
    %swap3A_1360 = arith.index_cast %swap3A_1358 : i32 to index
    %swap3A_1361 = arith.index_cast %swap3A_1359 : i32 to index
    %swap3A_1362 = arith.constant 32 : index
    %swap3A_1363 = tpu.vector_load %arg9[%swap3A_1360, %swap3A_1361, %swap3A_1362] {strides = array<i32>} : memref<4x10x128xf32, #tpu.memory_space<vmem>>, vector<1x1x16xf32>,
    %swap3A_1364 = vector.shape_cast %swap3A_1363 : vector<1x1x16xf32> to vector<16xf32>
    %swap3A_1365 = vector.shape_cast %add3A_1357 : vector<16xf32> to vector<1x1x16xf32>
    tpu.vector_store %arg9[%swap3A_1360, %swap3A_1361, %swap3A_1362], %swap3A_1365 {strides = array<i32>} : memref<4x10x128xf32, #tpu.memory_space<vmem>>, vector<1x1x16xf32>,
    %mul3A_1366 = vector.broadcast %squeeze3A_42 : f32 to vector<16xf32>
    %mul3A_1367 = arith.mulf %convert_element_type3A_1353, %mul3A_1366 : vector<16xf32>
    %add3A_1368 = vector.broadcast %squeeze3A_62 : f32 to vector<16xf32>
    %add3A_1369 = arith.addf %mul3A_1367, %add3A_1368 : vector<16xf32>
    %swap3A_1370 = arith.constant 1 : i32
    %swap3A_1371 = arith.constant 1 : i32
    %swap3A_1372 = arith.index_cast %swap3A_1370 : i32 to index
    %swap3A_1373 = arith.index_cast %swap3A_1371 : i32 to index
    %swap3A_1374 = arith.constant 32 : index
    %swap3A_1375 = tpu.vector_load %arg9[%swap3A_1372, %swap3A_1373, %swap3A_1374] {strides = array<i32>} : memref<4x10x128xf32, #tpu.memory_space<vmem>>, vector<1x1x16xf32>,
    %swap3A_1376 = vector.shape_cast %swap3A_1375 : vector<1x1x16xf32> to vector<16xf32>
    %swap3A_1377 = vector.shape_cast %add3A_1369 : vector<16xf32> to vector<1x1x16xf32>
    tpu.vector_store %arg9[%swap3A_1372, %swap3A_1373, %swap3A_1374], %swap3A_1377 {strides = array<i32>} : memref<4x10x128xf32, #tpu.memory_space<vmem>>, vector<1x1x16xf32>,
    %mul3A_1378 = vector.broadcast %squeeze3A_44 : f32 to vector<16xf32>
    %mul3A_1379 = arith.mulf %convert_element_type3A_1353, %mul3A_1378 : vector<16xf32>
    %add3A_1380 = vector.broadcast %squeeze3A_64 : f32 to vector<16xf32>
    %add3A_1381 = arith.addf %mul3A_1379, %add3A_1380 : vector<16xf32>
    %swap3A_1382 = arith.constant 1 : i32
    %swap3A_1383 = arith.constant 2 : i32
    %swap3A_1384 = arith.index_cast %swap3A_1382 : i32 to index
    %swap3A_1385 = arith.index_cast %swap3A_1383 : i32 to index
    %swap3A_1386 = arith.constant 32 : index
    %swap3A_1387 = tpu.vector_load %arg9[%swap3A_1384, %swap3A_1385, %swap3A_1386] {strides = array<i32>} : memref<4x10x128xf32, #tpu.memory_space<vmem>>, vector<1x1x16xf32>,
    %swap3A_1388 = vector.shape_cast %swap3A_1387 : vector<1x1x16xf32> to vector<16xf32>
    %swap3A_1389 = vector.shape_cast %add3A_1381 : vector<16xf32> to vector<1x1x16xf32>
    tpu.vector_store %arg9[%swap3A_1384, %swap3A_1385, %swap3A_1386], %swap3A_1389 {strides = array<i32>} : memref<4x10x128xf32, #tpu.memory_space<vmem>>, vector<1x1x16xf32>,
    %mul3A_1390 = vector.broadcast %squeeze3A_46 : f32 to vector<16xf32>
    %mul3A_1391 = arith.mulf %convert_element_type3A_1353, %mul3A_1390 : vector<16xf32>
    %add3A_1392 = vector.broadcast %squeeze3A_66 : f32 to vector<16xf32>
    %add3A_1393 = arith.addf %mul3A_1391, %add3A_1392 : vector<16xf32>
    %swap3A_1394 = arith.constant 1 : i32
    %swap3A_1395 = arith.constant 3 : i32
    %swap3A_1396 = arith.index_cast %swap3A_1394 : i32 to index
    %swap3A_1397 = arith.index_cast %swap3A_1395 : i32 to index
    %swap3A_1398 = arith.constant 32 : index
    %swap3A_1399 = tpu.vector_load %arg9[%swap3A_1396, %swap3A_1397, %swap3A_1398] {strides = array<i32>} : memref<4x10x128xf32, #tpu.memory_space<vmem>>, vector<1x1x16xf32>,
    %swap3A_1400 = vector.shape_cast %swap3A_1399 : vector<1x1x16xf32> to vector<16xf32>
    %swap3A_1401 = vector.shape_cast %add3A_1393 : vector<16xf32> to vector<1x1x16xf32>
    tpu.vector_store %arg9[%swap3A_1396, %swap3A_1397, %swap3A_1398], %swap3A_1401 {strides = array<i32>} : memref<4x10x128xf32, #tpu.memory_space<vmem>>, vector<1x1x16xf32>,
    %mul3A_1402 = vector.broadcast %squeeze3A_48 : f32 to vector<16xf32>
    %mul3A_1403 = arith.mulf %convert_element_type3A_1353, %mul3A_1402 : vector<16xf32>
    %add3A_1404 = vector.broadcast %squeeze3A_68 : f32 to vector<16xf32>
    %add3A_1405 = arith.addf %mul3A_1403, %add3A_1404 : vector<16xf32>
    %swap3A_1406 = arith.constant 1 : i32
    %swap3A_1407 = arith.constant 4 : i32
    %swap3A_1408 = arith.index_cast %swap3A_1406 : i32 to index
    %swap3A_1409 = arith.index_cast %swap3A_1407 : i32 to index
    %swap3A_1410 = arith.constant 32 : index
    %swap3A_1411 = tpu.vector_load %arg9[%swap3A_1408, %swap3A_1409, %swap3A_1410] {strides = array<i32>} : memref<4x10x128xf32, #tpu.memory_space<vmem>>, vector<1x1x16xf32>,
    %swap3A_1412 = vector.shape_cast %swap3A_1411 : vector<1x1x16xf32> to vector<16xf32>
    %swap3A_1413 = vector.shape_cast %add3A_1405 : vector<16xf32> to vector<1x1x16xf32>
    tpu.vector_store %arg9[%swap3A_1408, %swap3A_1409, %swap3A_1410], %swap3A_1413 {strides = array<i32>} : memref<4x10x128xf32, #tpu.memory_space<vmem>>, vector<1x1x16xf32>,
    %mul3A_1414 = vector.broadcast %squeeze3A_50 : f32 to vector<16xf32>
    %mul3A_1415 = arith.mulf %convert_element_type3A_1353, %mul3A_1414 : vector<16xf32>
    %add3A_1416 = vector.broadcast %squeeze3A_70 : f32 to vector<16xf32>
    %add3A_1417 = arith.addf %mul3A_1415, %add3A_1416 : vector<16xf32>
    %swap3A_1418 = arith.constant 1 : i32
    %swap3A_1419 = arith.constant 5 : i32
    %swap3A_1420 = arith.index_cast %swap3A_1418 : i32 to index
    %swap3A_1421 = arith.index_cast %swap3A_1419 : i32 to index
    %swap3A_1422 = arith.constant 32 : index
    %swap3A_1423 = tpu.vector_load %arg9[%swap3A_1420, %swap3A_1421, %swap3A_1422] {strides = array<i32>} : memref<4x10x128xf32, #tpu.memory_space<vmem>>, vector<1x1x16xf32>,
    %swap3A_1424 = vector.shape_cast %swap3A_1423 : vector<1x1x16xf32> to vector<16xf32>
    %swap3A_1425 = vector.shape_cast %add3A_1417 : vector<16xf32> to vector<1x1x16xf32>
    tpu.vector_store %arg9[%swap3A_1420, %swap3A_1421, %swap3A_1422], %swap3A_1425 {strides = array<i32>} : memref<4x10x128xf32, #tpu.memory_space<vmem>>, vector<1x1x16xf32>,
    %mul3A_1426 = vector.broadcast %squeeze3A_52 : f32 to vector<16xf32>
    %mul3A_1427 = arith.mulf %convert_element_type3A_1353, %mul3A_1426 : vector<16xf32>
    %add3A_1428 = vector.broadcast %squeeze3A_72 : f32 to vector<16xf32>
    %add3A_1429 = arith.addf %mul3A_1427, %add3A_1428 : vector<16xf32>
    %swap3A_1430 = arith.constant 1 : i32
    %swap3A_1431 = arith.constant 6 : i32
    %swap3A_1432 = arith.index_cast %swap3A_1430 : i32 to index
    %swap3A_1433 = arith.index_cast %swap3A_1431 : i32 to index
    %swap3A_1434 = arith.constant 32 : index
    %swap3A_1435 = tpu.vector_load %arg9[%swap3A_1432, %swap3A_1433, %swap3A_1434] {strides = array<i32>} : memref<4x10x128xf32, #tpu.memory_space<vmem>>, vector<1x1x16xf32>,
    %swap3A_1436 = vector.shape_cast %swap3A_1435 : vector<1x1x16xf32> to vector<16xf32>
    %swap3A_1437 = vector.shape_cast %add3A_1429 : vector<16xf32> to vector<1x1x16xf32>
    tpu.vector_store %arg9[%swap3A_1432, %swap3A_1433, %swap3A_1434], %swap3A_1437 {strides = array<i32>} : memref<4x10x128xf32, #tpu.memory_space<vmem>>, vector<1x1x16xf32>,
    %mul3A_1438 = vector.broadcast %squeeze3A_54 : f32 to vector<16xf32>
    %mul3A_1439 = arith.mulf %convert_element_type3A_1353, %mul3A_1438 : vector<16xf32>
    %add3A_1440 = vector.broadcast %squeeze3A_74 : f32 to vector<16xf32>
    %add3A_1441 = arith.addf %mul3A_1439, %add3A_1440 : vector<16xf32>
    %swap3A_1442 = arith.constant 1 : i32
    %swap3A_1443 = arith.constant 7 : i32
    %swap3A_1444 = arith.index_cast %swap3A_1442 : i32 to index
    %swap3A_1445 = arith.index_cast %swap3A_1443 : i32 to index
    %swap3A_1446 = arith.constant 32 : index
    %swap3A_1447 = tpu.vector_load %arg9[%swap3A_1444, %swap3A_1445, %swap3A_1446] {strides = array<i32>} : memref<4x10x128xf32, #tpu.memory_space<vmem>>, vector<1x1x16xf32>,
    %swap3A_1448 = vector.shape_cast %swap3A_1447 : vector<1x1x16xf32> to vector<16xf32>
    %swap3A_1449 = vector.shape_cast %add3A_1441 : vector<16xf32> to vector<1x1x16xf32>
    tpu.vector_store %arg9[%swap3A_1444, %swap3A_1445, %swap3A_1446], %swap3A_1449 {strides = array<i32>} : memref<4x10x128xf32, #tpu.memory_space<vmem>>, vector<1x1x16xf32>,
    %mul3A_1450 = vector.broadcast %squeeze3A_56 : f32 to vector<16xf32>
    %mul3A_1451 = arith.mulf %convert_element_type3A_1353, %mul3A_1450 : vector<16xf32>
    %add3A_1452 = vector.broadcast %squeeze3A_76 : f32 to vector<16xf32>
    %add3A_1453 = arith.addf %mul3A_1451, %add3A_1452 : vector<16xf32>
    %swap3A_1454 = arith.constant 1 : i32
    %swap3A_1455 = arith.constant 8 : i32
    %swap3A_1456 = arith.index_cast %swap3A_1454 : i32 to index
    %swap3A_1457 = arith.index_cast %swap3A_1455 : i32 to index
    %swap3A_1458 = arith.constant 32 : index
    %swap3A_1459 = tpu.vector_load %arg9[%swap3A_1456, %swap3A_1457, %swap3A_1458] {strides = array<i32>} : memref<4x10x128xf32, #tpu.memory_space<vmem>>, vector<1x1x16xf32>,
    %swap3A_1460 = vector.shape_cast %swap3A_1459 : vector<1x1x16xf32> to vector<16xf32>
    %swap3A_1461 = vector.shape_cast %add3A_1453 : vector<16xf32> to vector<1x1x16xf32>
    tpu.vector_store %arg9[%swap3A_1456, %swap3A_1457, %swap3A_1458], %swap3A_1461 {strides = array<i32>} : memref<4x10x128xf32, #tpu.memory_space<vmem>>, vector<1x1x16xf32>,
    %mul3A_1462 = vector.broadcast %squeeze3A_58 : f32 to vector<16xf32>
    %mul3A_1463 = arith.mulf %convert_element_type3A_1353, %mul3A_1462 : vector<16xf32>
    %add3A_1464 = vector.broadcast %squeeze3A_78 : f32 to vector<16xf32>
    %add3A_1465 = arith.addf %mul3A_1463, %add3A_1464 : vector<16xf32>
    %swap3A_1466 = arith.constant 1 : i32
    %swap3A_1467 = arith.constant 9 : i32
    %swap3A_1468 = arith.index_cast %swap3A_1466 : i32 to index
    %swap3A_1469 = arith.index_cast %swap3A_1467 : i32 to index
    %swap3A_1470 = arith.constant 32 : index
    %swap3A_1471 = tpu.vector_load %arg9[%swap3A_1468, %swap3A_1469, %swap3A_1470] {strides = array<i32>} : memref<4x10x128xf32, #tpu.memory_space<vmem>>, vector<1x1x16xf32>,
    %swap3A_1472 = vector.shape_cast %swap3A_1471 : vector<1x1x16xf32> to vector<16xf32>
    %swap3A_1473 = vector.shape_cast %add3A_1465 : vector<16xf32> to vector<1x1x16xf32>
    tpu.vector_store %arg9[%swap3A_1468, %swap3A_1469, %swap3A_1470], %swap3A_1473 {strides = array<i32>} : memref<4x10x128xf32, #tpu.memory_space<vmem>>, vector<1x1x16xf32>,
    %get3A_1474 = arith.constant 176 : index
    %get3A_1475 = tpu.vector_load %arg7[%get3A_1474] {strides = array<i32>} : memref<512xi32, #tpu.memory_space<vmem>>, vector<16xi32>,
    %get3A_1476 = vector.shape_cast %get3A_1475 : vector<16xi32> to vector<16xi32>
    %convert_element_type3A_1477 = arith.sitofp %get3A_1476 : vector<16xi32> to vector<16xf32>
    %mul3A_1478 = vector.broadcast %squeeze3A : f32 to vector<16xf32>
    %mul3A_1479 = arith.mulf %convert_element_type3A_1477, %mul3A_1478 : vector<16xf32>
    %add3A_1480 = vector.broadcast %squeeze3A_60 : f32 to vector<16xf32>
    %add3A_1481 = arith.addf %mul3A_1479, %add3A_1480 : vector<16xf32>
    %swap3A_1482 = arith.constant 1 : i32
    %swap3A_1483 = arith.constant 0 : i32
    %swap3A_1484 = arith.index_cast %swap3A_1482 : i32 to index
    %swap3A_1485 = arith.index_cast %swap3A_1483 : i32 to index
    %swap3A_1486 = arith.constant 48 : index
    %swap3A_1487 = tpu.vector_load %arg9[%swap3A_1484, %swap3A_1485, %swap3A_1486] {strides = array<i32>} : memref<4x10x128xf32, #tpu.memory_space<vmem>>, vector<1x1x16xf32>,
    %swap3A_1488 = vector.shape_cast %swap3A_1487 : vector<1x1x16xf32> to vector<16xf32>
    %swap3A_1489 = vector.shape_cast %add3A_1481 : vector<16xf32> to vector<1x1x16xf32>
    tpu.vector_store %arg9[%swap3A_1484, %swap3A_1485, %swap3A_1486], %swap3A_1489 {strides = array<i32>} : memref<4x10x128xf32, #tpu.memory_space<vmem>>, vector<1x1x16xf32>,
    %mul3A_1490 = vector.broadcast %squeeze3A_42 : f32 to vector<16xf32>
    %mul3A_1491 = arith.mulf %convert_element_type3A_1477, %mul3A_1490 : vector<16xf32>
    %add3A_1492 = vector.broadcast %squeeze3A_62 : f32 to vector<16xf32>
    %add3A_1493 = arith.addf %mul3A_1491, %add3A_1492 : vector<16xf32>
    %swap3A_1494 = arith.constant 1 : i32
    %swap3A_1495 = arith.constant 1 : i32
    %swap3A_1496 = arith.index_cast %swap3A_1494 : i32 to index
    %swap3A_1497 = arith.index_cast %swap3A_1495 : i32 to index
    %swap3A_1498 = arith.constant 48 : index
    %swap3A_1499 = tpu.vector_load %arg9[%swap3A_1496, %swap3A_1497, %swap3A_1498] {strides = array<i32>} : memref<4x10x128xf32, #tpu.memory_space<vmem>>, vector<1x1x16xf32>,
    %swap3A_1500 = vector.shape_cast %swap3A_1499 : vector<1x1x16xf32> to vector<16xf32>
    %swap3A_1501 = vector.shape_cast %add3A_1493 : vector<16xf32> to vector<1x1x16xf32>
    tpu.vector_store %arg9[%swap3A_1496, %swap3A_1497, %swap3A_1498], %swap3A_1501 {strides = array<i32>} : memref<4x10x128xf32, #tpu.memory_space<vmem>>, vector<1x1x16xf32>,
    %mul3A_1502 = vector.broadcast %squeeze3A_44 : f32 to vector<16xf32>
    %mul3A_1503 = arith.mulf %convert_element_type3A_1477, %mul3A_1502 : vector<16xf32>
    %add3A_1504 = vector.broadcast %squeeze3A_64 : f32 to vector<16xf32>
    %add3A_1505 = arith.addf %mul3A_1503, %add3A_1504 : vector<16xf32>
    %swap3A_1506 = arith.constant 1 : i32
    %swap3A_1507 = arith.constant 2 : i32
    %swap3A_1508 = arith.index_cast %swap3A_1506 : i32 to index
    %swap3A_1509 = arith.index_cast %swap3A_1507 : i32 to index
    %swap3A_1510 = arith.constant 48 : index
    %swap3A_1511 = tpu.vector_load %arg9[%swap3A_1508, %swap3A_1509, %swap3A_1510] {strides = array<i32>} : memref<4x10x128xf32, #tpu.memory_space<vmem>>, vector<1x1x16xf32>,
    %swap3A_1512 = vector.shape_cast %swap3A_1511 : vector<1x1x16xf32> to vector<16xf32>
    %swap3A_1513 = vector.shape_cast %add3A_1505 : vector<16xf32> to vector<1x1x16xf32>
    tpu.vector_store %arg9[%swap3A_1508, %swap3A_1509, %swap3A_1510], %swap3A_1513 {strides = array<i32>} : memref<4x10x128xf32, #tpu.memory_space<vmem>>, vector<1x1x16xf32>,
    %mul3A_1514 = vector.broadcast %squeeze3A_46 : f32 to vector<16xf32>
    %mul3A_1515 = arith.mulf %convert_element_type3A_1477, %mul3A_1514 : vector<16xf32>
    %add3A_1516 = vector.broadcast %squeeze3A_66 : f32 to vector<16xf32>
    %add3A_1517 = arith.addf %mul3A_1515, %add3A_1516 : vector<16xf32>
    %swap3A_1518 = arith.constant 1 : i32
    %swap3A_1519 = arith.constant 3 : i32
    %swap3A_1520 = arith.index_cast %swap3A_1518 : i32 to index
    %swap3A_1521 = arith.index_cast %swap3A_1519 : i32 to index
    %swap3A_1522 = arith.constant 48 : index
    %swap3A_1523 = tpu.vector_load %arg9[%swap3A_1520, %swap3A_1521, %swap3A_1522] {strides = array<i32>} : memref<4x10x128xf32, #tpu.memory_space<vmem>>, vector<1x1x16xf32>,
    %swap3A_1524 = vector.shape_cast %swap3A_1523 : vector<1x1x16xf32> to vector<16xf32>
    %swap3A_1525 = vector.shape_cast %add3A_1517 : vector<16xf32> to vector<1x1x16xf32>
    tpu.vector_store %arg9[%swap3A_1520, %swap3A_1521, %swap3A_1522], %swap3A_1525 {strides = array<i32>} : memref<4x10x128xf32, #tpu.memory_space<vmem>>, vector<1x1x16xf32>,
    %mul3A_1526 = vector.broadcast %squeeze3A_48 : f32 to vector<16xf32>
    %mul3A_1527 = arith.mulf %convert_element_type3A_1477, %mul3A_1526 : vector<16xf32>
    %add3A_1528 = vector.broadcast %squeeze3A_68 : f32 to vector<16xf32>
    %add3A_1529 = arith.addf %mul3A_1527, %add3A_1528 : vector<16xf32>
    %swap3A_1530 = arith.constant 1 : i32
    %swap3A_1531 = arith.constant 4 : i32
    %swap3A_1532 = arith.index_cast %swap3A_1530 : i32 to index
    %swap3A_1533 = arith.index_cast %swap3A_1531 : i32 to index
    %swap3A_1534 = arith.constant 48 : index
    %swap3A_1535 = tpu.vector_load %arg9[%swap3A_1532, %swap3A_1533, %swap3A_1534] {strides = array<i32>} : memref<4x10x128xf32, #tpu.memory_space<vmem>>, vector<1x1x16xf32>,
    %swap3A_1536 = vector.shape_cast %swap3A_1535 : vector<1x1x16xf32> to vector<16xf32>
    %swap3A_1537 = vector.shape_cast %add3A_1529 : vector<16xf32> to vector<1x1x16xf32>
    tpu.vector_store %arg9[%swap3A_1532, %swap3A_1533, %swap3A_1534], %swap3A_1537 {strides = array<i32>} : memref<4x10x128xf32, #tpu.memory_space<vmem>>, vector<1x1x16xf32>,
    %mul3A_1538 = vector.broadcast %squeeze3A_50 : f32 to vector<16xf32>
    %mul3A_1539 = arith.mulf %convert_element_type3A_1477, %mul3A_1538 : vector<16xf32>
    %add3A_1540 = vector.broadcast %squeeze3A_70 : f32 to vector<16xf32>
    %add3A_1541 = arith.addf %mul3A_1539, %add3A_1540 : vector<16xf32>
    %swap3A_1542 = arith.constant 1 : i32
    %swap3A_1543 = arith.constant 5 : i32
    %swap3A_1544 = arith.index_cast %swap3A_1542 : i32 to index
    %swap3A_1545 = arith.index_cast %swap3A_1543 : i32 to index
    %swap3A_1546 = arith.constant 48 : index
    %swap3A_1547 = tpu.vector_load %arg9[%swap3A_1544, %swap3A_1545, %swap3A_1546] {strides = array<i32>} : memref<4x10x128xf32, #tpu.memory_space<vmem>>, vector<1x1x16xf32>,
    %swap3A_1548 = vector.shape_cast %swap3A_1547 : vector<1x1x16xf32> to vector<16xf32>
    %swap3A_1549 = vector.shape_cast %add3A_1541 : vector<16xf32> to vector<1x1x16xf32>
    tpu.vector_store %arg9[%swap3A_1544, %swap3A_1545, %swap3A_1546], %swap3A_1549 {strides = array<i32>} : memref<4x10x128xf32, #tpu.memory_space<vmem>>, vector<1x1x16xf32>,
    %mul3A_1550 = vector.broadcast %squeeze3A_52 : f32 to vector<16xf32>
    %mul3A_1551 = arith.mulf %convert_element_type3A_1477, %mul3A_1550 : vector<16xf32>
    %add3A_1552 = vector.broadcast %squeeze3A_72 : f32 to vector<16xf32>
    %add3A_1553 = arith.addf %mul3A_1551, %add3A_1552 : vector<16xf32>
    %swap3A_1554 = arith.constant 1 : i32
    %swap3A_1555 = arith.constant 6 : i32
    %swap3A_1556 = arith.index_cast %swap3A_1554 : i32 to index
    %swap3A_1557 = arith.index_cast %swap3A_1555 : i32 to index
    %swap3A_1558 = arith.constant 48 : index
    %swap3A_1559 = tpu.vector_load %arg9[%swap3A_1556, %swap3A_1557, %swap3A_1558] {strides = array<i32>} : memref<4x10x128xf32, #tpu.memory_space<vmem>>, vector<1x1x16xf32>,
    %swap3A_1560 = vector.shape_cast %swap3A_1559 : vector<1x1x16xf32> to vector<16xf32>
    %swap3A_1561 = vector.shape_cast %add3A_1553 : vector<16xf32> to vector<1x1x16xf32>
    tpu.vector_store %arg9[%swap3A_1556, %swap3A_1557, %swap3A_1558], %swap3A_1561 {strides = array<i32>} : memref<4x10x128xf32, #tpu.memory_space<vmem>>, vector<1x1x16xf32>,
    %mul3A_1562 = vector.broadcast %squeeze3A_54 : f32 to vector<16xf32>
    %mul3A_1563 = arith.mulf %convert_element_type3A_1477, %mul3A_1562 : vector<16xf32>
    %add3A_1564 = vector.broadcast %squeeze3A_74 : f32 to vector<16xf32>
    %add3A_1565 = arith.addf %mul3A_1563, %add3A_1564 : vector<16xf32>
    %swap3A_1566 = arith.constant 1 : i32
    %swap3A_1567 = arith.constant 7 : i32
    %swap3A_1568 = arith.index_cast %swap3A_1566 : i32 to index
    %swap3A_1569 = arith.index_cast %swap3A_1567 : i32 to index
    %swap3A_1570 = arith.constant 48 : index
    %swap3A_1571 = tpu.vector_load %arg9[%swap3A_1568, %swap3A_1569, %swap3A_1570] {strides = array<i32>} : memref<4x10x128xf32, #tpu.memory_space<vmem>>, vector<1x1x16xf32>,
    %swap3A_1572 = vector.shape_cast %swap3A_1571 : vector<1x1x16xf32> to vector<16xf32>
    %swap3A_1573 = vector.shape_cast %add3A_1565 : vector<16xf32> to vector<1x1x16xf32>
    tpu.vector_store %arg9[%swap3A_1568, %swap3A_1569, %swap3A_1570], %swap3A_1573 {strides = array<i32>} : memref<4x10x128xf32, #tpu.memory_space<vmem>>, vector<1x1x16xf32>,
    %mul3A_1574 = vector.broadcast %squeeze3A_56 : f32 to vector<16xf32>
    %mul3A_1575 = arith.mulf %convert_element_type3A_1477, %mul3A_1574 : vector<16xf32>
    %add3A_1576 = vector.broadcast %squeeze3A_76 : f32 to vector<16xf32>
    %add3A_1577 = arith.addf %mul3A_1575, %add3A_1576 : vector<16xf32>
    %swap3A_1578 = arith.constant 1 : i32
    %swap3A_1579 = arith.constant 8 : i32
    %swap3A_1580 = arith.index_cast %swap3A_1578 : i32 to index
    %swap3A_1581 = arith.index_cast %swap3A_1579 : i32 to index
    %swap3A_1582 = arith.constant 48 : index
    %swap3A_1583 = tpu.vector_load %arg9[%swap3A_1580, %swap3A_1581, %swap3A_1582] {strides = array<i32>} : memref<4x10x128xf32, #tpu.memory_space<vmem>>, vector<1x1x16xf32>,
    %swap3A_1584 = vector.shape_cast %swap3A_1583 : vector<1x1x16xf32> to vector<16xf32>
    %swap3A_1585 = vector.shape_cast %add3A_1577 : vector<16xf32> to vector<1x1x16xf32>
    tpu.vector_store %arg9[%swap3A_1580, %swap3A_1581, %swap3A_1582], %swap3A_1585 {strides = array<i32>} : memref<4x10x128xf32, #tpu.memory_space<vmem>>, vector<1x1x16xf32>,
    %mul3A_1586 = vector.broadcast %squeeze3A_58 : f32 to vector<16xf32>
    %mul3A_1587 = arith.mulf %convert_element_type3A_1477, %mul3A_1586 : vector<16xf32>
    %add3A_1588 = vector.broadcast %squeeze3A_78 : f32 to vector<16xf32>
    %add3A_1589 = arith.addf %mul3A_1587, %add3A_1588 : vector<16xf32>
    %swap3A_1590 = arith.constant 1 : i32
    %swap3A_1591 = arith.constant 9 : i32
    %swap3A_1592 = arith.index_cast %swap3A_1590 : i32 to index
    %swap3A_1593 = arith.index_cast %swap3A_1591 : i32 to index
    %swap3A_1594 = arith.constant 48 : index
    %swap3A_1595 = tpu.vector_load %arg9[%swap3A_1592, %swap3A_1593, %swap3A_1594] {strides = array<i32>} : memref<4x10x128xf32, #tpu.memory_space<vmem>>, vector<1x1x16xf32>,
    %swap3A_1596 = vector.shape_cast %swap3A_1595 : vector<1x1x16xf32> to vector<16xf32>
    %swap3A_1597 = vector.shape_cast %add3A_1589 : vector<16xf32> to vector<1x1x16xf32>
    tpu.vector_store %arg9[%swap3A_1592, %swap3A_1593, %swap3A_1594], %swap3A_1597 {strides = array<i32>} : memref<4x10x128xf32, #tpu.memory_space<vmem>>, vector<1x1x16xf32>,
    %get3A_1598 = arith.constant 192 : index
    %get3A_1599 = tpu.vector_load %arg7[%get3A_1598] {strides = array<i32>} : memref<512xi32, #tpu.memory_space<vmem>>, vector<16xi32>,
    %get3A_1600 = vector.shape_cast %get3A_1599 : vector<16xi32> to vector<16xi32>
    %convert_element_type3A_1601 = arith.sitofp %get3A_1600 : vector<16xi32> to vector<16xf32>
    %mul3A_1602 = vector.broadcast %squeeze3A : f32 to vector<16xf32>
    %mul3A_1603 = arith.mulf %convert_element_type3A_1601, %mul3A_1602 : vector<16xf32>
    %add3A_1604 = vector.broadcast %squeeze3A_60 : f32 to vector<16xf32>
    %add3A_1605 = arith.addf %mul3A_1603, %add3A_1604 : vector<16xf32>
    %swap3A_1606 = arith.constant 1 : i32
    %swap3A_1607 = arith.constant 0 : i32
    %swap3A_1608 = arith.index_cast %swap3A_1606 : i32 to index
    %swap3A_1609 = arith.index_cast %swap3A_1607 : i32 to index
    %swap3A_1610 = arith.constant 64 : index
    %swap3A_1611 = tpu.vector_load %arg9[%swap3A_1608, %swap3A_1609, %swap3A_1610] {strides = array<i32>} : memref<4x10x128xf32, #tpu.memory_space<vmem>>, vector<1x1x16xf32>,
    %swap3A_1612 = vector.shape_cast %swap3A_1611 : vector<1x1x16xf32> to vector<16xf32>
    %swap3A_1613 = vector.shape_cast %add3A_1605 : vector<16xf32> to vector<1x1x16xf32>
    tpu.vector_store %arg9[%swap3A_1608, %swap3A_1609, %swap3A_1610], %swap3A_1613 {strides = array<i32>} : memref<4x10x128xf32, #tpu.memory_space<vmem>>, vector<1x1x16xf32>,
    %mul3A_1614 = vector.broadcast %squeeze3A_42 : f32 to vector<16xf32>
    %mul3A_1615 = arith.mulf %convert_element_type3A_1601, %mul3A_1614 : vector<16xf32>
    %add3A_1616 = vector.broadcast %squeeze3A_62 : f32 to vector<16xf32>
    %add3A_1617 = arith.addf %mul3A_1615, %add3A_1616 : vector<16xf32>
    %swap3A_1618 = arith.constant 1 : i32
    %swap3A_1619 = arith.constant 1 : i32
    %swap3A_1620 = arith.index_cast %swap3A_1618 : i32 to index
    %swap3A_1621 = arith.index_cast %swap3A_1619 : i32 to index
    %swap3A_1622 = arith.constant 64 : index
    %swap3A_1623 = tpu.vector_load %arg9[%swap3A_1620, %swap3A_1621, %swap3A_1622] {strides = array<i32>} : memref<4x10x128xf32, #tpu.memory_space<vmem>>, vector<1x1x16xf32>,
    %swap3A_1624 = vector.shape_cast %swap3A_1623 : vector<1x1x16xf32> to vector<16xf32>
    %swap3A_1625 = vector.shape_cast %add3A_1617 : vector<16xf32> to vector<1x1x16xf32>
    tpu.vector_store %arg9[%swap3A_1620, %swap3A_1621, %swap3A_1622], %swap3A_1625 {strides = array<i32>} : memref<4x10x128xf32, #tpu.memory_space<vmem>>, vector<1x1x16xf32>,
    %mul3A_1626 = vector.broadcast %squeeze3A_44 : f32 to vector<16xf32>
    %mul3A_1627 = arith.mulf %convert_element_type3A_1601, %mul3A_1626 : vector<16xf32>
    %add3A_1628 = vector.broadcast %squeeze3A_64 : f32 to vector<16xf32>
    %add3A_1629 = arith.addf %mul3A_1627, %add3A_1628 : vector<16xf32>
    %swap3A_1630 = arith.constant 1 : i32
    %swap3A_1631 = arith.constant 2 : i32
    %swap3A_1632 = arith.index_cast %swap3A_1630 : i32 to index
    %swap3A_1633 = arith.index_cast %swap3A_1631 : i32 to index
    %swap3A_1634 = arith.constant 64 : index
    %swap3A_1635 = tpu.vector_load %arg9[%swap3A_1632, %swap3A_1633, %swap3A_1634] {strides = array<i32>} : memref<4x10x128xf32, #tpu.memory_space<vmem>>, vector<1x1x16xf32>,
    %swap3A_1636 = vector.shape_cast %swap3A_1635 : vector<1x1x16xf32> to vector<16xf32>
    %swap3A_1637 = vector.shape_cast %add3A_1629 : vector<16xf32> to vector<1x1x16xf32>
    tpu.vector_store %arg9[%swap3A_1632, %swap3A_1633, %swap3A_1634], %swap3A_1637 {strides = array<i32>} : memref<4x10x128xf32, #tpu.memory_space<vmem>>, vector<1x1x16xf32>,
    %mul3A_1638 = vector.broadcast %squeeze3A_46 : f32 to vector<16xf32>
    %mul3A_1639 = arith.mulf %convert_element_type3A_1601, %mul3A_1638 : vector<16xf32>
    %add3A_1640 = vector.broadcast %squeeze3A_66 : f32 to vector<16xf32>
    %add3A_1641 = arith.addf %mul3A_1639, %add3A_1640 : vector<16xf32>
    %swap3A_1642 = arith.constant 1 : i32
    %swap3A_1643 = arith.constant 3 : i32
    %swap3A_1644 = arith.index_cast %swap3A_1642 : i32 to index
    %swap3A_1645 = arith.index_cast %swap3A_1643 : i32 to index
    %swap3A_1646 = arith.constant 64 : index
    %swap3A_1647 = tpu.vector_load %arg9[%swap3A_1644, %swap3A_1645, %swap3A_1646] {strides = array<i32>} : memref<4x10x128xf32, #tpu.memory_space<vmem>>, vector<1x1x16xf32>,
    %swap3A_1648 = vector.shape_cast %swap3A_1647 : vector<1x1x16xf32> to vector<16xf32>
    %swap3A_1649 = vector.shape_cast %add3A_1641 : vector<16xf32> to vector<1x1x16xf32>
    tpu.vector_store %arg9[%swap3A_1644, %swap3A_1645, %swap3A_1646], %swap3A_1649 {strides = array<i32>} : memref<4x10x128xf32, #tpu.memory_space<vmem>>, vector<1x1x16xf32>,
    %mul3A_1650 = vector.broadcast %squeeze3A_48 : f32 to vector<16xf32>
    %mul3A_1651 = arith.mulf %convert_element_type3A_1601, %mul3A_1650 : vector<16xf32>
    %add3A_1652 = vector.broadcast %squeeze3A_68 : f32 to vector<16xf32>
    %add3A_1653 = arith.addf %mul3A_1651, %add3A_1652 : vector<16xf32>
    %swap3A_1654 = arith.constant 1 : i32
    %swap3A_1655 = arith.constant 4 : i32
    %swap3A_1656 = arith.index_cast %swap3A_1654 : i32 to index
    %swap3A_1657 = arith.index_cast %swap3A_1655 : i32 to index
    %swap3A_1658 = arith.constant 64 : index
    %swap3A_1659 = tpu.vector_load %arg9[%swap3A_1656, %swap3A_1657, %swap3A_1658] {strides = array<i32>} : memref<4x10x128xf32, #tpu.memory_space<vmem>>, vector<1x1x16xf32>,
    %swap3A_1660 = vector.shape_cast %swap3A_1659 : vector<1x1x16xf32> to vector<16xf32>
    %swap3A_1661 = vector.shape_cast %add3A_1653 : vector<16xf32> to vector<1x1x16xf32>
    tpu.vector_store %arg9[%swap3A_1656, %swap3A_1657, %swap3A_1658], %swap3A_1661 {strides = array<i32>} : memref<4x10x128xf32, #tpu.memory_space<vmem>>, vector<1x1x16xf32>,
    %mul3A_1662 = vector.broadcast %squeeze3A_50 : f32 to vector<16xf32>
    %mul3A_1663 = arith.mulf %convert_element_type3A_1601, %mul3A_1662 : vector<16xf32>
    %add3A_1664 = vector.broadcast %squeeze3A_70 : f32 to vector<16xf32>
    %add3A_1665 = arith.addf %mul3A_1663, %add3A_1664 : vector<16xf32>
    %swap3A_1666 = arith.constant 1 : i32
    %swap3A_1667 = arith.constant 5 : i32
    %swap3A_1668 = arith.index_cast %swap3A_1666 : i32 to index
    %swap3A_1669 = arith.index_cast %swap3A_1667 : i32 to index
    %swap3A_1670 = arith.constant 64 : index
    %swap3A_1671 = tpu.vector_load %arg9[%swap3A_1668, %swap3A_1669, %swap3A_1670] {strides = array<i32>} : memref<4x10x128xf32, #tpu.memory_space<vmem>>, vector<1x1x16xf32>,
    %swap3A_1672 = vector.shape_cast %swap3A_1671 : vector<1x1x16xf32> to vector<16xf32>
    %swap3A_1673 = vector.shape_cast %add3A_1665 : vector<16xf32> to vector<1x1x16xf32>
    tpu.vector_store %arg9[%swap3A_1668, %swap3A_1669, %swap3A_1670], %swap3A_1673 {strides = array<i32>} : memref<4x10x128xf32, #tpu.memory_space<vmem>>, vector<1x1x16xf32>,
    %mul3A_1674 = vector.broadcast %squeeze3A_52 : f32 to vector<16xf32>
    %mul3A_1675 = arith.mulf %convert_element_type3A_1601, %mul3A_1674 : vector<16xf32>
    %add3A_1676 = vector.broadcast %squeeze3A_72 : f32 to vector<16xf32>
    %add3A_1677 = arith.addf %mul3A_1675, %add3A_1676 : vector<16xf32>
    %swap3A_1678 = arith.constant 1 : i32
    %swap3A_1679 = arith.constant 6 : i32
    %swap3A_1680 = arith.index_cast %swap3A_1678 : i32 to index
    %swap3A_1681 = arith.index_cast %swap3A_1679 : i32 to index
    %swap3A_1682 = arith.constant 64 : index
    %swap3A_1683 = tpu.vector_load %arg9[%swap3A_1680, %swap3A_1681, %swap3A_1682] {strides = array<i32>} : memref<4x10x128xf32, #tpu.memory_space<vmem>>, vector<1x1x16xf32>,
    %swap3A_1684 = vector.shape_cast %swap3A_1683 : vector<1x1x16xf32> to vector<16xf32>
    %swap3A_1685 = vector.shape_cast %add3A_1677 : vector<16xf32> to vector<1x1x16xf32>
    tpu.vector_store %arg9[%swap3A_1680, %swap3A_1681, %swap3A_1682], %swap3A_1685 {strides = array<i32>} : memref<4x10x128xf32, #tpu.memory_space<vmem>>, vector<1x1x16xf32>,
    %mul3A_1686 = vector.broadcast %squeeze3A_54 : f32 to vector<16xf32>
    %mul3A_1687 = arith.mulf %convert_element_type3A_1601, %mul3A_1686 : vector<16xf32>
    %add3A_1688 = vector.broadcast %squeeze3A_74 : f32 to vector<16xf32>
    %add3A_1689 = arith.addf %mul3A_1687, %add3A_1688 : vector<16xf32>
    %swap3A_1690 = arith.constant 1 : i32
    %swap3A_1691 = arith.constant 7 : i32
    %swap3A_1692 = arith.index_cast %swap3A_1690 : i32 to index
    %swap3A_1693 = arith.index_cast %swap3A_1691 : i32 to index
    %swap3A_1694 = arith.constant 64 : index
    %swap3A_1695 = tpu.vector_load %arg9[%swap3A_1692, %swap3A_1693, %swap3A_1694] {strides = array<i32>} : memref<4x10x128xf32, #tpu.memory_space<vmem>>, vector<1x1x16xf32>,
    %swap3A_1696 = vector.shape_cast %swap3A_1695 : vector<1x1x16xf32> to vector<16xf32>
    %swap3A_1697 = vector.shape_cast %add3A_1689 : vector<16xf32> to vector<1x1x16xf32>
    tpu.vector_store %arg9[%swap3A_1692, %swap3A_1693, %swap3A_1694], %swap3A_1697 {strides = array<i32>} : memref<4x10x128xf32, #tpu.memory_space<vmem>>, vector<1x1x16xf32>,
    %mul3A_1698 = vector.broadcast %squeeze3A_56 : f32 to vector<16xf32>
    %mul3A_1699 = arith.mulf %convert_element_type3A_1601, %mul3A_1698 : vector<16xf32>
    %add3A_1700 = vector.broadcast %squeeze3A_76 : f32 to vector<16xf32>
    %add3A_1701 = arith.addf %mul3A_1699, %add3A_1700 : vector<16xf32>
    %swap3A_1702 = arith.constant 1 : i32
    %swap3A_1703 = arith.constant 8 : i32
    %swap3A_1704 = arith.index_cast %swap3A_1702 : i32 to index
    %swap3A_1705 = arith.index_cast %swap3A_1703 : i32 to index
    %swap3A_1706 = arith.constant 64 : index
    %swap3A_1707 = tpu.vector_load %arg9[%swap3A_1704, %swap3A_1705, %swap3A_1706] {strides = array<i32>} : memref<4x10x128xf32, #tpu.memory_space<vmem>>, vector<1x1x16xf32>,
    %swap3A_1708 = vector.shape_cast %swap3A_1707 : vector<1x1x16xf32> to vector<16xf32>
    %swap3A_1709 = vector.shape_cast %add3A_1701 : vector<16xf32> to vector<1x1x16xf32>
    tpu.vector_store %arg9[%swap3A_1704, %swap3A_1705, %swap3A_1706], %swap3A_1709 {strides = array<i32>} : memref<4x10x128xf32, #tpu.memory_space<vmem>>, vector<1x1x16xf32>,
    %mul3A_1710 = vector.broadcast %squeeze3A_58 : f32 to vector<16xf32>
    %mul3A_1711 = arith.mulf %convert_element_type3A_1601, %mul3A_1710 : vector<16xf32>
    %add3A_1712 = vector.broadcast %squeeze3A_78 : f32 to vector<16xf32>
    %add3A_1713 = arith.addf %mul3A_1711, %add3A_1712 : vector<16xf32>
    %swap3A_1714 = arith.constant 1 : i32
    %swap3A_1715 = arith.constant 9 : i32
    %swap3A_1716 = arith.index_cast %swap3A_1714 : i32 to index
    %swap3A_1717 = arith.index_cast %swap3A_1715 : i32 to index
    %swap3A_1718 = arith.constant 64 : index
    %swap3A_1719 = tpu.vector_load %arg9[%swap3A_1716, %swap3A_1717, %swap3A_1718] {strides = array<i32>} : memref<4x10x128xf32, #tpu.memory_space<vmem>>, vector<1x1x16xf32>,
    %swap3A_1720 = vector.shape_cast %swap3A_1719 : vector<1x1x16xf32> to vector<16xf32>
    %swap3A_1721 = vector.shape_cast %add3A_1713 : vector<16xf32> to vector<1x1x16xf32>
    tpu.vector_store %arg9[%swap3A_1716, %swap3A_1717, %swap3A_1718], %swap3A_1721 {strides = array<i32>} : memref<4x10x128xf32, #tpu.memory_space<vmem>>, vector<1x1x16xf32>,
    %get3A_1722 = arith.constant 208 : index
    %get3A_1723 = tpu.vector_load %arg7[%get3A_1722] {strides = array<i32>} : memref<512xi32, #tpu.memory_space<vmem>>, vector<16xi32>,
    %get3A_1724 = vector.shape_cast %get3A_1723 : vector<16xi32> to vector<16xi32>
    %convert_element_type3A_1725 = arith.sitofp %get3A_1724 : vector<16xi32> to vector<16xf32>
    %mul3A_1726 = vector.broadcast %squeeze3A : f32 to vector<16xf32>
    %mul3A_1727 = arith.mulf %convert_element_type3A_1725, %mul3A_1726 : vector<16xf32>
    %add3A_1728 = vector.broadcast %squeeze3A_60 : f32 to vector<16xf32>
    %add3A_1729 = arith.addf %mul3A_1727, %add3A_1728 : vector<16xf32>
    %swap3A_1730 = arith.constant 1 : i32
    %swap3A_1731 = arith.constant 0 : i32
    %swap3A_1732 = arith.index_cast %swap3A_1730 : i32 to index
    %swap3A_1733 = arith.index_cast %swap3A_1731 : i32 to index
    %swap3A_1734 = arith.constant 80 : index
    %swap3A_1735 = tpu.vector_load %arg9[%swap3A_1732, %swap3A_1733, %swap3A_1734] {strides = array<i32>} : memref<4x10x128xf32, #tpu.memory_space<vmem>>, vector<1x1x16xf32>,
    %swap3A_1736 = vector.shape_cast %swap3A_1735 : vector<1x1x16xf32> to vector<16xf32>
    %swap3A_1737 = vector.shape_cast %add3A_1729 : vector<16xf32> to vector<1x1x16xf32>
    tpu.vector_store %arg9[%swap3A_1732, %swap3A_1733, %swap3A_1734], %swap3A_1737 {strides = array<i32>} : memref<4x10x128xf32, #tpu.memory_space<vmem>>, vector<1x1x16xf32>,
    %mul3A_1738 = vector.broadcast %squeeze3A_42 : f32 to vector<16xf32>
    %mul3A_1739 = arith.mulf %convert_element_type3A_1725, %mul3A_1738 : vector<16xf32>
    %add3A_1740 = vector.broadcast %squeeze3A_62 : f32 to vector<16xf32>
    %add3A_1741 = arith.addf %mul3A_1739, %add3A_1740 : vector<16xf32>
    %swap3A_1742 = arith.constant 1 : i32
    %swap3A_1743 = arith.constant 1 : i32
    %swap3A_1744 = arith.index_cast %swap3A_1742 : i32 to index
    %swap3A_1745 = arith.index_cast %swap3A_1743 : i32 to index
    %swap3A_1746 = arith.constant 80 : index
    %swap3A_1747 = tpu.vector_load %arg9[%swap3A_1744, %swap3A_1745, %swap3A_1746] {strides = array<i32>} : memref<4x10x128xf32, #tpu.memory_space<vmem>>, vector<1x1x16xf32>,
    %swap3A_1748 = vector.shape_cast %swap3A_1747 : vector<1x1x16xf32> to vector<16xf32>
    %swap3A_1749 = vector.shape_cast %add3A_1741 : vector<16xf32> to vector<1x1x16xf32>
    tpu.vector_store %arg9[%swap3A_1744, %swap3A_1745, %swap3A_1746], %swap3A_1749 {strides = array<i32>} : memref<4x10x128xf32, #tpu.memory_space<vmem>>, vector<1x1x16xf32>,
    %mul3A_1750 = vector.broadcast %squeeze3A_44 : f32 to vector<16xf32>
    %mul3A_1751 = arith.mulf %convert_element_type3A_1725, %mul3A_1750 : vector<16xf32>
    %add3A_1752 = vector.broadcast %squeeze3A_64 : f32 to vector<16xf32>
    %add3A_1753 = arith.addf %mul3A_1751, %add3A_1752 : vector<16xf32>
    %swap3A_1754 = arith.constant 1 : i32
    %swap3A_1755 = arith.constant 2 : i32
    %swap3A_1756 = arith.index_cast %swap3A_1754 : i32 to index
    %swap3A_1757 = arith.index_cast %swap3A_1755 : i32 to index
    %swap3A_1758 = arith.constant 80 : index
    %swap3A_1759 = tpu.vector_load %arg9[%swap3A_1756, %swap3A_1757, %swap3A_1758] {strides = array<i32>} : memref<4x10x128xf32, #tpu.memory_space<vmem>>, vector<1x1x16xf32>,
    %swap3A_1760 = vector.shape_cast %swap3A_1759 : vector<1x1x16xf32> to vector<16xf32>
    %swap3A_1761 = vector.shape_cast %add3A_1753 : vector<16xf32> to vector<1x1x16xf32>
    tpu.vector_store %arg9[%swap3A_1756, %swap3A_1757, %swap3A_1758], %swap3A_1761 {strides = array<i32>} : memref<4x10x128xf32, #tpu.memory_space<vmem>>, vector<1x1x16xf32>,
    %mul3A_1762 = vector.broadcast %squeeze3A_46 : f32 to vector<16xf32>
    %mul3A_1763 = arith.mulf %convert_element_type3A_1725, %mul3A_1762 : vector<16xf32>
    %add3A_1764 = vector.broadcast %squeeze3A_66 : f32 to vector<16xf32>
    %add3A_1765 = arith.addf %mul3A_1763, %add3A_1764 : vector<16xf32>
    %swap3A_1766 = arith.constant 1 : i32
    %swap3A_1767 = arith.constant 3 : i32
    %swap3A_1768 = arith.index_cast %swap3A_1766 : i32 to index
    %swap3A_1769 = arith.index_cast %swap3A_1767 : i32 to index
    %swap3A_1770 = arith.constant 80 : index
    %swap3A_1771 = tpu.vector_load %arg9[%swap3A_1768, %swap3A_1769, %swap3A_1770] {strides = array<i32>} : memref<4x10x128xf32, #tpu.memory_space<vmem>>, vector<1x1x16xf32>,
    %swap3A_1772 = vector.shape_cast %swap3A_1771 : vector<1x1x16xf32> to vector<16xf32>
    %swap3A_1773 = vector.shape_cast %add3A_1765 : vector<16xf32> to vector<1x1x16xf32>
    tpu.vector_store %arg9[%swap3A_1768, %swap3A_1769, %swap3A_1770], %swap3A_1773 {strides = array<i32>} : memref<4x10x128xf32, #tpu.memory_space<vmem>>, vector<1x1x16xf32>,
    %mul3A_1774 = vector.broadcast %squeeze3A_48 : f32 to vector<16xf32>
    %mul3A_1775 = arith.mulf %convert_element_type3A_1725, %mul3A_1774 : vector<16xf32>
    %add3A_1776 = vector.broadcast %squeeze3A_68 : f32 to vector<16xf32>
    %add3A_1777 = arith.addf %mul3A_1775, %add3A_1776 : vector<16xf32>
    %swap3A_1778 = arith.constant 1 : i32
    %swap3A_1779 = arith.constant 4 : i32
    %swap3A_1780 = arith.index_cast %swap3A_1778 : i32 to index
    %swap3A_1781 = arith.index_cast %swap3A_1779 : i32 to index
    %swap3A_1782 = arith.constant 80 : index
    %swap3A_1783 = tpu.vector_load %arg9[%swap3A_1780, %swap3A_1781, %swap3A_1782] {strides = array<i32>} : memref<4x10x128xf32, #tpu.memory_space<vmem>>, vector<1x1x16xf32>,
    %swap3A_1784 = vector.shape_cast %swap3A_1783 : vector<1x1x16xf32> to vector<16xf32>
    %swap3A_1785 = vector.shape_cast %add3A_1777 : vector<16xf32> to vector<1x1x16xf32>
    tpu.vector_store %arg9[%swap3A_1780, %swap3A_1781, %swap3A_1782], %swap3A_1785 {strides = array<i32>} : memref<4x10x128xf32, #tpu.memory_space<vmem>>, vector<1x1x16xf32>,
    %mul3A_1786 = vector.broadcast %squeeze3A_50 : f32 to vector<16xf32>
    %mul3A_1787 = arith.mulf %convert_element_type3A_1725, %mul3A_1786 : vector<16xf32>
    %add3A_1788 = vector.broadcast %squeeze3A_70 : f32 to vector<16xf32>
    %add3A_1789 = arith.addf %mul3A_1787, %add3A_1788 : vector<16xf32>
    %swap3A_1790 = arith.constant 1 : i32
    %swap3A_1791 = arith.constant 5 : i32
    %swap3A_1792 = arith.index_cast %swap3A_1790 : i32 to index
    %swap3A_1793 = arith.index_cast %swap3A_1791 : i32 to index
    %swap3A_1794 = arith.constant 80 : index
    %swap3A_1795 = tpu.vector_load %arg9[%swap3A_1792, %swap3A_1793, %swap3A_1794] {strides = array<i32>} : memref<4x10x128xf32, #tpu.memory_space<vmem>>, vector<1x1x16xf32>,
    %swap3A_1796 = vector.shape_cast %swap3A_1795 : vector<1x1x16xf32> to vector<16xf32>
    %swap3A_1797 = vector.shape_cast %add3A_1789 : vector<16xf32> to vector<1x1x16xf32>
    tpu.vector_store %arg9[%swap3A_1792, %swap3A_1793, %swap3A_1794], %swap3A_1797 {strides = array<i32>} : memref<4x10x128xf32, #tpu.memory_space<vmem>>, vector<1x1x16xf32>,
    %mul3A_1798 = vector.broadcast %squeeze3A_52 : f32 to vector<16xf32>
    %mul3A_1799 = arith.mulf %convert_element_type3A_1725, %mul3A_1798 : vector<16xf32>
    %add3A_1800 = vector.broadcast %squeeze3A_72 : f32 to vector<16xf32>
    %add3A_1801 = arith.addf %mul3A_1799, %add3A_1800 : vector<16xf32>
    %swap3A_1802 = arith.constant 1 : i32
    %swap3A_1803 = arith.constant 6 : i32
    %swap3A_1804 = arith.index_cast %swap3A_1802 : i32 to index
    %swap3A_1805 = arith.index_cast %swap3A_1803 : i32 to index
    %swap3A_1806 = arith.constant 80 : index
    %swap3A_1807 = tpu.vector_load %arg9[%swap3A_1804, %swap3A_1805, %swap3A_1806] {strides = array<i32>} : memref<4x10x128xf32, #tpu.memory_space<vmem>>, vector<1x1x16xf32>,
    %swap3A_1808 = vector.shape_cast %swap3A_1807 : vector<1x1x16xf32> to vector<16xf32>
    %swap3A_1809 = vector.shape_cast %add3A_1801 : vector<16xf32> to vector<1x1x16xf32>
    tpu.vector_store %arg9[%swap3A_1804, %swap3A_1805, %swap3A_1806], %swap3A_1809 {strides = array<i32>} : memref<4x10x128xf32, #tpu.memory_space<vmem>>, vector<1x1x16xf32>,
    %mul3A_1810 = vector.broadcast %squeeze3A_54 : f32 to vector<16xf32>
    %mul3A_1811 = arith.mulf %convert_element_type3A_1725, %mul3A_1810 : vector<16xf32>
    %add3A_1812 = vector.broadcast %squeeze3A_74 : f32 to vector<16xf32>
    %add3A_1813 = arith.addf %mul3A_1811, %add3A_1812 : vector<16xf32>
    %swap3A_1814 = arith.constant 1 : i32
    %swap3A_1815 = arith.constant 7 : i32
    %swap3A_1816 = arith.index_cast %swap3A_1814 : i32 to index
    %swap3A_1817 = arith.index_cast %swap3A_1815 : i32 to index
    %swap3A_1818 = arith.constant 80 : index
    %swap3A_1819 = tpu.vector_load %arg9[%swap3A_1816, %swap3A_1817, %swap3A_1818] {strides = array<i32>} : memref<4x10x128xf32, #tpu.memory_space<vmem>>, vector<1x1x16xf32>,
    %swap3A_1820 = vector.shape_cast %swap3A_1819 : vector<1x1x16xf32> to vector<16xf32>
    %swap3A_1821 = vector.shape_cast %add3A_1813 : vector<16xf32> to vector<1x1x16xf32>
    tpu.vector_store %arg9[%swap3A_1816, %swap3A_1817, %swap3A_1818], %swap3A_1821 {strides = array<i32>} : memref<4x10x128xf32, #tpu.memory_space<vmem>>, vector<1x1x16xf32>,
    %mul3A_1822 = vector.broadcast %squeeze3A_56 : f32 to vector<16xf32>
    %mul3A_1823 = arith.mulf %convert_element_type3A_1725, %mul3A_1822 : vector<16xf32>
    %add3A_1824 = vector.broadcast %squeeze3A_76 : f32 to vector<16xf32>
    %add3A_1825 = arith.addf %mul3A_1823, %add3A_1824 : vector<16xf32>
    %swap3A_1826 = arith.constant 1 : i32
    %swap3A_1827 = arith.constant 8 : i32
    %swap3A_1828 = arith.index_cast %swap3A_1826 : i32 to index
    %swap3A_1829 = arith.index_cast %swap3A_1827 : i32 to index
    %swap3A_1830 = arith.constant 80 : index
    %swap3A_1831 = tpu.vector_load %arg9[%swap3A_1828, %swap3A_1829, %swap3A_1830] {strides = array<i32>} : memref<4x10x128xf32, #tpu.memory_space<vmem>>, vector<1x1x16xf32>,
    %swap3A_1832 = vector.shape_cast %swap3A_1831 : vector<1x1x16xf32> to vector<16xf32>
    %swap3A_1833 = vector.shape_cast %add3A_1825 : vector<16xf32> to vector<1x1x16xf32>
    tpu.vector_store %arg9[%swap3A_1828, %swap3A_1829, %swap3A_1830], %swap3A_1833 {strides = array<i32>} : memref<4x10x128xf32, #tpu.memory_space<vmem>>, vector<1x1x16xf32>,
    %mul3A_1834 = vector.broadcast %squeeze3A_58 : f32 to vector<16xf32>
    %mul3A_1835 = arith.mulf %convert_element_type3A_1725, %mul3A_1834 : vector<16xf32>
    %add3A_1836 = vector.broadcast %squeeze3A_78 : f32 to vector<16xf32>
    %add3A_1837 = arith.addf %mul3A_1835, %add3A_1836 : vector<16xf32>
    %swap3A_1838 = arith.constant 1 : i32
    %swap3A_1839 = arith.constant 9 : i32
    %swap3A_1840 = arith.index_cast %swap3A_1838 : i32 to index
    %swap3A_1841 = arith.index_cast %swap3A_1839 : i32 to index
    %swap3A_1842 = arith.constant 80 : index
    %swap3A_1843 = tpu.vector_load %arg9[%swap3A_1840, %swap3A_1841, %swap3A_1842] {strides = array<i32>} : memref<4x10x128xf32, #tpu.memory_space<vmem>>, vector<1x1x16xf32>,
    %swap3A_1844 = vector.shape_cast %swap3A_1843 : vector<1x1x16xf32> to vector<16xf32>
    %swap3A_1845 = vector.shape_cast %add3A_1837 : vector<16xf32> to vector<1x1x16xf32>
    tpu.vector_store %arg9[%swap3A_1840, %swap3A_1841, %swap3A_1842], %swap3A_1845 {strides = array<i32>} : memref<4x10x128xf32, #tpu.memory_space<vmem>>, vector<1x1x16xf32>,
    %get3A_1846 = arith.constant 224 : index
    %get3A_1847 = tpu.vector_load %arg7[%get3A_1846] {strides = array<i32>} : memref<512xi32, #tpu.memory_space<vmem>>, vector<16xi32>,
    %get3A_1848 = vector.shape_cast %get3A_1847 : vector<16xi32> to vector<16xi32>
    %convert_element_type3A_1849 = arith.sitofp %get3A_1848 : vector<16xi32> to vector<16xf32>
    %mul3A_1850 = vector.broadcast %squeeze3A : f32 to vector<16xf32>
    %mul3A_1851 = arith.mulf %convert_element_type3A_1849, %mul3A_1850 : vector<16xf32>
    %add3A_1852 = vector.broadcast %squeeze3A_60 : f32 to vector<16xf32>
    %add3A_1853 = arith.addf %mul3A_1851, %add3A_1852 : vector<16xf32>
    %swap3A_1854 = arith.constant 1 : i32
    %swap3A_1855 = arith.constant 0 : i32
    %swap3A_1856 = arith.index_cast %swap3A_1854 : i32 to index
    %swap3A_1857 = arith.index_cast %swap3A_1855 : i32 to index
    %swap3A_1858 = arith.constant 96 : index
    %swap3A_1859 = tpu.vector_load %arg9[%swap3A_1856, %swap3A_1857, %swap3A_1858] {strides = array<i32>} : memref<4x10x128xf32, #tpu.memory_space<vmem>>, vector<1x1x16xf32>,
    %swap3A_1860 = vector.shape_cast %swap3A_1859 : vector<1x1x16xf32> to vector<16xf32>
    %swap3A_1861 = vector.shape_cast %add3A_1853 : vector<16xf32> to vector<1x1x16xf32>
    tpu.vector_store %arg9[%swap3A_1856, %swap3A_1857, %swap3A_1858], %swap3A_1861 {strides = array<i32>} : memref<4x10x128xf32, #tpu.memory_space<vmem>>, vector<1x1x16xf32>,
    %mul3A_1862 = vector.broadcast %squeeze3A_42 : f32 to vector<16xf32>
    %mul3A_1863 = arith.mulf %convert_element_type3A_1849, %mul3A_1862 : vector<16xf32>
    %add3A_1864 = vector.broadcast %squeeze3A_62 : f32 to vector<16xf32>
    %add3A_1865 = arith.addf %mul3A_1863, %add3A_1864 : vector<16xf32>
    %swap3A_1866 = arith.constant 1 : i32
    %swap3A_1867 = arith.constant 1 : i32
    %swap3A_1868 = arith.index_cast %swap3A_1866 : i32 to index
    %swap3A_1869 = arith.index_cast %swap3A_1867 : i32 to index
    %swap3A_1870 = arith.constant 96 : index
    %swap3A_1871 = tpu.vector_load %arg9[%swap3A_1868, %swap3A_1869, %swap3A_1870] {strides = array<i32>} : memref<4x10x128xf32, #tpu.memory_space<vmem>>, vector<1x1x16xf32>,
    %swap3A_1872 = vector.shape_cast %swap3A_1871 : vector<1x1x16xf32> to vector<16xf32>
    %swap3A_1873 = vector.shape_cast %add3A_1865 : vector<16xf32> to vector<1x1x16xf32>
    tpu.vector_store %arg9[%swap3A_1868, %swap3A_1869, %swap3A_1870], %swap3A_1873 {strides = array<i32>} : memref<4x10x128xf32, #tpu.memory_space<vmem>>, vector<1x1x16xf32>,
    %mul3A_1874 = vector.broadcast %squeeze3A_44 : f32 to vector<16xf32>
    %mul3A_1875 = arith.mulf %convert_element_type3A_1849, %mul3A_1874 : vector<16xf32>
    %add3A_1876 = vector.broadcast %squeeze3A_64 : f32 to vector<16xf32>
    %add3A_1877 = arith.addf %mul3A_1875, %add3A_1876 : vector<16xf32>
    %swap3A_1878 = arith.constant 1 : i32
    %swap3A_1879 = arith.constant 2 : i32
    %swap3A_1880 = arith.index_cast %swap3A_1878 : i32 to index
    %swap3A_1881 = arith.index_cast %swap3A_1879 : i32 to index
    %swap3A_1882 = arith.constant 96 : index
    %swap3A_1883 = tpu.vector_load %arg9[%swap3A_1880, %swap3A_1881, %swap3A_1882] {strides = array<i32>} : memref<4x10x128xf32, #tpu.memory_space<vmem>>, vector<1x1x16xf32>,
    %swap3A_1884 = vector.shape_cast %swap3A_1883 : vector<1x1x16xf32> to vector<16xf32>
    %swap3A_1885 = vector.shape_cast %add3A_1877 : vector<16xf32> to vector<1x1x16xf32>
    tpu.vector_store %arg9[%swap3A_1880, %swap3A_1881, %swap3A_1882], %swap3A_1885 {strides = array<i32>} : memref<4x10x128xf32, #tpu.memory_space<vmem>>, vector<1x1x16xf32>,
    %mul3A_1886 = vector.broadcast %squeeze3A_46 : f32 to vector<16xf32>
    %mul3A_1887 = arith.mulf %convert_element_type3A_1849, %mul3A_1886 : vector<16xf32>
    %add3A_1888 = vector.broadcast %squeeze3A_66 : f32 to vector<16xf32>
    %add3A_1889 = arith.addf %mul3A_1887, %add3A_1888 : vector<16xf32>
    %swap3A_1890 = arith.constant 1 : i32
    %swap3A_1891 = arith.constant 3 : i32
    %swap3A_1892 = arith.index_cast %swap3A_1890 : i32 to index
    %swap3A_1893 = arith.index_cast %swap3A_1891 : i32 to index
    %swap3A_1894 = arith.constant 96 : index
    %swap3A_1895 = tpu.vector_load %arg9[%swap3A_1892, %swap3A_1893, %swap3A_1894] {strides = array<i32>} : memref<4x10x128xf32, #tpu.memory_space<vmem>>, vector<1x1x16xf32>,
    %swap3A_1896 = vector.shape_cast %swap3A_1895 : vector<1x1x16xf32> to vector<16xf32>
    %swap3A_1897 = vector.shape_cast %add3A_1889 : vector<16xf32> to vector<1x1x16xf32>
    tpu.vector_store %arg9[%swap3A_1892, %swap3A_1893, %swap3A_1894], %swap3A_1897 {strides = array<i32>} : memref<4x10x128xf32, #tpu.memory_space<vmem>>, vector<1x1x16xf32>,
    %mul3A_1898 = vector.broadcast %squeeze3A_48 : f32 to vector<16xf32>
    %mul3A_1899 = arith.mulf %convert_element_type3A_1849, %mul3A_1898 : vector<16xf32>
    %add3A_1900 = vector.broadcast %squeeze3A_68 : f32 to vector<16xf32>
    %add3A_1901 = arith.addf %mul3A_1899, %add3A_1900 : vector<16xf32>
    %swap3A_1902 = arith.constant 1 : i32
    %swap3A_1903 = arith.constant 4 : i32
    %swap3A_1904 = arith.index_cast %swap3A_1902 : i32 to index
    %swap3A_1905 = arith.index_cast %swap3A_1903 : i32 to index
    %swap3A_1906 = arith.constant 96 : index
    %swap3A_1907 = tpu.vector_load %arg9[%swap3A_1904, %swap3A_1905, %swap3A_1906] {strides = array<i32>} : memref<4x10x128xf32, #tpu.memory_space<vmem>>, vector<1x1x16xf32>,
    %swap3A_1908 = vector.shape_cast %swap3A_1907 : vector<1x1x16xf32> to vector<16xf32>
    %swap3A_1909 = vector.shape_cast %add3A_1901 : vector<16xf32> to vector<1x1x16xf32>
    tpu.vector_store %arg9[%swap3A_1904, %swap3A_1905, %swap3A_1906], %swap3A_1909 {strides = array<i32>} : memref<4x10x128xf32, #tpu.memory_space<vmem>>, vector<1x1x16xf32>,
    %mul3A_1910 = vector.broadcast %squeeze3A_50 : f32 to vector<16xf32>
    %mul3A_1911 = arith.mulf %convert_element_type3A_1849, %mul3A_1910 : vector<16xf32>
    %add3A_1912 = vector.broadcast %squeeze3A_70 : f32 to vector<16xf32>
    %add3A_1913 = arith.addf %mul3A_1911, %add3A_1912 : vector<16xf32>
    %swap3A_1914 = arith.constant 1 : i32
    %swap3A_1915 = arith.constant 5 : i32
    %swap3A_1916 = arith.index_cast %swap3A_1914 : i32 to index
    %swap3A_1917 = arith.index_cast %swap3A_1915 : i32 to index
    %swap3A_1918 = arith.constant 96 : index
    %swap3A_1919 = tpu.vector_load %arg9[%swap3A_1916, %swap3A_1917, %swap3A_1918] {strides = array<i32>} : memref<4x10x128xf32, #tpu.memory_space<vmem>>, vector<1x1x16xf32>,
    %swap3A_1920 = vector.shape_cast %swap3A_1919 : vector<1x1x16xf32> to vector<16xf32>
    %swap3A_1921 = vector.shape_cast %add3A_1913 : vector<16xf32> to vector<1x1x16xf32>
    tpu.vector_store %arg9[%swap3A_1916, %swap3A_1917, %swap3A_1918], %swap3A_1921 {strides = array<i32>} : memref<4x10x128xf32, #tpu.memory_space<vmem>>, vector<1x1x16xf32>,
    %mul3A_1922 = vector.broadcast %squeeze3A_52 : f32 to vector<16xf32>
    %mul3A_1923 = arith.mulf %convert_element_type3A_1849, %mul3A_1922 : vector<16xf32>
    %add3A_1924 = vector.broadcast %squeeze3A_72 : f32 to vector<16xf32>
    %add3A_1925 = arith.addf %mul3A_1923, %add3A_1924 : vector<16xf32>
    %swap3A_1926 = arith.constant 1 : i32
    %swap3A_1927 = arith.constant 6 : i32
    %swap3A_1928 = arith.index_cast %swap3A_1926 : i32 to index
    %swap3A_1929 = arith.index_cast %swap3A_1927 : i32 to index
    %swap3A_1930 = arith.constant 96 : index
    %swap3A_1931 = tpu.vector_load %arg9[%swap3A_1928, %swap3A_1929, %swap3A_1930] {strides = array<i32>} : memref<4x10x128xf32, #tpu.memory_space<vmem>>, vector<1x1x16xf32>,
    %swap3A_1932 = vector.shape_cast %swap3A_1931 : vector<1x1x16xf32> to vector<16xf32>
    %swap3A_1933 = vector.shape_cast %add3A_1925 : vector<16xf32> to vector<1x1x16xf32>
    tpu.vector_store %arg9[%swap3A_1928, %swap3A_1929, %swap3A_1930], %swap3A_1933 {strides = array<i32>} : memref<4x10x128xf32, #tpu.memory_space<vmem>>, vector<1x1x16xf32>,
    %mul3A_1934 = vector.broadcast %squeeze3A_54 : f32 to vector<16xf32>
    %mul3A_1935 = arith.mulf %convert_element_type3A_1849, %mul3A_1934 : vector<16xf32>
    %add3A_1936 = vector.broadcast %squeeze3A_74 : f32 to vector<16xf32>
    %add3A_1937 = arith.addf %mul3A_1935, %add3A_1936 : vector<16xf32>
    %swap3A_1938 = arith.constant 1 : i32
    %swap3A_1939 = arith.constant 7 : i32
    %swap3A_1940 = arith.index_cast %swap3A_1938 : i32 to index
    %swap3A_1941 = arith.index_cast %swap3A_1939 : i32 to index
    %swap3A_1942 = arith.constant 96 : index
    %swap3A_1943 = tpu.vector_load %arg9[%swap3A_1940, %swap3A_1941, %swap3A_1942] {strides = array<i32>} : memref<4x10x128xf32, #tpu.memory_space<vmem>>, vector<1x1x16xf32>,
    %swap3A_1944 = vector.shape_cast %swap3A_1943 : vector<1x1x16xf32> to vector<16xf32>
    %swap3A_1945 = vector.shape_cast %add3A_1937 : vector<16xf32> to vector<1x1x16xf32>
    tpu.vector_store %arg9[%swap3A_1940, %swap3A_1941, %swap3A_1942], %swap3A_1945 {strides = array<i32>} : memref<4x10x128xf32, #tpu.memory_space<vmem>>, vector<1x1x16xf32>,
    %mul3A_1946 = vector.broadcast %squeeze3A_56 : f32 to vector<16xf32>
    %mul3A_1947 = arith.mulf %convert_element_type3A_1849, %mul3A_1946 : vector<16xf32>
    %add3A_1948 = vector.broadcast %squeeze3A_76 : f32 to vector<16xf32>
    %add3A_1949 = arith.addf %mul3A_1947, %add3A_1948 : vector<16xf32>
    %swap3A_1950 = arith.constant 1 : i32
    %swap3A_1951 = arith.constant 8 : i32
    %swap3A_1952 = arith.index_cast %swap3A_1950 : i32 to index
    %swap3A_1953 = arith.index_cast %swap3A_1951 : i32 to index
    %swap3A_1954 = arith.constant 96 : index
    %swap3A_1955 = tpu.vector_load %arg9[%swap3A_1952, %swap3A_1953, %swap3A_1954] {strides = array<i32>} : memref<4x10x128xf32, #tpu.memory_space<vmem>>, vector<1x1x16xf32>,
    %swap3A_1956 = vector.shape_cast %swap3A_1955 : vector<1x1x16xf32> to vector<16xf32>
    %swap3A_1957 = vector.shape_cast %add3A_1949 : vector<16xf32> to vector<1x1x16xf32>
    tpu.vector_store %arg9[%swap3A_1952, %swap3A_1953, %swap3A_1954], %swap3A_1957 {strides = array<i32>} : memref<4x10x128xf32, #tpu.memory_space<vmem>>, vector<1x1x16xf32>,
    %mul3A_1958 = vector.broadcast %squeeze3A_58 : f32 to vector<16xf32>
    %mul3A_1959 = arith.mulf %convert_element_type3A_1849, %mul3A_1958 : vector<16xf32>
    %add3A_1960 = vector.broadcast %squeeze3A_78 : f32 to vector<16xf32>
    %add3A_1961 = arith.addf %mul3A_1959, %add3A_1960 : vector<16xf32>
    %swap3A_1962 = arith.constant 1 : i32
    %swap3A_1963 = arith.constant 9 : i32
    %swap3A_1964 = arith.index_cast %swap3A_1962 : i32 to index
    %swap3A_1965 = arith.index_cast %swap3A_1963 : i32 to index
    %swap3A_1966 = arith.constant 96 : index
    %swap3A_1967 = tpu.vector_load %arg9[%swap3A_1964, %swap3A_1965, %swap3A_1966] {strides = array<i32>} : memref<4x10x128xf32, #tpu.memory_space<vmem>>, vector<1x1x16xf32>,
    %swap3A_1968 = vector.shape_cast %swap3A_1967 : vector<1x1x16xf32> to vector<16xf32>
    %swap3A_1969 = vector.shape_cast %add3A_1961 : vector<16xf32> to vector<1x1x16xf32>
    tpu.vector_store %arg9[%swap3A_1964, %swap3A_1965, %swap3A_1966], %swap3A_1969 {strides = array<i32>} : memref<4x10x128xf32, #tpu.memory_space<vmem>>, vector<1x1x16xf32>,
    %get3A_1970 = arith.constant 240 : index
    %get3A_1971 = tpu.vector_load %arg7[%get3A_1970] {strides = array<i32>} : memref<512xi32, #tpu.memory_space<vmem>>, vector<16xi32>,
    %get3A_1972 = vector.shape_cast %get3A_1971 : vector<16xi32> to vector<16xi32>
    %convert_element_type3A_1973 = arith.sitofp %get3A_1972 : vector<16xi32> to vector<16xf32>
    %mul3A_1974 = vector.broadcast %squeeze3A : f32 to vector<16xf32>
    %mul3A_1975 = arith.mulf %convert_element_type3A_1973, %mul3A_1974 : vector<16xf32>
    %add3A_1976 = vector.broadcast %squeeze3A_60 : f32 to vector<16xf32>
    %add3A_1977 = arith.addf %mul3A_1975, %add3A_1976 : vector<16xf32>
    %swap3A_1978 = arith.constant 1 : i32
    %swap3A_1979 = arith.constant 0 : i32
    %swap3A_1980 = arith.index_cast %swap3A_1978 : i32 to index
    %swap3A_1981 = arith.index_cast %swap3A_1979 : i32 to index
    %swap3A_1982 = arith.constant 112 : index
    %swap3A_1983 = tpu.vector_load %arg9[%swap3A_1980, %swap3A_1981, %swap3A_1982] {strides = array<i32>} : memref<4x10x128xf32, #tpu.memory_space<vmem>>, vector<1x1x16xf32>,
    %swap3A_1984 = vector.shape_cast %swap3A_1983 : vector<1x1x16xf32> to vector<16xf32>
    %swap3A_1985 = vector.shape_cast %add3A_1977 : vector<16xf32> to vector<1x1x16xf32>
    tpu.vector_store %arg9[%swap3A_1980, %swap3A_1981, %swap3A_1982], %swap3A_1985 {strides = array<i32>} : memref<4x10x128xf32, #tpu.memory_space<vmem>>, vector<1x1x16xf32>,
    %mul3A_1986 = vector.broadcast %squeeze3A_42 : f32 to vector<16xf32>
    %mul3A_1987 = arith.mulf %convert_element_type3A_1973, %mul3A_1986 : vector<16xf32>
    %add3A_1988 = vector.broadcast %squeeze3A_62 : f32 to vector<16xf32>
    %add3A_1989 = arith.addf %mul3A_1987, %add3A_1988 : vector<16xf32>
    %swap3A_1990 = arith.constant 1 : i32
    %swap3A_1991 = arith.constant 1 : i32
    %swap3A_1992 = arith.index_cast %swap3A_1990 : i32 to index
    %swap3A_1993 = arith.index_cast %swap3A_1991 : i32 to index
    %swap3A_1994 = arith.constant 112 : index
    %swap3A_1995 = tpu.vector_load %arg9[%swap3A_1992, %swap3A_1993, %swap3A_1994] {strides = array<i32>} : memref<4x10x128xf32, #tpu.memory_space<vmem>>, vector<1x1x16xf32>,
    %swap3A_1996 = vector.shape_cast %swap3A_1995 : vector<1x1x16xf32> to vector<16xf32>
    %swap3A_1997 = vector.shape_cast %add3A_1989 : vector<16xf32> to vector<1x1x16xf32>
    tpu.vector_store %arg9[%swap3A_1992, %swap3A_1993, %swap3A_1994], %swap3A_1997 {strides = array<i32>} : memref<4x10x128xf32, #tpu.memory_space<vmem>>, vector<1x1x16xf32>,
    %mul3A_1998 = vector.broadcast %squeeze3A_44 : f32 to vector<16xf32>
    %mul3A_1999 = arith.mulf %convert_element_type3A_1973, %mul3A_1998 : vector<16xf32>
    %add3A_2000 = vector.broadcast %squeeze3A_64 : f32 to vector<16xf32>
    %add3A_2001 = arith.addf %mul3A_1999, %add3A_2000 : vector<16xf32>
    %swap3A_2002 = arith.constant 1 : i32
    %swap3A_2003 = arith.constant 2 : i32
    %swap3A_2004 = arith.index_cast %swap3A_2002 : i32 to index
    %swap3A_2005 = arith.index_cast %swap3A_2003 : i32 to index
    %swap3A_2006 = arith.constant 112 : index
    %swap3A_2007 = tpu.vector_load %arg9[%swap3A_2004, %swap3A_2005, %swap3A_2006] {strides = array<i32>} : memref<4x10x128xf32, #tpu.memory_space<vmem>>, vector<1x1x16xf32>,
    %swap3A_2008 = vector.shape_cast %swap3A_2007 : vector<1x1x16xf32> to vector<16xf32>
    %swap3A_2009 = vector.shape_cast %add3A_2001 : vector<16xf32> to vector<1x1x16xf32>
    tpu.vector_store %arg9[%swap3A_2004, %swap3A_2005, %swap3A_2006], %swap3A_2009 {strides = array<i32>} : memref<4x10x128xf32, #tpu.memory_space<vmem>>, vector<1x1x16xf32>,
    %mul3A_2010 = vector.broadcast %squeeze3A_46 : f32 to vector<16xf32>
    %mul3A_2011 = arith.mulf %convert_element_type3A_1973, %mul3A_2010 : vector<16xf32>
    %add3A_2012 = vector.broadcast %squeeze3A_66 : f32 to vector<16xf32>
    %add3A_2013 = arith.addf %mul3A_2011, %add3A_2012 : vector<16xf32>
    %swap3A_2014 = arith.constant 1 : i32
    %swap3A_2015 = arith.constant 3 : i32
    %swap3A_2016 = arith.index_cast %swap3A_2014 : i32 to index
    %swap3A_2017 = arith.index_cast %swap3A_2015 : i32 to index
    %swap3A_2018 = arith.constant 112 : index
    %swap3A_2019 = tpu.vector_load %arg9[%swap3A_2016, %swap3A_2017, %swap3A_2018] {strides = array<i32>} : memref<4x10x128xf32, #tpu.memory_space<vmem>>, vector<1x1x16xf32>,
    %swap3A_2020 = vector.shape_cast %swap3A_2019 : vector<1x1x16xf32> to vector<16xf32>
    %swap3A_2021 = vector.shape_cast %add3A_2013 : vector<16xf32> to vector<1x1x16xf32>
    tpu.vector_store %arg9[%swap3A_2016, %swap3A_2017, %swap3A_2018], %swap3A_2021 {strides = array<i32>} : memref<4x10x128xf32, #tpu.memory_space<vmem>>, vector<1x1x16xf32>,
    %mul3A_2022 = vector.broadcast %squeeze3A_48 : f32 to vector<16xf32>
    %mul3A_2023 = arith.mulf %convert_element_type3A_1973, %mul3A_2022 : vector<16xf32>
    %add3A_2024 = vector.broadcast %squeeze3A_68 : f32 to vector<16xf32>
    %add3A_2025 = arith.addf %mul3A_2023, %add3A_2024 : vector<16xf32>
    %swap3A_2026 = arith.constant 1 : i32
    %swap3A_2027 = arith.constant 4 : i32
    %swap3A_2028 = arith.index_cast %swap3A_2026 : i32 to index
    %swap3A_2029 = arith.index_cast %swap3A_2027 : i32 to index
    %swap3A_2030 = arith.constant 112 : index
    %swap3A_2031 = tpu.vector_load %arg9[%swap3A_2028, %swap3A_2029, %swap3A_2030] {strides = array<i32>} : memref<4x10x128xf32, #tpu.memory_space<vmem>>, vector<1x1x16xf32>,
    %swap3A_2032 = vector.shape_cast %swap3A_2031 : vector<1x1x16xf32> to vector<16xf32>
    %swap3A_2033 = vector.shape_cast %add3A_2025 : vector<16xf32> to vector<1x1x16xf32>
    tpu.vector_store %arg9[%swap3A_2028, %swap3A_2029, %swap3A_2030], %swap3A_2033 {strides = array<i32>} : memref<4x10x128xf32, #tpu.memory_space<vmem>>, vector<1x1x16xf32>,
    %mul3A_2034 = vector.broadcast %squeeze3A_50 : f32 to vector<16xf32>
    %mul3A_2035 = arith.mulf %convert_element_type3A_1973, %mul3A_2034 : vector<16xf32>
    %add3A_2036 = vector.broadcast %squeeze3A_70 : f32 to vector<16xf32>
    %add3A_2037 = arith.addf %mul3A_2035, %add3A_2036 : vector<16xf32>
    %swap3A_2038 = arith.constant 1 : i32
    %swap3A_2039 = arith.constant 5 : i32
    %swap3A_2040 = arith.index_cast %swap3A_2038 : i32 to index
    %swap3A_2041 = arith.index_cast %swap3A_2039 : i32 to index
    %swap3A_2042 = arith.constant 112 : index
    %swap3A_2043 = tpu.vector_load %arg9[%swap3A_2040, %swap3A_2041, %swap3A_2042] {strides = array<i32>} : memref<4x10x128xf32, #tpu.memory_space<vmem>>, vector<1x1x16xf32>,
    %swap3A_2044 = vector.shape_cast %swap3A_2043 : vector<1x1x16xf32> to vector<16xf32>
    %swap3A_2045 = vector.shape_cast %add3A_2037 : vector<16xf32> to vector<1x1x16xf32>
    tpu.vector_store %arg9[%swap3A_2040, %swap3A_2041, %swap3A_2042], %swap3A_2045 {strides = array<i32>} : memref<4x10x128xf32, #tpu.memory_space<vmem>>, vector<1x1x16xf32>,
    %mul3A_2046 = vector.broadcast %squeeze3A_52 : f32 to vector<16xf32>
    %mul3A_2047 = arith.mulf %convert_element_type3A_1973, %mul3A_2046 : vector<16xf32>
    %add3A_2048 = vector.broadcast %squeeze3A_72 : f32 to vector<16xf32>
    %add3A_2049 = arith.addf %mul3A_2047, %add3A_2048 : vector<16xf32>
    %swap3A_2050 = arith.constant 1 : i32
    %swap3A_2051 = arith.constant 6 : i32
    %swap3A_2052 = arith.index_cast %swap3A_2050 : i32 to index
    %swap3A_2053 = arith.index_cast %swap3A_2051 : i32 to index
    %swap3A_2054 = arith.constant 112 : index
    %swap3A_2055 = tpu.vector_load %arg9[%swap3A_2052, %swap3A_2053, %swap3A_2054] {strides = array<i32>} : memref<4x10x128xf32, #tpu.memory_space<vmem>>, vector<1x1x16xf32>,
    %swap3A_2056 = vector.shape_cast %swap3A_2055 : vector<1x1x16xf32> to vector<16xf32>
    %swap3A_2057 = vector.shape_cast %add3A_2049 : vector<16xf32> to vector<1x1x16xf32>
    tpu.vector_store %arg9[%swap3A_2052, %swap3A_2053, %swap3A_2054], %swap3A_2057 {strides = array<i32>} : memref<4x10x128xf32, #tpu.memory_space<vmem>>, vector<1x1x16xf32>,
    %mul3A_2058 = vector.broadcast %squeeze3A_54 : f32 to vector<16xf32>
    %mul3A_2059 = arith.mulf %convert_element_type3A_1973, %mul3A_2058 : vector<16xf32>
    %add3A_2060 = vector.broadcast %squeeze3A_74 : f32 to vector<16xf32>
    %add3A_2061 = arith.addf %mul3A_2059, %add3A_2060 : vector<16xf32>
    %swap3A_2062 = arith.constant 1 : i32
    %swap3A_2063 = arith.constant 7 : i32
    %swap3A_2064 = arith.index_cast %swap3A_2062 : i32 to index
    %swap3A_2065 = arith.index_cast %swap3A_2063 : i32 to index
    %swap3A_2066 = arith.constant 112 : index
    %swap3A_2067 = tpu.vector_load %arg9[%swap3A_2064, %swap3A_2065, %swap3A_2066] {strides = array<i32>} : memref<4x10x128xf32, #tpu.memory_space<vmem>>, vector<1x1x16xf32>,
    %swap3A_2068 = vector.shape_cast %swap3A_2067 : vector<1x1x16xf32> to vector<16xf32>
    %swap3A_2069 = vector.shape_cast %add3A_2061 : vector<16xf32> to vector<1x1x16xf32>
    tpu.vector_store %arg9[%swap3A_2064, %swap3A_2065, %swap3A_2066], %swap3A_2069 {strides = array<i32>} : memref<4x10x128xf32, #tpu.memory_space<vmem>>, vector<1x1x16xf32>,
    %mul3A_2070 = vector.broadcast %squeeze3A_56 : f32 to vector<16xf32>
    %mul3A_2071 = arith.mulf %convert_element_type3A_1973, %mul3A_2070 : vector<16xf32>
    %add3A_2072 = vector.broadcast %squeeze3A_76 : f32 to vector<16xf32>
    %add3A_2073 = arith.addf %mul3A_2071, %add3A_2072 : vector<16xf32>
    %swap3A_2074 = arith.constant 1 : i32
    %swap3A_2075 = arith.constant 8 : i32
    %swap3A_2076 = arith.index_cast %swap3A_2074 : i32 to index
    %swap3A_2077 = arith.index_cast %swap3A_2075 : i32 to index
    %swap3A_2078 = arith.constant 112 : index
    %swap3A_2079 = tpu.vector_load %arg9[%swap3A_2076, %swap3A_2077, %swap3A_2078] {strides = array<i32>} : memref<4x10x128xf32, #tpu.memory_space<vmem>>, vector<1x1x16xf32>,
    %swap3A_2080 = vector.shape_cast %swap3A_2079 : vector<1x1x16xf32> to vector<16xf32>
    %swap3A_2081 = vector.shape_cast %add3A_2073 : vector<16xf32> to vector<1x1x16xf32>
    tpu.vector_store %arg9[%swap3A_2076, %swap3A_2077, %swap3A_2078], %swap3A_2081 {strides = array<i32>} : memref<4x10x128xf32, #tpu.memory_space<vmem>>, vector<1x1x16xf32>,
    %mul3A_2082 = vector.broadcast %squeeze3A_58 : f32 to vector<16xf32>
    %mul3A_2083 = arith.mulf %convert_element_type3A_1973, %mul3A_2082 : vector<16xf32>
    %add3A_2084 = vector.broadcast %squeeze3A_78 : f32 to vector<16xf32>
    %add3A_2085 = arith.addf %mul3A_2083, %add3A_2084 : vector<16xf32>
    %swap3A_2086 = arith.constant 1 : i32
    %swap3A_2087 = arith.constant 9 : i32
    %swap3A_2088 = arith.index_cast %swap3A_2086 : i32 to index
    %swap3A_2089 = arith.index_cast %swap3A_2087 : i32 to index
    %swap3A_2090 = arith.constant 112 : index
    %swap3A_2091 = tpu.vector_load %arg9[%swap3A_2088, %swap3A_2089, %swap3A_2090] {strides = array<i32>} : memref<4x10x128xf32, #tpu.memory_space<vmem>>, vector<1x1x16xf32>,
    %swap3A_2092 = vector.shape_cast %swap3A_2091 : vector<1x1x16xf32> to vector<16xf32>
    %swap3A_2093 = vector.shape_cast %add3A_2085 : vector<16xf32> to vector<1x1x16xf32>
    tpu.vector_store %arg9[%swap3A_2088, %swap3A_2089, %swap3A_2090], %swap3A_2093 {strides = array<i32>} : memref<4x10x128xf32, #tpu.memory_space<vmem>>, vector<1x1x16xf32>,
    %dma_start3A_2094 = arith.constant 1 : i32
    %dma_start3A_2095 = arith.constant 1 : i32
    %dma_start3A_2096 = arith.constant 0 : i32
    %dma_start3A_2097 = arith.constant 0 : i32
    %dma_start3A_2098 = tpu.memref_slice %arg9[%dma_start3A_2094, %dma_start3A_2096, %dma_start3A_2097] : memref<4x10x128xf32, #tpu.memory_space<vmem>> -> memref<1x10x128xf32, #tpu.memory_space<vmem>>
    %dma_start3A_2099 = tpu.memref_squeeze %dma_start3A_2098 : memref<1x10x128xf32, #tpu.memory_space<vmem>> -> memref<10x128xf32, #tpu.memory_space<vmem>>
    %dma_start3A_2100 = arith.constant 0 : i32
    %dma_start3A_2101 = arith.constant 0 : i32
    %dma_start3A_2102 = tpu.memref_slice %arg5[%add3A, %dma_start3A_2095, %dma_start3A_2100, %dma_start3A_2101] : memref<32x4x10x128xf32, #tpu.memory_space<hbm>> -> memref<1x1x10x128xf32, #tpu.memory_space<hbm>>
    %dma_start3A_2103 = tpu.memref_squeeze %dma_start3A_2102 : memref<1x1x10x128xf32, #tpu.memory_space<hbm>> -> memref<10x128xf32, #tpu.memory_space<hbm>>
    %dma_start3A_2104 = arith.constant 0 : i32
    %dma_start3A_2105 = arith.constant 0 : i32
    %dma_start3A_2106 = tpu.memref_slice %arg5[%add3A, %dma_start3A_2095, %dma_start3A_2104, %dma_start3A_2105] : memref<32x4x10x128xf32, #tpu.memory_space<hbm>> -> memref<1x1x10x128xf32, #tpu.memory_space<hbm>>
    %dma_start3A_2107 = tpu.memref_squeeze %dma_start3A_2106 : memref<1x1x10x128xf32, #tpu.memory_space<hbm>> -> memref<10x128xf32, #tpu.memory_space<hbm>>
    %dma_start3A_2108 = arith.constant 0 : i32
    %dma_start3A_2109 = arith.constant 0 : i32
    %dma_start3A_2110 = tpu.memref_slice %arg9[%dma_start3A_2094, %dma_start3A_2108, %dma_start3A_2109] : memref<4x10x128xf32, #tpu.memory_space<vmem>> -> memref<1x10x128xf32, #tpu.memory_space<vmem>>
    %dma_start3A_2111 = tpu.memref_squeeze %dma_start3A_2110 : memref<1x10x128xf32, #tpu.memory_space<vmem>> -> memref<10x128xf32, #tpu.memory_space<vmem>>
    tpu.enqueue_dma source(%dma_start3A_2111 : memref<10x128xf32, #tpu.memory_space<vmem>>) target(%dma_start3A_2107 : memref<10x128xf32, #tpu.memory_space<hbm>>) target_semaphore(%arg15 : memref<!tpu.dma_semaphore, #tpu.memory_space<semaphore_mem>>)
    %dma_wait3A_2112 = arith.constant 2 : i32
    %dma_wait3A_2113 = arith.constant 256 : i32
    %dma_wait3A_2114 = tpu.memref_slice %arg7[%dma_wait3A_2113] : memref<512xi32, #tpu.memory_space<vmem>> -> memref<128xi32, #tpu.memory_space<vmem>>
    %dma_wait3A_2115 = arith.constant 0 : i32
    %dma_wait3A_2116 = tpu.memref_slice %arg6[%dma_wait3A_2112, %dma_wait3A_2115] : memref<4x128xi32, #tpu.memory_space<vmem>> -> memref<1x128xi32, #tpu.memory_space<vmem>>
    %dma_wait3A_2117 = tpu.memref_squeeze %dma_wait3A_2116 : memref<1x128xi32, #tpu.memory_space<vmem>> -> memref<128xi32, #tpu.memory_space<vmem>>
    %dma_wait3A_2118 = arith.constant 0 : i32
    %dma_wait3A_2119 = tpu.memref_slice %arg2[%dma_wait3A_2118] : memref<1000000xi32, #tpu.memory_space<hbm>> -> memref<1000000xi32, #tpu.memory_space<hbm>>
    tpu.wait_indirect_dma semaphore(%arg13 : memref<!tpu.dma_semaphore, #tpu.memory_space<semaphore_mem>>) src(%dma_wait3A_2119 : memref<1000000xi32, #tpu.memory_space<hbm>>) dst(%dma_wait3A_2114 : memref<128xi32, #tpu.memory_space<vmem>>)
    %get3A_2120 = arith.constant 256 : index
    %get3A_2121 = tpu.vector_load %arg7[%get3A_2120] {strides = array<i32>} : memref<512xi32, #tpu.memory_space<vmem>>, vector<16xi32>,
    %get3A_2122 = vector.shape_cast %get3A_2121 : vector<16xi32> to vector<16xi32>
    %convert_element_type3A_2123 = arith.sitofp %get3A_2122 : vector<16xi32> to vector<16xf32>
    %mul3A_2124 = vector.broadcast %squeeze3A : f32 to vector<16xf32>
    %mul3A_2125 = arith.mulf %convert_element_type3A_2123, %mul3A_2124 : vector<16xf32>
    %add3A_2126 = vector.broadcast %squeeze3A_60 : f32 to vector<16xf32>
    %add3A_2127 = arith.addf %mul3A_2125, %add3A_2126 : vector<16xf32>
    %swap3A_2128 = arith.constant 2 : i32
    %swap3A_2129 = arith.constant 0 : i32
    %swap3A_2130 = arith.index_cast %swap3A_2128 : i32 to index
    %swap3A_2131 = arith.index_cast %swap3A_2129 : i32 to index
    %swap3A_2132 = arith.constant 0 : index
    %swap3A_2133 = tpu.vector_load %arg9[%swap3A_2130, %swap3A_2131, %swap3A_2132] {strides = array<i32>} : memref<4x10x128xf32, #tpu.memory_space<vmem>>, vector<1x1x16xf32>,
    %swap3A_2134 = vector.shape_cast %swap3A_2133 : vector<1x1x16xf32> to vector<16xf32>
    %swap3A_2135 = vector.shape_cast %add3A_2127 : vector<16xf32> to vector<1x1x16xf32>
    tpu.vector_store %arg9[%swap3A_2130, %swap3A_2131, %swap3A_2132], %swap3A_2135 {strides = array<i32>} : memref<4x10x128xf32, #tpu.memory_space<vmem>>, vector<1x1x16xf32>,
    %mul3A_2136 = vector.broadcast %squeeze3A_42 : f32 to vector<16xf32>
    %mul3A_2137 = arith.mulf %convert_element_type3A_2123, %mul3A_2136 : vector<16xf32>
    %add3A_2138 = vector.broadcast %squeeze3A_62 : f32 to vector<16xf32>
    %add3A_2139 = arith.addf %mul3A_2137, %add3A_2138 : vector<16xf32>
    %swap3A_2140 = arith.constant 2 : i32
    %swap3A_2141 = arith.constant 1 : i32
    %swap3A_2142 = arith.index_cast %swap3A_2140 : i32 to index
    %swap3A_2143 = arith.index_cast %swap3A_2141 : i32 to index
    %swap3A_2144 = arith.constant 0 : index
    %swap3A_2145 = tpu.vector_load %arg9[%swap3A_2142, %swap3A_2143, %swap3A_2144] {strides = array<i32>} : memref<4x10x128xf32, #tpu.memory_space<vmem>>, vector<1x1x16xf32>,
    %swap3A_2146 = vector.shape_cast %swap3A_2145 : vector<1x1x16xf32> to vector<16xf32>
    %swap3A_2147 = vector.shape_cast %add3A_2139 : vector<16xf32> to vector<1x1x16xf32>
    tpu.vector_store %arg9[%swap3A_2142, %swap3A_2143, %swap3A_2144], %swap3A_2147 {strides = array<i32>} : memref<4x10x128xf32, #tpu.memory_space<vmem>>, vector<1x1x16xf32>,
    %mul3A_2148 = vector.broadcast %squeeze3A_44 : f32 to vector<16xf32>
    %mul3A_2149 = arith.mulf %convert_element_type3A_2123, %mul3A_2148 : vector<16xf32>
    %add3A_2150 = vector.broadcast %squeeze3A_64 : f32 to vector<16xf32>
    %add3A_2151 = arith.addf %mul3A_2149, %add3A_2150 : vector<16xf32>
    %swap3A_2152 = arith.constant 2 : i32
    %swap3A_2153 = arith.constant 2 : i32
    %swap3A_2154 = arith.index_cast %swap3A_2152 : i32 to index
    %swap3A_2155 = arith.index_cast %swap3A_2153 : i32 to index
    %swap3A_2156 = arith.constant 0 : index
    %swap3A_2157 = tpu.vector_load %arg9[%swap3A_2154, %swap3A_2155, %swap3A_2156] {strides = array<i32>} : memref<4x10x128xf32, #tpu.memory_space<vmem>>, vector<1x1x16xf32>,
    %swap3A_2158 = vector.shape_cast %swap3A_2157 : vector<1x1x16xf32> to vector<16xf32>
    %swap3A_2159 = vector.shape_cast %add3A_2151 : vector<16xf32> to vector<1x1x16xf32>
    tpu.vector_store %arg9[%swap3A_2154, %swap3A_2155, %swap3A_2156], %swap3A_2159 {strides = array<i32>} : memref<4x10x128xf32, #tpu.memory_space<vmem>>, vector<1x1x16xf32>,
    %mul3A_2160 = vector.broadcast %squeeze3A_46 : f32 to vector<16xf32>
    %mul3A_2161 = arith.mulf %convert_element_type3A_2123, %mul3A_2160 : vector<16xf32>
    %add3A_2162 = vector.broadcast %squeeze3A_66 : f32 to vector<16xf32>
    %add3A_2163 = arith.addf %mul3A_2161, %add3A_2162 : vector<16xf32>
    %swap3A_2164 = arith.constant 2 : i32
    %swap3A_2165 = arith.constant 3 : i32
    %swap3A_2166 = arith.index_cast %swap3A_2164 : i32 to index
    %swap3A_2167 = arith.index_cast %swap3A_2165 : i32 to index
    %swap3A_2168 = arith.constant 0 : index
    %swap3A_2169 = tpu.vector_load %arg9[%swap3A_2166, %swap3A_2167, %swap3A_2168] {strides = array<i32>} : memref<4x10x128xf32, #tpu.memory_space<vmem>>, vector<1x1x16xf32>,
    %swap3A_2170 = vector.shape_cast %swap3A_2169 : vector<1x1x16xf32> to vector<16xf32>
    %swap3A_2171 = vector.shape_cast %add3A_2163 : vector<16xf32> to vector<1x1x16xf32>
    tpu.vector_store %arg9[%swap3A_2166, %swap3A_2167, %swap3A_2168], %swap3A_2171 {strides = array<i32>} : memref<4x10x128xf32, #tpu.memory_space<vmem>>, vector<1x1x16xf32>,
    %mul3A_2172 = vector.broadcast %squeeze3A_48 : f32 to vector<16xf32>
    %mul3A_2173 = arith.mulf %convert_element_type3A_2123, %mul3A_2172 : vector<16xf32>
    %add3A_2174 = vector.broadcast %squeeze3A_68 : f32 to vector<16xf32>
    %add3A_2175 = arith.addf %mul3A_2173, %add3A_2174 : vector<16xf32>
    %swap3A_2176 = arith.constant 2 : i32
    %swap3A_2177 = arith.constant 4 : i32
    %swap3A_2178 = arith.index_cast %swap3A_2176 : i32 to index
    %swap3A_2179 = arith.index_cast %swap3A_2177 : i32 to index
    %swap3A_2180 = arith.constant 0 : index
    %swap3A_2181 = tpu.vector_load %arg9[%swap3A_2178, %swap3A_2179, %swap3A_2180] {strides = array<i32>} : memref<4x10x128xf32, #tpu.memory_space<vmem>>, vector<1x1x16xf32>,
    %swap3A_2182 = vector.shape_cast %swap3A_2181 : vector<1x1x16xf32> to vector<16xf32>
    %swap3A_2183 = vector.shape_cast %add3A_2175 : vector<16xf32> to vector<1x1x16xf32>
    tpu.vector_store %arg9[%swap3A_2178, %swap3A_2179, %swap3A_2180], %swap3A_2183 {strides = array<i32>} : memref<4x10x128xf32, #tpu.memory_space<vmem>>, vector<1x1x16xf32>,
    %mul3A_2184 = vector.broadcast %squeeze3A_50 : f32 to vector<16xf32>
    %mul3A_2185 = arith.mulf %convert_element_type3A_2123, %mul3A_2184 : vector<16xf32>
    %add3A_2186 = vector.broadcast %squeeze3A_70 : f32 to vector<16xf32>
    %add3A_2187 = arith.addf %mul3A_2185, %add3A_2186 : vector<16xf32>
    %swap3A_2188 = arith.constant 2 : i32
    %swap3A_2189 = arith.constant 5 : i32
    %swap3A_2190 = arith.index_cast %swap3A_2188 : i32 to index
    %swap3A_2191 = arith.index_cast %swap3A_2189 : i32 to index
    %swap3A_2192 = arith.constant 0 : index
    %swap3A_2193 = tpu.vector_load %arg9[%swap3A_2190, %swap3A_2191, %swap3A_2192] {strides = array<i32>} : memref<4x10x128xf32, #tpu.memory_space<vmem>>, vector<1x1x16xf32>,
    %swap3A_2194 = vector.shape_cast %swap3A_2193 : vector<1x1x16xf32> to vector<16xf32>
    %swap3A_2195 = vector.shape_cast %add3A_2187 : vector<16xf32> to vector<1x1x16xf32>
    tpu.vector_store %arg9[%swap3A_2190, %swap3A_2191, %swap3A_2192], %swap3A_2195 {strides = array<i32>} : memref<4x10x128xf32, #tpu.memory_space<vmem>>, vector<1x1x16xf32>,
    %mul3A_2196 = vector.broadcast %squeeze3A_52 : f32 to vector<16xf32>
    %mul3A_2197 = arith.mulf %convert_element_type3A_2123, %mul3A_2196 : vector<16xf32>
    %add3A_2198 = vector.broadcast %squeeze3A_72 : f32 to vector<16xf32>
    %add3A_2199 = arith.addf %mul3A_2197, %add3A_2198 : vector<16xf32>
    %swap3A_2200 = arith.constant 2 : i32
    %swap3A_2201 = arith.constant 6 : i32
    %swap3A_2202 = arith.index_cast %swap3A_2200 : i32 to index
    %swap3A_2203 = arith.index_cast %swap3A_2201 : i32 to index
    %swap3A_2204 = arith.constant 0 : index
    %swap3A_2205 = tpu.vector_load %arg9[%swap3A_2202, %swap3A_2203, %swap3A_2204] {strides = array<i32>} : memref<4x10x128xf32, #tpu.memory_space<vmem>>, vector<1x1x16xf32>,
    %swap3A_2206 = vector.shape_cast %swap3A_2205 : vector<1x1x16xf32> to vector<16xf32>
    %swap3A_2207 = vector.shape_cast %add3A_2199 : vector<16xf32> to vector<1x1x16xf32>
    tpu.vector_store %arg9[%swap3A_2202, %swap3A_2203, %swap3A_2204], %swap3A_2207 {strides = array<i32>} : memref<4x10x128xf32, #tpu.memory_space<vmem>>, vector<1x1x16xf32>,
    %mul3A_2208 = vector.broadcast %squeeze3A_54 : f32 to vector<16xf32>
    %mul3A_2209 = arith.mulf %convert_element_type3A_2123, %mul3A_2208 : vector<16xf32>
    %add3A_2210 = vector.broadcast %squeeze3A_74 : f32 to vector<16xf32>
    %add3A_2211 = arith.addf %mul3A_2209, %add3A_2210 : vector<16xf32>
    %swap3A_2212 = arith.constant 2 : i32
    %swap3A_2213 = arith.constant 7 : i32
    %swap3A_2214 = arith.index_cast %swap3A_2212 : i32 to index
    %swap3A_2215 = arith.index_cast %swap3A_2213 : i32 to index
    %swap3A_2216 = arith.constant 0 : index
    %swap3A_2217 = tpu.vector_load %arg9[%swap3A_2214, %swap3A_2215, %swap3A_2216] {strides = array<i32>} : memref<4x10x128xf32, #tpu.memory_space<vmem>>, vector<1x1x16xf32>,
    %swap3A_2218 = vector.shape_cast %swap3A_2217 : vector<1x1x16xf32> to vector<16xf32>
    %swap3A_2219 = vector.shape_cast %add3A_2211 : vector<16xf32> to vector<1x1x16xf32>
    tpu.vector_store %arg9[%swap3A_2214, %swap3A_2215, %swap3A_2216], %swap3A_2219 {strides = array<i32>} : memref<4x10x128xf32, #tpu.memory_space<vmem>>, vector<1x1x16xf32>,
    %mul3A_2220 = vector.broadcast %squeeze3A_56 : f32 to vector<16xf32>
    %mul3A_2221 = arith.mulf %convert_element_type3A_2123, %mul3A_2220 : vector<16xf32>
    %add3A_2222 = vector.broadcast %squeeze3A_76 : f32 to vector<16xf32>
    %add3A_2223 = arith.addf %mul3A_2221, %add3A_2222 : vector<16xf32>
    %swap3A_2224 = arith.constant 2 : i32
    %swap3A_2225 = arith.constant 8 : i32
    %swap3A_2226 = arith.index_cast %swap3A_2224 : i32 to index
    %swap3A_2227 = arith.index_cast %swap3A_2225 : i32 to index
    %swap3A_2228 = arith.constant 0 : index
    %swap3A_2229 = tpu.vector_load %arg9[%swap3A_2226, %swap3A_2227, %swap3A_2228] {strides = array<i32>} : memref<4x10x128xf32, #tpu.memory_space<vmem>>, vector<1x1x16xf32>,
    %swap3A_2230 = vector.shape_cast %swap3A_2229 : vector<1x1x16xf32> to vector<16xf32>
    %swap3A_2231 = vector.shape_cast %add3A_2223 : vector<16xf32> to vector<1x1x16xf32>
    tpu.vector_store %arg9[%swap3A_2226, %swap3A_2227, %swap3A_2228], %swap3A_2231 {strides = array<i32>} : memref<4x10x128xf32, #tpu.memory_space<vmem>>, vector<1x1x16xf32>,
    %mul3A_2232 = vector.broadcast %squeeze3A_58 : f32 to vector<16xf32>
    %mul3A_2233 = arith.mulf %convert_element_type3A_2123, %mul3A_2232 : vector<16xf32>
    %add3A_2234 = vector.broadcast %squeeze3A_78 : f32 to vector<16xf32>
    %add3A_2235 = arith.addf %mul3A_2233, %add3A_2234 : vector<16xf32>
    %swap3A_2236 = arith.constant 2 : i32
    %swap3A_2237 = arith.constant 9 : i32
    %swap3A_2238 = arith.index_cast %swap3A_2236 : i32 to index
    %swap3A_2239 = arith.index_cast %swap3A_2237 : i32 to index
    %swap3A_2240 = arith.constant 0 : index
    %swap3A_2241 = tpu.vector_load %arg9[%swap3A_2238, %swap3A_2239, %swap3A_2240] {strides = array<i32>} : memref<4x10x128xf32, #tpu.memory_space<vmem>>, vector<1x1x16xf32>,
    %swap3A_2242 = vector.shape_cast %swap3A_2241 : vector<1x1x16xf32> to vector<16xf32>
    %swap3A_2243 = vector.shape_cast %add3A_2235 : vector<16xf32> to vector<1x1x16xf32>
    tpu.vector_store %arg9[%swap3A_2238, %swap3A_2239, %swap3A_2240], %swap3A_2243 {strides = array<i32>} : memref<4x10x128xf32, #tpu.memory_space<vmem>>, vector<1x1x16xf32>,
    %get3A_2244 = arith.constant 272 : index
    %get3A_2245 = tpu.vector_load %arg7[%get3A_2244] {strides = array<i32>} : memref<512xi32, #tpu.memory_space<vmem>>, vector<16xi32>,
    %get3A_2246 = vector.shape_cast %get3A_2245 : vector<16xi32> to vector<16xi32>
    %convert_element_type3A_2247 = arith.sitofp %get3A_2246 : vector<16xi32> to vector<16xf32>
    %mul3A_2248 = vector.broadcast %squeeze3A : f32 to vector<16xf32>
    %mul3A_2249 = arith.mulf %convert_element_type3A_2247, %mul3A_2248 : vector<16xf32>
    %add3A_2250 = vector.broadcast %squeeze3A_60 : f32 to vector<16xf32>
    %add3A_2251 = arith.addf %mul3A_2249, %add3A_2250 : vector<16xf32>
    %swap3A_2252 = arith.constant 2 : i32
    %swap3A_2253 = arith.constant 0 : i32
    %swap3A_2254 = arith.index_cast %swap3A_2252 : i32 to index
    %swap3A_2255 = arith.index_cast %swap3A_2253 : i32 to index
    %swap3A_2256 = arith.constant 16 : index
    %swap3A_2257 = tpu.vector_load %arg9[%swap3A_2254, %swap3A_2255, %swap3A_2256] {strides = array<i32>} : memref<4x10x128xf32, #tpu.memory_space<vmem>>, vector<1x1x16xf32>,
    %swap3A_2258 = vector.shape_cast %swap3A_2257 : vector<1x1x16xf32> to vector<16xf32>
    %swap3A_2259 = vector.shape_cast %add3A_2251 : vector<16xf32> to vector<1x1x16xf32>
    tpu.vector_store %arg9[%swap3A_2254, %swap3A_2255, %swap3A_2256], %swap3A_2259 {strides = array<i32>} : memref<4x10x128xf32, #tpu.memory_space<vmem>>, vector<1x1x16xf32>,
    %mul3A_2260 = vector.broadcast %squeeze3A_42 : f32 to vector<16xf32>
    %mul3A_2261 = arith.mulf %convert_element_type3A_2247, %mul3A_2260 : vector<16xf32>
    %add3A_2262 = vector.broadcast %squeeze3A_62 : f32 to vector<16xf32>
    %add3A_2263 = arith.addf %mul3A_2261, %add3A_2262 : vector<16xf32>
    %swap3A_2264 = arith.constant 2 : i32
    %swap3A_2265 = arith.constant 1 : i32
    %swap3A_2266 = arith.index_cast %swap3A_2264 : i32 to index
    %swap3A_2267 = arith.index_cast %swap3A_2265 : i32 to index
    %swap3A_2268 = arith.constant 16 : index
    %swap3A_2269 = tpu.vector_load %arg9[%swap3A_2266, %swap3A_2267, %swap3A_2268] {strides = array<i32>} : memref<4x10x128xf32, #tpu.memory_space<vmem>>, vector<1x1x16xf32>,
    %swap3A_2270 = vector.shape_cast %swap3A_2269 : vector<1x1x16xf32> to vector<16xf32>
    %swap3A_2271 = vector.shape_cast %add3A_2263 : vector<16xf32> to vector<1x1x16xf32>
    tpu.vector_store %arg9[%swap3A_2266, %swap3A_2267, %swap3A_2268], %swap3A_2271 {strides = array<i32>} : memref<4x10x128xf32, #tpu.memory_space<vmem>>, vector<1x1x16xf32>,
    %mul3A_2272 = vector.broadcast %squeeze3A_44 : f32 to vector<16xf32>
    %mul3A_2273 = arith.mulf %convert_element_type3A_2247, %mul3A_2272 : vector<16xf32>
    %add3A_2274 = vector.broadcast %squeeze3A_64 : f32 to vector<16xf32>
    %add3A_2275 = arith.addf %mul3A_2273, %add3A_2274 : vector<16xf32>
    %swap3A_2276 = arith.constant 2 : i32
    %swap3A_2277 = arith.constant 2 : i32
    %swap3A_2278 = arith.index_cast %swap3A_2276 : i32 to index
    %swap3A_2279 = arith.index_cast %swap3A_2277 : i32 to index
    %swap3A_2280 = arith.constant 16 : index
    %swap3A_2281 = tpu.vector_load %arg9[%swap3A_2278, %swap3A_2279, %swap3A_2280] {strides = array<i32>} : memref<4x10x128xf32, #tpu.memory_space<vmem>>, vector<1x1x16xf32>,
    %swap3A_2282 = vector.shape_cast %swap3A_2281 : vector<1x1x16xf32> to vector<16xf32>
    %swap3A_2283 = vector.shape_cast %add3A_2275 : vector<16xf32> to vector<1x1x16xf32>
    tpu.vector_store %arg9[%swap3A_2278, %swap3A_2279, %swap3A_2280], %swap3A_2283 {strides = array<i32>} : memref<4x10x128xf32, #tpu.memory_space<vmem>>, vector<1x1x16xf32>,
    %mul3A_2284 = vector.broadcast %squeeze3A_46 : f32 to vector<16xf32>
    %mul3A_2285 = arith.mulf %convert_element_type3A_2247, %mul3A_2284 : vector<16xf32>
    %add3A_2286 = vector.broadcast %squeeze3A_66 : f32 to vector<16xf32>
    %add3A_2287 = arith.addf %mul3A_2285, %add3A_2286 : vector<16xf32>
    %swap3A_2288 = arith.constant 2 : i32
    %swap3A_2289 = arith.constant 3 : i32
    %swap3A_2290 = arith.index_cast %swap3A_2288 : i32 to index
    %swap3A_2291 = arith.index_cast %swap3A_2289 : i32 to index
    %swap3A_2292 = arith.constant 16 : index
    %swap3A_2293 = tpu.vector_load %arg9[%swap3A_2290, %swap3A_2291, %swap3A_2292] {strides = array<i32>} : memref<4x10x128xf32, #tpu.memory_space<vmem>>, vector<1x1x16xf32>,
    %swap3A_2294 = vector.shape_cast %swap3A_2293 : vector<1x1x16xf32> to vector<16xf32>
    %swap3A_2295 = vector.shape_cast %add3A_2287 : vector<16xf32> to vector<1x1x16xf32>
    tpu.vector_store %arg9[%swap3A_2290, %swap3A_2291, %swap3A_2292], %swap3A_2295 {strides = array<i32>} : memref<4x10x128xf32, #tpu.memory_space<vmem>>, vector<1x1x16xf32>,
    %mul3A_2296 = vector.broadcast %squeeze3A_48 : f32 to vector<16xf32>
    %mul3A_2297 = arith.mulf %convert_element_type3A_2247, %mul3A_2296 : vector<16xf32>
    %add3A_2298 = vector.broadcast %squeeze3A_68 : f32 to vector<16xf32>
    %add3A_2299 = arith.addf %mul3A_2297, %add3A_2298 : vector<16xf32>
    %swap3A_2300 = arith.constant 2 : i32
    %swap3A_2301 = arith.constant 4 : i32
    %swap3A_2302 = arith.index_cast %swap3A_2300 : i32 to index
    %swap3A_2303 = arith.index_cast %swap3A_2301 : i32 to index
    %swap3A_2304 = arith.constant 16 : index
    %swap3A_2305 = tpu.vector_load %arg9[%swap3A_2302, %swap3A_2303, %swap3A_2304] {strides = array<i32>} : memref<4x10x128xf32, #tpu.memory_space<vmem>>, vector<1x1x16xf32>,
    %swap3A_2306 = vector.shape_cast %swap3A_2305 : vector<1x1x16xf32> to vector<16xf32>
    %swap3A_2307 = vector.shape_cast %add3A_2299 : vector<16xf32> to vector<1x1x16xf32>
    tpu.vector_store %arg9[%swap3A_2302, %swap3A_2303, %swap3A_2304], %swap3A_2307 {strides = array<i32>} : memref<4x10x128xf32, #tpu.memory_space<vmem>>, vector<1x1x16xf32>,
    %mul3A_2308 = vector.broadcast %squeeze3A_50 : f32 to vector<16xf32>
    %mul3A_2309 = arith.mulf %convert_element_type3A_2247, %mul3A_2308 : vector<16xf32>
    %add3A_2310 = vector.broadcast %squeeze3A_70 : f32 to vector<16xf32>
    %add3A_2311 = arith.addf %mul3A_2309, %add3A_2310 : vector<16xf32>
    %swap3A_2312 = arith.constant 2 : i32
    %swap3A_2313 = arith.constant 5 : i32
    %swap3A_2314 = arith.index_cast %swap3A_2312 : i32 to index
    %swap3A_2315 = arith.index_cast %swap3A_2313 : i32 to index
    %swap3A_2316 = arith.constant 16 : index
    %swap3A_2317 = tpu.vector_load %arg9[%swap3A_2314, %swap3A_2315, %swap3A_2316] {strides = array<i32>} : memref<4x10x128xf32, #tpu.memory_space<vmem>>, vector<1x1x16xf32>,
    %swap3A_2318 = vector.shape_cast %swap3A_2317 : vector<1x1x16xf32> to vector<16xf32>
    %swap3A_2319 = vector.shape_cast %add3A_2311 : vector<16xf32> to vector<1x1x16xf32>
    tpu.vector_store %arg9[%swap3A_2314, %swap3A_2315, %swap3A_2316], %swap3A_2319 {strides = array<i32>} : memref<4x10x128xf32, #tpu.memory_space<vmem>>, vector<1x1x16xf32>,
    %mul3A_2320 = vector.broadcast %squeeze3A_52 : f32 to vector<16xf32>
    %mul3A_2321 = arith.mulf %convert_element_type3A_2247, %mul3A_2320 : vector<16xf32>
    %add3A_2322 = vector.broadcast %squeeze3A_72 : f32 to vector<16xf32>
    %add3A_2323 = arith.addf %mul3A_2321, %add3A_2322 : vector<16xf32>
    %swap3A_2324 = arith.constant 2 : i32
    %swap3A_2325 = arith.constant 6 : i32
    %swap3A_2326 = arith.index_cast %swap3A_2324 : i32 to index
    %swap3A_2327 = arith.index_cast %swap3A_2325 : i32 to index
    %swap3A_2328 = arith.constant 16 : index
    %swap3A_2329 = tpu.vector_load %arg9[%swap3A_2326, %swap3A_2327, %swap3A_2328] {strides = array<i32>} : memref<4x10x128xf32, #tpu.memory_space<vmem>>, vector<1x1x16xf32>,
    %swap3A_2330 = vector.shape_cast %swap3A_2329 : vector<1x1x16xf32> to vector<16xf32>
    %swap3A_2331 = vector.shape_cast %add3A_2323 : vector<16xf32> to vector<1x1x16xf32>
    tpu.vector_store %arg9[%swap3A_2326, %swap3A_2327, %swap3A_2328], %swap3A_2331 {strides = array<i32>} : memref<4x10x128xf32, #tpu.memory_space<vmem>>, vector<1x1x16xf32>,
    %mul3A_2332 = vector.broadcast %squeeze3A_54 : f32 to vector<16xf32>
    %mul3A_2333 = arith.mulf %convert_element_type3A_2247, %mul3A_2332 : vector<16xf32>
    %add3A_2334 = vector.broadcast %squeeze3A_74 : f32 to vector<16xf32>
    %add3A_2335 = arith.addf %mul3A_2333, %add3A_2334 : vector<16xf32>
    %swap3A_2336 = arith.constant 2 : i32
    %swap3A_2337 = arith.constant 7 : i32
    %swap3A_2338 = arith.index_cast %swap3A_2336 : i32 to index
    %swap3A_2339 = arith.index_cast %swap3A_2337 : i32 to index
    %swap3A_2340 = arith.constant 16 : index
    %swap3A_2341 = tpu.vector_load %arg9[%swap3A_2338, %swap3A_2339, %swap3A_2340] {strides = array<i32>} : memref<4x10x128xf32, #tpu.memory_space<vmem>>, vector<1x1x16xf32>,
    %swap3A_2342 = vector.shape_cast %swap3A_2341 : vector<1x1x16xf32> to vector<16xf32>
    %swap3A_2343 = vector.shape_cast %add3A_2335 : vector<16xf32> to vector<1x1x16xf32>
    tpu.vector_store %arg9[%swap3A_2338, %swap3A_2339, %swap3A_2340], %swap3A_2343 {strides = array<i32>} : memref<4x10x128xf32, #tpu.memory_space<vmem>>, vector<1x1x16xf32>,
    %mul3A_2344 = vector.broadcast %squeeze3A_56 : f32 to vector<16xf32>
    %mul3A_2345 = arith.mulf %convert_element_type3A_2247, %mul3A_2344 : vector<16xf32>
    %add3A_2346 = vector.broadcast %squeeze3A_76 : f32 to vector<16xf32>
    %add3A_2347 = arith.addf %mul3A_2345, %add3A_2346 : vector<16xf32>
    %swap3A_2348 = arith.constant 2 : i32
    %swap3A_2349 = arith.constant 8 : i32
    %swap3A_2350 = arith.index_cast %swap3A_2348 : i32 to index
    %swap3A_2351 = arith.index_cast %swap3A_2349 : i32 to index
    %swap3A_2352 = arith.constant 16 : index
    %swap3A_2353 = tpu.vector_load %arg9[%swap3A_2350, %swap3A_2351, %swap3A_2352] {strides = array<i32>} : memref<4x10x128xf32, #tpu.memory_space<vmem>>, vector<1x1x16xf32>,
    %swap3A_2354 = vector.shape_cast %swap3A_2353 : vector<1x1x16xf32> to vector<16xf32>
    %swap3A_2355 = vector.shape_cast %add3A_2347 : vector<16xf32> to vector<1x1x16xf32>
    tpu.vector_store %arg9[%swap3A_2350, %swap3A_2351, %swap3A_2352], %swap3A_2355 {strides = array<i32>} : memref<4x10x128xf32, #tpu.memory_space<vmem>>, vector<1x1x16xf32>,
    %mul3A_2356 = vector.broadcast %squeeze3A_58 : f32 to vector<16xf32>
    %mul3A_2357 = arith.mulf %convert_element_type3A_2247, %mul3A_2356 : vector<16xf32>
    %add3A_2358 = vector.broadcast %squeeze3A_78 : f32 to vector<16xf32>
    %add3A_2359 = arith.addf %mul3A_2357, %add3A_2358 : vector<16xf32>
    %swap3A_2360 = arith.constant 2 : i32
    %swap3A_2361 = arith.constant 9 : i32
    %swap3A_2362 = arith.index_cast %swap3A_2360 : i32 to index
    %swap3A_2363 = arith.index_cast %swap3A_2361 : i32 to index
    %swap3A_2364 = arith.constant 16 : index
    %swap3A_2365 = tpu.vector_load %arg9[%swap3A_2362, %swap3A_2363, %swap3A_2364] {strides = array<i32>} : memref<4x10x128xf32, #tpu.memory_space<vmem>>, vector<1x1x16xf32>,
    %swap3A_2366 = vector.shape_cast %swap3A_2365 : vector<1x1x16xf32> to vector<16xf32>
    %swap3A_2367 = vector.shape_cast %add3A_2359 : vector<16xf32> to vector<1x1x16xf32>
    tpu.vector_store %arg9[%swap3A_2362, %swap3A_2363, %swap3A_2364], %swap3A_2367 {strides = array<i32>} : memref<4x10x128xf32, #tpu.memory_space<vmem>>, vector<1x1x16xf32>,
    %get3A_2368 = arith.constant 288 : index
    %get3A_2369 = tpu.vector_load %arg7[%get3A_2368] {strides = array<i32>} : memref<512xi32, #tpu.memory_space<vmem>>, vector<16xi32>,
    %get3A_2370 = vector.shape_cast %get3A_2369 : vector<16xi32> to vector<16xi32>
    %convert_element_type3A_2371 = arith.sitofp %get3A_2370 : vector<16xi32> to vector<16xf32>
    %mul3A_2372 = vector.broadcast %squeeze3A : f32 to vector<16xf32>
    %mul3A_2373 = arith.mulf %convert_element_type3A_2371, %mul3A_2372 : vector<16xf32>
    %add3A_2374 = vector.broadcast %squeeze3A_60 : f32 to vector<16xf32>
    %add3A_2375 = arith.addf %mul3A_2373, %add3A_2374 : vector<16xf32>
    %swap3A_2376 = arith.constant 2 : i32
    %swap3A_2377 = arith.constant 0 : i32
    %swap3A_2378 = arith.index_cast %swap3A_2376 : i32 to index
    %swap3A_2379 = arith.index_cast %swap3A_2377 : i32 to index
    %swap3A_2380 = arith.constant 32 : index
    %swap3A_2381 = tpu.vector_load %arg9[%swap3A_2378, %swap3A_2379, %swap3A_2380] {strides = array<i32>} : memref<4x10x128xf32, #tpu.memory_space<vmem>>, vector<1x1x16xf32>,
    %swap3A_2382 = vector.shape_cast %swap3A_2381 : vector<1x1x16xf32> to vector<16xf32>
    %swap3A_2383 = vector.shape_cast %add3A_2375 : vector<16xf32> to vector<1x1x16xf32>
    tpu.vector_store %arg9[%swap3A_2378, %swap3A_2379, %swap3A_2380], %swap3A_2383 {strides = array<i32>} : memref<4x10x128xf32, #tpu.memory_space<vmem>>, vector<1x1x16xf32>,
    %mul3A_2384 = vector.broadcast %squeeze3A_42 : f32 to vector<16xf32>
    %mul3A_2385 = arith.mulf %convert_element_type3A_2371, %mul3A_2384 : vector<16xf32>
    %add3A_2386 = vector.broadcast %squeeze3A_62 : f32 to vector<16xf32>
    %add3A_2387 = arith.addf %mul3A_2385, %add3A_2386 : vector<16xf32>
    %swap3A_2388 = arith.constant 2 : i32
    %swap3A_2389 = arith.constant 1 : i32
    %swap3A_2390 = arith.index_cast %swap3A_2388 : i32 to index
    %swap3A_2391 = arith.index_cast %swap3A_2389 : i32 to index
    %swap3A_2392 = arith.constant 32 : index
    %swap3A_2393 = tpu.vector_load %arg9[%swap3A_2390, %swap3A_2391, %swap3A_2392] {strides = array<i32>} : memref<4x10x128xf32, #tpu.memory_space<vmem>>, vector<1x1x16xf32>,
    %swap3A_2394 = vector.shape_cast %swap3A_2393 : vector<1x1x16xf32> to vector<16xf32>
    %swap3A_2395 = vector.shape_cast %add3A_2387 : vector<16xf32> to vector<1x1x16xf32>
    tpu.vector_store %arg9[%swap3A_2390, %swap3A_2391, %swap3A_2392], %swap3A_2395 {strides = array<i32>} : memref<4x10x128xf32, #tpu.memory_space<vmem>>, vector<1x1x16xf32>,
    %mul3A_2396 = vector.broadcast %squeeze3A_44 : f32 to vector<16xf32>
    %mul3A_2397 = arith.mulf %convert_element_type3A_2371, %mul3A_2396 : vector<16xf32>
    %add3A_2398 = vector.broadcast %squeeze3A_64 : f32 to vector<16xf32>
    %add3A_2399 = arith.addf %mul3A_2397, %add3A_2398 : vector<16xf32>
    %swap3A_2400 = arith.constant 2 : i32
    %swap3A_2401 = arith.constant 2 : i32
    %swap3A_2402 = arith.index_cast %swap3A_2400 : i32 to index
    %swap3A_2403 = arith.index_cast %swap3A_2401 : i32 to index
    %swap3A_2404 = arith.constant 32 : index
    %swap3A_2405 = tpu.vector_load %arg9[%swap3A_2402, %swap3A_2403, %swap3A_2404] {strides = array<i32>} : memref<4x10x128xf32, #tpu.memory_space<vmem>>, vector<1x1x16xf32>,
    %swap3A_2406 = vector.shape_cast %swap3A_2405 : vector<1x1x16xf32> to vector<16xf32>
    %swap3A_2407 = vector.shape_cast %add3A_2399 : vector<16xf32> to vector<1x1x16xf32>
    tpu.vector_store %arg9[%swap3A_2402, %swap3A_2403, %swap3A_2404], %swap3A_2407 {strides = array<i32>} : memref<4x10x128xf32, #tpu.memory_space<vmem>>, vector<1x1x16xf32>,
    %mul3A_2408 = vector.broadcast %squeeze3A_46 : f32 to vector<16xf32>
    %mul3A_2409 = arith.mulf %convert_element_type3A_2371, %mul3A_2408 : vector<16xf32>
    %add3A_2410 = vector.broadcast %squeeze3A_66 : f32 to vector<16xf32>
    %add3A_2411 = arith.addf %mul3A_2409, %add3A_2410 : vector<16xf32>
    %swap3A_2412 = arith.constant 2 : i32
    %swap3A_2413 = arith.constant 3 : i32
    %swap3A_2414 = arith.index_cast %swap3A_2412 : i32 to index
    %swap3A_2415 = arith.index_cast %swap3A_2413 : i32 to index
    %swap3A_2416 = arith.constant 32 : index
    %swap3A_2417 = tpu.vector_load %arg9[%swap3A_2414, %swap3A_2415, %swap3A_2416] {strides = array<i32>} : memref<4x10x128xf32, #tpu.memory_space<vmem>>, vector<1x1x16xf32>,
    %swap3A_2418 = vector.shape_cast %swap3A_2417 : vector<1x1x16xf32> to vector<16xf32>
    %swap3A_2419 = vector.shape_cast %add3A_2411 : vector<16xf32> to vector<1x1x16xf32>
    tpu.vector_store %arg9[%swap3A_2414, %swap3A_2415, %swap3A_2416], %swap3A_2419 {strides = array<i32>} : memref<4x10x128xf32, #tpu.memory_space<vmem>>, vector<1x1x16xf32>,
    %mul3A_2420 = vector.broadcast %squeeze3A_48 : f32 to vector<16xf32>
    %mul3A_2421 = arith.mulf %convert_element_type3A_2371, %mul3A_2420 : vector<16xf32>
    %add3A_2422 = vector.broadcast %squeeze3A_68 : f32 to vector<16xf32>
    %add3A_2423 = arith.addf %mul3A_2421, %add3A_2422 : vector<16xf32>
    %swap3A_2424 = arith.constant 2 : i32
    %swap3A_2425 = arith.constant 4 : i32
    %swap3A_2426 = arith.index_cast %swap3A_2424 : i32 to index
    %swap3A_2427 = arith.index_cast %swap3A_2425 : i32 to index
    %swap3A_2428 = arith.constant 32 : index
    %swap3A_2429 = tpu.vector_load %arg9[%swap3A_2426, %swap3A_2427, %swap3A_2428] {strides = array<i32>} : memref<4x10x128xf32, #tpu.memory_space<vmem>>, vector<1x1x16xf32>,
    %swap3A_2430 = vector.shape_cast %swap3A_2429 : vector<1x1x16xf32> to vector<16xf32>
    %swap3A_2431 = vector.shape_cast %add3A_2423 : vector<16xf32> to vector<1x1x16xf32>
    tpu.vector_store %arg9[%swap3A_2426, %swap3A_2427, %swap3A_2428], %swap3A_2431 {strides = array<i32>} : memref<4x10x128xf32, #tpu.memory_space<vmem>>, vector<1x1x16xf32>,
    %mul3A_2432 = vector.broadcast %squeeze3A_50 : f32 to vector<16xf32>
    %mul3A_2433 = arith.mulf %convert_element_type3A_2371, %mul3A_2432 : vector<16xf32>
    %add3A_2434 = vector.broadcast %squeeze3A_70 : f32 to vector<16xf32>
    %add3A_2435 = arith.addf %mul3A_2433, %add3A_2434 : vector<16xf32>
    %swap3A_2436 = arith.constant 2 : i32
    %swap3A_2437 = arith.constant 5 : i32
    %swap3A_2438 = arith.index_cast %swap3A_2436 : i32 to index
    %swap3A_2439 = arith.index_cast %swap3A_2437 : i32 to index
    %swap3A_2440 = arith.constant 32 : index
    %swap3A_2441 = tpu.vector_load %arg9[%swap3A_2438, %swap3A_2439, %swap3A_2440] {strides = array<i32>} : memref<4x10x128xf32, #tpu.memory_space<vmem>>, vector<1x1x16xf32>,
    %swap3A_2442 = vector.shape_cast %swap3A_2441 : vector<1x1x16xf32> to vector<16xf32>
    %swap3A_2443 = vector.shape_cast %add3A_2435 : vector<16xf32> to vector<1x1x16xf32>
    tpu.vector_store %arg9[%swap3A_2438, %swap3A_2439, %swap3A_2440], %swap3A_2443 {strides = array<i32>} : memref<4x10x128xf32, #tpu.memory_space<vmem>>, vector<1x1x16xf32>,
    %mul3A_2444 = vector.broadcast %squeeze3A_52 : f32 to vector<16xf32>
    %mul3A_2445 = arith.mulf %convert_element_type3A_2371, %mul3A_2444 : vector<16xf32>
    %add3A_2446 = vector.broadcast %squeeze3A_72 : f32 to vector<16xf32>
    %add3A_2447 = arith.addf %mul3A_2445, %add3A_2446 : vector<16xf32>
    %swap3A_2448 = arith.constant 2 : i32
    %swap3A_2449 = arith.constant 6 : i32
    %swap3A_2450 = arith.index_cast %swap3A_2448 : i32 to index
    %swap3A_2451 = arith.index_cast %swap3A_2449 : i32 to index
    %swap3A_2452 = arith.constant 32 : index
    %swap3A_2453 = tpu.vector_load %arg9[%swap3A_2450, %swap3A_2451, %swap3A_2452] {strides = array<i32>} : memref<4x10x128xf32, #tpu.memory_space<vmem>>, vector<1x1x16xf32>,
    %swap3A_2454 = vector.shape_cast %swap3A_2453 : vector<1x1x16xf32> to vector<16xf32>
    %swap3A_2455 = vector.shape_cast %add3A_2447 : vector<16xf32> to vector<1x1x16xf32>
    tpu.vector_store %arg9[%swap3A_2450, %swap3A_2451, %swap3A_2452], %swap3A_2455 {strides = array<i32>} : memref<4x10x128xf32, #tpu.memory_space<vmem>>, vector<1x1x16xf32>,
    %mul3A_2456 = vector.broadcast %squeeze3A_54 : f32 to vector<16xf32>
    %mul3A_2457 = arith.mulf %convert_element_type3A_2371, %mul3A_2456 : vector<16xf32>
    %add3A_2458 = vector.broadcast %squeeze3A_74 : f32 to vector<16xf32>
    %add3A_2459 = arith.addf %mul3A_2457, %add3A_2458 : vector<16xf32>
    %swap3A_2460 = arith.constant 2 : i32
    %swap3A_2461 = arith.constant 7 : i32
    %swap3A_2462 = arith.index_cast %swap3A_2460 : i32 to index
    %swap3A_2463 = arith.index_cast %swap3A_2461 : i32 to index
    %swap3A_2464 = arith.constant 32 : index
    %swap3A_2465 = tpu.vector_load %arg9[%swap3A_2462, %swap3A_2463, %swap3A_2464] {strides = array<i32>} : memref<4x10x128xf32, #tpu.memory_space<vmem>>, vector<1x1x16xf32>,
    %swap3A_2466 = vector.shape_cast %swap3A_2465 : vector<1x1x16xf32> to vector<16xf32>
    %swap3A_2467 = vector.shape_cast %add3A_2459 : vector<16xf32> to vector<1x1x16xf32>
    tpu.vector_store %arg9[%swap3A_2462, %swap3A_2463, %swap3A_2464], %swap3A_2467 {strides = array<i32>} : memref<4x10x128xf32, #tpu.memory_space<vmem>>, vector<1x1x16xf32>,
    %mul3A_2468 = vector.broadcast %squeeze3A_56 : f32 to vector<16xf32>
    %mul3A_2469 = arith.mulf %convert_element_type3A_2371, %mul3A_2468 : vector<16xf32>
    %add3A_2470 = vector.broadcast %squeeze3A_76 : f32 to vector<16xf32>
    %add3A_2471 = arith.addf %mul3A_2469, %add3A_2470 : vector<16xf32>
    %swap3A_2472 = arith.constant 2 : i32
    %swap3A_2473 = arith.constant 8 : i32
    %swap3A_2474 = arith.index_cast %swap3A_2472 : i32 to index
    %swap3A_2475 = arith.index_cast %swap3A_2473 : i32 to index
    %swap3A_2476 = arith.constant 32 : index
    %swap3A_2477 = tpu.vector_load %arg9[%swap3A_2474, %swap3A_2475, %swap3A_2476] {strides = array<i32>} : memref<4x10x128xf32, #tpu.memory_space<vmem>>, vector<1x1x16xf32>,
    %swap3A_2478 = vector.shape_cast %swap3A_2477 : vector<1x1x16xf32> to vector<16xf32>
    %swap3A_2479 = vector.shape_cast %add3A_2471 : vector<16xf32> to vector<1x1x16xf32>
    tpu.vector_store %arg9[%swap3A_2474, %swap3A_2475, %swap3A_2476], %swap3A_2479 {strides = array<i32>} : memref<4x10x128xf32, #tpu.memory_space<vmem>>, vector<1x1x16xf32>,
    %mul3A_2480 = vector.broadcast %squeeze3A_58 : f32 to vector<16xf32>
    %mul3A_2481 = arith.mulf %convert_element_type3A_2371, %mul3A_2480 : vector<16xf32>
    %add3A_2482 = vector.broadcast %squeeze3A_78 : f32 to vector<16xf32>
    %add3A_2483 = arith.addf %mul3A_2481, %add3A_2482 : vector<16xf32>
    %swap3A_2484 = arith.constant 2 : i32
    %swap3A_2485 = arith.constant 9 : i32
    %swap3A_2486 = arith.index_cast %swap3A_2484 : i32 to index
    %swap3A_2487 = arith.index_cast %swap3A_2485 : i32 to index
    %swap3A_2488 = arith.constant 32 : index
    %swap3A_2489 = tpu.vector_load %arg9[%swap3A_2486, %swap3A_2487, %swap3A_2488] {strides = array<i32>} : memref<4x10x128xf32, #tpu.memory_space<vmem>>, vector<1x1x16xf32>,
    %swap3A_2490 = vector.shape_cast %swap3A_2489 : vector<1x1x16xf32> to vector<16xf32>
    %swap3A_2491 = vector.shape_cast %add3A_2483 : vector<16xf32> to vector<1x1x16xf32>
    tpu.vector_store %arg9[%swap3A_2486, %swap3A_2487, %swap3A_2488], %swap3A_2491 {strides = array<i32>} : memref<4x10x128xf32, #tpu.memory_space<vmem>>, vector<1x1x16xf32>,
    %get3A_2492 = arith.constant 304 : index
    %get3A_2493 = tpu.vector_load %arg7[%get3A_2492] {strides = array<i32>} : memref<512xi32, #tpu.memory_space<vmem>>, vector<16xi32>,
    %get3A_2494 = vector.shape_cast %get3A_2493 : vector<16xi32> to vector<16xi32>
    %convert_element_type3A_2495 = arith.sitofp %get3A_2494 : vector<16xi32> to vector<16xf32>
    %mul3A_2496 = vector.broadcast %squeeze3A : f32 to vector<16xf32>
    %mul3A_2497 = arith.mulf %convert_element_type3A_2495, %mul3A_2496 : vector<16xf32>
    %add3A_2498 = vector.broadcast %squeeze3A_60 : f32 to vector<16xf32>
    %add3A_2499 = arith.addf %mul3A_2497, %add3A_2498 : vector<16xf32>
    %swap3A_2500 = arith.constant 2 : i32
    %swap3A_2501 = arith.constant 0 : i32
    %swap3A_2502 = arith.index_cast %swap3A_2500 : i32 to index
    %swap3A_2503 = arith.index_cast %swap3A_2501 : i32 to index
    %swap3A_2504 = arith.constant 48 : index
    %swap3A_2505 = tpu.vector_load %arg9[%swap3A_2502, %swap3A_2503, %swap3A_2504] {strides = array<i32>} : memref<4x10x128xf32, #tpu.memory_space<vmem>>, vector<1x1x16xf32>,
    %swap3A_2506 = vector.shape_cast %swap3A_2505 : vector<1x1x16xf32> to vector<16xf32>
    %swap3A_2507 = vector.shape_cast %add3A_2499 : vector<16xf32> to vector<1x1x16xf32>
    tpu.vector_store %arg9[%swap3A_2502, %swap3A_2503, %swap3A_2504], %swap3A_2507 {strides = array<i32>} : memref<4x10x128xf32, #tpu.memory_space<vmem>>, vector<1x1x16xf32>,
    %mul3A_2508 = vector.broadcast %squeeze3A_42 : f32 to vector<16xf32>
    %mul3A_2509 = arith.mulf %convert_element_type3A_2495, %mul3A_2508 : vector<16xf32>
    %add3A_2510 = vector.broadcast %squeeze3A_62 : f32 to vector<16xf32>
    %add3A_2511 = arith.addf %mul3A_2509, %add3A_2510 : vector<16xf32>
    %swap3A_2512 = arith.constant 2 : i32
    %swap3A_2513 = arith.constant 1 : i32
    %swap3A_2514 = arith.index_cast %swap3A_2512 : i32 to index
    %swap3A_2515 = arith.index_cast %swap3A_2513 : i32 to index
    %swap3A_2516 = arith.constant 48 : index
    %swap3A_2517 = tpu.vector_load %arg9[%swap3A_2514, %swap3A_2515, %swap3A_2516] {strides = array<i32>} : memref<4x10x128xf32, #tpu.memory_space<vmem>>, vector<1x1x16xf32>,
    %swap3A_2518 = vector.shape_cast %swap3A_2517 : vector<1x1x16xf32> to vector<16xf32>
    %swap3A_2519 = vector.shape_cast %add3A_2511 : vector<16xf32> to vector<1x1x16xf32>
    tpu.vector_store %arg9[%swap3A_2514, %swap3A_2515, %swap3A_2516], %swap3A_2519 {strides = array<i32>} : memref<4x10x128xf32, #tpu.memory_space<vmem>>, vector<1x1x16xf32>,
    %mul3A_2520 = vector.broadcast %squeeze3A_44 : f32 to vector<16xf32>
    %mul3A_2521 = arith.mulf %convert_element_type3A_2495, %mul3A_2520 : vector<16xf32>
    %add3A_2522 = vector.broadcast %squeeze3A_64 : f32 to vector<16xf32>
    %add3A_2523 = arith.addf %mul3A_2521, %add3A_2522 : vector<16xf32>
    %swap3A_2524 = arith.constant 2 : i32
    %swap3A_2525 = arith.constant 2 : i32
    %swap3A_2526 = arith.index_cast %swap3A_2524 : i32 to index
    %swap3A_2527 = arith.index_cast %swap3A_2525 : i32 to index
    %swap3A_2528 = arith.constant 48 : index
    %swap3A_2529 = tpu.vector_load %arg9[%swap3A_2526, %swap3A_2527, %swap3A_2528] {strides = array<i32>} : memref<4x10x128xf32, #tpu.memory_space<vmem>>, vector<1x1x16xf32>,
    %swap3A_2530 = vector.shape_cast %swap3A_2529 : vector<1x1x16xf32> to vector<16xf32>
    %swap3A_2531 = vector.shape_cast %add3A_2523 : vector<16xf32> to vector<1x1x16xf32>
    tpu.vector_store %arg9[%swap3A_2526, %swap3A_2527, %swap3A_2528], %swap3A_2531 {strides = array<i32>} : memref<4x10x128xf32, #tpu.memory_space<vmem>>, vector<1x1x16xf32>,
    %mul3A_2532 = vector.broadcast %squeeze3A_46 : f32 to vector<16xf32>
    %mul3A_2533 = arith.mulf %convert_element_type3A_2495, %mul3A_2532 : vector<16xf32>
    %add3A_2534 = vector.broadcast %squeeze3A_66 : f32 to vector<16xf32>
    %add3A_2535 = arith.addf %mul3A_2533, %add3A_2534 : vector<16xf32>
    %swap3A_2536 = arith.constant 2 : i32
    %swap3A_2537 = arith.constant 3 : i32
    %swap3A_2538 = arith.index_cast %swap3A_2536 : i32 to index
    %swap3A_2539 = arith.index_cast %swap3A_2537 : i32 to index
    %swap3A_2540 = arith.constant 48 : index
    %swap3A_2541 = tpu.vector_load %arg9[%swap3A_2538, %swap3A_2539, %swap3A_2540] {strides = array<i32>} : memref<4x10x128xf32, #tpu.memory_space<vmem>>, vector<1x1x16xf32>,
    %swap3A_2542 = vector.shape_cast %swap3A_2541 : vector<1x1x16xf32> to vector<16xf32>
    %swap3A_2543 = vector.shape_cast %add3A_2535 : vector<16xf32> to vector<1x1x16xf32>
    tpu.vector_store %arg9[%swap3A_2538, %swap3A_2539, %swap3A_2540], %swap3A_2543 {strides = array<i32>} : memref<4x10x128xf32, #tpu.memory_space<vmem>>, vector<1x1x16xf32>,
    %mul3A_2544 = vector.broadcast %squeeze3A_48 : f32 to vector<16xf32>
    %mul3A_2545 = arith.mulf %convert_element_type3A_2495, %mul3A_2544 : vector<16xf32>
    %add3A_2546 = vector.broadcast %squeeze3A_68 : f32 to vector<16xf32>
    %add3A_2547 = arith.addf %mul3A_2545, %add3A_2546 : vector<16xf32>
    %swap3A_2548 = arith.constant 2 : i32
    %swap3A_2549 = arith.constant 4 : i32
    %swap3A_2550 = arith.index_cast %swap3A_2548 : i32 to index
    %swap3A_2551 = arith.index_cast %swap3A_2549 : i32 to index
    %swap3A_2552 = arith.constant 48 : index
    %swap3A_2553 = tpu.vector_load %arg9[%swap3A_2550, %swap3A_2551, %swap3A_2552] {strides = array<i32>} : memref<4x10x128xf32, #tpu.memory_space<vmem>>, vector<1x1x16xf32>,
    %swap3A_2554 = vector.shape_cast %swap3A_2553 : vector<1x1x16xf32> to vector<16xf32>
    %swap3A_2555 = vector.shape_cast %add3A_2547 : vector<16xf32> to vector<1x1x16xf32>
    tpu.vector_store %arg9[%swap3A_2550, %swap3A_2551, %swap3A_2552], %swap3A_2555 {strides = array<i32>} : memref<4x10x128xf32, #tpu.memory_space<vmem>>, vector<1x1x16xf32>,
    %mul3A_2556 = vector.broadcast %squeeze3A_50 : f32 to vector<16xf32>
    %mul3A_2557 = arith.mulf %convert_element_type3A_2495, %mul3A_2556 : vector<16xf32>
    %add3A_2558 = vector.broadcast %squeeze3A_70 : f32 to vector<16xf32>
    %add3A_2559 = arith.addf %mul3A_2557, %add3A_2558 : vector<16xf32>
    %swap3A_2560 = arith.constant 2 : i32
    %swap3A_2561 = arith.constant 5 : i32
    %swap3A_2562 = arith.index_cast %swap3A_2560 : i32 to index
    %swap3A_2563 = arith.index_cast %swap3A_2561 : i32 to index
    %swap3A_2564 = arith.constant 48 : index
    %swap3A_2565 = tpu.vector_load %arg9[%swap3A_2562, %swap3A_2563, %swap3A_2564] {strides = array<i32>} : memref<4x10x128xf32, #tpu.memory_space<vmem>>, vector<1x1x16xf32>,
    %swap3A_2566 = vector.shape_cast %swap3A_2565 : vector<1x1x16xf32> to vector<16xf32>
    %swap3A_2567 = vector.shape_cast %add3A_2559 : vector<16xf32> to vector<1x1x16xf32>
    tpu.vector_store %arg9[%swap3A_2562, %swap3A_2563, %swap3A_2564], %swap3A_2567 {strides = array<i32>} : memref<4x10x128xf32, #tpu.memory_space<vmem>>, vector<1x1x16xf32>,
    %mul3A_2568 = vector.broadcast %squeeze3A_52 : f32 to vector<16xf32>
    %mul3A_2569 = arith.mulf %convert_element_type3A_2495, %mul3A_2568 : vector<16xf32>
    %add3A_2570 = vector.broadcast %squeeze3A_72 : f32 to vector<16xf32>
    %add3A_2571 = arith.addf %mul3A_2569, %add3A_2570 : vector<16xf32>
    %swap3A_2572 = arith.constant 2 : i32
    %swap3A_2573 = arith.constant 6 : i32
    %swap3A_2574 = arith.index_cast %swap3A_2572 : i32 to index
    %swap3A_2575 = arith.index_cast %swap3A_2573 : i32 to index
    %swap3A_2576 = arith.constant 48 : index
    %swap3A_2577 = tpu.vector_load %arg9[%swap3A_2574, %swap3A_2575, %swap3A_2576] {strides = array<i32>} : memref<4x10x128xf32, #tpu.memory_space<vmem>>, vector<1x1x16xf32>,
    %swap3A_2578 = vector.shape_cast %swap3A_2577 : vector<1x1x16xf32> to vector<16xf32>
    %swap3A_2579 = vector.shape_cast %add3A_2571 : vector<16xf32> to vector<1x1x16xf32>
    tpu.vector_store %arg9[%swap3A_2574, %swap3A_2575, %swap3A_2576], %swap3A_2579 {strides = array<i32>} : memref<4x10x128xf32, #tpu.memory_space<vmem>>, vector<1x1x16xf32>,
    %mul3A_2580 = vector.broadcast %squeeze3A_54 : f32 to vector<16xf32>
    %mul3A_2581 = arith.mulf %convert_element_type3A_2495, %mul3A_2580 : vector<16xf32>
    %add3A_2582 = vector.broadcast %squeeze3A_74 : f32 to vector<16xf32>
    %add3A_2583 = arith.addf %mul3A_2581, %add3A_2582 : vector<16xf32>
    %swap3A_2584 = arith.constant 2 : i32
    %swap3A_2585 = arith.constant 7 : i32
    %swap3A_2586 = arith.index_cast %swap3A_2584 : i32 to index
    %swap3A_2587 = arith.index_cast %swap3A_2585 : i32 to index
    %swap3A_2588 = arith.constant 48 : index
    %swap3A_2589 = tpu.vector_load %arg9[%swap3A_2586, %swap3A_2587, %swap3A_2588] {strides = array<i32>} : memref<4x10x128xf32, #tpu.memory_space<vmem>>, vector<1x1x16xf32>,
    %swap3A_2590 = vector.shape_cast %swap3A_2589 : vector<1x1x16xf32> to vector<16xf32>
    %swap3A_2591 = vector.shape_cast %add3A_2583 : vector<16xf32> to vector<1x1x16xf32>
    tpu.vector_store %arg9[%swap3A_2586, %swap3A_2587, %swap3A_2588], %swap3A_2591 {strides = array<i32>} : memref<4x10x128xf32, #tpu.memory_space<vmem>>, vector<1x1x16xf32>,
    %mul3A_2592 = vector.broadcast %squeeze3A_56 : f32 to vector<16xf32>
    %mul3A_2593 = arith.mulf %convert_element_type3A_2495, %mul3A_2592 : vector<16xf32>
    %add3A_2594 = vector.broadcast %squeeze3A_76 : f32 to vector<16xf32>
    %add3A_2595 = arith.addf %mul3A_2593, %add3A_2594 : vector<16xf32>
    %swap3A_2596 = arith.constant 2 : i32
    %swap3A_2597 = arith.constant 8 : i32
    %swap3A_2598 = arith.index_cast %swap3A_2596 : i32 to index
    %swap3A_2599 = arith.index_cast %swap3A_2597 : i32 to index
    %swap3A_2600 = arith.constant 48 : index
    %swap3A_2601 = tpu.vector_load %arg9[%swap3A_2598, %swap3A_2599, %swap3A_2600] {strides = array<i32>} : memref<4x10x128xf32, #tpu.memory_space<vmem>>, vector<1x1x16xf32>,
    %swap3A_2602 = vector.shape_cast %swap3A_2601 : vector<1x1x16xf32> to vector<16xf32>
    %swap3A_2603 = vector.shape_cast %add3A_2595 : vector<16xf32> to vector<1x1x16xf32>
    tpu.vector_store %arg9[%swap3A_2598, %swap3A_2599, %swap3A_2600], %swap3A_2603 {strides = array<i32>} : memref<4x10x128xf32, #tpu.memory_space<vmem>>, vector<1x1x16xf32>,
    %mul3A_2604 = vector.broadcast %squeeze3A_58 : f32 to vector<16xf32>
    %mul3A_2605 = arith.mulf %convert_element_type3A_2495, %mul3A_2604 : vector<16xf32>
    %add3A_2606 = vector.broadcast %squeeze3A_78 : f32 to vector<16xf32>
    %add3A_2607 = arith.addf %mul3A_2605, %add3A_2606 : vector<16xf32>
    %swap3A_2608 = arith.constant 2 : i32
    %swap3A_2609 = arith.constant 9 : i32
    %swap3A_2610 = arith.index_cast %swap3A_2608 : i32 to index
    %swap3A_2611 = arith.index_cast %swap3A_2609 : i32 to index
    %swap3A_2612 = arith.constant 48 : index
    %swap3A_2613 = tpu.vector_load %arg9[%swap3A_2610, %swap3A_2611, %swap3A_2612] {strides = array<i32>} : memref<4x10x128xf32, #tpu.memory_space<vmem>>, vector<1x1x16xf32>,
    %swap3A_2614 = vector.shape_cast %swap3A_2613 : vector<1x1x16xf32> to vector<16xf32>
    %swap3A_2615 = vector.shape_cast %add3A_2607 : vector<16xf32> to vector<1x1x16xf32>
    tpu.vector_store %arg9[%swap3A_2610, %swap3A_2611, %swap3A_2612], %swap3A_2615 {strides = array<i32>} : memref<4x10x128xf32, #tpu.memory_space<vmem>>, vector<1x1x16xf32>,
    %get3A_2616 = arith.constant 320 : index
    %get3A_2617 = tpu.vector_load %arg7[%get3A_2616] {strides = array<i32>} : memref<512xi32, #tpu.memory_space<vmem>>, vector<16xi32>,
    %get3A_2618 = vector.shape_cast %get3A_2617 : vector<16xi32> to vector<16xi32>
    %convert_element_type3A_2619 = arith.sitofp %get3A_2618 : vector<16xi32> to vector<16xf32>
    %mul3A_2620 = vector.broadcast %squeeze3A : f32 to vector<16xf32>
    %mul3A_2621 = arith.mulf %convert_element_type3A_2619, %mul3A_2620 : vector<16xf32>
    %add3A_2622 = vector.broadcast %squeeze3A_60 : f32 to vector<16xf32>
    %add3A_2623 = arith.addf %mul3A_2621, %add3A_2622 : vector<16xf32>
    %swap3A_2624 = arith.constant 2 : i32
    %swap3A_2625 = arith.constant 0 : i32
    %swap3A_2626 = arith.index_cast %swap3A_2624 : i32 to index
    %swap3A_2627 = arith.index_cast %swap3A_2625 : i32 to index
    %swap3A_2628 = arith.constant 64 : index
    %swap3A_2629 = tpu.vector_load %arg9[%swap3A_2626, %swap3A_2627, %swap3A_2628] {strides = array<i32>} : memref<4x10x128xf32, #tpu.memory_space<vmem>>, vector<1x1x16xf32>,
    %swap3A_2630 = vector.shape_cast %swap3A_2629 : vector<1x1x16xf32> to vector<16xf32>
    %swap3A_2631 = vector.shape_cast %add3A_2623 : vector<16xf32> to vector<1x1x16xf32>
    tpu.vector_store %arg9[%swap3A_2626, %swap3A_2627, %swap3A_2628], %swap3A_2631 {strides = array<i32>} : memref<4x10x128xf32, #tpu.memory_space<vmem>>, vector<1x1x16xf32>,
    %mul3A_2632 = vector.broadcast %squeeze3A_42 : f32 to vector<16xf32>
    %mul3A_2633 = arith.mulf %convert_element_type3A_2619, %mul3A_2632 : vector<16xf32>
    %add3A_2634 = vector.broadcast %squeeze3A_62 : f32 to vector<16xf32>
    %add3A_2635 = arith.addf %mul3A_2633, %add3A_2634 : vector<16xf32>
    %swap3A_2636 = arith.constant 2 : i32
    %swap3A_2637 = arith.constant 1 : i32
    %swap3A_2638 = arith.index_cast %swap3A_2636 : i32 to index
    %swap3A_2639 = arith.index_cast %swap3A_2637 : i32 to index
    %swap3A_2640 = arith.constant 64 : index
    %swap3A_2641 = tpu.vector_load %arg9[%swap3A_2638, %swap3A_2639, %swap3A_2640] {strides = array<i32>} : memref<4x10x128xf32, #tpu.memory_space<vmem>>, vector<1x1x16xf32>,
    %swap3A_2642 = vector.shape_cast %swap3A_2641 : vector<1x1x16xf32> to vector<16xf32>
    %swap3A_2643 = vector.shape_cast %add3A_2635 : vector<16xf32> to vector<1x1x16xf32>
    tpu.vector_store %arg9[%swap3A_2638, %swap3A_2639, %swap3A_2640], %swap3A_2643 {strides = array<i32>} : memref<4x10x128xf32, #tpu.memory_space<vmem>>, vector<1x1x16xf32>,
    %mul3A_2644 = vector.broadcast %squeeze3A_44 : f32 to vector<16xf32>
    %mul3A_2645 = arith.mulf %convert_element_type3A_2619, %mul3A_2644 : vector<16xf32>
    %add3A_2646 = vector.broadcast %squeeze3A_64 : f32 to vector<16xf32>
    %add3A_2647 = arith.addf %mul3A_2645, %add3A_2646 : vector<16xf32>
    %swap3A_2648 = arith.constant 2 : i32
    %swap3A_2649 = arith.constant 2 : i32
    %swap3A_2650 = arith.index_cast %swap3A_2648 : i32 to index
    %swap3A_2651 = arith.index_cast %swap3A_2649 : i32 to index
    %swap3A_2652 = arith.constant 64 : index
    %swap3A_2653 = tpu.vector_load %arg9[%swap3A_2650, %swap3A_2651, %swap3A_2652] {strides = array<i32>} : memref<4x10x128xf32, #tpu.memory_space<vmem>>, vector<1x1x16xf32>,
    %swap3A_2654 = vector.shape_cast %swap3A_2653 : vector<1x1x16xf32> to vector<16xf32>
    %swap3A_2655 = vector.shape_cast %add3A_2647 : vector<16xf32> to vector<1x1x16xf32>
    tpu.vector_store %arg9[%swap3A_2650, %swap3A_2651, %swap3A_2652], %swap3A_2655 {strides = array<i32>} : memref<4x10x128xf32, #tpu.memory_space<vmem>>, vector<1x1x16xf32>,
    %mul3A_2656 = vector.broadcast %squeeze3A_46 : f32 to vector<16xf32>
    %mul3A_2657 = arith.mulf %convert_element_type3A_2619, %mul3A_2656 : vector<16xf32>
    %add3A_2658 = vector.broadcast %squeeze3A_66 : f32 to vector<16xf32>
    %add3A_2659 = arith.addf %mul3A_2657, %add3A_2658 : vector<16xf32>
    %swap3A_2660 = arith.constant 2 : i32
    %swap3A_2661 = arith.constant 3 : i32
    %swap3A_2662 = arith.index_cast %swap3A_2660 : i32 to index
    %swap3A_2663 = arith.index_cast %swap3A_2661 : i32 to index
    %swap3A_2664 = arith.constant 64 : index
    %swap3A_2665 = tpu.vector_load %arg9[%swap3A_2662, %swap3A_2663, %swap3A_2664] {strides = array<i32>} : memref<4x10x128xf32, #tpu.memory_space<vmem>>, vector<1x1x16xf32>,
    %swap3A_2666 = vector.shape_cast %swap3A_2665 : vector<1x1x16xf32> to vector<16xf32>
    %swap3A_2667 = vector.shape_cast %add3A_2659 : vector<16xf32> to vector<1x1x16xf32>
    tpu.vector_store %arg9[%swap3A_2662, %swap3A_2663, %swap3A_2664], %swap3A_2667 {strides = array<i32>} : memref<4x10x128xf32, #tpu.memory_space<vmem>>, vector<1x1x16xf32>,
    %mul3A_2668 = vector.broadcast %squeeze3A_48 : f32 to vector<16xf32>
    %mul3A_2669 = arith.mulf %convert_element_type3A_2619, %mul3A_2668 : vector<16xf32>
    %add3A_2670 = vector.broadcast %squeeze3A_68 : f32 to vector<16xf32>
    %add3A_2671 = arith.addf %mul3A_2669, %add3A_2670 : vector<16xf32>
    %swap3A_2672 = arith.constant 2 : i32
    %swap3A_2673 = arith.constant 4 : i32
    %swap3A_2674 = arith.index_cast %swap3A_2672 : i32 to index
    %swap3A_2675 = arith.index_cast %swap3A_2673 : i32 to index
    %swap3A_2676 = arith.constant 64 : index
    %swap3A_2677 = tpu.vector_load %arg9[%swap3A_2674, %swap3A_2675, %swap3A_2676] {strides = array<i32>} : memref<4x10x128xf32, #tpu.memory_space<vmem>>, vector<1x1x16xf32>,
    %swap3A_2678 = vector.shape_cast %swap3A_2677 : vector<1x1x16xf32> to vector<16xf32>
    %swap3A_2679 = vector.shape_cast %add3A_2671 : vector<16xf32> to vector<1x1x16xf32>
    tpu.vector_store %arg9[%swap3A_2674, %swap3A_2675, %swap3A_2676], %swap3A_2679 {strides = array<i32>} : memref<4x10x128xf32, #tpu.memory_space<vmem>>, vector<1x1x16xf32>,
    %mul3A_2680 = vector.broadcast %squeeze3A_50 : f32 to vector<16xf32>
    %mul3A_2681 = arith.mulf %convert_element_type3A_2619, %mul3A_2680 : vector<16xf32>
    %add3A_2682 = vector.broadcast %squeeze3A_70 : f32 to vector<16xf32>
    %add3A_2683 = arith.addf %mul3A_2681, %add3A_2682 : vector<16xf32>
    %swap3A_2684 = arith.constant 2 : i32
    %swap3A_2685 = arith.constant 5 : i32
    %swap3A_2686 = arith.index_cast %swap3A_2684 : i32 to index
    %swap3A_2687 = arith.index_cast %swap3A_2685 : i32 to index
    %swap3A_2688 = arith.constant 64 : index
    %swap3A_2689 = tpu.vector_load %arg9[%swap3A_2686, %swap3A_2687, %swap3A_2688] {strides = array<i32>} : memref<4x10x128xf32, #tpu.memory_space<vmem>>, vector<1x1x16xf32>,
    %swap3A_2690 = vector.shape_cast %swap3A_2689 : vector<1x1x16xf32> to vector<16xf32>
    %swap3A_2691 = vector.shape_cast %add3A_2683 : vector<16xf32> to vector<1x1x16xf32>
    tpu.vector_store %arg9[%swap3A_2686, %swap3A_2687, %swap3A_2688], %swap3A_2691 {strides = array<i32>} : memref<4x10x128xf32, #tpu.memory_space<vmem>>, vector<1x1x16xf32>,
    %mul3A_2692 = vector.broadcast %squeeze3A_52 : f32 to vector<16xf32>
    %mul3A_2693 = arith.mulf %convert_element_type3A_2619, %mul3A_2692 : vector<16xf32>
    %add3A_2694 = vector.broadcast %squeeze3A_72 : f32 to vector<16xf32>
    %add3A_2695 = arith.addf %mul3A_2693, %add3A_2694 : vector<16xf32>
    %swap3A_2696 = arith.constant 2 : i32
    %swap3A_2697 = arith.constant 6 : i32
    %swap3A_2698 = arith.index_cast %swap3A_2696 : i32 to index
    %swap3A_2699 = arith.index_cast %swap3A_2697 : i32 to index
    %swap3A_2700 = arith.constant 64 : index
    %swap3A_2701 = tpu.vector_load %arg9[%swap3A_2698, %swap3A_2699, %swap3A_2700] {strides = array<i32>} : memref<4x10x128xf32, #tpu.memory_space<vmem>>, vector<1x1x16xf32>,
    %swap3A_2702 = vector.shape_cast %swap3A_2701 : vector<1x1x16xf32> to vector<16xf32>
    %swap3A_2703 = vector.shape_cast %add3A_2695 : vector<16xf32> to vector<1x1x16xf32>
    tpu.vector_store %arg9[%swap3A_2698, %swap3A_2699, %swap3A_2700], %swap3A_2703 {strides = array<i32>} : memref<4x10x128xf32, #tpu.memory_space<vmem>>, vector<1x1x16xf32>,
    %mul3A_2704 = vector.broadcast %squeeze3A_54 : f32 to vector<16xf32>
    %mul3A_2705 = arith.mulf %convert_element_type3A_2619, %mul3A_2704 : vector<16xf32>
    %add3A_2706 = vector.broadcast %squeeze3A_74 : f32 to vector<16xf32>
    %add3A_2707 = arith.addf %mul3A_2705, %add3A_2706 : vector<16xf32>
    %swap3A_2708 = arith.constant 2 : i32
    %swap3A_2709 = arith.constant 7 : i32
    %swap3A_2710 = arith.index_cast %swap3A_2708 : i32 to index
    %swap3A_2711 = arith.index_cast %swap3A_2709 : i32 to index
    %swap3A_2712 = arith.constant 64 : index
    %swap3A_2713 = tpu.vector_load %arg9[%swap3A_2710, %swap3A_2711, %swap3A_2712] {strides = array<i32>} : memref<4x10x128xf32, #tpu.memory_space<vmem>>, vector<1x1x16xf32>,
    %swap3A_2714 = vector.shape_cast %swap3A_2713 : vector<1x1x16xf32> to vector<16xf32>
    %swap3A_2715 = vector.shape_cast %add3A_2707 : vector<16xf32> to vector<1x1x16xf32>
    tpu.vector_store %arg9[%swap3A_2710, %swap3A_2711, %swap3A_2712], %swap3A_2715 {strides = array<i32>} : memref<4x10x128xf32, #tpu.memory_space<vmem>>, vector<1x1x16xf32>,
    %mul3A_2716 = vector.broadcast %squeeze3A_56 : f32 to vector<16xf32>
    %mul3A_2717 = arith.mulf %convert_element_type3A_2619, %mul3A_2716 : vector<16xf32>
    %add3A_2718 = vector.broadcast %squeeze3A_76 : f32 to vector<16xf32>
    %add3A_2719 = arith.addf %mul3A_2717, %add3A_2718 : vector<16xf32>
    %swap3A_2720 = arith.constant 2 : i32
    %swap3A_2721 = arith.constant 8 : i32
    %swap3A_2722 = arith.index_cast %swap3A_2720 : i32 to index
    %swap3A_2723 = arith.index_cast %swap3A_2721 : i32 to index
    %swap3A_2724 = arith.constant 64 : index
    %swap3A_2725 = tpu.vector_load %arg9[%swap3A_2722, %swap3A_2723, %swap3A_2724] {strides = array<i32>} : memref<4x10x128xf32, #tpu.memory_space<vmem>>, vector<1x1x16xf32>,
    %swap3A_2726 = vector.shape_cast %swap3A_2725 : vector<1x1x16xf32> to vector<16xf32>
    %swap3A_2727 = vector.shape_cast %add3A_2719 : vector<16xf32> to vector<1x1x16xf32>
    tpu.vector_store %arg9[%swap3A_2722, %swap3A_2723, %swap3A_2724], %swap3A_2727 {strides = array<i32>} : memref<4x10x128xf32, #tpu.memory_space<vmem>>, vector<1x1x16xf32>,
    %mul3A_2728 = vector.broadcast %squeeze3A_58 : f32 to vector<16xf32>
    %mul3A_2729 = arith.mulf %convert_element_type3A_2619, %mul3A_2728 : vector<16xf32>
    %add3A_2730 = vector.broadcast %squeeze3A_78 : f32 to vector<16xf32>
    %add3A_2731 = arith.addf %mul3A_2729, %add3A_2730 : vector<16xf32>
    %swap3A_2732 = arith.constant 2 : i32
    %swap3A_2733 = arith.constant 9 : i32
    %swap3A_2734 = arith.index_cast %swap3A_2732 : i32 to index
    %swap3A_2735 = arith.index_cast %swap3A_2733 : i32 to index
    %swap3A_2736 = arith.constant 64 : index
    %swap3A_2737 = tpu.vector_load %arg9[%swap3A_2734, %swap3A_2735, %swap3A_2736] {strides = array<i32>} : memref<4x10x128xf32, #tpu.memory_space<vmem>>, vector<1x1x16xf32>,
    %swap3A_2738 = vector.shape_cast %swap3A_2737 : vector<1x1x16xf32> to vector<16xf32>
    %swap3A_2739 = vector.shape_cast %add3A_2731 : vector<16xf32> to vector<1x1x16xf32>
    tpu.vector_store %arg9[%swap3A_2734, %swap3A_2735, %swap3A_2736], %swap3A_2739 {strides = array<i32>} : memref<4x10x128xf32, #tpu.memory_space<vmem>>, vector<1x1x16xf32>,
    %get3A_2740 = arith.constant 336 : index
    %get3A_2741 = tpu.vector_load %arg7[%get3A_2740] {strides = array<i32>} : memref<512xi32, #tpu.memory_space<vmem>>, vector<16xi32>,
    %get3A_2742 = vector.shape_cast %get3A_2741 : vector<16xi32> to vector<16xi32>
    %convert_element_type3A_2743 = arith.sitofp %get3A_2742 : vector<16xi32> to vector<16xf32>
    %mul3A_2744 = vector.broadcast %squeeze3A : f32 to vector<16xf32>
    %mul3A_2745 = arith.mulf %convert_element_type3A_2743, %mul3A_2744 : vector<16xf32>
    %add3A_2746 = vector.broadcast %squeeze3A_60 : f32 to vector<16xf32>
    %add3A_2747 = arith.addf %mul3A_2745, %add3A_2746 : vector<16xf32>
    %swap3A_2748 = arith.constant 2 : i32
    %swap3A_2749 = arith.constant 0 : i32
    %swap3A_2750 = arith.index_cast %swap3A_2748 : i32 to index
    %swap3A_2751 = arith.index_cast %swap3A_2749 : i32 to index
    %swap3A_2752 = arith.constant 80 : index
    %swap3A_2753 = tpu.vector_load %arg9[%swap3A_2750, %swap3A_2751, %swap3A_2752] {strides = array<i32>} : memref<4x10x128xf32, #tpu.memory_space<vmem>>, vector<1x1x16xf32>,
    %swap3A_2754 = vector.shape_cast %swap3A_2753 : vector<1x1x16xf32> to vector<16xf32>
    %swap3A_2755 = vector.shape_cast %add3A_2747 : vector<16xf32> to vector<1x1x16xf32>
    tpu.vector_store %arg9[%swap3A_2750, %swap3A_2751, %swap3A_2752], %swap3A_2755 {strides = array<i32>} : memref<4x10x128xf32, #tpu.memory_space<vmem>>, vector<1x1x16xf32>,
    %mul3A_2756 = vector.broadcast %squeeze3A_42 : f32 to vector<16xf32>
    %mul3A_2757 = arith.mulf %convert_element_type3A_2743, %mul3A_2756 : vector<16xf32>
    %add3A_2758 = vector.broadcast %squeeze3A_62 : f32 to vector<16xf32>
    %add3A_2759 = arith.addf %mul3A_2757, %add3A_2758 : vector<16xf32>
    %swap3A_2760 = arith.constant 2 : i32
    %swap3A_2761 = arith.constant 1 : i32
    %swap3A_2762 = arith.index_cast %swap3A_2760 : i32 to index
    %swap3A_2763 = arith.index_cast %swap3A_2761 : i32 to index
    %swap3A_2764 = arith.constant 80 : index
    %swap3A_2765 = tpu.vector_load %arg9[%swap3A_2762, %swap3A_2763, %swap3A_2764] {strides = array<i32>} : memref<4x10x128xf32, #tpu.memory_space<vmem>>, vector<1x1x16xf32>,
    %swap3A_2766 = vector.shape_cast %swap3A_2765 : vector<1x1x16xf32> to vector<16xf32>
    %swap3A_2767 = vector.shape_cast %add3A_2759 : vector<16xf32> to vector<1x1x16xf32>
    tpu.vector_store %arg9[%swap3A_2762, %swap3A_2763, %swap3A_2764], %swap3A_2767 {strides = array<i32>} : memref<4x10x128xf32, #tpu.memory_space<vmem>>, vector<1x1x16xf32>,
    %mul3A_2768 = vector.broadcast %squeeze3A_44 : f32 to vector<16xf32>
    %mul3A_2769 = arith.mulf %convert_element_type3A_2743, %mul3A_2768 : vector<16xf32>
    %add3A_2770 = vector.broadcast %squeeze3A_64 : f32 to vector<16xf32>
    %add3A_2771 = arith.addf %mul3A_2769, %add3A_2770 : vector<16xf32>
    %swap3A_2772 = arith.constant 2 : i32
    %swap3A_2773 = arith.constant 2 : i32
    %swap3A_2774 = arith.index_cast %swap3A_2772 : i32 to index
    %swap3A_2775 = arith.index_cast %swap3A_2773 : i32 to index
    %swap3A_2776 = arith.constant 80 : index
    %swap3A_2777 = tpu.vector_load %arg9[%swap3A_2774, %swap3A_2775, %swap3A_2776] {strides = array<i32>} : memref<4x10x128xf32, #tpu.memory_space<vmem>>, vector<1x1x16xf32>,
    %swap3A_2778 = vector.shape_cast %swap3A_2777 : vector<1x1x16xf32> to vector<16xf32>
    %swap3A_2779 = vector.shape_cast %add3A_2771 : vector<16xf32> to vector<1x1x16xf32>
    tpu.vector_store %arg9[%swap3A_2774, %swap3A_2775, %swap3A_2776], %swap3A_2779 {strides = array<i32>} : memref<4x10x128xf32, #tpu.memory_space<vmem>>, vector<1x1x16xf32>,
    %mul3A_2780 = vector.broadcast %squeeze3A_46 : f32 to vector<16xf32>
    %mul3A_2781 = arith.mulf %convert_element_type3A_2743, %mul3A_2780 : vector<16xf32>
    %add3A_2782 = vector.broadcast %squeeze3A_66 : f32 to vector<16xf32>
    %add3A_2783 = arith.addf %mul3A_2781, %add3A_2782 : vector<16xf32>
    %swap3A_2784 = arith.constant 2 : i32
    %swap3A_2785 = arith.constant 3 : i32
    %swap3A_2786 = arith.index_cast %swap3A_2784 : i32 to index
    %swap3A_2787 = arith.index_cast %swap3A_2785 : i32 to index
    %swap3A_2788 = arith.constant 80 : index
    %swap3A_2789 = tpu.vector_load %arg9[%swap3A_2786, %swap3A_2787, %swap3A_2788] {strides = array<i32>} : memref<4x10x128xf32, #tpu.memory_space<vmem>>, vector<1x1x16xf32>,
    %swap3A_2790 = vector.shape_cast %swap3A_2789 : vector<1x1x16xf32> to vector<16xf32>
    %swap3A_2791 = vector.shape_cast %add3A_2783 : vector<16xf32> to vector<1x1x16xf32>
    tpu.vector_store %arg9[%swap3A_2786, %swap3A_2787, %swap3A_2788], %swap3A_2791 {strides = array<i32>} : memref<4x10x128xf32, #tpu.memory_space<vmem>>, vector<1x1x16xf32>,
    %mul3A_2792 = vector.broadcast %squeeze3A_48 : f32 to vector<16xf32>
    %mul3A_2793 = arith.mulf %convert_element_type3A_2743, %mul3A_2792 : vector<16xf32>
    %add3A_2794 = vector.broadcast %squeeze3A_68 : f32 to vector<16xf32>
    %add3A_2795 = arith.addf %mul3A_2793, %add3A_2794 : vector<16xf32>
    %swap3A_2796 = arith.constant 2 : i32
    %swap3A_2797 = arith.constant 4 : i32
    %swap3A_2798 = arith.index_cast %swap3A_2796 : i32 to index
    %swap3A_2799 = arith.index_cast %swap3A_2797 : i32 to index
    %swap3A_2800 = arith.constant 80 : index
    %swap3A_2801 = tpu.vector_load %arg9[%swap3A_2798, %swap3A_2799, %swap3A_2800] {strides = array<i32>} : memref<4x10x128xf32, #tpu.memory_space<vmem>>, vector<1x1x16xf32>,
    %swap3A_2802 = vector.shape_cast %swap3A_2801 : vector<1x1x16xf32> to vector<16xf32>
    %swap3A_2803 = vector.shape_cast %add3A_2795 : vector<16xf32> to vector<1x1x16xf32>
    tpu.vector_store %arg9[%swap3A_2798, %swap3A_2799, %swap3A_2800], %swap3A_2803 {strides = array<i32>} : memref<4x10x128xf32, #tpu.memory_space<vmem>>, vector<1x1x16xf32>,
    %mul3A_2804 = vector.broadcast %squeeze3A_50 : f32 to vector<16xf32>
    %mul3A_2805 = arith.mulf %convert_element_type3A_2743, %mul3A_2804 : vector<16xf32>
    %add3A_2806 = vector.broadcast %squeeze3A_70 : f32 to vector<16xf32>
    %add3A_2807 = arith.addf %mul3A_2805, %add3A_2806 : vector<16xf32>
    %swap3A_2808 = arith.constant 2 : i32
    %swap3A_2809 = arith.constant 5 : i32
    %swap3A_2810 = arith.index_cast %swap3A_2808 : i32 to index
    %swap3A_2811 = arith.index_cast %swap3A_2809 : i32 to index
    %swap3A_2812 = arith.constant 80 : index
    %swap3A_2813 = tpu.vector_load %arg9[%swap3A_2810, %swap3A_2811, %swap3A_2812] {strides = array<i32>} : memref<4x10x128xf32, #tpu.memory_space<vmem>>, vector<1x1x16xf32>,
    %swap3A_2814 = vector.shape_cast %swap3A_2813 : vector<1x1x16xf32> to vector<16xf32>
    %swap3A_2815 = vector.shape_cast %add3A_2807 : vector<16xf32> to vector<1x1x16xf32>
    tpu.vector_store %arg9[%swap3A_2810, %swap3A_2811, %swap3A_2812], %swap3A_2815 {strides = array<i32>} : memref<4x10x128xf32, #tpu.memory_space<vmem>>, vector<1x1x16xf32>,
    %mul3A_2816 = vector.broadcast %squeeze3A_52 : f32 to vector<16xf32>
    %mul3A_2817 = arith.mulf %convert_element_type3A_2743, %mul3A_2816 : vector<16xf32>
    %add3A_2818 = vector.broadcast %squeeze3A_72 : f32 to vector<16xf32>
    %add3A_2819 = arith.addf %mul3A_2817, %add3A_2818 : vector<16xf32>
    %swap3A_2820 = arith.constant 2 : i32
    %swap3A_2821 = arith.constant 6 : i32
    %swap3A_2822 = arith.index_cast %swap3A_2820 : i32 to index
    %swap3A_2823 = arith.index_cast %swap3A_2821 : i32 to index
    %swap3A_2824 = arith.constant 80 : index
    %swap3A_2825 = tpu.vector_load %arg9[%swap3A_2822, %swap3A_2823, %swap3A_2824] {strides = array<i32>} : memref<4x10x128xf32, #tpu.memory_space<vmem>>, vector<1x1x16xf32>,
    %swap3A_2826 = vector.shape_cast %swap3A_2825 : vector<1x1x16xf32> to vector<16xf32>
    %swap3A_2827 = vector.shape_cast %add3A_2819 : vector<16xf32> to vector<1x1x16xf32>
    tpu.vector_store %arg9[%swap3A_2822, %swap3A_2823, %swap3A_2824], %swap3A_2827 {strides = array<i32>} : memref<4x10x128xf32, #tpu.memory_space<vmem>>, vector<1x1x16xf32>,
    %mul3A_2828 = vector.broadcast %squeeze3A_54 : f32 to vector<16xf32>
    %mul3A_2829 = arith.mulf %convert_element_type3A_2743, %mul3A_2828 : vector<16xf32>
    %add3A_2830 = vector.broadcast %squeeze3A_74 : f32 to vector<16xf32>
    %add3A_2831 = arith.addf %mul3A_2829, %add3A_2830 : vector<16xf32>
    %swap3A_2832 = arith.constant 2 : i32
    %swap3A_2833 = arith.constant 7 : i32
    %swap3A_2834 = arith.index_cast %swap3A_2832 : i32 to index
    %swap3A_2835 = arith.index_cast %swap3A_2833 : i32 to index
    %swap3A_2836 = arith.constant 80 : index
    %swap3A_2837 = tpu.vector_load %arg9[%swap3A_2834, %swap3A_2835, %swap3A_2836] {strides = array<i32>} : memref<4x10x128xf32, #tpu.memory_space<vmem>>, vector<1x1x16xf32>,
    %swap3A_2838 = vector.shape_cast %swap3A_2837 : vector<1x1x16xf32> to vector<16xf32>
    %swap3A_2839 = vector.shape_cast %add3A_2831 : vector<16xf32> to vector<1x1x16xf32>
    tpu.vector_store %arg9[%swap3A_2834, %swap3A_2835, %swap3A_2836], %swap3A_2839 {strides = array<i32>} : memref<4x10x128xf32, #tpu.memory_space<vmem>>, vector<1x1x16xf32>,
    %mul3A_2840 = vector.broadcast %squeeze3A_56 : f32 to vector<16xf32>
    %mul3A_2841 = arith.mulf %convert_element_type3A_2743, %mul3A_2840 : vector<16xf32>
    %add3A_2842 = vector.broadcast %squeeze3A_76 : f32 to vector<16xf32>
    %add3A_2843 = arith.addf %mul3A_2841, %add3A_2842 : vector<16xf32>
    %swap3A_2844 = arith.constant 2 : i32
    %swap3A_2845 = arith.constant 8 : i32
    %swap3A_2846 = arith.index_cast %swap3A_2844 : i32 to index
    %swap3A_2847 = arith.index_cast %swap3A_2845 : i32 to index
    %swap3A_2848 = arith.constant 80 : index
    %swap3A_2849 = tpu.vector_load %arg9[%swap3A_2846, %swap3A_2847, %swap3A_2848] {strides = array<i32>} : memref<4x10x128xf32, #tpu.memory_space<vmem>>, vector<1x1x16xf32>,
    %swap3A_2850 = vector.shape_cast %swap3A_2849 : vector<1x1x16xf32> to vector<16xf32>
    %swap3A_2851 = vector.shape_cast %add3A_2843 : vector<16xf32> to vector<1x1x16xf32>
    tpu.vector_store %arg9[%swap3A_2846, %swap3A_2847, %swap3A_2848], %swap3A_2851 {strides = array<i32>} : memref<4x10x128xf32, #tpu.memory_space<vmem>>, vector<1x1x16xf32>,
    %mul3A_2852 = vector.broadcast %squeeze3A_58 : f32 to vector<16xf32>
    %mul3A_2853 = arith.mulf %convert_element_type3A_2743, %mul3A_2852 : vector<16xf32>
    %add3A_2854 = vector.broadcast %squeeze3A_78 : f32 to vector<16xf32>
    %add3A_2855 = arith.addf %mul3A_2853, %add3A_2854 : vector<16xf32>
    %swap3A_2856 = arith.constant 2 : i32
    %swap3A_2857 = arith.constant 9 : i32
    %swap3A_2858 = arith.index_cast %swap3A_2856 : i32 to index
    %swap3A_2859 = arith.index_cast %swap3A_2857 : i32 to index
    %swap3A_2860 = arith.constant 80 : index
    %swap3A_2861 = tpu.vector_load %arg9[%swap3A_2858, %swap3A_2859, %swap3A_2860] {strides = array<i32>} : memref<4x10x128xf32, #tpu.memory_space<vmem>>, vector<1x1x16xf32>,
    %swap3A_2862 = vector.shape_cast %swap3A_2861 : vector<1x1x16xf32> to vector<16xf32>
    %swap3A_2863 = vector.shape_cast %add3A_2855 : vector<16xf32> to vector<1x1x16xf32>
    tpu.vector_store %arg9[%swap3A_2858, %swap3A_2859, %swap3A_2860], %swap3A_2863 {strides = array<i32>} : memref<4x10x128xf32, #tpu.memory_space<vmem>>, vector<1x1x16xf32>,
    %get3A_2864 = arith.constant 352 : index
    %get3A_2865 = tpu.vector_load %arg7[%get3A_2864] {strides = array<i32>} : memref<512xi32, #tpu.memory_space<vmem>>, vector<16xi32>,
    %get3A_2866 = vector.shape_cast %get3A_2865 : vector<16xi32> to vector<16xi32>
    %convert_element_type3A_2867 = arith.sitofp %get3A_2866 : vector<16xi32> to vector<16xf32>
    %mul3A_2868 = vector.broadcast %squeeze3A : f32 to vector<16xf32>
    %mul3A_2869 = arith.mulf %convert_element_type3A_2867, %mul3A_2868 : vector<16xf32>
    %add3A_2870 = vector.broadcast %squeeze3A_60 : f32 to vector<16xf32>
    %add3A_2871 = arith.addf %mul3A_2869, %add3A_2870 : vector<16xf32>
    %swap3A_2872 = arith.constant 2 : i32
    %swap3A_2873 = arith.constant 0 : i32
    %swap3A_2874 = arith.index_cast %swap3A_2872 : i32 to index
    %swap3A_2875 = arith.index_cast %swap3A_2873 : i32 to index
    %swap3A_2876 = arith.constant 96 : index
    %swap3A_2877 = tpu.vector_load %arg9[%swap3A_2874, %swap3A_2875, %swap3A_2876] {strides = array<i32>} : memref<4x10x128xf32, #tpu.memory_space<vmem>>, vector<1x1x16xf32>,
    %swap3A_2878 = vector.shape_cast %swap3A_2877 : vector<1x1x16xf32> to vector<16xf32>
    %swap3A_2879 = vector.shape_cast %add3A_2871 : vector<16xf32> to vector<1x1x16xf32>
    tpu.vector_store %arg9[%swap3A_2874, %swap3A_2875, %swap3A_2876], %swap3A_2879 {strides = array<i32>} : memref<4x10x128xf32, #tpu.memory_space<vmem>>, vector<1x1x16xf32>,
    %mul3A_2880 = vector.broadcast %squeeze3A_42 : f32 to vector<16xf32>
    %mul3A_2881 = arith.mulf %convert_element_type3A_2867, %mul3A_2880 : vector<16xf32>
    %add3A_2882 = vector.broadcast %squeeze3A_62 : f32 to vector<16xf32>
    %add3A_2883 = arith.addf %mul3A_2881, %add3A_2882 : vector<16xf32>
    %swap3A_2884 = arith.constant 2 : i32
    %swap3A_2885 = arith.constant 1 : i32
    %swap3A_2886 = arith.index_cast %swap3A_2884 : i32 to index
    %swap3A_2887 = arith.index_cast %swap3A_2885 : i32 to index
    %swap3A_2888 = arith.constant 96 : index
    %swap3A_2889 = tpu.vector_load %arg9[%swap3A_2886, %swap3A_2887, %swap3A_2888] {strides = array<i32>} : memref<4x10x128xf32, #tpu.memory_space<vmem>>, vector<1x1x16xf32>,
    %swap3A_2890 = vector.shape_cast %swap3A_2889 : vector<1x1x16xf32> to vector<16xf32>
    %swap3A_2891 = vector.shape_cast %add3A_2883 : vector<16xf32> to vector<1x1x16xf32>
    tpu.vector_store %arg9[%swap3A_2886, %swap3A_2887, %swap3A_2888], %swap3A_2891 {strides = array<i32>} : memref<4x10x128xf32, #tpu.memory_space<vmem>>, vector<1x1x16xf32>,
    %mul3A_2892 = vector.broadcast %squeeze3A_44 : f32 to vector<16xf32>
    %mul3A_2893 = arith.mulf %convert_element_type3A_2867, %mul3A_2892 : vector<16xf32>
    %add3A_2894 = vector.broadcast %squeeze3A_64 : f32 to vector<16xf32>
    %add3A_2895 = arith.addf %mul3A_2893, %add3A_2894 : vector<16xf32>
    %swap3A_2896 = arith.constant 2 : i32
    %swap3A_2897 = arith.constant 2 : i32
    %swap3A_2898 = arith.index_cast %swap3A_2896 : i32 to index
    %swap3A_2899 = arith.index_cast %swap3A_2897 : i32 to index
    %swap3A_2900 = arith.constant 96 : index
    %swap3A_2901 = tpu.vector_load %arg9[%swap3A_2898, %swap3A_2899, %swap3A_2900] {strides = array<i32>} : memref<4x10x128xf32, #tpu.memory_space<vmem>>, vector<1x1x16xf32>,
    %swap3A_2902 = vector.shape_cast %swap3A_2901 : vector<1x1x16xf32> to vector<16xf32>
    %swap3A_2903 = vector.shape_cast %add3A_2895 : vector<16xf32> to vector<1x1x16xf32>
    tpu.vector_store %arg9[%swap3A_2898, %swap3A_2899, %swap3A_2900], %swap3A_2903 {strides = array<i32>} : memref<4x10x128xf32, #tpu.memory_space<vmem>>, vector<1x1x16xf32>,
    %mul3A_2904 = vector.broadcast %squeeze3A_46 : f32 to vector<16xf32>
    %mul3A_2905 = arith.mulf %convert_element_type3A_2867, %mul3A_2904 : vector<16xf32>
    %add3A_2906 = vector.broadcast %squeeze3A_66 : f32 to vector<16xf32>
    %add3A_2907 = arith.addf %mul3A_2905, %add3A_2906 : vector<16xf32>
    %swap3A_2908 = arith.constant 2 : i32
    %swap3A_2909 = arith.constant 3 : i32
    %swap3A_2910 = arith.index_cast %swap3A_2908 : i32 to index
    %swap3A_2911 = arith.index_cast %swap3A_2909 : i32 to index
    %swap3A_2912 = arith.constant 96 : index
    %swap3A_2913 = tpu.vector_load %arg9[%swap3A_2910, %swap3A_2911, %swap3A_2912] {strides = array<i32>} : memref<4x10x128xf32, #tpu.memory_space<vmem>>, vector<1x1x16xf32>,
    %swap3A_2914 = vector.shape_cast %swap3A_2913 : vector<1x1x16xf32> to vector<16xf32>
    %swap3A_2915 = vector.shape_cast %add3A_2907 : vector<16xf32> to vector<1x1x16xf32>
    tpu.vector_store %arg9[%swap3A_2910, %swap3A_2911, %swap3A_2912], %swap3A_2915 {strides = array<i32>} : memref<4x10x128xf32, #tpu.memory_space<vmem>>, vector<1x1x16xf32>,
    %mul3A_2916 = vector.broadcast %squeeze3A_48 : f32 to vector<16xf32>
    %mul3A_2917 = arith.mulf %convert_element_type3A_2867, %mul3A_2916 : vector<16xf32>
    %add3A_2918 = vector.broadcast %squeeze3A_68 : f32 to vector<16xf32>
    %add3A_2919 = arith.addf %mul3A_2917, %add3A_2918 : vector<16xf32>
    %swap3A_2920 = arith.constant 2 : i32
    %swap3A_2921 = arith.constant 4 : i32
    %swap3A_2922 = arith.index_cast %swap3A_2920 : i32 to index
    %swap3A_2923 = arith.index_cast %swap3A_2921 : i32 to index
    %swap3A_2924 = arith.constant 96 : index
    %swap3A_2925 = tpu.vector_load %arg9[%swap3A_2922, %swap3A_2923, %swap3A_2924] {strides = array<i32>} : memref<4x10x128xf32, #tpu.memory_space<vmem>>, vector<1x1x16xf32>,
    %swap3A_2926 = vector.shape_cast %swap3A_2925 : vector<1x1x16xf32> to vector<16xf32>
    %swap3A_2927 = vector.shape_cast %add3A_2919 : vector<16xf32> to vector<1x1x16xf32>
    tpu.vector_store %arg9[%swap3A_2922, %swap3A_2923, %swap3A_2924], %swap3A_2927 {strides = array<i32>} : memref<4x10x128xf32, #tpu.memory_space<vmem>>, vector<1x1x16xf32>,
    %mul3A_2928 = vector.broadcast %squeeze3A_50 : f32 to vector<16xf32>
    %mul3A_2929 = arith.mulf %convert_element_type3A_2867, %mul3A_2928 : vector<16xf32>
    %add3A_2930 = vector.broadcast %squeeze3A_70 : f32 to vector<16xf32>
    %add3A_2931 = arith.addf %mul3A_2929, %add3A_2930 : vector<16xf32>
    %swap3A_2932 = arith.constant 2 : i32
    %swap3A_2933 = arith.constant 5 : i32
    %swap3A_2934 = arith.index_cast %swap3A_2932 : i32 to index
    %swap3A_2935 = arith.index_cast %swap3A_2933 : i32 to index
    %swap3A_2936 = arith.constant 96 : index
    %swap3A_2937 = tpu.vector_load %arg9[%swap3A_2934, %swap3A_2935, %swap3A_2936] {strides = array<i32>} : memref<4x10x128xf32, #tpu.memory_space<vmem>>, vector<1x1x16xf32>,
    %swap3A_2938 = vector.shape_cast %swap3A_2937 : vector<1x1x16xf32> to vector<16xf32>
    %swap3A_2939 = vector.shape_cast %add3A_2931 : vector<16xf32> to vector<1x1x16xf32>
    tpu.vector_store %arg9[%swap3A_2934, %swap3A_2935, %swap3A_2936], %swap3A_2939 {strides = array<i32>} : memref<4x10x128xf32, #tpu.memory_space<vmem>>, vector<1x1x16xf32>,
    %mul3A_2940 = vector.broadcast %squeeze3A_52 : f32 to vector<16xf32>
    %mul3A_2941 = arith.mulf %convert_element_type3A_2867, %mul3A_2940 : vector<16xf32>
    %add3A_2942 = vector.broadcast %squeeze3A_72 : f32 to vector<16xf32>
    %add3A_2943 = arith.addf %mul3A_2941, %add3A_2942 : vector<16xf32>
    %swap3A_2944 = arith.constant 2 : i32
    %swap3A_2945 = arith.constant 6 : i32
    %swap3A_2946 = arith.index_cast %swap3A_2944 : i32 to index
    %swap3A_2947 = arith.index_cast %swap3A_2945 : i32 to index
    %swap3A_2948 = arith.constant 96 : index
    %swap3A_2949 = tpu.vector_load %arg9[%swap3A_2946, %swap3A_2947, %swap3A_2948] {strides = array<i32>} : memref<4x10x128xf32, #tpu.memory_space<vmem>>, vector<1x1x16xf32>,
    %swap3A_2950 = vector.shape_cast %swap3A_2949 : vector<1x1x16xf32> to vector<16xf32>
    %swap3A_2951 = vector.shape_cast %add3A_2943 : vector<16xf32> to vector<1x1x16xf32>
    tpu.vector_store %arg9[%swap3A_2946, %swap3A_2947, %swap3A_2948], %swap3A_2951 {strides = array<i32>} : memref<4x10x128xf32, #tpu.memory_space<vmem>>, vector<1x1x16xf32>,
    %mul3A_2952 = vector.broadcast %squeeze3A_54 : f32 to vector<16xf32>
    %mul3A_2953 = arith.mulf %convert_element_type3A_2867, %mul3A_2952 : vector<16xf32>
    %add3A_2954 = vector.broadcast %squeeze3A_74 : f32 to vector<16xf32>
    %add3A_2955 = arith.addf %mul3A_2953, %add3A_2954 : vector<16xf32>
    %swap3A_2956 = arith.constant 2 : i32
    %swap3A_2957 = arith.constant 7 : i32
    %swap3A_2958 = arith.index_cast %swap3A_2956 : i32 to index
    %swap3A_2959 = arith.index_cast %swap3A_2957 : i32 to index
    %swap3A_2960 = arith.constant 96 : index
    %swap3A_2961 = tpu.vector_load %arg9[%swap3A_2958, %swap3A_2959, %swap3A_2960] {strides = array<i32>} : memref<4x10x128xf32, #tpu.memory_space<vmem>>, vector<1x1x16xf32>,
    %swap3A_2962 = vector.shape_cast %swap3A_2961 : vector<1x1x16xf32> to vector<16xf32>
    %swap3A_2963 = vector.shape_cast %add3A_2955 : vector<16xf32> to vector<1x1x16xf32>
    tpu.vector_store %arg9[%swap3A_2958, %swap3A_2959, %swap3A_2960], %swap3A_2963 {strides = array<i32>} : memref<4x10x128xf32, #tpu.memory_space<vmem>>, vector<1x1x16xf32>,
    %mul3A_2964 = vector.broadcast %squeeze3A_56 : f32 to vector<16xf32>
    %mul3A_2965 = arith.mulf %convert_element_type3A_2867, %mul3A_2964 : vector<16xf32>
    %add3A_2966 = vector.broadcast %squeeze3A_76 : f32 to vector<16xf32>
    %add3A_2967 = arith.addf %mul3A_2965, %add3A_2966 : vector<16xf32>
    %swap3A_2968 = arith.constant 2 : i32
    %swap3A_2969 = arith.constant 8 : i32
    %swap3A_2970 = arith.index_cast %swap3A_2968 : i32 to index
    %swap3A_2971 = arith.index_cast %swap3A_2969 : i32 to index
    %swap3A_2972 = arith.constant 96 : index
    %swap3A_2973 = tpu.vector_load %arg9[%swap3A_2970, %swap3A_2971, %swap3A_2972] {strides = array<i32>} : memref<4x10x128xf32, #tpu.memory_space<vmem>>, vector<1x1x16xf32>,
    %swap3A_2974 = vector.shape_cast %swap3A_2973 : vector<1x1x16xf32> to vector<16xf32>
    %swap3A_2975 = vector.shape_cast %add3A_2967 : vector<16xf32> to vector<1x1x16xf32>
    tpu.vector_store %arg9[%swap3A_2970, %swap3A_2971, %swap3A_2972], %swap3A_2975 {strides = array<i32>} : memref<4x10x128xf32, #tpu.memory_space<vmem>>, vector<1x1x16xf32>,
    %mul3A_2976 = vector.broadcast %squeeze3A_58 : f32 to vector<16xf32>
    %mul3A_2977 = arith.mulf %convert_element_type3A_2867, %mul3A_2976 : vector<16xf32>
    %add3A_2978 = vector.broadcast %squeeze3A_78 : f32 to vector<16xf32>
    %add3A_2979 = arith.addf %mul3A_2977, %add3A_2978 : vector<16xf32>
    %swap3A_2980 = arith.constant 2 : i32
    %swap3A_2981 = arith.constant 9 : i32
    %swap3A_2982 = arith.index_cast %swap3A_2980 : i32 to index
    %swap3A_2983 = arith.index_cast %swap3A_2981 : i32 to index
    %swap3A_2984 = arith.constant 96 : index
    %swap3A_2985 = tpu.vector_load %arg9[%swap3A_2982, %swap3A_2983, %swap3A_2984] {strides = array<i32>} : memref<4x10x128xf32, #tpu.memory_space<vmem>>, vector<1x1x16xf32>,
    %swap3A_2986 = vector.shape_cast %swap3A_2985 : vector<1x1x16xf32> to vector<16xf32>
    %swap3A_2987 = vector.shape_cast %add3A_2979 : vector<16xf32> to vector<1x1x16xf32>
    tpu.vector_store %arg9[%swap3A_2982, %swap3A_2983, %swap3A_2984], %swap3A_2987 {strides = array<i32>} : memref<4x10x128xf32, #tpu.memory_space<vmem>>, vector<1x1x16xf32>,
    %get3A_2988 = arith.constant 368 : index
    %get3A_2989 = tpu.vector_load %arg7[%get3A_2988] {strides = array<i32>} : memref<512xi32, #tpu.memory_space<vmem>>, vector<16xi32>,
    %get3A_2990 = vector.shape_cast %get3A_2989 : vector<16xi32> to vector<16xi32>
    %convert_element_type3A_2991 = arith.sitofp %get3A_2990 : vector<16xi32> to vector<16xf32>
    %mul3A_2992 = vector.broadcast %squeeze3A : f32 to vector<16xf32>
    %mul3A_2993 = arith.mulf %convert_element_type3A_2991, %mul3A_2992 : vector<16xf32>
    %add3A_2994 = vector.broadcast %squeeze3A_60 : f32 to vector<16xf32>
    %add3A_2995 = arith.addf %mul3A_2993, %add3A_2994 : vector<16xf32>
    %swap3A_2996 = arith.constant 2 : i32
    %swap3A_2997 = arith.constant 0 : i32
    %swap3A_2998 = arith.index_cast %swap3A_2996 : i32 to index
    %swap3A_2999 = arith.index_cast %swap3A_2997 : i32 to index
    %swap3A_3000 = arith.constant 112 : index
    %swap3A_3001 = tpu.vector_load %arg9[%swap3A_2998, %swap3A_2999, %swap3A_3000] {strides = array<i32>} : memref<4x10x128xf32, #tpu.memory_space<vmem>>, vector<1x1x16xf32>,
    %swap3A_3002 = vector.shape_cast %swap3A_3001 : vector<1x1x16xf32> to vector<16xf32>
    %swap3A_3003 = vector.shape_cast %add3A_2995 : vector<16xf32> to vector<1x1x16xf32>
    tpu.vector_store %arg9[%swap3A_2998, %swap3A_2999, %swap3A_3000], %swap3A_3003 {strides = array<i32>} : memref<4x10x128xf32, #tpu.memory_space<vmem>>, vector<1x1x16xf32>,
    %mul3A_3004 = vector.broadcast %squeeze3A_42 : f32 to vector<16xf32>
    %mul3A_3005 = arith.mulf %convert_element_type3A_2991, %mul3A_3004 : vector<16xf32>
    %add3A_3006 = vector.broadcast %squeeze3A_62 : f32 to vector<16xf32>
    %add3A_3007 = arith.addf %mul3A_3005, %add3A_3006 : vector<16xf32>
    %swap3A_3008 = arith.constant 2 : i32
    %swap3A_3009 = arith.constant 1 : i32
    %swap3A_3010 = arith.index_cast %swap3A_3008 : i32 to index
    %swap3A_3011 = arith.index_cast %swap3A_3009 : i32 to index
    %swap3A_3012 = arith.constant 112 : index
    %swap3A_3013 = tpu.vector_load %arg9[%swap3A_3010, %swap3A_3011, %swap3A_3012] {strides = array<i32>} : memref<4x10x128xf32, #tpu.memory_space<vmem>>, vector<1x1x16xf32>,
    %swap3A_3014 = vector.shape_cast %swap3A_3013 : vector<1x1x16xf32> to vector<16xf32>
    %swap3A_3015 = vector.shape_cast %add3A_3007 : vector<16xf32> to vector<1x1x16xf32>
    tpu.vector_store %arg9[%swap3A_3010, %swap3A_3011, %swap3A_3012], %swap3A_3015 {strides = array<i32>} : memref<4x10x128xf32, #tpu.memory_space<vmem>>, vector<1x1x16xf32>,
    %mul3A_3016 = vector.broadcast %squeeze3A_44 : f32 to vector<16xf32>
    %mul3A_3017 = arith.mulf %convert_element_type3A_2991, %mul3A_3016 : vector<16xf32>
    %add3A_3018 = vector.broadcast %squeeze3A_64 : f32 to vector<16xf32>
    %add3A_3019 = arith.addf %mul3A_3017, %add3A_3018 : vector<16xf32>
    %swap3A_3020 = arith.constant 2 : i32
    %swap3A_3021 = arith.constant 2 : i32
    %swap3A_3022 = arith.index_cast %swap3A_3020 : i32 to index
    %swap3A_3023 = arith.index_cast %swap3A_3021 : i32 to index
    %swap3A_3024 = arith.constant 112 : index
    %swap3A_3025 = tpu.vector_load %arg9[%swap3A_3022, %swap3A_3023, %swap3A_3024] {strides = array<i32>} : memref<4x10x128xf32, #tpu.memory_space<vmem>>, vector<1x1x16xf32>,
    %swap3A_3026 = vector.shape_cast %swap3A_3025 : vector<1x1x16xf32> to vector<16xf32>
    %swap3A_3027 = vector.shape_cast %add3A_3019 : vector<16xf32> to vector<1x1x16xf32>
    tpu.vector_store %arg9[%swap3A_3022, %swap3A_3023, %swap3A_3024], %swap3A_3027 {strides = array<i32>} : memref<4x10x128xf32, #tpu.memory_space<vmem>>, vector<1x1x16xf32>,
    %mul3A_3028 = vector.broadcast %squeeze3A_46 : f32 to vector<16xf32>
    %mul3A_3029 = arith.mulf %convert_element_type3A_2991, %mul3A_3028 : vector<16xf32>
    %add3A_3030 = vector.broadcast %squeeze3A_66 : f32 to vector<16xf32>
    %add3A_3031 = arith.addf %mul3A_3029, %add3A_3030 : vector<16xf32>
    %swap3A_3032 = arith.constant 2 : i32
    %swap3A_3033 = arith.constant 3 : i32
    %swap3A_3034 = arith.index_cast %swap3A_3032 : i32 to index
    %swap3A_3035 = arith.index_cast %swap3A_3033 : i32 to index
    %swap3A_3036 = arith.constant 112 : index
    %swap3A_3037 = tpu.vector_load %arg9[%swap3A_3034, %swap3A_3035, %swap3A_3036] {strides = array<i32>} : memref<4x10x128xf32, #tpu.memory_space<vmem>>, vector<1x1x16xf32>,
    %swap3A_3038 = vector.shape_cast %swap3A_3037 : vector<1x1x16xf32> to vector<16xf32>
    %swap3A_3039 = vector.shape_cast %add3A_3031 : vector<16xf32> to vector<1x1x16xf32>
    tpu.vector_store %arg9[%swap3A_3034, %swap3A_3035, %swap3A_3036], %swap3A_3039 {strides = array<i32>} : memref<4x10x128xf32, #tpu.memory_space<vmem>>, vector<1x1x16xf32>,
    %mul3A_3040 = vector.broadcast %squeeze3A_48 : f32 to vector<16xf32>
    %mul3A_3041 = arith.mulf %convert_element_type3A_2991, %mul3A_3040 : vector<16xf32>
    %add3A_3042 = vector.broadcast %squeeze3A_68 : f32 to vector<16xf32>
    %add3A_3043 = arith.addf %mul3A_3041, %add3A_3042 : vector<16xf32>
    %swap3A_3044 = arith.constant 2 : i32
    %swap3A_3045 = arith.constant 4 : i32
    %swap3A_3046 = arith.index_cast %swap3A_3044 : i32 to index
    %swap3A_3047 = arith.index_cast %swap3A_3045 : i32 to index
    %swap3A_3048 = arith.constant 112 : index
    %swap3A_3049 = tpu.vector_load %arg9[%swap3A_3046, %swap3A_3047, %swap3A_3048] {strides = array<i32>} : memref<4x10x128xf32, #tpu.memory_space<vmem>>, vector<1x1x16xf32>,
    %swap3A_3050 = vector.shape_cast %swap3A_3049 : vector<1x1x16xf32> to vector<16xf32>
    %swap3A_3051 = vector.shape_cast %add3A_3043 : vector<16xf32> to vector<1x1x16xf32>
    tpu.vector_store %arg9[%swap3A_3046, %swap3A_3047, %swap3A_3048], %swap3A_3051 {strides = array<i32>} : memref<4x10x128xf32, #tpu.memory_space<vmem>>, vector<1x1x16xf32>,
    %mul3A_3052 = vector.broadcast %squeeze3A_50 : f32 to vector<16xf32>
    %mul3A_3053 = arith.mulf %convert_element_type3A_2991, %mul3A_3052 : vector<16xf32>
    %add3A_3054 = vector.broadcast %squeeze3A_70 : f32 to vector<16xf32>
    %add3A_3055 = arith.addf %mul3A_3053, %add3A_3054 : vector<16xf32>
    %swap3A_3056 = arith.constant 2 : i32
    %swap3A_3057 = arith.constant 5 : i32
    %swap3A_3058 = arith.index_cast %swap3A_3056 : i32 to index
    %swap3A_3059 = arith.index_cast %swap3A_3057 : i32 to index
    %swap3A_3060 = arith.constant 112 : index
    %swap3A_3061 = tpu.vector_load %arg9[%swap3A_3058, %swap3A_3059, %swap3A_3060] {strides = array<i32>} : memref<4x10x128xf32, #tpu.memory_space<vmem>>, vector<1x1x16xf32>,
    %swap3A_3062 = vector.shape_cast %swap3A_3061 : vector<1x1x16xf32> to vector<16xf32>
    %swap3A_3063 = vector.shape_cast %add3A_3055 : vector<16xf32> to vector<1x1x16xf32>
    tpu.vector_store %arg9[%swap3A_3058, %swap3A_3059, %swap3A_3060], %swap3A_3063 {strides = array<i32>} : memref<4x10x128xf32, #tpu.memory_space<vmem>>, vector<1x1x16xf32>,
    %mul3A_3064 = vector.broadcast %squeeze3A_52 : f32 to vector<16xf32>
    %mul3A_3065 = arith.mulf %convert_element_type3A_2991, %mul3A_3064 : vector<16xf32>
    %add3A_3066 = vector.broadcast %squeeze3A_72 : f32 to vector<16xf32>
    %add3A_3067 = arith.addf %mul3A_3065, %add3A_3066 : vector<16xf32>
    %swap3A_3068 = arith.constant 2 : i32
    %swap3A_3069 = arith.constant 6 : i32
    %swap3A_3070 = arith.index_cast %swap3A_3068 : i32 to index
    %swap3A_3071 = arith.index_cast %swap3A_3069 : i32 to index
    %swap3A_3072 = arith.constant 112 : index
    %swap3A_3073 = tpu.vector_load %arg9[%swap3A_3070, %swap3A_3071, %swap3A_3072] {strides = array<i32>} : memref<4x10x128xf32, #tpu.memory_space<vmem>>, vector<1x1x16xf32>,
    %swap3A_3074 = vector.shape_cast %swap3A_3073 : vector<1x1x16xf32> to vector<16xf32>
    %swap3A_3075 = vector.shape_cast %add3A_3067 : vector<16xf32> to vector<1x1x16xf32>
    tpu.vector_store %arg9[%swap3A_3070, %swap3A_3071, %swap3A_3072], %swap3A_3075 {strides = array<i32>} : memref<4x10x128xf32, #tpu.memory_space<vmem>>, vector<1x1x16xf32>,
    %mul3A_3076 = vector.broadcast %squeeze3A_54 : f32 to vector<16xf32>
    %mul3A_3077 = arith.mulf %convert_element_type3A_2991, %mul3A_3076 : vector<16xf32>
    %add3A_3078 = vector.broadcast %squeeze3A_74 : f32 to vector<16xf32>
    %add3A_3079 = arith.addf %mul3A_3077, %add3A_3078 : vector<16xf32>
    %swap3A_3080 = arith.constant 2 : i32
    %swap3A_3081 = arith.constant 7 : i32
    %swap3A_3082 = arith.index_cast %swap3A_3080 : i32 to index
    %swap3A_3083 = arith.index_cast %swap3A_3081 : i32 to index
    %swap3A_3084 = arith.constant 112 : index
    %swap3A_3085 = tpu.vector_load %arg9[%swap3A_3082, %swap3A_3083, %swap3A_3084] {strides = array<i32>} : memref<4x10x128xf32, #tpu.memory_space<vmem>>, vector<1x1x16xf32>,
    %swap3A_3086 = vector.shape_cast %swap3A_3085 : vector<1x1x16xf32> to vector<16xf32>
    %swap3A_3087 = vector.shape_cast %add3A_3079 : vector<16xf32> to vector<1x1x16xf32>
    tpu.vector_store %arg9[%swap3A_3082, %swap3A_3083, %swap3A_3084], %swap3A_3087 {strides = array<i32>} : memref<4x10x128xf32, #tpu.memory_space<vmem>>, vector<1x1x16xf32>,
    %mul3A_3088 = vector.broadcast %squeeze3A_56 : f32 to vector<16xf32>
    %mul3A_3089 = arith.mulf %convert_element_type3A_2991, %mul3A_3088 : vector<16xf32>
    %add3A_3090 = vector.broadcast %squeeze3A_76 : f32 to vector<16xf32>
    %add3A_3091 = arith.addf %mul3A_3089, %add3A_3090 : vector<16xf32>
    %swap3A_3092 = arith.constant 2 : i32
    %swap3A_3093 = arith.constant 8 : i32
    %swap3A_3094 = arith.index_cast %swap3A_3092 : i32 to index
    %swap3A_3095 = arith.index_cast %swap3A_3093 : i32 to index
    %swap3A_3096 = arith.constant 112 : index
    %swap3A_3097 = tpu.vector_load %arg9[%swap3A_3094, %swap3A_3095, %swap3A_3096] {strides = array<i32>} : memref<4x10x128xf32, #tpu.memory_space<vmem>>, vector<1x1x16xf32>,
    %swap3A_3098 = vector.shape_cast %swap3A_3097 : vector<1x1x16xf32> to vector<16xf32>
    %swap3A_3099 = vector.shape_cast %add3A_3091 : vector<16xf32> to vector<1x1x16xf32>
    tpu.vector_store %arg9[%swap3A_3094, %swap3A_3095, %swap3A_3096], %swap3A_3099 {strides = array<i32>} : memref<4x10x128xf32, #tpu.memory_space<vmem>>, vector<1x1x16xf32>,
    %mul3A_3100 = vector.broadcast %squeeze3A_58 : f32 to vector<16xf32>
    %mul3A_3101 = arith.mulf %convert_element_type3A_2991, %mul3A_3100 : vector<16xf32>
    %add3A_3102 = vector.broadcast %squeeze3A_78 : f32 to vector<16xf32>
    %add3A_3103 = arith.addf %mul3A_3101, %add3A_3102 : vector<16xf32>
    %swap3A_3104 = arith.constant 2 : i32
    %swap3A_3105 = arith.constant 9 : i32
    %swap3A_3106 = arith.index_cast %swap3A_3104 : i32 to index
    %swap3A_3107 = arith.index_cast %swap3A_3105 : i32 to index
    %swap3A_3108 = arith.constant 112 : index
    %swap3A_3109 = tpu.vector_load %arg9[%swap3A_3106, %swap3A_3107, %swap3A_3108] {strides = array<i32>} : memref<4x10x128xf32, #tpu.memory_space<vmem>>, vector<1x1x16xf32>,
    %swap3A_3110 = vector.shape_cast %swap3A_3109 : vector<1x1x16xf32> to vector<16xf32>
    %swap3A_3111 = vector.shape_cast %add3A_3103 : vector<16xf32> to vector<1x1x16xf32>
    tpu.vector_store %arg9[%swap3A_3106, %swap3A_3107, %swap3A_3108], %swap3A_3111 {strides = array<i32>} : memref<4x10x128xf32, #tpu.memory_space<vmem>>, vector<1x1x16xf32>,
    %dma_start3A_3112 = arith.constant 2 : i32
    %dma_start3A_3113 = arith.constant 2 : i32
    %dma_start3A_3114 = arith.constant 0 : i32
    %dma_start3A_3115 = arith.constant 0 : i32
    %dma_start3A_3116 = tpu.memref_slice %arg9[%dma_start3A_3112, %dma_start3A_3114, %dma_start3A_3115] : memref<4x10x128xf32, #tpu.memory_space<vmem>> -> memref<1x10x128xf32, #tpu.memory_space<vmem>>
    %dma_start3A_3117 = tpu.memref_squeeze %dma_start3A_3116 : memref<1x10x128xf32, #tpu.memory_space<vmem>> -> memref<10x128xf32, #tpu.memory_space<vmem>>
    %dma_start3A_3118 = arith.constant 0 : i32
    %dma_start3A_3119 = arith.constant 0 : i32
    %dma_start3A_3120 = tpu.memref_slice %arg5[%add3A, %dma_start3A_3113, %dma_start3A_3118, %dma_start3A_3119] : memref<32x4x10x128xf32, #tpu.memory_space<hbm>> -> memref<1x1x10x128xf32, #tpu.memory_space<hbm>>
    %dma_start3A_3121 = tpu.memref_squeeze %dma_start3A_3120 : memref<1x1x10x128xf32, #tpu.memory_space<hbm>> -> memref<10x128xf32, #tpu.memory_space<hbm>>
    %dma_start3A_3122 = arith.constant 0 : i32
    %dma_start3A_3123 = arith.constant 0 : i32
    %dma_start3A_3124 = tpu.memref_slice %arg5[%add3A, %dma_start3A_3113, %dma_start3A_3122, %dma_start3A_3123] : memref<32x4x10x128xf32, #tpu.memory_space<hbm>> -> memref<1x1x10x128xf32, #tpu.memory_space<hbm>>
    %dma_start3A_3125 = tpu.memref_squeeze %dma_start3A_3124 : memref<1x1x10x128xf32, #tpu.memory_space<hbm>> -> memref<10x128xf32, #tpu.memory_space<hbm>>
    %dma_start3A_3126 = arith.constant 0 : i32
    %dma_start3A_3127 = arith.constant 0 : i32
    %dma_start3A_3128 = tpu.memref_slice %arg9[%dma_start3A_3112, %dma_start3A_3126, %dma_start3A_3127] : memref<4x10x128xf32, #tpu.memory_space<vmem>> -> memref<1x10x128xf32, #tpu.memory_space<vmem>>
    %dma_start3A_3129 = tpu.memref_squeeze %dma_start3A_3128 : memref<1x10x128xf32, #tpu.memory_space<vmem>> -> memref<10x128xf32, #tpu.memory_space<vmem>>
    tpu.enqueue_dma source(%dma_start3A_3129 : memref<10x128xf32, #tpu.memory_space<vmem>>) target(%dma_start3A_3125 : memref<10x128xf32, #tpu.memory_space<hbm>>) target_semaphore(%arg15 : memref<!tpu.dma_semaphore, #tpu.memory_space<semaphore_mem>>)
    %dma_wait3A_3130 = arith.constant 3 : i32
    %dma_wait3A_3131 = arith.constant 384 : i32
    %dma_wait3A_3132 = tpu.memref_slice %arg7[%dma_wait3A_3131] : memref<512xi32, #tpu.memory_space<vmem>> -> memref<128xi32, #tpu.memory_space<vmem>>
    %dma_wait3A_3133 = arith.constant 0 : i32
    %dma_wait3A_3134 = tpu.memref_slice %arg6[%dma_wait3A_3130, %dma_wait3A_3133] : memref<4x128xi32, #tpu.memory_space<vmem>> -> memref<1x128xi32, #tpu.memory_space<vmem>>
    %dma_wait3A_3135 = tpu.memref_squeeze %dma_wait3A_3134 : memref<1x128xi32, #tpu.memory_space<vmem>> -> memref<128xi32, #tpu.memory_space<vmem>>
    %dma_wait3A_3136 = arith.constant 0 : i32
    %dma_wait3A_3137 = tpu.memref_slice %arg2[%dma_wait3A_3136] : memref<1000000xi32, #tpu.memory_space<hbm>> -> memref<1000000xi32, #tpu.memory_space<hbm>>
    tpu.wait_indirect_dma semaphore(%arg14 : memref<!tpu.dma_semaphore, #tpu.memory_space<semaphore_mem>>) src(%dma_wait3A_3137 : memref<1000000xi32, #tpu.memory_space<hbm>>) dst(%dma_wait3A_3132 : memref<128xi32, #tpu.memory_space<vmem>>)
    %get3A_3138 = arith.constant 384 : index
    %get3A_3139 = tpu.vector_load %arg7[%get3A_3138] {strides = array<i32>} : memref<512xi32, #tpu.memory_space<vmem>>, vector<16xi32>,
    %get3A_3140 = vector.shape_cast %get3A_3139 : vector<16xi32> to vector<16xi32>
    %convert_element_type3A_3141 = arith.sitofp %get3A_3140 : vector<16xi32> to vector<16xf32>
    %mul3A_3142 = vector.broadcast %squeeze3A : f32 to vector<16xf32>
    %mul3A_3143 = arith.mulf %convert_element_type3A_3141, %mul3A_3142 : vector<16xf32>
    %add3A_3144 = vector.broadcast %squeeze3A_60 : f32 to vector<16xf32>
    %add3A_3145 = arith.addf %mul3A_3143, %add3A_3144 : vector<16xf32>
    %swap3A_3146 = arith.constant 3 : i32
    %swap3A_3147 = arith.constant 0 : i32
    %swap3A_3148 = arith.index_cast %swap3A_3146 : i32 to index
    %swap3A_3149 = arith.index_cast %swap3A_3147 : i32 to index
    %swap3A_3150 = arith.constant 0 : index
    %swap3A_3151 = tpu.vector_load %arg9[%swap3A_3148, %swap3A_3149, %swap3A_3150] {strides = array<i32>} : memref<4x10x128xf32, #tpu.memory_space<vmem>>, vector<1x1x16xf32>,
    %swap3A_3152 = vector.shape_cast %swap3A_3151 : vector<1x1x16xf32> to vector<16xf32>
    %swap3A_3153 = vector.shape_cast %add3A_3145 : vector<16xf32> to vector<1x1x16xf32>
    tpu.vector_store %arg9[%swap3A_3148, %swap3A_3149, %swap3A_3150], %swap3A_3153 {strides = array<i32>} : memref<4x10x128xf32, #tpu.memory_space<vmem>>, vector<1x1x16xf32>,
    %mul3A_3154 = vector.broadcast %squeeze3A_42 : f32 to vector<16xf32>
    %mul3A_3155 = arith.mulf %convert_element_type3A_3141, %mul3A_3154 : vector<16xf32>
    %add3A_3156 = vector.broadcast %squeeze3A_62 : f32 to vector<16xf32>
    %add3A_3157 = arith.addf %mul3A_3155, %add3A_3156 : vector<16xf32>
    %swap3A_3158 = arith.constant 3 : i32
    %swap3A_3159 = arith.constant 1 : i32
    %swap3A_3160 = arith.index_cast %swap3A_3158 : i32 to index
    %swap3A_3161 = arith.index_cast %swap3A_3159 : i32 to index
    %swap3A_3162 = arith.constant 0 : index
    %swap3A_3163 = tpu.vector_load %arg9[%swap3A_3160, %swap3A_3161, %swap3A_3162] {strides = array<i32>} : memref<4x10x128xf32, #tpu.memory_space<vmem>>, vector<1x1x16xf32>,
    %swap3A_3164 = vector.shape_cast %swap3A_3163 : vector<1x1x16xf32> to vector<16xf32>
    %swap3A_3165 = vector.shape_cast %add3A_3157 : vector<16xf32> to vector<1x1x16xf32>
    tpu.vector_store %arg9[%swap3A_3160, %swap3A_3161, %swap3A_3162], %swap3A_3165 {strides = array<i32>} : memref<4x10x128xf32, #tpu.memory_space<vmem>>, vector<1x1x16xf32>,
    %mul3A_3166 = vector.broadcast %squeeze3A_44 : f32 to vector<16xf32>
    %mul3A_3167 = arith.mulf %convert_element_type3A_3141, %mul3A_3166 : vector<16xf32>
    %add3A_3168 = vector.broadcast %squeeze3A_64 : f32 to vector<16xf32>
    %add3A_3169 = arith.addf %mul3A_3167, %add3A_3168 : vector<16xf32>
    %swap3A_3170 = arith.constant 3 : i32
    %swap3A_3171 = arith.constant 2 : i32
    %swap3A_3172 = arith.index_cast %swap3A_3170 : i32 to index
    %swap3A_3173 = arith.index_cast %swap3A_3171 : i32 to index
    %swap3A_3174 = arith.constant 0 : index
    %swap3A_3175 = tpu.vector_load %arg9[%swap3A_3172, %swap3A_3173, %swap3A_3174] {strides = array<i32>} : memref<4x10x128xf32, #tpu.memory_space<vmem>>, vector<1x1x16xf32>,
    %swap3A_3176 = vector.shape_cast %swap3A_3175 : vector<1x1x16xf32> to vector<16xf32>
    %swap3A_3177 = vector.shape_cast %add3A_3169 : vector<16xf32> to vector<1x1x16xf32>
    tpu.vector_store %arg9[%swap3A_3172, %swap3A_3173, %swap3A_3174], %swap3A_3177 {strides = array<i32>} : memref<4x10x128xf32, #tpu.memory_space<vmem>>, vector<1x1x16xf32>,
    %mul3A_3178 = vector.broadcast %squeeze3A_46 : f32 to vector<16xf32>
    %mul3A_3179 = arith.mulf %convert_element_type3A_3141, %mul3A_3178 : vector<16xf32>
    %add3A_3180 = vector.broadcast %squeeze3A_66 : f32 to vector<16xf32>
    %add3A_3181 = arith.addf %mul3A_3179, %add3A_3180 : vector<16xf32>
    %swap3A_3182 = arith.constant 3 : i32
    %swap3A_3183 = arith.constant 3 : i32
    %swap3A_3184 = arith.index_cast %swap3A_3182 : i32 to index
    %swap3A_3185 = arith.index_cast %swap3A_3183 : i32 to index
    %swap3A_3186 = arith.constant 0 : index
    %swap3A_3187 = tpu.vector_load %arg9[%swap3A_3184, %swap3A_3185, %swap3A_3186] {strides = array<i32>} : memref<4x10x128xf32, #tpu.memory_space<vmem>>, vector<1x1x16xf32>,
    %swap3A_3188 = vector.shape_cast %swap3A_3187 : vector<1x1x16xf32> to vector<16xf32>
    %swap3A_3189 = vector.shape_cast %add3A_3181 : vector<16xf32> to vector<1x1x16xf32>
    tpu.vector_store %arg9[%swap3A_3184, %swap3A_3185, %swap3A_3186], %swap3A_3189 {strides = array<i32>} : memref<4x10x128xf32, #tpu.memory_space<vmem>>, vector<1x1x16xf32>,
    %mul3A_3190 = vector.broadcast %squeeze3A_48 : f32 to vector<16xf32>
    %mul3A_3191 = arith.mulf %convert_element_type3A_3141, %mul3A_3190 : vector<16xf32>
    %add3A_3192 = vector.broadcast %squeeze3A_68 : f32 to vector<16xf32>
    %add3A_3193 = arith.addf %mul3A_3191, %add3A_3192 : vector<16xf32>
    %swap3A_3194 = arith.constant 3 : i32
    %swap3A_3195 = arith.constant 4 : i32
    %swap3A_3196 = arith.index_cast %swap3A_3194 : i32 to index
    %swap3A_3197 = arith.index_cast %swap3A_3195 : i32 to index
    %swap3A_3198 = arith.constant 0 : index
    %swap3A_3199 = tpu.vector_load %arg9[%swap3A_3196, %swap3A_3197, %swap3A_3198] {strides = array<i32>} : memref<4x10x128xf32, #tpu.memory_space<vmem>>, vector<1x1x16xf32>,
    %swap3A_3200 = vector.shape_cast %swap3A_3199 : vector<1x1x16xf32> to vector<16xf32>
    %swap3A_3201 = vector.shape_cast %add3A_3193 : vector<16xf32> to vector<1x1x16xf32>
    tpu.vector_store %arg9[%swap3A_3196, %swap3A_3197, %swap3A_3198], %swap3A_3201 {strides = array<i32>} : memref<4x10x128xf32, #tpu.memory_space<vmem>>, vector<1x1x16xf32>,
    %mul3A_3202 = vector.broadcast %squeeze3A_50 : f32 to vector<16xf32>
    %mul3A_3203 = arith.mulf %convert_element_type3A_3141, %mul3A_3202 : vector<16xf32>
    %add3A_3204 = vector.broadcast %squeeze3A_70 : f32 to vector<16xf32>
    %add3A_3205 = arith.addf %mul3A_3203, %add3A_3204 : vector<16xf32>
    %swap3A_3206 = arith.constant 3 : i32
    %swap3A_3207 = arith.constant 5 : i32
    %swap3A_3208 = arith.index_cast %swap3A_3206 : i32 to index
    %swap3A_3209 = arith.index_cast %swap3A_3207 : i32 to index
    %swap3A_3210 = arith.constant 0 : index
    %swap3A_3211 = tpu.vector_load %arg9[%swap3A_3208, %swap3A_3209, %swap3A_3210] {strides = array<i32>} : memref<4x10x128xf32, #tpu.memory_space<vmem>>, vector<1x1x16xf32>,
    %swap3A_3212 = vector.shape_cast %swap3A_3211 : vector<1x1x16xf32> to vector<16xf32>
    %swap3A_3213 = vector.shape_cast %add3A_3205 : vector<16xf32> to vector<1x1x16xf32>
    tpu.vector_store %arg9[%swap3A_3208, %swap3A_3209, %swap3A_3210], %swap3A_3213 {strides = array<i32>} : memref<4x10x128xf32, #tpu.memory_space<vmem>>, vector<1x1x16xf32>,
    %mul3A_3214 = vector.broadcast %squeeze3A_52 : f32 to vector<16xf32>
    %mul3A_3215 = arith.mulf %convert_element_type3A_3141, %mul3A_3214 : vector<16xf32>
    %add3A_3216 = vector.broadcast %squeeze3A_72 : f32 to vector<16xf32>
    %add3A_3217 = arith.addf %mul3A_3215, %add3A_3216 : vector<16xf32>
    %swap3A_3218 = arith.constant 3 : i32
    %swap3A_3219 = arith.constant 6 : i32
    %swap3A_3220 = arith.index_cast %swap3A_3218 : i32 to index
    %swap3A_3221 = arith.index_cast %swap3A_3219 : i32 to index
    %swap3A_3222 = arith.constant 0 : index
    %swap3A_3223 = tpu.vector_load %arg9[%swap3A_3220, %swap3A_3221, %swap3A_3222] {strides = array<i32>} : memref<4x10x128xf32, #tpu.memory_space<vmem>>, vector<1x1x16xf32>,
    %swap3A_3224 = vector.shape_cast %swap3A_3223 : vector<1x1x16xf32> to vector<16xf32>
    %swap3A_3225 = vector.shape_cast %add3A_3217 : vector<16xf32> to vector<1x1x16xf32>
    tpu.vector_store %arg9[%swap3A_3220, %swap3A_3221, %swap3A_3222], %swap3A_3225 {strides = array<i32>} : memref<4x10x128xf32, #tpu.memory_space<vmem>>, vector<1x1x16xf32>,
    %mul3A_3226 = vector.broadcast %squeeze3A_54 : f32 to vector<16xf32>
    %mul3A_3227 = arith.mulf %convert_element_type3A_3141, %mul3A_3226 : vector<16xf32>
    %add3A_3228 = vector.broadcast %squeeze3A_74 : f32 to vector<16xf32>
    %add3A_3229 = arith.addf %mul3A_3227, %add3A_3228 : vector<16xf32>
    %swap3A_3230 = arith.constant 3 : i32
    %swap3A_3231 = arith.constant 7 : i32
    %swap3A_3232 = arith.index_cast %swap3A_3230 : i32 to index
    %swap3A_3233 = arith.index_cast %swap3A_3231 : i32 to index
    %swap3A_3234 = arith.constant 0 : index
    %swap3A_3235 = tpu.vector_load %arg9[%swap3A_3232, %swap3A_3233, %swap3A_3234] {strides = array<i32>} : memref<4x10x128xf32, #tpu.memory_space<vmem>>, vector<1x1x16xf32>,
    %swap3A_3236 = vector.shape_cast %swap3A_3235 : vector<1x1x16xf32> to vector<16xf32>
    %swap3A_3237 = vector.shape_cast %add3A_3229 : vector<16xf32> to vector<1x1x16xf32>
    tpu.vector_store %arg9[%swap3A_3232, %swap3A_3233, %swap3A_3234], %swap3A_3237 {strides = array<i32>} : memref<4x10x128xf32, #tpu.memory_space<vmem>>, vector<1x1x16xf32>,
    %mul3A_3238 = vector.broadcast %squeeze3A_56 : f32 to vector<16xf32>
    %mul3A_3239 = arith.mulf %convert_element_type3A_3141, %mul3A_3238 : vector<16xf32>
    %add3A_3240 = vector.broadcast %squeeze3A_76 : f32 to vector<16xf32>
    %add3A_3241 = arith.addf %mul3A_3239, %add3A_3240 : vector<16xf32>
    %swap3A_3242 = arith.constant 3 : i32
    %swap3A_3243 = arith.constant 8 : i32
    %swap3A_3244 = arith.index_cast %swap3A_3242 : i32 to index
    %swap3A_3245 = arith.index_cast %swap3A_3243 : i32 to index
    %swap3A_3246 = arith.constant 0 : index
    %swap3A_3247 = tpu.vector_load %arg9[%swap3A_3244, %swap3A_3245, %swap3A_3246] {strides = array<i32>} : memref<4x10x128xf32, #tpu.memory_space<vmem>>, vector<1x1x16xf32>,
    %swap3A_3248 = vector.shape_cast %swap3A_3247 : vector<1x1x16xf32> to vector<16xf32>
    %swap3A_3249 = vector.shape_cast %add3A_3241 : vector<16xf32> to vector<1x1x16xf32>
    tpu.vector_store %arg9[%swap3A_3244, %swap3A_3245, %swap3A_3246], %swap3A_3249 {strides = array<i32>} : memref<4x10x128xf32, #tpu.memory_space<vmem>>, vector<1x1x16xf32>,
    %mul3A_3250 = vector.broadcast %squeeze3A_58 : f32 to vector<16xf32>
    %mul3A_3251 = arith.mulf %convert_element_type3A_3141, %mul3A_3250 : vector<16xf32>
    %add3A_3252 = vector.broadcast %squeeze3A_78 : f32 to vector<16xf32>
    %add3A_3253 = arith.addf %mul3A_3251, %add3A_3252 : vector<16xf32>
    %swap3A_3254 = arith.constant 3 : i32
    %swap3A_3255 = arith.constant 9 : i32
    %swap3A_3256 = arith.index_cast %swap3A_3254 : i32 to index
    %swap3A_3257 = arith.index_cast %swap3A_3255 : i32 to index
    %swap3A_3258 = arith.constant 0 : index
    %swap3A_3259 = tpu.vector_load %arg9[%swap3A_3256, %swap3A_3257, %swap3A_3258] {strides = array<i32>} : memref<4x10x128xf32, #tpu.memory_space<vmem>>, vector<1x1x16xf32>,
    %swap3A_3260 = vector.shape_cast %swap3A_3259 : vector<1x1x16xf32> to vector<16xf32>
    %swap3A_3261 = vector.shape_cast %add3A_3253 : vector<16xf32> to vector<1x1x16xf32>
    tpu.vector_store %arg9[%swap3A_3256, %swap3A_3257, %swap3A_3258], %swap3A_3261 {strides = array<i32>} : memref<4x10x128xf32, #tpu.memory_space<vmem>>, vector<1x1x16xf32>,
    %get3A_3262 = arith.constant 400 : index
    %get3A_3263 = tpu.vector_load %arg7[%get3A_3262] {strides = array<i32>} : memref<512xi32, #tpu.memory_space<vmem>>, vector<16xi32>,
    %get3A_3264 = vector.shape_cast %get3A_3263 : vector<16xi32> to vector<16xi32>
    %convert_element_type3A_3265 = arith.sitofp %get3A_3264 : vector<16xi32> to vector<16xf32>
    %mul3A_3266 = vector.broadcast %squeeze3A : f32 to vector<16xf32>
    %mul3A_3267 = arith.mulf %convert_element_type3A_3265, %mul3A_3266 : vector<16xf32>
    %add3A_3268 = vector.broadcast %squeeze3A_60 : f32 to vector<16xf32>
    %add3A_3269 = arith.addf %mul3A_3267, %add3A_3268 : vector<16xf32>
    %swap3A_3270 = arith.constant 3 : i32
    %swap3A_3271 = arith.constant 0 : i32
    %swap3A_3272 = arith.index_cast %swap3A_3270 : i32 to index
    %swap3A_3273 = arith.index_cast %swap3A_3271 : i32 to index
    %swap3A_3274 = arith.constant 16 : index
    %swap3A_3275 = tpu.vector_load %arg9[%swap3A_3272, %swap3A_3273, %swap3A_3274] {strides = array<i32>} : memref<4x10x128xf32, #tpu.memory_space<vmem>>, vector<1x1x16xf32>,
    %swap3A_3276 = vector.shape_cast %swap3A_3275 : vector<1x1x16xf32> to vector<16xf32>
    %swap3A_3277 = vector.shape_cast %add3A_3269 : vector<16xf32> to vector<1x1x16xf32>
    tpu.vector_store %arg9[%swap3A_3272, %swap3A_3273, %swap3A_3274], %swap3A_3277 {strides = array<i32>} : memref<4x10x128xf32, #tpu.memory_space<vmem>>, vector<1x1x16xf32>,
    %mul3A_3278 = vector.broadcast %squeeze3A_42 : f32 to vector<16xf32>
    %mul3A_3279 = arith.mulf %convert_element_type3A_3265, %mul3A_3278 : vector<16xf32>
    %add3A_3280 = vector.broadcast %squeeze3A_62 : f32 to vector<16xf32>
    %add3A_3281 = arith.addf %mul3A_3279, %add3A_3280 : vector<16xf32>
    %swap3A_3282 = arith.constant 3 : i32
    %swap3A_3283 = arith.constant 1 : i32
    %swap3A_3284 = arith.index_cast %swap3A_3282 : i32 to index
    %swap3A_3285 = arith.index_cast %swap3A_3283 : i32 to index
    %swap3A_3286 = arith.constant 16 : index
    %swap3A_3287 = tpu.vector_load %arg9[%swap3A_3284, %swap3A_3285, %swap3A_3286] {strides = array<i32>} : memref<4x10x128xf32, #tpu.memory_space<vmem>>, vector<1x1x16xf32>,
    %swap3A_3288 = vector.shape_cast %swap3A_3287 : vector<1x1x16xf32> to vector<16xf32>
    %swap3A_3289 = vector.shape_cast %add3A_3281 : vector<16xf32> to vector<1x1x16xf32>
    tpu.vector_store %arg9[%swap3A_3284, %swap3A_3285, %swap3A_3286], %swap3A_3289 {strides = array<i32>} : memref<4x10x128xf32, #tpu.memory_space<vmem>>, vector<1x1x16xf32>,
    %mul3A_3290 = vector.broadcast %squeeze3A_44 : f32 to vector<16xf32>
    %mul3A_3291 = arith.mulf %convert_element_type3A_3265, %mul3A_3290 : vector<16xf32>
    %add3A_3292 = vector.broadcast %squeeze3A_64 : f32 to vector<16xf32>
    %add3A_3293 = arith.addf %mul3A_3291, %add3A_3292 : vector<16xf32>
    %swap3A_3294 = arith.constant 3 : i32
    %swap3A_3295 = arith.constant 2 : i32
    %swap3A_3296 = arith.index_cast %swap3A_3294 : i32 to index
    %swap3A_3297 = arith.index_cast %swap3A_3295 : i32 to index
    %swap3A_3298 = arith.constant 16 : index
    %swap3A_3299 = tpu.vector_load %arg9[%swap3A_3296, %swap3A_3297, %swap3A_3298] {strides = array<i32>} : memref<4x10x128xf32, #tpu.memory_space<vmem>>, vector<1x1x16xf32>,
    %swap3A_3300 = vector.shape_cast %swap3A_3299 : vector<1x1x16xf32> to vector<16xf32>
    %swap3A_3301 = vector.shape_cast %add3A_3293 : vector<16xf32> to vector<1x1x16xf32>
    tpu.vector_store %arg9[%swap3A_3296, %swap3A_3297, %swap3A_3298], %swap3A_3301 {strides = array<i32>} : memref<4x10x128xf32, #tpu.memory_space<vmem>>, vector<1x1x16xf32>,
    %mul3A_3302 = vector.broadcast %squeeze3A_46 : f32 to vector<16xf32>
    %mul3A_3303 = arith.mulf %convert_element_type3A_3265, %mul3A_3302 : vector<16xf32>
    %add3A_3304 = vector.broadcast %squeeze3A_66 : f32 to vector<16xf32>
    %add3A_3305 = arith.addf %mul3A_3303, %add3A_3304 : vector<16xf32>
    %swap3A_3306 = arith.constant 3 : i32
    %swap3A_3307 = arith.constant 3 : i32
    %swap3A_3308 = arith.index_cast %swap3A_3306 : i32 to index
    %swap3A_3309 = arith.index_cast %swap3A_3307 : i32 to index
    %swap3A_3310 = arith.constant 16 : index
    %swap3A_3311 = tpu.vector_load %arg9[%swap3A_3308, %swap3A_3309, %swap3A_3310] {strides = array<i32>} : memref<4x10x128xf32, #tpu.memory_space<vmem>>, vector<1x1x16xf32>,
    %swap3A_3312 = vector.shape_cast %swap3A_3311 : vector<1x1x16xf32> to vector<16xf32>
    %swap3A_3313 = vector.shape_cast %add3A_3305 : vector<16xf32> to vector<1x1x16xf32>
    tpu.vector_store %arg9[%swap3A_3308, %swap3A_3309, %swap3A_3310], %swap3A_3313 {strides = array<i32>} : memref<4x10x128xf32, #tpu.memory_space<vmem>>, vector<1x1x16xf32>,
    %mul3A_3314 = vector.broadcast %squeeze3A_48 : f32 to vector<16xf32>
    %mul3A_3315 = arith.mulf %convert_element_type3A_3265, %mul3A_3314 : vector<16xf32>
    %add3A_3316 = vector.broadcast %squeeze3A_68 : f32 to vector<16xf32>
    %add3A_3317 = arith.addf %mul3A_3315, %add3A_3316 : vector<16xf32>
    %swap3A_3318 = arith.constant 3 : i32
    %swap3A_3319 = arith.constant 4 : i32
    %swap3A_3320 = arith.index_cast %swap3A_3318 : i32 to index
    %swap3A_3321 = arith.index_cast %swap3A_3319 : i32 to index
    %swap3A_3322 = arith.constant 16 : index
    %swap3A_3323 = tpu.vector_load %arg9[%swap3A_3320, %swap3A_3321, %swap3A_3322] {strides = array<i32>} : memref<4x10x128xf32, #tpu.memory_space<vmem>>, vector<1x1x16xf32>,
    %swap3A_3324 = vector.shape_cast %swap3A_3323 : vector<1x1x16xf32> to vector<16xf32>
    %swap3A_3325 = vector.shape_cast %add3A_3317 : vector<16xf32> to vector<1x1x16xf32>
    tpu.vector_store %arg9[%swap3A_3320, %swap3A_3321, %swap3A_3322], %swap3A_3325 {strides = array<i32>} : memref<4x10x128xf32, #tpu.memory_space<vmem>>, vector<1x1x16xf32>,
    %mul3A_3326 = vector.broadcast %squeeze3A_50 : f32 to vector<16xf32>
    %mul3A_3327 = arith.mulf %convert_element_type3A_3265, %mul3A_3326 : vector<16xf32>
    %add3A_3328 = vector.broadcast %squeeze3A_70 : f32 to vector<16xf32>
    %add3A_3329 = arith.addf %mul3A_3327, %add3A_3328 : vector<16xf32>
    %swap3A_3330 = arith.constant 3 : i32
    %swap3A_3331 = arith.constant 5 : i32
    %swap3A_3332 = arith.index_cast %swap3A_3330 : i32 to index
    %swap3A_3333 = arith.index_cast %swap3A_3331 : i32 to index
    %swap3A_3334 = arith.constant 16 : index
    %swap3A_3335 = tpu.vector_load %arg9[%swap3A_3332, %swap3A_3333, %swap3A_3334] {strides = array<i32>} : memref<4x10x128xf32, #tpu.memory_space<vmem>>, vector<1x1x16xf32>,
    %swap3A_3336 = vector.shape_cast %swap3A_3335 : vector<1x1x16xf32> to vector<16xf32>
    %swap3A_3337 = vector.shape_cast %add3A_3329 : vector<16xf32> to vector<1x1x16xf32>
    tpu.vector_store %arg9[%swap3A_3332, %swap3A_3333, %swap3A_3334], %swap3A_3337 {strides = array<i32>} : memref<4x10x128xf32, #tpu.memory_space<vmem>>, vector<1x1x16xf32>,
    %mul3A_3338 = vector.broadcast %squeeze3A_52 : f32 to vector<16xf32>
    %mul3A_3339 = arith.mulf %convert_element_type3A_3265, %mul3A_3338 : vector<16xf32>
    %add3A_3340 = vector.broadcast %squeeze3A_72 : f32 to vector<16xf32>
    %add3A_3341 = arith.addf %mul3A_3339, %add3A_3340 : vector<16xf32>
    %swap3A_3342 = arith.constant 3 : i32
    %swap3A_3343 = arith.constant 6 : i32
    %swap3A_3344 = arith.index_cast %swap3A_3342 : i32 to index
    %swap3A_3345 = arith.index_cast %swap3A_3343 : i32 to index
    %swap3A_3346 = arith.constant 16 : index
    %swap3A_3347 = tpu.vector_load %arg9[%swap3A_3344, %swap3A_3345, %swap3A_3346] {strides = array<i32>} : memref<4x10x128xf32, #tpu.memory_space<vmem>>, vector<1x1x16xf32>,
    %swap3A_3348 = vector.shape_cast %swap3A_3347 : vector<1x1x16xf32> to vector<16xf32>
    %swap3A_3349 = vector.shape_cast %add3A_3341 : vector<16xf32> to vector<1x1x16xf32>
    tpu.vector_store %arg9[%swap3A_3344, %swap3A_3345, %swap3A_3346], %swap3A_3349 {strides = array<i32>} : memref<4x10x128xf32, #tpu.memory_space<vmem>>, vector<1x1x16xf32>,
    %mul3A_3350 = vector.broadcast %squeeze3A_54 : f32 to vector<16xf32>
    %mul3A_3351 = arith.mulf %convert_element_type3A_3265, %mul3A_3350 : vector<16xf32>
    %add3A_3352 = vector.broadcast %squeeze3A_74 : f32 to vector<16xf32>
    %add3A_3353 = arith.addf %mul3A_3351, %add3A_3352 : vector<16xf32>
    %swap3A_3354 = arith.constant 3 : i32
    %swap3A_3355 = arith.constant 7 : i32
    %swap3A_3356 = arith.index_cast %swap3A_3354 : i32 to index
    %swap3A_3357 = arith.index_cast %swap3A_3355 : i32 to index
    %swap3A_3358 = arith.constant 16 : index
    %swap3A_3359 = tpu.vector_load %arg9[%swap3A_3356, %swap3A_3357, %swap3A_3358] {strides = array<i32>} : memref<4x10x128xf32, #tpu.memory_space<vmem>>, vector<1x1x16xf32>,
    %swap3A_3360 = vector.shape_cast %swap3A_3359 : vector<1x1x16xf32> to vector<16xf32>
    %swap3A_3361 = vector.shape_cast %add3A_3353 : vector<16xf32> to vector<1x1x16xf32>
    tpu.vector_store %arg9[%swap3A_3356, %swap3A_3357, %swap3A_3358], %swap3A_3361 {strides = array<i32>} : memref<4x10x128xf32, #tpu.memory_space<vmem>>, vector<1x1x16xf32>,
    %mul3A_3362 = vector.broadcast %squeeze3A_56 : f32 to vector<16xf32>
    %mul3A_3363 = arith.mulf %convert_element_type3A_3265, %mul3A_3362 : vector<16xf32>
    %add3A_3364 = vector.broadcast %squeeze3A_76 : f32 to vector<16xf32>
    %add3A_3365 = arith.addf %mul3A_3363, %add3A_3364 : vector<16xf32>
    %swap3A_3366 = arith.constant 3 : i32
    %swap3A_3367 = arith.constant 8 : i32
    %swap3A_3368 = arith.index_cast %swap3A_3366 : i32 to index
    %swap3A_3369 = arith.index_cast %swap3A_3367 : i32 to index
    %swap3A_3370 = arith.constant 16 : index
    %swap3A_3371 = tpu.vector_load %arg9[%swap3A_3368, %swap3A_3369, %swap3A_3370] {strides = array<i32>} : memref<4x10x128xf32, #tpu.memory_space<vmem>>, vector<1x1x16xf32>,
    %swap3A_3372 = vector.shape_cast %swap3A_3371 : vector<1x1x16xf32> to vector<16xf32>
    %swap3A_3373 = vector.shape_cast %add3A_3365 : vector<16xf32> to vector<1x1x16xf32>
    tpu.vector_store %arg9[%swap3A_3368, %swap3A_3369, %swap3A_3370], %swap3A_3373 {strides = array<i32>} : memref<4x10x128xf32, #tpu.memory_space<vmem>>, vector<1x1x16xf32>,
    %mul3A_3374 = vector.broadcast %squeeze3A_58 : f32 to vector<16xf32>
    %mul3A_3375 = arith.mulf %convert_element_type3A_3265, %mul3A_3374 : vector<16xf32>
    %add3A_3376 = vector.broadcast %squeeze3A_78 : f32 to vector<16xf32>
    %add3A_3377 = arith.addf %mul3A_3375, %add3A_3376 : vector<16xf32>
    %swap3A_3378 = arith.constant 3 : i32
    %swap3A_3379 = arith.constant 9 : i32
    %swap3A_3380 = arith.index_cast %swap3A_3378 : i32 to index
    %swap3A_3381 = arith.index_cast %swap3A_3379 : i32 to index
    %swap3A_3382 = arith.constant 16 : index
    %swap3A_3383 = tpu.vector_load %arg9[%swap3A_3380, %swap3A_3381, %swap3A_3382] {strides = array<i32>} : memref<4x10x128xf32, #tpu.memory_space<vmem>>, vector<1x1x16xf32>,
    %swap3A_3384 = vector.shape_cast %swap3A_3383 : vector<1x1x16xf32> to vector<16xf32>
    %swap3A_3385 = vector.shape_cast %add3A_3377 : vector<16xf32> to vector<1x1x16xf32>
    tpu.vector_store %arg9[%swap3A_3380, %swap3A_3381, %swap3A_3382], %swap3A_3385 {strides = array<i32>} : memref<4x10x128xf32, #tpu.memory_space<vmem>>, vector<1x1x16xf32>,
    %get3A_3386 = arith.constant 416 : index
    %get3A_3387 = tpu.vector_load %arg7[%get3A_3386] {strides = array<i32>} : memref<512xi32, #tpu.memory_space<vmem>>, vector<16xi32>,
    %get3A_3388 = vector.shape_cast %get3A_3387 : vector<16xi32> to vector<16xi32>
    %convert_element_type3A_3389 = arith.sitofp %get3A_3388 : vector<16xi32> to vector<16xf32>
    %mul3A_3390 = vector.broadcast %squeeze3A : f32 to vector<16xf32>
    %mul3A_3391 = arith.mulf %convert_element_type3A_3389, %mul3A_3390 : vector<16xf32>
    %add3A_3392 = vector.broadcast %squeeze3A_60 : f32 to vector<16xf32>
    %add3A_3393 = arith.addf %mul3A_3391, %add3A_3392 : vector<16xf32>
    %swap3A_3394 = arith.constant 3 : i32
    %swap3A_3395 = arith.constant 0 : i32
    %swap3A_3396 = arith.index_cast %swap3A_3394 : i32 to index
    %swap3A_3397 = arith.index_cast %swap3A_3395 : i32 to index
    %swap3A_3398 = arith.constant 32 : index
    %swap3A_3399 = tpu.vector_load %arg9[%swap3A_3396, %swap3A_3397, %swap3A_3398] {strides = array<i32>} : memref<4x10x128xf32, #tpu.memory_space<vmem>>, vector<1x1x16xf32>,
    %swap3A_3400 = vector.shape_cast %swap3A_3399 : vector<1x1x16xf32> to vector<16xf32>
    %swap3A_3401 = vector.shape_cast %add3A_3393 : vector<16xf32> to vector<1x1x16xf32>
    tpu.vector_store %arg9[%swap3A_3396, %swap3A_3397, %swap3A_3398], %swap3A_3401 {strides = array<i32>} : memref<4x10x128xf32, #tpu.memory_space<vmem>>, vector<1x1x16xf32>,
    %mul3A_3402 = vector.broadcast %squeeze3A_42 : f32 to vector<16xf32>
    %mul3A_3403 = arith.mulf %convert_element_type3A_3389, %mul3A_3402 : vector<16xf32>
    %add3A_3404 = vector.broadcast %squeeze3A_62 : f32 to vector<16xf32>
    %add3A_3405 = arith.addf %mul3A_3403, %add3A_3404 : vector<16xf32>
    %swap3A_3406 = arith.constant 3 : i32
    %swap3A_3407 = arith.constant 1 : i32
    %swap3A_3408 = arith.index_cast %swap3A_3406 : i32 to index
    %swap3A_3409 = arith.index_cast %swap3A_3407 : i32 to index
    %swap3A_3410 = arith.constant 32 : index
    %swap3A_3411 = tpu.vector_load %arg9[%swap3A_3408, %swap3A_3409, %swap3A_3410] {strides = array<i32>} : memref<4x10x128xf32, #tpu.memory_space<vmem>>, vector<1x1x16xf32>,
    %swap3A_3412 = vector.shape_cast %swap3A_3411 : vector<1x1x16xf32> to vector<16xf32>
    %swap3A_3413 = vector.shape_cast %add3A_3405 : vector<16xf32> to vector<1x1x16xf32>
    tpu.vector_store %arg9[%swap3A_3408, %swap3A_3409, %swap3A_3410], %swap3A_3413 {strides = array<i32>} : memref<4x10x128xf32, #tpu.memory_space<vmem>>, vector<1x1x16xf32>,
    %mul3A_3414 = vector.broadcast %squeeze3A_44 : f32 to vector<16xf32>
    %mul3A_3415 = arith.mulf %convert_element_type3A_3389, %mul3A_3414 : vector<16xf32>
    %add3A_3416 = vector.broadcast %squeeze3A_64 : f32 to vector<16xf32>
    %add3A_3417 = arith.addf %mul3A_3415, %add3A_3416 : vector<16xf32>
    %swap3A_3418 = arith.constant 3 : i32
    %swap3A_3419 = arith.constant 2 : i32
    %swap3A_3420 = arith.index_cast %swap3A_3418 : i32 to index
    %swap3A_3421 = arith.index_cast %swap3A_3419 : i32 to index
    %swap3A_3422 = arith.constant 32 : index
    %swap3A_3423 = tpu.vector_load %arg9[%swap3A_3420, %swap3A_3421, %swap3A_3422] {strides = array<i32>} : memref<4x10x128xf32, #tpu.memory_space<vmem>>, vector<1x1x16xf32>,
    %swap3A_3424 = vector.shape_cast %swap3A_3423 : vector<1x1x16xf32> to vector<16xf32>
    %swap3A_3425 = vector.shape_cast %add3A_3417 : vector<16xf32> to vector<1x1x16xf32>
    tpu.vector_store %arg9[%swap3A_3420, %swap3A_3421, %swap3A_3422], %swap3A_3425 {strides = array<i32>} : memref<4x10x128xf32, #tpu.memory_space<vmem>>, vector<1x1x16xf32>,
    %mul3A_3426 = vector.broadcast %squeeze3A_46 : f32 to vector<16xf32>
    %mul3A_3427 = arith.mulf %convert_element_type3A_3389, %mul3A_3426 : vector<16xf32>
    %add3A_3428 = vector.broadcast %squeeze3A_66 : f32 to vector<16xf32>
    %add3A_3429 = arith.addf %mul3A_3427, %add3A_3428 : vector<16xf32>
    %swap3A_3430 = arith.constant 3 : i32
    %swap3A_3431 = arith.constant 3 : i32
    %swap3A_3432 = arith.index_cast %swap3A_3430 : i32 to index
    %swap3A_3433 = arith.index_cast %swap3A_3431 : i32 to index
    %swap3A_3434 = arith.constant 32 : index
    %swap3A_3435 = tpu.vector_load %arg9[%swap3A_3432, %swap3A_3433, %swap3A_3434] {strides = array<i32>} : memref<4x10x128xf32, #tpu.memory_space<vmem>>, vector<1x1x16xf32>,
    %swap3A_3436 = vector.shape_cast %swap3A_3435 : vector<1x1x16xf32> to vector<16xf32>
    %swap3A_3437 = vector.shape_cast %add3A_3429 : vector<16xf32> to vector<1x1x16xf32>
    tpu.vector_store %arg9[%swap3A_3432, %swap3A_3433, %swap3A_3434], %swap3A_3437 {strides = array<i32>} : memref<4x10x128xf32, #tpu.memory_space<vmem>>, vector<1x1x16xf32>,
    %mul3A_3438 = vector.broadcast %squeeze3A_48 : f32 to vector<16xf32>
    %mul3A_3439 = arith.mulf %convert_element_type3A_3389, %mul3A_3438 : vector<16xf32>
    %add3A_3440 = vector.broadcast %squeeze3A_68 : f32 to vector<16xf32>
    %add3A_3441 = arith.addf %mul3A_3439, %add3A_3440 : vector<16xf32>
    %swap3A_3442 = arith.constant 3 : i32
    %swap3A_3443 = arith.constant 4 : i32
    %swap3A_3444 = arith.index_cast %swap3A_3442 : i32 to index
    %swap3A_3445 = arith.index_cast %swap3A_3443 : i32 to index
    %swap3A_3446 = arith.constant 32 : index
    %swap3A_3447 = tpu.vector_load %arg9[%swap3A_3444, %swap3A_3445, %swap3A_3446] {strides = array<i32>} : memref<4x10x128xf32, #tpu.memory_space<vmem>>, vector<1x1x16xf32>,
    %swap3A_3448 = vector.shape_cast %swap3A_3447 : vector<1x1x16xf32> to vector<16xf32>
    %swap3A_3449 = vector.shape_cast %add3A_3441 : vector<16xf32> to vector<1x1x16xf32>
    tpu.vector_store %arg9[%swap3A_3444, %swap3A_3445, %swap3A_3446], %swap3A_3449 {strides = array<i32>} : memref<4x10x128xf32, #tpu.memory_space<vmem>>, vector<1x1x16xf32>,
    %mul3A_3450 = vector.broadcast %squeeze3A_50 : f32 to vector<16xf32>
    %mul3A_3451 = arith.mulf %convert_element_type3A_3389, %mul3A_3450 : vector<16xf32>
    %add3A_3452 = vector.broadcast %squeeze3A_70 : f32 to vector<16xf32>
    %add3A_3453 = arith.addf %mul3A_3451, %add3A_3452 : vector<16xf32>
    %swap3A_3454 = arith.constant 3 : i32
    %swap3A_3455 = arith.constant 5 : i32
    %swap3A_3456 = arith.index_cast %swap3A_3454 : i32 to index
    %swap3A_3457 = arith.index_cast %swap3A_3455 : i32 to index
    %swap3A_3458 = arith.constant 32 : index
    %swap3A_3459 = tpu.vector_load %arg9[%swap3A_3456, %swap3A_3457, %swap3A_3458] {strides = array<i32>} : memref<4x10x128xf32, #tpu.memory_space<vmem>>, vector<1x1x16xf32>,
    %swap3A_3460 = vector.shape_cast %swap3A_3459 : vector<1x1x16xf32> to vector<16xf32>
    %swap3A_3461 = vector.shape_cast %add3A_3453 : vector<16xf32> to vector<1x1x16xf32>
    tpu.vector_store %arg9[%swap3A_3456, %swap3A_3457, %swap3A_3458], %swap3A_3461 {strides = array<i32>} : memref<4x10x128xf32, #tpu.memory_space<vmem>>, vector<1x1x16xf32>,
    %mul3A_3462 = vector.broadcast %squeeze3A_52 : f32 to vector<16xf32>
    %mul3A_3463 = arith.mulf %convert_element_type3A_3389, %mul3A_3462 : vector<16xf32>
    %add3A_3464 = vector.broadcast %squeeze3A_72 : f32 to vector<16xf32>
    %add3A_3465 = arith.addf %mul3A_3463, %add3A_3464 : vector<16xf32>
    %swap3A_3466 = arith.constant 3 : i32
    %swap3A_3467 = arith.constant 6 : i32
    %swap3A_3468 = arith.index_cast %swap3A_3466 : i32 to index
    %swap3A_3469 = arith.index_cast %swap3A_3467 : i32 to index
    %swap3A_3470 = arith.constant 32 : index
    %swap3A_3471 = tpu.vector_load %arg9[%swap3A_3468, %swap3A_3469, %swap3A_3470] {strides = array<i32>} : memref<4x10x128xf32, #tpu.memory_space<vmem>>, vector<1x1x16xf32>,
    %swap3A_3472 = vector.shape_cast %swap3A_3471 : vector<1x1x16xf32> to vector<16xf32>
    %swap3A_3473 = vector.shape_cast %add3A_3465 : vector<16xf32> to vector<1x1x16xf32>
    tpu.vector_store %arg9[%swap3A_3468, %swap3A_3469, %swap3A_3470], %swap3A_3473 {strides = array<i32>} : memref<4x10x128xf32, #tpu.memory_space<vmem>>, vector<1x1x16xf32>,
    %mul3A_3474 = vector.broadcast %squeeze3A_54 : f32 to vector<16xf32>
    %mul3A_3475 = arith.mulf %convert_element_type3A_3389, %mul3A_3474 : vector<16xf32>
    %add3A_3476 = vector.broadcast %squeeze3A_74 : f32 to vector<16xf32>
    %add3A_3477 = arith.addf %mul3A_3475, %add3A_3476 : vector<16xf32>
    %swap3A_3478 = arith.constant 3 : i32
    %swap3A_3479 = arith.constant 7 : i32
    %swap3A_3480 = arith.index_cast %swap3A_3478 : i32 to index
    %swap3A_3481 = arith.index_cast %swap3A_3479 : i32 to index
    %swap3A_3482 = arith.constant 32 : index
    %swap3A_3483 = tpu.vector_load %arg9[%swap3A_3480, %swap3A_3481, %swap3A_3482] {strides = array<i32>} : memref<4x10x128xf32, #tpu.memory_space<vmem>>, vector<1x1x16xf32>,
    %swap3A_3484 = vector.shape_cast %swap3A_3483 : vector<1x1x16xf32> to vector<16xf32>
    %swap3A_3485 = vector.shape_cast %add3A_3477 : vector<16xf32> to vector<1x1x16xf32>
    tpu.vector_store %arg9[%swap3A_3480, %swap3A_3481, %swap3A_3482], %swap3A_3485 {strides = array<i32>} : memref<4x10x128xf32, #tpu.memory_space<vmem>>, vector<1x1x16xf32>,
    %mul3A_3486 = vector.broadcast %squeeze3A_56 : f32 to vector<16xf32>
    %mul3A_3487 = arith.mulf %convert_element_type3A_3389, %mul3A_3486 : vector<16xf32>
    %add3A_3488 = vector.broadcast %squeeze3A_76 : f32 to vector<16xf32>
    %add3A_3489 = arith.addf %mul3A_3487, %add3A_3488 : vector<16xf32>
    %swap3A_3490 = arith.constant 3 : i32
    %swap3A_3491 = arith.constant 8 : i32
    %swap3A_3492 = arith.index_cast %swap3A_3490 : i32 to index
    %swap3A_3493 = arith.index_cast %swap3A_3491 : i32 to index
    %swap3A_3494 = arith.constant 32 : index
    %swap3A_3495 = tpu.vector_load %arg9[%swap3A_3492, %swap3A_3493, %swap3A_3494] {strides = array<i32>} : memref<4x10x128xf32, #tpu.memory_space<vmem>>, vector<1x1x16xf32>,
    %swap3A_3496 = vector.shape_cast %swap3A_3495 : vector<1x1x16xf32> to vector<16xf32>
    %swap3A_3497 = vector.shape_cast %add3A_3489 : vector<16xf32> to vector<1x1x16xf32>
    tpu.vector_store %arg9[%swap3A_3492, %swap3A_3493, %swap3A_3494], %swap3A_3497 {strides = array<i32>} : memref<4x10x128xf32, #tpu.memory_space<vmem>>, vector<1x1x16xf32>,
    %mul3A_3498 = vector.broadcast %squeeze3A_58 : f32 to vector<16xf32>
    %mul3A_3499 = arith.mulf %convert_element_type3A_3389, %mul3A_3498 : vector<16xf32>
    %add3A_3500 = vector.broadcast %squeeze3A_78 : f32 to vector<16xf32>
    %add3A_3501 = arith.addf %mul3A_3499, %add3A_3500 : vector<16xf32>
    %swap3A_3502 = arith.constant 3 : i32
    %swap3A_3503 = arith.constant 9 : i32
    %swap3A_3504 = arith.index_cast %swap3A_3502 : i32 to index
    %swap3A_3505 = arith.index_cast %swap3A_3503 : i32 to index
    %swap3A_3506 = arith.constant 32 : index
    %swap3A_3507 = tpu.vector_load %arg9[%swap3A_3504, %swap3A_3505, %swap3A_3506] {strides = array<i32>} : memref<4x10x128xf32, #tpu.memory_space<vmem>>, vector<1x1x16xf32>,
    %swap3A_3508 = vector.shape_cast %swap3A_3507 : vector<1x1x16xf32> to vector<16xf32>
    %swap3A_3509 = vector.shape_cast %add3A_3501 : vector<16xf32> to vector<1x1x16xf32>
    tpu.vector_store %arg9[%swap3A_3504, %swap3A_3505, %swap3A_3506], %swap3A_3509 {strides = array<i32>} : memref<4x10x128xf32, #tpu.memory_space<vmem>>, vector<1x1x16xf32>,
    %get3A_3510 = arith.constant 432 : index
    %get3A_3511 = tpu.vector_load %arg7[%get3A_3510] {strides = array<i32>} : memref<512xi32, #tpu.memory_space<vmem>>, vector<16xi32>,
    %get3A_3512 = vector.shape_cast %get3A_3511 : vector<16xi32> to vector<16xi32>
    %convert_element_type3A_3513 = arith.sitofp %get3A_3512 : vector<16xi32> to vector<16xf32>
    %mul3A_3514 = vector.broadcast %squeeze3A : f32 to vector<16xf32>
    %mul3A_3515 = arith.mulf %convert_element_type3A_3513, %mul3A_3514 : vector<16xf32>
    %add3A_3516 = vector.broadcast %squeeze3A_60 : f32 to vector<16xf32>
    %add3A_3517 = arith.addf %mul3A_3515, %add3A_3516 : vector<16xf32>
    %swap3A_3518 = arith.constant 3 : i32
    %swap3A_3519 = arith.constant 0 : i32
    %swap3A_3520 = arith.index_cast %swap3A_3518 : i32 to index
    %swap3A_3521 = arith.index_cast %swap3A_3519 : i32 to index
    %swap3A_3522 = arith.constant 48 : index
    %swap3A_3523 = tpu.vector_load %arg9[%swap3A_3520, %swap3A_3521, %swap3A_3522] {strides = array<i32>} : memref<4x10x128xf32, #tpu.memory_space<vmem>>, vector<1x1x16xf32>,
    %swap3A_3524 = vector.shape_cast %swap3A_3523 : vector<1x1x16xf32> to vector<16xf32>
    %swap3A_3525 = vector.shape_cast %add3A_3517 : vector<16xf32> to vector<1x1x16xf32>
    tpu.vector_store %arg9[%swap3A_3520, %swap3A_3521, %swap3A_3522], %swap3A_3525 {strides = array<i32>} : memref<4x10x128xf32, #tpu.memory_space<vmem>>, vector<1x1x16xf32>,
    %mul3A_3526 = vector.broadcast %squeeze3A_42 : f32 to vector<16xf32>
    %mul3A_3527 = arith.mulf %convert_element_type3A_3513, %mul3A_3526 : vector<16xf32>
    %add3A_3528 = vector.broadcast %squeeze3A_62 : f32 to vector<16xf32>
    %add3A_3529 = arith.addf %mul3A_3527, %add3A_3528 : vector<16xf32>
    %swap3A_3530 = arith.constant 3 : i32
    %swap3A_3531 = arith.constant 1 : i32
    %swap3A_3532 = arith.index_cast %swap3A_3530 : i32 to index
    %swap3A_3533 = arith.index_cast %swap3A_3531 : i32 to index
    %swap3A_3534 = arith.constant 48 : index
    %swap3A_3535 = tpu.vector_load %arg9[%swap3A_3532, %swap3A_3533, %swap3A_3534] {strides = array<i32>} : memref<4x10x128xf32, #tpu.memory_space<vmem>>, vector<1x1x16xf32>,
    %swap3A_3536 = vector.shape_cast %swap3A_3535 : vector<1x1x16xf32> to vector<16xf32>
    %swap3A_3537 = vector.shape_cast %add3A_3529 : vector<16xf32> to vector<1x1x16xf32>
    tpu.vector_store %arg9[%swap3A_3532, %swap3A_3533, %swap3A_3534], %swap3A_3537 {strides = array<i32>} : memref<4x10x128xf32, #tpu.memory_space<vmem>>, vector<1x1x16xf32>,
    %mul3A_3538 = vector.broadcast %squeeze3A_44 : f32 to vector<16xf32>
    %mul3A_3539 = arith.mulf %convert_element_type3A_3513, %mul3A_3538 : vector<16xf32>
    %add3A_3540 = vector.broadcast %squeeze3A_64 : f32 to vector<16xf32>
    %add3A_3541 = arith.addf %mul3A_3539, %add3A_3540 : vector<16xf32>
    %swap3A_3542 = arith.constant 3 : i32
    %swap3A_3543 = arith.constant 2 : i32
    %swap3A_3544 = arith.index_cast %swap3A_3542 : i32 to index
    %swap3A_3545 = arith.index_cast %swap3A_3543 : i32 to index
    %swap3A_3546 = arith.constant 48 : index
    %swap3A_3547 = tpu.vector_load %arg9[%swap3A_3544, %swap3A_3545, %swap3A_3546] {strides = array<i32>} : memref<4x10x128xf32, #tpu.memory_space<vmem>>, vector<1x1x16xf32>,
    %swap3A_3548 = vector.shape_cast %swap3A_3547 : vector<1x1x16xf32> to vector<16xf32>
    %swap3A_3549 = vector.shape_cast %add3A_3541 : vector<16xf32> to vector<1x1x16xf32>
    tpu.vector_store %arg9[%swap3A_3544, %swap3A_3545, %swap3A_3546], %swap3A_3549 {strides = array<i32>} : memref<4x10x128xf32, #tpu.memory_space<vmem>>, vector<1x1x16xf32>,
    %mul3A_3550 = vector.broadcast %squeeze3A_46 : f32 to vector<16xf32>
    %mul3A_3551 = arith.mulf %convert_element_type3A_3513, %mul3A_3550 : vector<16xf32>
    %add3A_3552 = vector.broadcast %squeeze3A_66 : f32 to vector<16xf32>
    %add3A_3553 = arith.addf %mul3A_3551, %add3A_3552 : vector<16xf32>
    %swap3A_3554 = arith.constant 3 : i32
    %swap3A_3555 = arith.constant 3 : i32
    %swap3A_3556 = arith.index_cast %swap3A_3554 : i32 to index
    %swap3A_3557 = arith.index_cast %swap3A_3555 : i32 to index
    %swap3A_3558 = arith.constant 48 : index
    %swap3A_3559 = tpu.vector_load %arg9[%swap3A_3556, %swap3A_3557, %swap3A_3558] {strides = array<i32>} : memref<4x10x128xf32, #tpu.memory_space<vmem>>, vector<1x1x16xf32>,
    %swap3A_3560 = vector.shape_cast %swap3A_3559 : vector<1x1x16xf32> to vector<16xf32>
    %swap3A_3561 = vector.shape_cast %add3A_3553 : vector<16xf32> to vector<1x1x16xf32>
    tpu.vector_store %arg9[%swap3A_3556, %swap3A_3557, %swap3A_3558], %swap3A_3561 {strides = array<i32>} : memref<4x10x128xf32, #tpu.memory_space<vmem>>, vector<1x1x16xf32>,
    %mul3A_3562 = vector.broadcast %squeeze3A_48 : f32 to vector<16xf32>
    %mul3A_3563 = arith.mulf %convert_element_type3A_3513, %mul3A_3562 : vector<16xf32>
    %add3A_3564 = vector.broadcast %squeeze3A_68 : f32 to vector<16xf32>
    %add3A_3565 = arith.addf %mul3A_3563, %add3A_3564 : vector<16xf32>
    %swap3A_3566 = arith.constant 3 : i32
    %swap3A_3567 = arith.constant 4 : i32
    %swap3A_3568 = arith.index_cast %swap3A_3566 : i32 to index
    %swap3A_3569 = arith.index_cast %swap3A_3567 : i32 to index
    %swap3A_3570 = arith.constant 48 : index
    %swap3A_3571 = tpu.vector_load %arg9[%swap3A_3568, %swap3A_3569, %swap3A_3570] {strides = array<i32>} : memref<4x10x128xf32, #tpu.memory_space<vmem>>, vector<1x1x16xf32>,
    %swap3A_3572 = vector.shape_cast %swap3A_3571 : vector<1x1x16xf32> to vector<16xf32>
    %swap3A_3573 = vector.shape_cast %add3A_3565 : vector<16xf32> to vector<1x1x16xf32>
    tpu.vector_store %arg9[%swap3A_3568, %swap3A_3569, %swap3A_3570], %swap3A_3573 {strides = array<i32>} : memref<4x10x128xf32, #tpu.memory_space<vmem>>, vector<1x1x16xf32>,
    %mul3A_3574 = vector.broadcast %squeeze3A_50 : f32 to vector<16xf32>
    %mul3A_3575 = arith.mulf %convert_element_type3A_3513, %mul3A_3574 : vector<16xf32>
    %add3A_3576 = vector.broadcast %squeeze3A_70 : f32 to vector<16xf32>
    %add3A_3577 = arith.addf %mul3A_3575, %add3A_3576 : vector<16xf32>
    %swap3A_3578 = arith.constant 3 : i32
    %swap3A_3579 = arith.constant 5 : i32
    %swap3A_3580 = arith.index_cast %swap3A_3578 : i32 to index
    %swap3A_3581 = arith.index_cast %swap3A_3579 : i32 to index
    %swap3A_3582 = arith.constant 48 : index
    %swap3A_3583 = tpu.vector_load %arg9[%swap3A_3580, %swap3A_3581, %swap3A_3582] {strides = array<i32>} : memref<4x10x128xf32, #tpu.memory_space<vmem>>, vector<1x1x16xf32>,
    %swap3A_3584 = vector.shape_cast %swap3A_3583 : vector<1x1x16xf32> to vector<16xf32>
    %swap3A_3585 = vector.shape_cast %add3A_3577 : vector<16xf32> to vector<1x1x16xf32>
    tpu.vector_store %arg9[%swap3A_3580, %swap3A_3581, %swap3A_3582], %swap3A_3585 {strides = array<i32>} : memref<4x10x128xf32, #tpu.memory_space<vmem>>, vector<1x1x16xf32>,
    %mul3A_3586 = vector.broadcast %squeeze3A_52 : f32 to vector<16xf32>
    %mul3A_3587 = arith.mulf %convert_element_type3A_3513, %mul3A_3586 : vector<16xf32>
    %add3A_3588 = vector.broadcast %squeeze3A_72 : f32 to vector<16xf32>
    %add3A_3589 = arith.addf %mul3A_3587, %add3A_3588 : vector<16xf32>
    %swap3A_3590 = arith.constant 3 : i32
    %swap3A_3591 = arith.constant 6 : i32
    %swap3A_3592 = arith.index_cast %swap3A_3590 : i32 to index
    %swap3A_3593 = arith.index_cast %swap3A_3591 : i32 to index
    %swap3A_3594 = arith.constant 48 : index
    %swap3A_3595 = tpu.vector_load %arg9[%swap3A_3592, %swap3A_3593, %swap3A_3594] {strides = array<i32>} : memref<4x10x128xf32, #tpu.memory_space<vmem>>, vector<1x1x16xf32>,
    %swap3A_3596 = vector.shape_cast %swap3A_3595 : vector<1x1x16xf32> to vector<16xf32>
    %swap3A_3597 = vector.shape_cast %add3A_3589 : vector<16xf32> to vector<1x1x16xf32>
    tpu.vector_store %arg9[%swap3A_3592, %swap3A_3593, %swap3A_3594], %swap3A_3597 {strides = array<i32>} : memref<4x10x128xf32, #tpu.memory_space<vmem>>, vector<1x1x16xf32>,
    %mul3A_3598 = vector.broadcast %squeeze3A_54 : f32 to vector<16xf32>
    %mul3A_3599 = arith.mulf %convert_element_type3A_3513, %mul3A_3598 : vector<16xf32>
    %add3A_3600 = vector.broadcast %squeeze3A_74 : f32 to vector<16xf32>
    %add3A_3601 = arith.addf %mul3A_3599, %add3A_3600 : vector<16xf32>
    %swap3A_3602 = arith.constant 3 : i32
    %swap3A_3603 = arith.constant 7 : i32
    %swap3A_3604 = arith.index_cast %swap3A_3602 : i32 to index
    %swap3A_3605 = arith.index_cast %swap3A_3603 : i32 to index
    %swap3A_3606 = arith.constant 48 : index
    %swap3A_3607 = tpu.vector_load %arg9[%swap3A_3604, %swap3A_3605, %swap3A_3606] {strides = array<i32>} : memref<4x10x128xf32, #tpu.memory_space<vmem>>, vector<1x1x16xf32>,
    %swap3A_3608 = vector.shape_cast %swap3A_3607 : vector<1x1x16xf32> to vector<16xf32>
    %swap3A_3609 = vector.shape_cast %add3A_3601 : vector<16xf32> to vector<1x1x16xf32>
    tpu.vector_store %arg9[%swap3A_3604, %swap3A_3605, %swap3A_3606], %swap3A_3609 {strides = array<i32>} : memref<4x10x128xf32, #tpu.memory_space<vmem>>, vector<1x1x16xf32>,
    %mul3A_3610 = vector.broadcast %squeeze3A_56 : f32 to vector<16xf32>
    %mul3A_3611 = arith.mulf %convert_element_type3A_3513, %mul3A_3610 : vector<16xf32>
    %add3A_3612 = vector.broadcast %squeeze3A_76 : f32 to vector<16xf32>
    %add3A_3613 = arith.addf %mul3A_3611, %add3A_3612 : vector<16xf32>
    %swap3A_3614 = arith.constant 3 : i32
    %swap3A_3615 = arith.constant 8 : i32
    %swap3A_3616 = arith.index_cast %swap3A_3614 : i32 to index
    %swap3A_3617 = arith.index_cast %swap3A_3615 : i32 to index
    %swap3A_3618 = arith.constant 48 : index
    %swap3A_3619 = tpu.vector_load %arg9[%swap3A_3616, %swap3A_3617, %swap3A_3618] {strides = array<i32>} : memref<4x10x128xf32, #tpu.memory_space<vmem>>, vector<1x1x16xf32>,
    %swap3A_3620 = vector.shape_cast %swap3A_3619 : vector<1x1x16xf32> to vector<16xf32>
    %swap3A_3621 = vector.shape_cast %add3A_3613 : vector<16xf32> to vector<1x1x16xf32>
    tpu.vector_store %arg9[%swap3A_3616, %swap3A_3617, %swap3A_3618], %swap3A_3621 {strides = array<i32>} : memref<4x10x128xf32, #tpu.memory_space<vmem>>, vector<1x1x16xf32>,
    %mul3A_3622 = vector.broadcast %squeeze3A_58 : f32 to vector<16xf32>
    %mul3A_3623 = arith.mulf %convert_element_type3A_3513, %mul3A_3622 : vector<16xf32>
    %add3A_3624 = vector.broadcast %squeeze3A_78 : f32 to vector<16xf32>
    %add3A_3625 = arith.addf %mul3A_3623, %add3A_3624 : vector<16xf32>
    %swap3A_3626 = arith.constant 3 : i32
    %swap3A_3627 = arith.constant 9 : i32
    %swap3A_3628 = arith.index_cast %swap3A_3626 : i32 to index
    %swap3A_3629 = arith.index_cast %swap3A_3627 : i32 to index
    %swap3A_3630 = arith.constant 48 : index
    %swap3A_3631 = tpu.vector_load %arg9[%swap3A_3628, %swap3A_3629, %swap3A_3630] {strides = array<i32>} : memref<4x10x128xf32, #tpu.memory_space<vmem>>, vector<1x1x16xf32>,
    %swap3A_3632 = vector.shape_cast %swap3A_3631 : vector<1x1x16xf32> to vector<16xf32>
    %swap3A_3633 = vector.shape_cast %add3A_3625 : vector<16xf32> to vector<1x1x16xf32>
    tpu.vector_store %arg9[%swap3A_3628, %swap3A_3629, %swap3A_3630], %swap3A_3633 {strides = array<i32>} : memref<4x10x128xf32, #tpu.memory_space<vmem>>, vector<1x1x16xf32>,
    %get3A_3634 = arith.constant 448 : index
    %get3A_3635 = tpu.vector_load %arg7[%get3A_3634] {strides = array<i32>} : memref<512xi32, #tpu.memory_space<vmem>>, vector<16xi32>,
    %get3A_3636 = vector.shape_cast %get3A_3635 : vector<16xi32> to vector<16xi32>
    %convert_element_type3A_3637 = arith.sitofp %get3A_3636 : vector<16xi32> to vector<16xf32>
    %mul3A_3638 = vector.broadcast %squeeze3A : f32 to vector<16xf32>
    %mul3A_3639 = arith.mulf %convert_element_type3A_3637, %mul3A_3638 : vector<16xf32>
    %add3A_3640 = vector.broadcast %squeeze3A_60 : f32 to vector<16xf32>
    %add3A_3641 = arith.addf %mul3A_3639, %add3A_3640 : vector<16xf32>
    %swap3A_3642 = arith.constant 3 : i32
    %swap3A_3643 = arith.constant 0 : i32
    %swap3A_3644 = arith.index_cast %swap3A_3642 : i32 to index
    %swap3A_3645 = arith.index_cast %swap3A_3643 : i32 to index
    %swap3A_3646 = arith.constant 64 : index
    %swap3A_3647 = tpu.vector_load %arg9[%swap3A_3644, %swap3A_3645, %swap3A_3646] {strides = array<i32>} : memref<4x10x128xf32, #tpu.memory_space<vmem>>, vector<1x1x16xf32>,
    %swap3A_3648 = vector.shape_cast %swap3A_3647 : vector<1x1x16xf32> to vector<16xf32>
    %swap3A_3649 = vector.shape_cast %add3A_3641 : vector<16xf32> to vector<1x1x16xf32>
    tpu.vector_store %arg9[%swap3A_3644, %swap3A_3645, %swap3A_3646], %swap3A_3649 {strides = array<i32>} : memref<4x10x128xf32, #tpu.memory_space<vmem>>, vector<1x1x16xf32>,
    %mul3A_3650 = vector.broadcast %squeeze3A_42 : f32 to vector<16xf32>
    %mul3A_3651 = arith.mulf %convert_element_type3A_3637, %mul3A_3650 : vector<16xf32>
    %add3A_3652 = vector.broadcast %squeeze3A_62 : f32 to vector<16xf32>
    %add3A_3653 = arith.addf %mul3A_3651, %add3A_3652 : vector<16xf32>
    %swap3A_3654 = arith.constant 3 : i32
    %swap3A_3655 = arith.constant 1 : i32
    %swap3A_3656 = arith.index_cast %swap3A_3654 : i32 to index
    %swap3A_3657 = arith.index_cast %swap3A_3655 : i32 to index
    %swap3A_3658 = arith.constant 64 : index
    %swap3A_3659 = tpu.vector_load %arg9[%swap3A_3656, %swap3A_3657, %swap3A_3658] {strides = array<i32>} : memref<4x10x128xf32, #tpu.memory_space<vmem>>, vector<1x1x16xf32>,
    %swap3A_3660 = vector.shape_cast %swap3A_3659 : vector<1x1x16xf32> to vector<16xf32>
    %swap3A_3661 = vector.shape_cast %add3A_3653 : vector<16xf32> to vector<1x1x16xf32>
    tpu.vector_store %arg9[%swap3A_3656, %swap3A_3657, %swap3A_3658], %swap3A_3661 {strides = array<i32>} : memref<4x10x128xf32, #tpu.memory_space<vmem>>, vector<1x1x16xf32>,
    %mul3A_3662 = vector.broadcast %squeeze3A_44 : f32 to vector<16xf32>
    %mul3A_3663 = arith.mulf %convert_element_type3A_3637, %mul3A_3662 : vector<16xf32>
    %add3A_3664 = vector.broadcast %squeeze3A_64 : f32 to vector<16xf32>
    %add3A_3665 = arith.addf %mul3A_3663, %add3A_3664 : vector<16xf32>
    %swap3A_3666 = arith.constant 3 : i32
    %swap3A_3667 = arith.constant 2 : i32
    %swap3A_3668 = arith.index_cast %swap3A_3666 : i32 to index
    %swap3A_3669 = arith.index_cast %swap3A_3667 : i32 to index
    %swap3A_3670 = arith.constant 64 : index
    %swap3A_3671 = tpu.vector_load %arg9[%swap3A_3668, %swap3A_3669, %swap3A_3670] {strides = array<i32>} : memref<4x10x128xf32, #tpu.memory_space<vmem>>, vector<1x1x16xf32>,
    %swap3A_3672 = vector.shape_cast %swap3A_3671 : vector<1x1x16xf32> to vector<16xf32>
    %swap3A_3673 = vector.shape_cast %add3A_3665 : vector<16xf32> to vector<1x1x16xf32>
    tpu.vector_store %arg9[%swap3A_3668, %swap3A_3669, %swap3A_3670], %swap3A_3673 {strides = array<i32>} : memref<4x10x128xf32, #tpu.memory_space<vmem>>, vector<1x1x16xf32>,
    %mul3A_3674 = vector.broadcast %squeeze3A_46 : f32 to vector<16xf32>
    %mul3A_3675 = arith.mulf %convert_element_type3A_3637, %mul3A_3674 : vector<16xf32>
    %add3A_3676 = vector.broadcast %squeeze3A_66 : f32 to vector<16xf32>
    %add3A_3677 = arith.addf %mul3A_3675, %add3A_3676 : vector<16xf32>
    %swap3A_3678 = arith.constant 3 : i32
    %swap3A_3679 = arith.constant 3 : i32
    %swap3A_3680 = arith.index_cast %swap3A_3678 : i32 to index
    %swap3A_3681 = arith.index_cast %swap3A_3679 : i32 to index
    %swap3A_3682 = arith.constant 64 : index
    %swap3A_3683 = tpu.vector_load %arg9[%swap3A_3680, %swap3A_3681, %swap3A_3682] {strides = array<i32>} : memref<4x10x128xf32, #tpu.memory_space<vmem>>, vector<1x1x16xf32>,
    %swap3A_3684 = vector.shape_cast %swap3A_3683 : vector<1x1x16xf32> to vector<16xf32>
    %swap3A_3685 = vector.shape_cast %add3A_3677 : vector<16xf32> to vector<1x1x16xf32>
    tpu.vector_store %arg9[%swap3A_3680, %swap3A_3681, %swap3A_3682], %swap3A_3685 {strides = array<i32>} : memref<4x10x128xf32, #tpu.memory_space<vmem>>, vector<1x1x16xf32>,
    %mul3A_3686 = vector.broadcast %squeeze3A_48 : f32 to vector<16xf32>
    %mul3A_3687 = arith.mulf %convert_element_type3A_3637, %mul3A_3686 : vector<16xf32>
    %add3A_3688 = vector.broadcast %squeeze3A_68 : f32 to vector<16xf32>
    %add3A_3689 = arith.addf %mul3A_3687, %add3A_3688 : vector<16xf32>
    %swap3A_3690 = arith.constant 3 : i32
    %swap3A_3691 = arith.constant 4 : i32
    %swap3A_3692 = arith.index_cast %swap3A_3690 : i32 to index
    %swap3A_3693 = arith.index_cast %swap3A_3691 : i32 to index
    %swap3A_3694 = arith.constant 64 : index
    %swap3A_3695 = tpu.vector_load %arg9[%swap3A_3692, %swap3A_3693, %swap3A_3694] {strides = array<i32>} : memref<4x10x128xf32, #tpu.memory_space<vmem>>, vector<1x1x16xf32>,
    %swap3A_3696 = vector.shape_cast %swap3A_3695 : vector<1x1x16xf32> to vector<16xf32>
    %swap3A_3697 = vector.shape_cast %add3A_3689 : vector<16xf32> to vector<1x1x16xf32>
    tpu.vector_store %arg9[%swap3A_3692, %swap3A_3693, %swap3A_3694], %swap3A_3697 {strides = array<i32>} : memref<4x10x128xf32, #tpu.memory_space<vmem>>, vector<1x1x16xf32>,
    %mul3A_3698 = vector.broadcast %squeeze3A_50 : f32 to vector<16xf32>
    %mul3A_3699 = arith.mulf %convert_element_type3A_3637, %mul3A_3698 : vector<16xf32>
    %add3A_3700 = vector.broadcast %squeeze3A_70 : f32 to vector<16xf32>
    %add3A_3701 = arith.addf %mul3A_3699, %add3A_3700 : vector<16xf32>
    %swap3A_3702 = arith.constant 3 : i32
    %swap3A_3703 = arith.constant 5 : i32
    %swap3A_3704 = arith.index_cast %swap3A_3702 : i32 to index
    %swap3A_3705 = arith.index_cast %swap3A_3703 : i32 to index
    %swap3A_3706 = arith.constant 64 : index
    %swap3A_3707 = tpu.vector_load %arg9[%swap3A_3704, %swap3A_3705, %swap3A_3706] {strides = array<i32>} : memref<4x10x128xf32, #tpu.memory_space<vmem>>, vector<1x1x16xf32>,
    %swap3A_3708 = vector.shape_cast %swap3A_3707 : vector<1x1x16xf32> to vector<16xf32>
    %swap3A_3709 = vector.shape_cast %add3A_3701 : vector<16xf32> to vector<1x1x16xf32>
    tpu.vector_store %arg9[%swap3A_3704, %swap3A_3705, %swap3A_3706], %swap3A_3709 {strides = array<i32>} : memref<4x10x128xf32, #tpu.memory_space<vmem>>, vector<1x1x16xf32>,
    %mul3A_3710 = vector.broadcast %squeeze3A_52 : f32 to vector<16xf32>
    %mul3A_3711 = arith.mulf %convert_element_type3A_3637, %mul3A_3710 : vector<16xf32>
    %add3A_3712 = vector.broadcast %squeeze3A_72 : f32 to vector<16xf32>
    %add3A_3713 = arith.addf %mul3A_3711, %add3A_3712 : vector<16xf32>
    %swap3A_3714 = arith.constant 3 : i32
    %swap3A_3715 = arith.constant 6 : i32
    %swap3A_3716 = arith.index_cast %swap3A_3714 : i32 to index
    %swap3A_3717 = arith.index_cast %swap3A_3715 : i32 to index
    %swap3A_3718 = arith.constant 64 : index
    %swap3A_3719 = tpu.vector_load %arg9[%swap3A_3716, %swap3A_3717, %swap3A_3718] {strides = array<i32>} : memref<4x10x128xf32, #tpu.memory_space<vmem>>, vector<1x1x16xf32>,
    %swap3A_3720 = vector.shape_cast %swap3A_3719 : vector<1x1x16xf32> to vector<16xf32>
    %swap3A_3721 = vector.shape_cast %add3A_3713 : vector<16xf32> to vector<1x1x16xf32>
    tpu.vector_store %arg9[%swap3A_3716, %swap3A_3717, %swap3A_3718], %swap3A_3721 {strides = array<i32>} : memref<4x10x128xf32, #tpu.memory_space<vmem>>, vector<1x1x16xf32>,
    %mul3A_3722 = vector.broadcast %squeeze3A_54 : f32 to vector<16xf32>
    %mul3A_3723 = arith.mulf %convert_element_type3A_3637, %mul3A_3722 : vector<16xf32>
    %add3A_3724 = vector.broadcast %squeeze3A_74 : f32 to vector<16xf32>
    %add3A_3725 = arith.addf %mul3A_3723, %add3A_3724 : vector<16xf32>
    %swap3A_3726 = arith.constant 3 : i32
    %swap3A_3727 = arith.constant 7 : i32
    %swap3A_3728 = arith.index_cast %swap3A_3726 : i32 to index
    %swap3A_3729 = arith.index_cast %swap3A_3727 : i32 to index
    %swap3A_3730 = arith.constant 64 : index
    %swap3A_3731 = tpu.vector_load %arg9[%swap3A_3728, %swap3A_3729, %swap3A_3730] {strides = array<i32>} : memref<4x10x128xf32, #tpu.memory_space<vmem>>, vector<1x1x16xf32>,
    %swap3A_3732 = vector.shape_cast %swap3A_3731 : vector<1x1x16xf32> to vector<16xf32>
    %swap3A_3733 = vector.shape_cast %add3A_3725 : vector<16xf32> to vector<1x1x16xf32>
    tpu.vector_store %arg9[%swap3A_3728, %swap3A_3729, %swap3A_3730], %swap3A_3733 {strides = array<i32>} : memref<4x10x128xf32, #tpu.memory_space<vmem>>, vector<1x1x16xf32>,
    %mul3A_3734 = vector.broadcast %squeeze3A_56 : f32 to vector<16xf32>
    %mul3A_3735 = arith.mulf %convert_element_type3A_3637, %mul3A_3734 : vector<16xf32>
    %add3A_3736 = vector.broadcast %squeeze3A_76 : f32 to vector<16xf32>
    %add3A_3737 = arith.addf %mul3A_3735, %add3A_3736 : vector<16xf32>
    %swap3A_3738 = arith.constant 3 : i32
    %swap3A_3739 = arith.constant 8 : i32
    %swap3A_3740 = arith.index_cast %swap3A_3738 : i32 to index
    %swap3A_3741 = arith.index_cast %swap3A_3739 : i32 to index
    %swap3A_3742 = arith.constant 64 : index
    %swap3A_3743 = tpu.vector_load %arg9[%swap3A_3740, %swap3A_3741, %swap3A_3742] {strides = array<i32>} : memref<4x10x128xf32, #tpu.memory_space<vmem>>, vector<1x1x16xf32>,
    %swap3A_3744 = vector.shape_cast %swap3A_3743 : vector<1x1x16xf32> to vector<16xf32>
    %swap3A_3745 = vector.shape_cast %add3A_3737 : vector<16xf32> to vector<1x1x16xf32>
    tpu.vector_store %arg9[%swap3A_3740, %swap3A_3741, %swap3A_3742], %swap3A_3745 {strides = array<i32>} : memref<4x10x128xf32, #tpu.memory_space<vmem>>, vector<1x1x16xf32>,
    %mul3A_3746 = vector.broadcast %squeeze3A_58 : f32 to vector<16xf32>
    %mul3A_3747 = arith.mulf %convert_element_type3A_3637, %mul3A_3746 : vector<16xf32>
    %add3A_3748 = vector.broadcast %squeeze3A_78 : f32 to vector<16xf32>
    %add3A_3749 = arith.addf %mul3A_3747, %add3A_3748 : vector<16xf32>
    %swap3A_3750 = arith.constant 3 : i32
    %swap3A_3751 = arith.constant 9 : i32
    %swap3A_3752 = arith.index_cast %swap3A_3750 : i32 to index
    %swap3A_3753 = arith.index_cast %swap3A_3751 : i32 to index
    %swap3A_3754 = arith.constant 64 : index
    %swap3A_3755 = tpu.vector_load %arg9[%swap3A_3752, %swap3A_3753, %swap3A_3754] {strides = array<i32>} : memref<4x10x128xf32, #tpu.memory_space<vmem>>, vector<1x1x16xf32>,
    %swap3A_3756 = vector.shape_cast %swap3A_3755 : vector<1x1x16xf32> to vector<16xf32>
    %swap3A_3757 = vector.shape_cast %add3A_3749 : vector<16xf32> to vector<1x1x16xf32>
    tpu.vector_store %arg9[%swap3A_3752, %swap3A_3753, %swap3A_3754], %swap3A_3757 {strides = array<i32>} : memref<4x10x128xf32, #tpu.memory_space<vmem>>, vector<1x1x16xf32>,
    %get3A_3758 = arith.constant 464 : index
    %get3A_3759 = tpu.vector_load %arg7[%get3A_3758] {strides = array<i32>} : memref<512xi32, #tpu.memory_space<vmem>>, vector<16xi32>,
    %get3A_3760 = vector.shape_cast %get3A_3759 : vector<16xi32> to vector<16xi32>
    %convert_element_type3A_3761 = arith.sitofp %get3A_3760 : vector<16xi32> to vector<16xf32>
    %mul3A_3762 = vector.broadcast %squeeze3A : f32 to vector<16xf32>
    %mul3A_3763 = arith.mulf %convert_element_type3A_3761, %mul3A_3762 : vector<16xf32>
    %add3A_3764 = vector.broadcast %squeeze3A_60 : f32 to vector<16xf32>
    %add3A_3765 = arith.addf %mul3A_3763, %add3A_3764 : vector<16xf32>
    %swap3A_3766 = arith.constant 3 : i32
    %swap3A_3767 = arith.constant 0 : i32
    %swap3A_3768 = arith.index_cast %swap3A_3766 : i32 to index
    %swap3A_3769 = arith.index_cast %swap3A_3767 : i32 to index
    %swap3A_3770 = arith.constant 80 : index
    %swap3A_3771 = tpu.vector_load %arg9[%swap3A_3768, %swap3A_3769, %swap3A_3770] {strides = array<i32>} : memref<4x10x128xf32, #tpu.memory_space<vmem>>, vector<1x1x16xf32>,
    %swap3A_3772 = vector.shape_cast %swap3A_3771 : vector<1x1x16xf32> to vector<16xf32>
    %swap3A_3773 = vector.shape_cast %add3A_3765 : vector<16xf32> to vector<1x1x16xf32>
    tpu.vector_store %arg9[%swap3A_3768, %swap3A_3769, %swap3A_3770], %swap3A_3773 {strides = array<i32>} : memref<4x10x128xf32, #tpu.memory_space<vmem>>, vector<1x1x16xf32>,
    %mul3A_3774 = vector.broadcast %squeeze3A_42 : f32 to vector<16xf32>
    %mul3A_3775 = arith.mulf %convert_element_type3A_3761, %mul3A_3774 : vector<16xf32>
    %add3A_3776 = vector.broadcast %squeeze3A_62 : f32 to vector<16xf32>
    %add3A_3777 = arith.addf %mul3A_3775, %add3A_3776 : vector<16xf32>
    %swap3A_3778 = arith.constant 3 : i32
    %swap3A_3779 = arith.constant 1 : i32
    %swap3A_3780 = arith.index_cast %swap3A_3778 : i32 to index
    %swap3A_3781 = arith.index_cast %swap3A_3779 : i32 to index
    %swap3A_3782 = arith.constant 80 : index
    %swap3A_3783 = tpu.vector_load %arg9[%swap3A_3780, %swap3A_3781, %swap3A_3782] {strides = array<i32>} : memref<4x10x128xf32, #tpu.memory_space<vmem>>, vector<1x1x16xf32>,
    %swap3A_3784 = vector.shape_cast %swap3A_3783 : vector<1x1x16xf32> to vector<16xf32>
    %swap3A_3785 = vector.shape_cast %add3A_3777 : vector<16xf32> to vector<1x1x16xf32>
    tpu.vector_store %arg9[%swap3A_3780, %swap3A_3781, %swap3A_3782], %swap3A_3785 {strides = array<i32>} : memref<4x10x128xf32, #tpu.memory_space<vmem>>, vector<1x1x16xf32>,
    %mul3A_3786 = vector.broadcast %squeeze3A_44 : f32 to vector<16xf32>
    %mul3A_3787 = arith.mulf %convert_element_type3A_3761, %mul3A_3786 : vector<16xf32>
    %add3A_3788 = vector.broadcast %squeeze3A_64 : f32 to vector<16xf32>
    %add3A_3789 = arith.addf %mul3A_3787, %add3A_3788 : vector<16xf32>
    %swap3A_3790 = arith.constant 3 : i32
    %swap3A_3791 = arith.constant 2 : i32
    %swap3A_3792 = arith.index_cast %swap3A_3790 : i32 to index
    %swap3A_3793 = arith.index_cast %swap3A_3791 : i32 to index
    %swap3A_3794 = arith.constant 80 : index
    %swap3A_3795 = tpu.vector_load %arg9[%swap3A_3792, %swap3A_3793, %swap3A_3794] {strides = array<i32>} : memref<4x10x128xf32, #tpu.memory_space<vmem>>, vector<1x1x16xf32>,
    %swap3A_3796 = vector.shape_cast %swap3A_3795 : vector<1x1x16xf32> to vector<16xf32>
    %swap3A_3797 = vector.shape_cast %add3A_3789 : vector<16xf32> to vector<1x1x16xf32>
    tpu.vector_store %arg9[%swap3A_3792, %swap3A_3793, %swap3A_3794], %swap3A_3797 {strides = array<i32>} : memref<4x10x128xf32, #tpu.memory_space<vmem>>, vector<1x1x16xf32>,
    %mul3A_3798 = vector.broadcast %squeeze3A_46 : f32 to vector<16xf32>
    %mul3A_3799 = arith.mulf %convert_element_type3A_3761, %mul3A_3798 : vector<16xf32>
    %add3A_3800 = vector.broadcast %squeeze3A_66 : f32 to vector<16xf32>
    %add3A_3801 = arith.addf %mul3A_3799, %add3A_3800 : vector<16xf32>
    %swap3A_3802 = arith.constant 3 : i32
    %swap3A_3803 = arith.constant 3 : i32
    %swap3A_3804 = arith.index_cast %swap3A_3802 : i32 to index
    %swap3A_3805 = arith.index_cast %swap3A_3803 : i32 to index
    %swap3A_3806 = arith.constant 80 : index
    %swap3A_3807 = tpu.vector_load %arg9[%swap3A_3804, %swap3A_3805, %swap3A_3806] {strides = array<i32>} : memref<4x10x128xf32, #tpu.memory_space<vmem>>, vector<1x1x16xf32>,
    %swap3A_3808 = vector.shape_cast %swap3A_3807 : vector<1x1x16xf32> to vector<16xf32>
    %swap3A_3809 = vector.shape_cast %add3A_3801 : vector<16xf32> to vector<1x1x16xf32>
    tpu.vector_store %arg9[%swap3A_3804, %swap3A_3805, %swap3A_3806], %swap3A_3809 {strides = array<i32>} : memref<4x10x128xf32, #tpu.memory_space<vmem>>, vector<1x1x16xf32>,
    %mul3A_3810 = vector.broadcast %squeeze3A_48 : f32 to vector<16xf32>
    %mul3A_3811 = arith.mulf %convert_element_type3A_3761, %mul3A_3810 : vector<16xf32>
    %add3A_3812 = vector.broadcast %squeeze3A_68 : f32 to vector<16xf32>
    %add3A_3813 = arith.addf %mul3A_3811, %add3A_3812 : vector<16xf32>
    %swap3A_3814 = arith.constant 3 : i32
    %swap3A_3815 = arith.constant 4 : i32
    %swap3A_3816 = arith.index_cast %swap3A_3814 : i32 to index
    %swap3A_3817 = arith.index_cast %swap3A_3815 : i32 to index
    %swap3A_3818 = arith.constant 80 : index
    %swap3A_3819 = tpu.vector_load %arg9[%swap3A_3816, %swap3A_3817, %swap3A_3818] {strides = array<i32>} : memref<4x10x128xf32, #tpu.memory_space<vmem>>, vector<1x1x16xf32>,
    %swap3A_3820 = vector.shape_cast %swap3A_3819 : vector<1x1x16xf32> to vector<16xf32>
    %swap3A_3821 = vector.shape_cast %add3A_3813 : vector<16xf32> to vector<1x1x16xf32>
    tpu.vector_store %arg9[%swap3A_3816, %swap3A_3817, %swap3A_3818], %swap3A_3821 {strides = array<i32>} : memref<4x10x128xf32, #tpu.memory_space<vmem>>, vector<1x1x16xf32>,
    %mul3A_3822 = vector.broadcast %squeeze3A_50 : f32 to vector<16xf32>
    %mul3A_3823 = arith.mulf %convert_element_type3A_3761, %mul3A_3822 : vector<16xf32>
    %add3A_3824 = vector.broadcast %squeeze3A_70 : f32 to vector<16xf32>
    %add3A_3825 = arith.addf %mul3A_3823, %add3A_3824 : vector<16xf32>
    %swap3A_3826 = arith.constant 3 : i32
    %swap3A_3827 = arith.constant 5 : i32
    %swap3A_3828 = arith.index_cast %swap3A_3826 : i32 to index
    %swap3A_3829 = arith.index_cast %swap3A_3827 : i32 to index
    %swap3A_3830 = arith.constant 80 : index
    %swap3A_3831 = tpu.vector_load %arg9[%swap3A_3828, %swap3A_3829, %swap3A_3830] {strides = array<i32>} : memref<4x10x128xf32, #tpu.memory_space<vmem>>, vector<1x1x16xf32>,
    %swap3A_3832 = vector.shape_cast %swap3A_3831 : vector<1x1x16xf32> to vector<16xf32>
    %swap3A_3833 = vector.shape_cast %add3A_3825 : vector<16xf32> to vector<1x1x16xf32>
    tpu.vector_store %arg9[%swap3A_3828, %swap3A_3829, %swap3A_3830], %swap3A_3833 {strides = array<i32>} : memref<4x10x128xf32, #tpu.memory_space<vmem>>, vector<1x1x16xf32>,
    %mul3A_3834 = vector.broadcast %squeeze3A_52 : f32 to vector<16xf32>
    %mul3A_3835 = arith.mulf %convert_element_type3A_3761, %mul3A_3834 : vector<16xf32>
    %add3A_3836 = vector.broadcast %squeeze3A_72 : f32 to vector<16xf32>
    %add3A_3837 = arith.addf %mul3A_3835, %add3A_3836 : vector<16xf32>
    %swap3A_3838 = arith.constant 3 : i32
    %swap3A_3839 = arith.constant 6 : i32
    %swap3A_3840 = arith.index_cast %swap3A_3838 : i32 to index
    %swap3A_3841 = arith.index_cast %swap3A_3839 : i32 to index
    %swap3A_3842 = arith.constant 80 : index
    %swap3A_3843 = tpu.vector_load %arg9[%swap3A_3840, %swap3A_3841, %swap3A_3842] {strides = array<i32>} : memref<4x10x128xf32, #tpu.memory_space<vmem>>, vector<1x1x16xf32>,
    %swap3A_3844 = vector.shape_cast %swap3A_3843 : vector<1x1x16xf32> to vector<16xf32>
    %swap3A_3845 = vector.shape_cast %add3A_3837 : vector<16xf32> to vector<1x1x16xf32>
    tpu.vector_store %arg9[%swap3A_3840, %swap3A_3841, %swap3A_3842], %swap3A_3845 {strides = array<i32>} : memref<4x10x128xf32, #tpu.memory_space<vmem>>, vector<1x1x16xf32>,
    %mul3A_3846 = vector.broadcast %squeeze3A_54 : f32 to vector<16xf32>
    %mul3A_3847 = arith.mulf %convert_element_type3A_3761, %mul3A_3846 : vector<16xf32>
    %add3A_3848 = vector.broadcast %squeeze3A_74 : f32 to vector<16xf32>
    %add3A_3849 = arith.addf %mul3A_3847, %add3A_3848 : vector<16xf32>
    %swap3A_3850 = arith.constant 3 : i32
    %swap3A_3851 = arith.constant 7 : i32
    %swap3A_3852 = arith.index_cast %swap3A_3850 : i32 to index
    %swap3A_3853 = arith.index_cast %swap3A_3851 : i32 to index
    %swap3A_3854 = arith.constant 80 : index
    %swap3A_3855 = tpu.vector_load %arg9[%swap3A_3852, %swap3A_3853, %swap3A_3854] {strides = array<i32>} : memref<4x10x128xf32, #tpu.memory_space<vmem>>, vector<1x1x16xf32>,
    %swap3A_3856 = vector.shape_cast %swap3A_3855 : vector<1x1x16xf32> to vector<16xf32>
    %swap3A_3857 = vector.shape_cast %add3A_3849 : vector<16xf32> to vector<1x1x16xf32>
    tpu.vector_store %arg9[%swap3A_3852, %swap3A_3853, %swap3A_3854], %swap3A_3857 {strides = array<i32>} : memref<4x10x128xf32, #tpu.memory_space<vmem>>, vector<1x1x16xf32>,
    %mul3A_3858 = vector.broadcast %squeeze3A_56 : f32 to vector<16xf32>
    %mul3A_3859 = arith.mulf %convert_element_type3A_3761, %mul3A_3858 : vector<16xf32>
    %add3A_3860 = vector.broadcast %squeeze3A_76 : f32 to vector<16xf32>
    %add3A_3861 = arith.addf %mul3A_3859, %add3A_3860 : vector<16xf32>
    %swap3A_3862 = arith.constant 3 : i32
    %swap3A_3863 = arith.constant 8 : i32
    %swap3A_3864 = arith.index_cast %swap3A_3862 : i32 to index
    %swap3A_3865 = arith.index_cast %swap3A_3863 : i32 to index
    %swap3A_3866 = arith.constant 80 : index
    %swap3A_3867 = tpu.vector_load %arg9[%swap3A_3864, %swap3A_3865, %swap3A_3866] {strides = array<i32>} : memref<4x10x128xf32, #tpu.memory_space<vmem>>, vector<1x1x16xf32>,
    %swap3A_3868 = vector.shape_cast %swap3A_3867 : vector<1x1x16xf32> to vector<16xf32>
    %swap3A_3869 = vector.shape_cast %add3A_3861 : vector<16xf32> to vector<1x1x16xf32>
    tpu.vector_store %arg9[%swap3A_3864, %swap3A_3865, %swap3A_3866], %swap3A_3869 {strides = array<i32>} : memref<4x10x128xf32, #tpu.memory_space<vmem>>, vector<1x1x16xf32>,
    %mul3A_3870 = vector.broadcast %squeeze3A_58 : f32 to vector<16xf32>
    %mul3A_3871 = arith.mulf %convert_element_type3A_3761, %mul3A_3870 : vector<16xf32>
    %add3A_3872 = vector.broadcast %squeeze3A_78 : f32 to vector<16xf32>
    %add3A_3873 = arith.addf %mul3A_3871, %add3A_3872 : vector<16xf32>
    %swap3A_3874 = arith.constant 3 : i32
    %swap3A_3875 = arith.constant 9 : i32
    %swap3A_3876 = arith.index_cast %swap3A_3874 : i32 to index
    %swap3A_3877 = arith.index_cast %swap3A_3875 : i32 to index
    %swap3A_3878 = arith.constant 80 : index
    %swap3A_3879 = tpu.vector_load %arg9[%swap3A_3876, %swap3A_3877, %swap3A_3878] {strides = array<i32>} : memref<4x10x128xf32, #tpu.memory_space<vmem>>, vector<1x1x16xf32>,
    %swap3A_3880 = vector.shape_cast %swap3A_3879 : vector<1x1x16xf32> to vector<16xf32>
    %swap3A_3881 = vector.shape_cast %add3A_3873 : vector<16xf32> to vector<1x1x16xf32>
    tpu.vector_store %arg9[%swap3A_3876, %swap3A_3877, %swap3A_3878], %swap3A_3881 {strides = array<i32>} : memref<4x10x128xf32, #tpu.memory_space<vmem>>, vector<1x1x16xf32>,
    %get3A_3882 = arith.constant 480 : index
    %get3A_3883 = tpu.vector_load %arg7[%get3A_3882] {strides = array<i32>} : memref<512xi32, #tpu.memory_space<vmem>>, vector<16xi32>,
    %get3A_3884 = vector.shape_cast %get3A_3883 : vector<16xi32> to vector<16xi32>
    %convert_element_type3A_3885 = arith.sitofp %get3A_3884 : vector<16xi32> to vector<16xf32>
    %mul3A_3886 = vector.broadcast %squeeze3A : f32 to vector<16xf32>
    %mul3A_3887 = arith.mulf %convert_element_type3A_3885, %mul3A_3886 : vector<16xf32>
    %add3A_3888 = vector.broadcast %squeeze3A_60 : f32 to vector<16xf32>
    %add3A_3889 = arith.addf %mul3A_3887, %add3A_3888 : vector<16xf32>
    %swap3A_3890 = arith.constant 3 : i32
    %swap3A_3891 = arith.constant 0 : i32
    %swap3A_3892 = arith.index_cast %swap3A_3890 : i32 to index
    %swap3A_3893 = arith.index_cast %swap3A_3891 : i32 to index
    %swap3A_3894 = arith.constant 96 : index
    %swap3A_3895 = tpu.vector_load %arg9[%swap3A_3892, %swap3A_3893, %swap3A_3894] {strides = array<i32>} : memref<4x10x128xf32, #tpu.memory_space<vmem>>, vector<1x1x16xf32>,
    %swap3A_3896 = vector.shape_cast %swap3A_3895 : vector<1x1x16xf32> to vector<16xf32>
    %swap3A_3897 = vector.shape_cast %add3A_3889 : vector<16xf32> to vector<1x1x16xf32>
    tpu.vector_store %arg9[%swap3A_3892, %swap3A_3893, %swap3A_3894], %swap3A_3897 {strides = array<i32>} : memref<4x10x128xf32, #tpu.memory_space<vmem>>, vector<1x1x16xf32>,
    %mul3A_3898 = vector.broadcast %squeeze3A_42 : f32 to vector<16xf32>
    %mul3A_3899 = arith.mulf %convert_element_type3A_3885, %mul3A_3898 : vector<16xf32>
    %add3A_3900 = vector.broadcast %squeeze3A_62 : f32 to vector<16xf32>
    %add3A_3901 = arith.addf %mul3A_3899, %add3A_3900 : vector<16xf32>
    %swap3A_3902 = arith.constant 3 : i32
    %swap3A_3903 = arith.constant 1 : i32
    %swap3A_3904 = arith.index_cast %swap3A_3902 : i32 to index
    %swap3A_3905 = arith.index_cast %swap3A_3903 : i32 to index
    %swap3A_3906 = arith.constant 96 : index
    %swap3A_3907 = tpu.vector_load %arg9[%swap3A_3904, %swap3A_3905, %swap3A_3906] {strides = array<i32>} : memref<4x10x128xf32, #tpu.memory_space<vmem>>, vector<1x1x16xf32>,
    %swap3A_3908 = vector.shape_cast %swap3A_3907 : vector<1x1x16xf32> to vector<16xf32>
    %swap3A_3909 = vector.shape_cast %add3A_3901 : vector<16xf32> to vector<1x1x16xf32>
    tpu.vector_store %arg9[%swap3A_3904, %swap3A_3905, %swap3A_3906], %swap3A_3909 {strides = array<i32>} : memref<4x10x128xf32, #tpu.memory_space<vmem>>, vector<1x1x16xf32>,
    %mul3A_3910 = vector.broadcast %squeeze3A_44 : f32 to vector<16xf32>
    %mul3A_3911 = arith.mulf %convert_element_type3A_3885, %mul3A_3910 : vector<16xf32>
    %add3A_3912 = vector.broadcast %squeeze3A_64 : f32 to vector<16xf32>
    %add3A_3913 = arith.addf %mul3A_3911, %add3A_3912 : vector<16xf32>
    %swap3A_3914 = arith.constant 3 : i32
    %swap3A_3915 = arith.constant 2 : i32
    %swap3A_3916 = arith.index_cast %swap3A_3914 : i32 to index
    %swap3A_3917 = arith.index_cast %swap3A_3915 : i32 to index
    %swap3A_3918 = arith.constant 96 : index
    %swap3A_3919 = tpu.vector_load %arg9[%swap3A_3916, %swap3A_3917, %swap3A_3918] {strides = array<i32>} : memref<4x10x128xf32, #tpu.memory_space<vmem>>, vector<1x1x16xf32>,
    %swap3A_3920 = vector.shape_cast %swap3A_3919 : vector<1x1x16xf32> to vector<16xf32>
    %swap3A_3921 = vector.shape_cast %add3A_3913 : vector<16xf32> to vector<1x1x16xf32>
    tpu.vector_store %arg9[%swap3A_3916, %swap3A_3917, %swap3A_3918], %swap3A_3921 {strides = array<i32>} : memref<4x10x128xf32, #tpu.memory_space<vmem>>, vector<1x1x16xf32>,
    %mul3A_3922 = vector.broadcast %squeeze3A_46 : f32 to vector<16xf32>
    %mul3A_3923 = arith.mulf %convert_element_type3A_3885, %mul3A_3922 : vector<16xf32>
    %add3A_3924 = vector.broadcast %squeeze3A_66 : f32 to vector<16xf32>
    %add3A_3925 = arith.addf %mul3A_3923, %add3A_3924 : vector<16xf32>
    %swap3A_3926 = arith.constant 3 : i32
    %swap3A_3927 = arith.constant 3 : i32
    %swap3A_3928 = arith.index_cast %swap3A_3926 : i32 to index
    %swap3A_3929 = arith.index_cast %swap3A_3927 : i32 to index
    %swap3A_3930 = arith.constant 96 : index
    %swap3A_3931 = tpu.vector_load %arg9[%swap3A_3928, %swap3A_3929, %swap3A_3930] {strides = array<i32>} : memref<4x10x128xf32, #tpu.memory_space<vmem>>, vector<1x1x16xf32>,
    %swap3A_3932 = vector.shape_cast %swap3A_3931 : vector<1x1x16xf32> to vector<16xf32>
    %swap3A_3933 = vector.shape_cast %add3A_3925 : vector<16xf32> to vector<1x1x16xf32>
    tpu.vector_store %arg9[%swap3A_3928, %swap3A_3929, %swap3A_3930], %swap3A_3933 {strides = array<i32>} : memref<4x10x128xf32, #tpu.memory_space<vmem>>, vector<1x1x16xf32>,
    %mul3A_3934 = vector.broadcast %squeeze3A_48 : f32 to vector<16xf32>
    %mul3A_3935 = arith.mulf %convert_element_type3A_3885, %mul3A_3934 : vector<16xf32>
    %add3A_3936 = vector.broadcast %squeeze3A_68 : f32 to vector<16xf32>
    %add3A_3937 = arith.addf %mul3A_3935, %add3A_3936 : vector<16xf32>
    %swap3A_3938 = arith.constant 3 : i32
    %swap3A_3939 = arith.constant 4 : i32
    %swap3A_3940 = arith.index_cast %swap3A_3938 : i32 to index
    %swap3A_3941 = arith.index_cast %swap3A_3939 : i32 to index
    %swap3A_3942 = arith.constant 96 : index
    %swap3A_3943 = tpu.vector_load %arg9[%swap3A_3940, %swap3A_3941, %swap3A_3942] {strides = array<i32>} : memref<4x10x128xf32, #tpu.memory_space<vmem>>, vector<1x1x16xf32>,
    %swap3A_3944 = vector.shape_cast %swap3A_3943 : vector<1x1x16xf32> to vector<16xf32>
    %swap3A_3945 = vector.shape_cast %add3A_3937 : vector<16xf32> to vector<1x1x16xf32>
    tpu.vector_store %arg9[%swap3A_3940, %swap3A_3941, %swap3A_3942], %swap3A_3945 {strides = array<i32>} : memref<4x10x128xf32, #tpu.memory_space<vmem>>, vector<1x1x16xf32>,
    %mul3A_3946 = vector.broadcast %squeeze3A_50 : f32 to vector<16xf32>
    %mul3A_3947 = arith.mulf %convert_element_type3A_3885, %mul3A_3946 : vector<16xf32>
    %add3A_3948 = vector.broadcast %squeeze3A_70 : f32 to vector<16xf32>
    %add3A_3949 = arith.addf %mul3A_3947, %add3A_3948 : vector<16xf32>
    %swap3A_3950 = arith.constant 3 : i32
    %swap3A_3951 = arith.constant 5 : i32
    %swap3A_3952 = arith.index_cast %swap3A_3950 : i32 to index
    %swap3A_3953 = arith.index_cast %swap3A_3951 : i32 to index
    %swap3A_3954 = arith.constant 96 : index
    %swap3A_3955 = tpu.vector_load %arg9[%swap3A_3952, %swap3A_3953, %swap3A_3954] {strides = array<i32>} : memref<4x10x128xf32, #tpu.memory_space<vmem>>, vector<1x1x16xf32>,
    %swap3A_3956 = vector.shape_cast %swap3A_3955 : vector<1x1x16xf32> to vector<16xf32>
    %swap3A_3957 = vector.shape_cast %add3A_3949 : vector<16xf32> to vector<1x1x16xf32>
    tpu.vector_store %arg9[%swap3A_3952, %swap3A_3953, %swap3A_3954], %swap3A_3957 {strides = array<i32>} : memref<4x10x128xf32, #tpu.memory_space<vmem>>, vector<1x1x16xf32>,
    %mul3A_3958 = vector.broadcast %squeeze3A_52 : f32 to vector<16xf32>
    %mul3A_3959 = arith.mulf %convert_element_type3A_3885, %mul3A_3958 : vector<16xf32>
    %add3A_3960 = vector.broadcast %squeeze3A_72 : f32 to vector<16xf32>
    %add3A_3961 = arith.addf %mul3A_3959, %add3A_3960 : vector<16xf32>
    %swap3A_3962 = arith.constant 3 : i32
    %swap3A_3963 = arith.constant 6 : i32
    %swap3A_3964 = arith.index_cast %swap3A_3962 : i32 to index
    %swap3A_3965 = arith.index_cast %swap3A_3963 : i32 to index
    %swap3A_3966 = arith.constant 96 : index
    %swap3A_3967 = tpu.vector_load %arg9[%swap3A_3964, %swap3A_3965, %swap3A_3966] {strides = array<i32>} : memref<4x10x128xf32, #tpu.memory_space<vmem>>, vector<1x1x16xf32>,
    %swap3A_3968 = vector.shape_cast %swap3A_3967 : vector<1x1x16xf32> to vector<16xf32>
    %swap3A_3969 = vector.shape_cast %add3A_3961 : vector<16xf32> to vector<1x1x16xf32>
    tpu.vector_store %arg9[%swap3A_3964, %swap3A_3965, %swap3A_3966], %swap3A_3969 {strides = array<i32>} : memref<4x10x128xf32, #tpu.memory_space<vmem>>, vector<1x1x16xf32>,
    %mul3A_3970 = vector.broadcast %squeeze3A_54 : f32 to vector<16xf32>
    %mul3A_3971 = arith.mulf %convert_element_type3A_3885, %mul3A_3970 : vector<16xf32>
    %add3A_3972 = vector.broadcast %squeeze3A_74 : f32 to vector<16xf32>
    %add3A_3973 = arith.addf %mul3A_3971, %add3A_3972 : vector<16xf32>
    %swap3A_3974 = arith.constant 3 : i32
    %swap3A_3975 = arith.constant 7 : i32
    %swap3A_3976 = arith.index_cast %swap3A_3974 : i32 to index
    %swap3A_3977 = arith.index_cast %swap3A_3975 : i32 to index
    %swap3A_3978 = arith.constant 96 : index
    %swap3A_3979 = tpu.vector_load %arg9[%swap3A_3976, %swap3A_3977, %swap3A_3978] {strides = array<i32>} : memref<4x10x128xf32, #tpu.memory_space<vmem>>, vector<1x1x16xf32>,
    %swap3A_3980 = vector.shape_cast %swap3A_3979 : vector<1x1x16xf32> to vector<16xf32>
    %swap3A_3981 = vector.shape_cast %add3A_3973 : vector<16xf32> to vector<1x1x16xf32>
    tpu.vector_store %arg9[%swap3A_3976, %swap3A_3977, %swap3A_3978], %swap3A_3981 {strides = array<i32>} : memref<4x10x128xf32, #tpu.memory_space<vmem>>, vector<1x1x16xf32>,
    %mul3A_3982 = vector.broadcast %squeeze3A_56 : f32 to vector<16xf32>
    %mul3A_3983 = arith.mulf %convert_element_type3A_3885, %mul3A_3982 : vector<16xf32>
    %add3A_3984 = vector.broadcast %squeeze3A_76 : f32 to vector<16xf32>
    %add3A_3985 = arith.addf %mul3A_3983, %add3A_3984 : vector<16xf32>
    %swap3A_3986 = arith.constant 3 : i32
    %swap3A_3987 = arith.constant 8 : i32
    %swap3A_3988 = arith.index_cast %swap3A_3986 : i32 to index
    %swap3A_3989 = arith.index_cast %swap3A_3987 : i32 to index
    %swap3A_3990 = arith.constant 96 : index
    %swap3A_3991 = tpu.vector_load %arg9[%swap3A_3988, %swap3A_3989, %swap3A_3990] {strides = array<i32>} : memref<4x10x128xf32, #tpu.memory_space<vmem>>, vector<1x1x16xf32>,
    %swap3A_3992 = vector.shape_cast %swap3A_3991 : vector<1x1x16xf32> to vector<16xf32>
    %swap3A_3993 = vector.shape_cast %add3A_3985 : vector<16xf32> to vector<1x1x16xf32>
    tpu.vector_store %arg9[%swap3A_3988, %swap3A_3989, %swap3A_3990], %swap3A_3993 {strides = array<i32>} : memref<4x10x128xf32, #tpu.memory_space<vmem>>, vector<1x1x16xf32>,
    %mul3A_3994 = vector.broadcast %squeeze3A_58 : f32 to vector<16xf32>
    %mul3A_3995 = arith.mulf %convert_element_type3A_3885, %mul3A_3994 : vector<16xf32>
    %add3A_3996 = vector.broadcast %squeeze3A_78 : f32 to vector<16xf32>
    %add3A_3997 = arith.addf %mul3A_3995, %add3A_3996 : vector<16xf32>
    %swap3A_3998 = arith.constant 3 : i32
    %swap3A_3999 = arith.constant 9 : i32
    %swap3A_4000 = arith.index_cast %swap3A_3998 : i32 to index
    %swap3A_4001 = arith.index_cast %swap3A_3999 : i32 to index
    %swap3A_4002 = arith.constant 96 : index
    %swap3A_4003 = tpu.vector_load %arg9[%swap3A_4000, %swap3A_4001, %swap3A_4002] {strides = array<i32>} : memref<4x10x128xf32, #tpu.memory_space<vmem>>, vector<1x1x16xf32>,
    %swap3A_4004 = vector.shape_cast %swap3A_4003 : vector<1x1x16xf32> to vector<16xf32>
    %swap3A_4005 = vector.shape_cast %add3A_3997 : vector<16xf32> to vector<1x1x16xf32>
    tpu.vector_store %arg9[%swap3A_4000, %swap3A_4001, %swap3A_4002], %swap3A_4005 {strides = array<i32>} : memref<4x10x128xf32, #tpu.memory_space<vmem>>, vector<1x1x16xf32>,
    %get3A_4006 = arith.constant 496 : index
    %get3A_4007 = tpu.vector_load %arg7[%get3A_4006] {strides = array<i32>} : memref<512xi32, #tpu.memory_space<vmem>>, vector<16xi32>,
    %get3A_4008 = vector.shape_cast %get3A_4007 : vector<16xi32> to vector<16xi32>
    %convert_element_type3A_4009 = arith.sitofp %get3A_4008 : vector<16xi32> to vector<16xf32>
    %mul3A_4010 = vector.broadcast %squeeze3A : f32 to vector<16xf32>
    %mul3A_4011 = arith.mulf %convert_element_type3A_4009, %mul3A_4010 : vector<16xf32>
    %add3A_4012 = vector.broadcast %squeeze3A_60 : f32 to vector<16xf32>
    %add3A_4013 = arith.addf %mul3A_4011, %add3A_4012 : vector<16xf32>
    %swap3A_4014 = arith.constant 3 : i32
    %swap3A_4015 = arith.constant 0 : i32
    %swap3A_4016 = arith.index_cast %swap3A_4014 : i32 to index
    %swap3A_4017 = arith.index_cast %swap3A_4015 : i32 to index
    %swap3A_4018 = arith.constant 112 : index
    %swap3A_4019 = tpu.vector_load %arg9[%swap3A_4016, %swap3A_4017, %swap3A_4018] {strides = array<i32>} : memref<4x10x128xf32, #tpu.memory_space<vmem>>, vector<1x1x16xf32>,
    %swap3A_4020 = vector.shape_cast %swap3A_4019 : vector<1x1x16xf32> to vector<16xf32>
    %swap3A_4021 = vector.shape_cast %add3A_4013 : vector<16xf32> to vector<1x1x16xf32>
    tpu.vector_store %arg9[%swap3A_4016, %swap3A_4017, %swap3A_4018], %swap3A_4021 {strides = array<i32>} : memref<4x10x128xf32, #tpu.memory_space<vmem>>, vector<1x1x16xf32>,
    %mul3A_4022 = vector.broadcast %squeeze3A_42 : f32 to vector<16xf32>
    %mul3A_4023 = arith.mulf %convert_element_type3A_4009, %mul3A_4022 : vector<16xf32>
    %add3A_4024 = vector.broadcast %squeeze3A_62 : f32 to vector<16xf32>
    %add3A_4025 = arith.addf %mul3A_4023, %add3A_4024 : vector<16xf32>
    %swap3A_4026 = arith.constant 3 : i32
    %swap3A_4027 = arith.constant 1 : i32
    %swap3A_4028 = arith.index_cast %swap3A_4026 : i32 to index
    %swap3A_4029 = arith.index_cast %swap3A_4027 : i32 to index
    %swap3A_4030 = arith.constant 112 : index
    %swap3A_4031 = tpu.vector_load %arg9[%swap3A_4028, %swap3A_4029, %swap3A_4030] {strides = array<i32>} : memref<4x10x128xf32, #tpu.memory_space<vmem>>, vector<1x1x16xf32>,
    %swap3A_4032 = vector.shape_cast %swap3A_4031 : vector<1x1x16xf32> to vector<16xf32>
    %swap3A_4033 = vector.shape_cast %add3A_4025 : vector<16xf32> to vector<1x1x16xf32>
    tpu.vector_store %arg9[%swap3A_4028, %swap3A_4029, %swap3A_4030], %swap3A_4033 {strides = array<i32>} : memref<4x10x128xf32, #tpu.memory_space<vmem>>, vector<1x1x16xf32>,
    %mul3A_4034 = vector.broadcast %squeeze3A_44 : f32 to vector<16xf32>
    %mul3A_4035 = arith.mulf %convert_element_type3A_4009, %mul3A_4034 : vector<16xf32>
    %add3A_4036 = vector.broadcast %squeeze3A_64 : f32 to vector<16xf32>
    %add3A_4037 = arith.addf %mul3A_4035, %add3A_4036 : vector<16xf32>
    %swap3A_4038 = arith.constant 3 : i32
    %swap3A_4039 = arith.constant 2 : i32
    %swap3A_4040 = arith.index_cast %swap3A_4038 : i32 to index
    %swap3A_4041 = arith.index_cast %swap3A_4039 : i32 to index
    %swap3A_4042 = arith.constant 112 : index
    %swap3A_4043 = tpu.vector_load %arg9[%swap3A_4040, %swap3A_4041, %swap3A_4042] {strides = array<i32>} : memref<4x10x128xf32, #tpu.memory_space<vmem>>, vector<1x1x16xf32>,
    %swap3A_4044 = vector.shape_cast %swap3A_4043 : vector<1x1x16xf32> to vector<16xf32>
    %swap3A_4045 = vector.shape_cast %add3A_4037 : vector<16xf32> to vector<1x1x16xf32>
    tpu.vector_store %arg9[%swap3A_4040, %swap3A_4041, %swap3A_4042], %swap3A_4045 {strides = array<i32>} : memref<4x10x128xf32, #tpu.memory_space<vmem>>, vector<1x1x16xf32>,
    %mul3A_4046 = vector.broadcast %squeeze3A_46 : f32 to vector<16xf32>
    %mul3A_4047 = arith.mulf %convert_element_type3A_4009, %mul3A_4046 : vector<16xf32>
    %add3A_4048 = vector.broadcast %squeeze3A_66 : f32 to vector<16xf32>
    %add3A_4049 = arith.addf %mul3A_4047, %add3A_4048 : vector<16xf32>
    %swap3A_4050 = arith.constant 3 : i32
    %swap3A_4051 = arith.constant 3 : i32
    %swap3A_4052 = arith.index_cast %swap3A_4050 : i32 to index
    %swap3A_4053 = arith.index_cast %swap3A_4051 : i32 to index
    %swap3A_4054 = arith.constant 112 : index
    %swap3A_4055 = tpu.vector_load %arg9[%swap3A_4052, %swap3A_4053, %swap3A_4054] {strides = array<i32>} : memref<4x10x128xf32, #tpu.memory_space<vmem>>, vector<1x1x16xf32>,
    %swap3A_4056 = vector.shape_cast %swap3A_4055 : vector<1x1x16xf32> to vector<16xf32>
    %swap3A_4057 = vector.shape_cast %add3A_4049 : vector<16xf32> to vector<1x1x16xf32>
    tpu.vector_store %arg9[%swap3A_4052, %swap3A_4053, %swap3A_4054], %swap3A_4057 {strides = array<i32>} : memref<4x10x128xf32, #tpu.memory_space<vmem>>, vector<1x1x16xf32>,
    %mul3A_4058 = vector.broadcast %squeeze3A_48 : f32 to vector<16xf32>
    %mul3A_4059 = arith.mulf %convert_element_type3A_4009, %mul3A_4058 : vector<16xf32>
    %add3A_4060 = vector.broadcast %squeeze3A_68 : f32 to vector<16xf32>
    %add3A_4061 = arith.addf %mul3A_4059, %add3A_4060 : vector<16xf32>
    %swap3A_4062 = arith.constant 3 : i32
    %swap3A_4063 = arith.constant 4 : i32
    %swap3A_4064 = arith.index_cast %swap3A_4062 : i32 to index
    %swap3A_4065 = arith.index_cast %swap3A_4063 : i32 to index
    %swap3A_4066 = arith.constant 112 : index
    %swap3A_4067 = tpu.vector_load %arg9[%swap3A_4064, %swap3A_4065, %swap3A_4066] {strides = array<i32>} : memref<4x10x128xf32, #tpu.memory_space<vmem>>, vector<1x1x16xf32>,
    %swap3A_4068 = vector.shape_cast %swap3A_4067 : vector<1x1x16xf32> to vector<16xf32>
    %swap3A_4069 = vector.shape_cast %add3A_4061 : vector<16xf32> to vector<1x1x16xf32>
    tpu.vector_store %arg9[%swap3A_4064, %swap3A_4065, %swap3A_4066], %swap3A_4069 {strides = array<i32>} : memref<4x10x128xf32, #tpu.memory_space<vmem>>, vector<1x1x16xf32>,
    %mul3A_4070 = vector.broadcast %squeeze3A_50 : f32 to vector<16xf32>
    %mul3A_4071 = arith.mulf %convert_element_type3A_4009, %mul3A_4070 : vector<16xf32>
    %add3A_4072 = vector.broadcast %squeeze3A_70 : f32 to vector<16xf32>
    %add3A_4073 = arith.addf %mul3A_4071, %add3A_4072 : vector<16xf32>
    %swap3A_4074 = arith.constant 3 : i32
    %swap3A_4075 = arith.constant 5 : i32
    %swap3A_4076 = arith.index_cast %swap3A_4074 : i32 to index
    %swap3A_4077 = arith.index_cast %swap3A_4075 : i32 to index
    %swap3A_4078 = arith.constant 112 : index
    %swap3A_4079 = tpu.vector_load %arg9[%swap3A_4076, %swap3A_4077, %swap3A_4078] {strides = array<i32>} : memref<4x10x128xf32, #tpu.memory_space<vmem>>, vector<1x1x16xf32>,
    %swap3A_4080 = vector.shape_cast %swap3A_4079 : vector<1x1x16xf32> to vector<16xf32>
    %swap3A_4081 = vector.shape_cast %add3A_4073 : vector<16xf32> to vector<1x1x16xf32>
    tpu.vector_store %arg9[%swap3A_4076, %swap3A_4077, %swap3A_4078], %swap3A_4081 {strides = array<i32>} : memref<4x10x128xf32, #tpu.memory_space<vmem>>, vector<1x1x16xf32>,
    %mul3A_4082 = vector.broadcast %squeeze3A_52 : f32 to vector<16xf32>
    %mul3A_4083 = arith.mulf %convert_element_type3A_4009, %mul3A_4082 : vector<16xf32>
    %add3A_4084 = vector.broadcast %squeeze3A_72 : f32 to vector<16xf32>
    %add3A_4085 = arith.addf %mul3A_4083, %add3A_4084 : vector<16xf32>
    %swap3A_4086 = arith.constant 3 : i32
    %swap3A_4087 = arith.constant 6 : i32
    %swap3A_4088 = arith.index_cast %swap3A_4086 : i32 to index
    %swap3A_4089 = arith.index_cast %swap3A_4087 : i32 to index
    %swap3A_4090 = arith.constant 112 : index
    %swap3A_4091 = tpu.vector_load %arg9[%swap3A_4088, %swap3A_4089, %swap3A_4090] {strides = array<i32>} : memref<4x10x128xf32, #tpu.memory_space<vmem>>, vector<1x1x16xf32>,
    %swap3A_4092 = vector.shape_cast %swap3A_4091 : vector<1x1x16xf32> to vector<16xf32>
    %swap3A_4093 = vector.shape_cast %add3A_4085 : vector<16xf32> to vector<1x1x16xf32>
    tpu.vector_store %arg9[%swap3A_4088, %swap3A_4089, %swap3A_4090], %swap3A_4093 {strides = array<i32>} : memref<4x10x128xf32, #tpu.memory_space<vmem>>, vector<1x1x16xf32>,
    %mul3A_4094 = vector.broadcast %squeeze3A_54 : f32 to vector<16xf32>
    %mul3A_4095 = arith.mulf %convert_element_type3A_4009, %mul3A_4094 : vector<16xf32>
    %add3A_4096 = vector.broadcast %squeeze3A_74 : f32 to vector<16xf32>
    %add3A_4097 = arith.addf %mul3A_4095, %add3A_4096 : vector<16xf32>
    %swap3A_4098 = arith.constant 3 : i32
    %swap3A_4099 = arith.constant 7 : i32
    %swap3A_4100 = arith.index_cast %swap3A_4098 : i32 to index
    %swap3A_4101 = arith.index_cast %swap3A_4099 : i32 to index
    %swap3A_4102 = arith.constant 112 : index
    %swap3A_4103 = tpu.vector_load %arg9[%swap3A_4100, %swap3A_4101, %swap3A_4102] {strides = array<i32>} : memref<4x10x128xf32, #tpu.memory_space<vmem>>, vector<1x1x16xf32>,
    %swap3A_4104 = vector.shape_cast %swap3A_4103 : vector<1x1x16xf32> to vector<16xf32>
    %swap3A_4105 = vector.shape_cast %add3A_4097 : vector<16xf32> to vector<1x1x16xf32>
    tpu.vector_store %arg9[%swap3A_4100, %swap3A_4101, %swap3A_4102], %swap3A_4105 {strides = array<i32>} : memref<4x10x128xf32, #tpu.memory_space<vmem>>, vector<1x1x16xf32>,
    %mul3A_4106 = vector.broadcast %squeeze3A_56 : f32 to vector<16xf32>
    %mul3A_4107 = arith.mulf %convert_element_type3A_4009, %mul3A_4106 : vector<16xf32>
    %add3A_4108 = vector.broadcast %squeeze3A_76 : f32 to vector<16xf32>
    %add3A_4109 = arith.addf %mul3A_4107, %add3A_4108 : vector<16xf32>
    %swap3A_4110 = arith.constant 3 : i32
    %swap3A_4111 = arith.constant 8 : i32
    %swap3A_4112 = arith.index_cast %swap3A_4110 : i32 to index
    %swap3A_4113 = arith.index_cast %swap3A_4111 : i32 to index
    %swap3A_4114 = arith.constant 112 : index
    %swap3A_4115 = tpu.vector_load %arg9[%swap3A_4112, %swap3A_4113, %swap3A_4114] {strides = array<i32>} : memref<4x10x128xf32, #tpu.memory_space<vmem>>, vector<1x1x16xf32>,
    %swap3A_4116 = vector.shape_cast %swap3A_4115 : vector<1x1x16xf32> to vector<16xf32>
    %swap3A_4117 = vector.shape_cast %add3A_4109 : vector<16xf32> to vector<1x1x16xf32>
    tpu.vector_store %arg9[%swap3A_4112, %swap3A_4113, %swap3A_4114], %swap3A_4117 {strides = array<i32>} : memref<4x10x128xf32, #tpu.memory_space<vmem>>, vector<1x1x16xf32>,
    %mul3A_4118 = vector.broadcast %squeeze3A_58 : f32 to vector<16xf32>
    %mul3A_4119 = arith.mulf %convert_element_type3A_4009, %mul3A_4118 : vector<16xf32>
    %add3A_4120 = vector.broadcast %squeeze3A_78 : f32 to vector<16xf32>
    %add3A_4121 = arith.addf %mul3A_4119, %add3A_4120 : vector<16xf32>
    %swap3A_4122 = arith.constant 3 : i32
    %swap3A_4123 = arith.constant 9 : i32
    %swap3A_4124 = arith.index_cast %swap3A_4122 : i32 to index
    %swap3A_4125 = arith.index_cast %swap3A_4123 : i32 to index
    %swap3A_4126 = arith.constant 112 : index
    %swap3A_4127 = tpu.vector_load %arg9[%swap3A_4124, %swap3A_4125, %swap3A_4126] {strides = array<i32>} : memref<4x10x128xf32, #tpu.memory_space<vmem>>, vector<1x1x16xf32>,
    %swap3A_4128 = vector.shape_cast %swap3A_4127 : vector<1x1x16xf32> to vector<16xf32>
    %swap3A_4129 = vector.shape_cast %add3A_4121 : vector<16xf32> to vector<1x1x16xf32>
    tpu.vector_store %arg9[%swap3A_4124, %swap3A_4125, %swap3A_4126], %swap3A_4129 {strides = array<i32>} : memref<4x10x128xf32, #tpu.memory_space<vmem>>, vector<1x1x16xf32>,
    %dma_start3A_4130 = arith.constant 3 : i32
    %dma_start3A_4131 = arith.constant 3 : i32
    %dma_start3A_4132 = arith.constant 0 : i32
    %dma_start3A_4133 = arith.constant 0 : i32
    %dma_start3A_4134 = tpu.memref_slice %arg9[%dma_start3A_4130, %dma_start3A_4132, %dma_start3A_4133] : memref<4x10x128xf32, #tpu.memory_space<vmem>> -> memref<1x10x128xf32, #tpu.memory_space<vmem>>
    %dma_start3A_4135 = tpu.memref_squeeze %dma_start3A_4134 : memref<1x10x128xf32, #tpu.memory_space<vmem>> -> memref<10x128xf32, #tpu.memory_space<vmem>>
    %dma_start3A_4136 = arith.constant 0 : i32
    %dma_start3A_4137 = arith.constant 0 : i32
    %dma_start3A_4138 = tpu.memref_slice %arg5[%add3A, %dma_start3A_4131, %dma_start3A_4136, %dma_start3A_4137] : memref<32x4x10x128xf32, #tpu.memory_space<hbm>> -> memref<1x1x10x128xf32, #tpu.memory_space<hbm>>
    %dma_start3A_4139 = tpu.memref_squeeze %dma_start3A_4138 : memref<1x1x10x128xf32, #tpu.memory_space<hbm>> -> memref<10x128xf32, #tpu.memory_space<hbm>>
    %dma_start3A_4140 = arith.constant 0 : i32
    %dma_start3A_4141 = arith.constant 0 : i32
    %dma_start3A_4142 = tpu.memref_slice %arg5[%add3A, %dma_start3A_4131, %dma_start3A_4140, %dma_start3A_4141] : memref<32x4x10x128xf32, #tpu.memory_space<hbm>> -> memref<1x1x10x128xf32, #tpu.memory_space<hbm>>
    %dma_start3A_4143 = tpu.memref_squeeze %dma_start3A_4142 : memref<1x1x10x128xf32, #tpu.memory_space<hbm>> -> memref<10x128xf32, #tpu.memory_space<hbm>>
    %dma_start3A_4144 = arith.constant 0 : i32
    %dma_start3A_4145 = arith.constant 0 : i32
    %dma_start3A_4146 = tpu.memref_slice %arg9[%dma_start3A_4130, %dma_start3A_4144, %dma_start3A_4145] : memref<4x10x128xf32, #tpu.memory_space<vmem>> -> memref<1x10x128xf32, #tpu.memory_space<vmem>>
    %dma_start3A_4147 = tpu.memref_squeeze %dma_start3A_4146 : memref<1x10x128xf32, #tpu.memory_space<vmem>> -> memref<10x128xf32, #tpu.memory_space<vmem>>
    tpu.enqueue_dma source(%dma_start3A_4147 : memref<10x128xf32, #tpu.memory_space<vmem>>) target(%dma_start3A_4143 : memref<10x128xf32, #tpu.memory_space<hbm>>) target_semaphore(%arg15 : memref<!tpu.dma_semaphore, #tpu.memory_space<semaphore_mem>>)
    %dma_wait3A_4148 = arith.constant 0 : i32
    %dma_wait3A_4149 = arith.constant 0 : i32
    %dma_wait3A_4150 = arith.constant 0 : i32
    %dma_wait3A_4151 = arith.constant 0 : i32
    %dma_wait3A_4152 = tpu.memref_slice %arg9[%dma_wait3A_4148, %dma_wait3A_4150, %dma_wait3A_4151] : memref<4x10x128xf32, #tpu.memory_space<vmem>> -> memref<1x10x128xf32, #tpu.memory_space<vmem>>
    %dma_wait3A_4153 = tpu.memref_squeeze %dma_wait3A_4152 : memref<1x10x128xf32, #tpu.memory_space<vmem>> -> memref<10x128xf32, #tpu.memory_space<vmem>>
    %dma_wait3A_4154 = arith.constant 0 : i32
    %dma_wait3A_4155 = arith.constant 0 : i32
    %dma_wait3A_4156 = tpu.memref_slice %arg5[%add3A, %dma_wait3A_4149, %dma_wait3A_4154, %dma_wait3A_4155] : memref<32x4x10x128xf32, #tpu.memory_space<hbm>> -> memref<1x1x10x128xf32, #tpu.memory_space<hbm>>
    %dma_wait3A_4157 = tpu.memref_squeeze %dma_wait3A_4156 : memref<1x1x10x128xf32, #tpu.memory_space<hbm>> -> memref<10x128xf32, #tpu.memory_space<hbm>>
    %dma_wait3A_4158 = arith.constant 0 : i32
    %dma_wait3A_4159 = arith.constant 0 : i32
    %dma_wait3A_4160 = tpu.memref_slice %arg5[%add3A, %dma_wait3A_4149, %dma_wait3A_4158, %dma_wait3A_4159] : memref<32x4x10x128xf32, #tpu.memory_space<hbm>> -> memref<1x1x10x128xf32, #tpu.memory_space<hbm>>
    %dma_wait3A_4161 = tpu.memref_squeeze %dma_wait3A_4160 : memref<1x1x10x128xf32, #tpu.memory_space<hbm>> -> memref<10x128xf32, #tpu.memory_space<hbm>>
    %dma_wait3A_4162 = arith.constant 0 : i32
    %dma_wait3A_4163 = arith.constant 0 : i32
    %dma_wait3A_4164 = tpu.memref_slice %arg9[%dma_wait3A_4148, %dma_wait3A_4162, %dma_wait3A_4163] : memref<4x10x128xf32, #tpu.memory_space<vmem>> -> memref<1x10x128xf32, #tpu.memory_space<vmem>>
    %dma_wait3A_4165 = tpu.memref_squeeze %dma_wait3A_4164 : memref<1x10x128xf32, #tpu.memory_space<vmem>> -> memref<10x128xf32, #tpu.memory_space<vmem>>
    tpu.wait_dma2 semaphore(%arg15 : memref<!tpu.dma_semaphore, #tpu.memory_space<semaphore_mem>>) src(%dma_wait3A_4165 : memref<10x128xf32, #tpu.memory_space<vmem>>) dst(%dma_wait3A_4161 : memref<10x128xf32, #tpu.memory_space<hbm>>)
    %dma_wait3A_4166 = arith.constant 1 : i32
    %dma_wait3A_4167 = arith.constant 1 : i32
    %dma_wait3A_4168 = arith.constant 0 : i32
    %dma_wait3A_4169 = arith.constant 0 : i32
    %dma_wait3A_4170 = tpu.memref_slice %arg9[%dma_wait3A_4166, %dma_wait3A_4168, %dma_wait3A_4169] : memref<4x10x128xf32, #tpu.memory_space<vmem>> -> memref<1x10x128xf32, #tpu.memory_space<vmem>>
    %dma_wait3A_4171 = tpu.memref_squeeze %dma_wait3A_4170 : memref<1x10x128xf32, #tpu.memory_space<vmem>> -> memref<10x128xf32, #tpu.memory_space<vmem>>
    %dma_wait3A_4172 = arith.constant 0 : i32
    %dma_wait3A_4173 = arith.constant 0 : i32
    %dma_wait3A_4174 = tpu.memref_slice %arg5[%add3A, %dma_wait3A_4167, %dma_wait3A_4172, %dma_wait3A_4173] : memref<32x4x10x128xf32, #tpu.memory_space<hbm>> -> memref<1x1x10x128xf32, #tpu.memory_space<hbm>>
    %dma_wait3A_4175 = tpu.memref_squeeze %dma_wait3A_4174 : memref<1x1x10x128xf32, #tpu.memory_space<hbm>> -> memref<10x128xf32, #tpu.memory_space<hbm>>
    %dma_wait3A_4176 = arith.constant 0 : i32
    %dma_wait3A_4177 = arith.constant 0 : i32
    %dma_wait3A_4178 = tpu.memref_slice %arg5[%add3A, %dma_wait3A_4167, %dma_wait3A_4176, %dma_wait3A_4177] : memref<32x4x10x128xf32, #tpu.memory_space<hbm>> -> memref<1x1x10x128xf32, #tpu.memory_space<hbm>>
    %dma_wait3A_4179 = tpu.memref_squeeze %dma_wait3A_4178 : memref<1x1x10x128xf32, #tpu.memory_space<hbm>> -> memref<10x128xf32, #tpu.memory_space<hbm>>
    %dma_wait3A_4180 = arith.constant 0 : i32
    %dma_wait3A_4181 = arith.constant 0 : i32
    %dma_wait3A_4182 = tpu.memref_slice %arg9[%dma_wait3A_4166, %dma_wait3A_4180, %dma_wait3A_4181] : memref<4x10x128xf32, #tpu.memory_space<vmem>> -> memref<1x10x128xf32, #tpu.memory_space<vmem>>
    %dma_wait3A_4183 = tpu.memref_squeeze %dma_wait3A_4182 : memref<1x10x128xf32, #tpu.memory_space<vmem>> -> memref<10x128xf32, #tpu.memory_space<vmem>>
    tpu.wait_dma2 semaphore(%arg15 : memref<!tpu.dma_semaphore, #tpu.memory_space<semaphore_mem>>) src(%dma_wait3A_4183 : memref<10x128xf32, #tpu.memory_space<vmem>>) dst(%dma_wait3A_4179 : memref<10x128xf32, #tpu.memory_space<hbm>>)
    %dma_wait3A_4184 = arith.constant 2 : i32
    %dma_wait3A_4185 = arith.constant 2 : i32
    %dma_wait3A_4186 = arith.constant 0 : i32
    %dma_wait3A_4187 = arith.constant 0 : i32
    %dma_wait3A_4188 = tpu.memref_slice %arg9[%dma_wait3A_4184, %dma_wait3A_4186, %dma_wait3A_4187] : memref<4x10x128xf32, #tpu.memory_space<vmem>> -> memref<1x10x128xf32, #tpu.memory_space<vmem>>
    %dma_wait3A_4189 = tpu.memref_squeeze %dma_wait3A_4188 : memref<1x10x128xf32, #tpu.memory_space<vmem>> -> memref<10x128xf32, #tpu.memory_space<vmem>>
    %dma_wait3A_4190 = arith.constant 0 : i32
    %dma_wait3A_4191 = arith.constant 0 : i32
    %dma_wait3A_4192 = tpu.memref_slice %arg5[%add3A, %dma_wait3A_4185, %dma_wait3A_4190, %dma_wait3A_4191] : memref<32x4x10x128xf32, #tpu.memory_space<hbm>> -> memref<1x1x10x128xf32, #tpu.memory_space<hbm>>
    %dma_wait3A_4193 = tpu.memref_squeeze %dma_wait3A_4192 : memref<1x1x10x128xf32, #tpu.memory_space<hbm>> -> memref<10x128xf32, #tpu.memory_space<hbm>>
    %dma_wait3A_4194 = arith.constant 0 : i32
    %dma_wait3A_4195 = arith.constant 0 : i32
    %dma_wait3A_4196 = tpu.memref_slice %arg5[%add3A, %dma_wait3A_4185, %dma_wait3A_4194, %dma_wait3A_4195] : memref<32x4x10x128xf32, #tpu.memory_space<hbm>> -> memref<1x1x10x128xf32, #tpu.memory_space<hbm>>
    %dma_wait3A_4197 = tpu.memref_squeeze %dma_wait3A_4196 : memref<1x1x10x128xf32, #tpu.memory_space<hbm>> -> memref<10x128xf32, #tpu.memory_space<hbm>>
    %dma_wait3A_4198 = arith.constant 0 : i32
    %dma_wait3A_4199 = arith.constant 0 : i32
    %dma_wait3A_4200 = tpu.memref_slice %arg9[%dma_wait3A_4184, %dma_wait3A_4198, %dma_wait3A_4199] : memref<4x10x128xf32, #tpu.memory_space<vmem>> -> memref<1x10x128xf32, #tpu.memory_space<vmem>>
    %dma_wait3A_4201 = tpu.memref_squeeze %dma_wait3A_4200 : memref<1x10x128xf32, #tpu.memory_space<vmem>> -> memref<10x128xf32, #tpu.memory_space<vmem>>
    tpu.wait_dma2 semaphore(%arg15 : memref<!tpu.dma_semaphore, #tpu.memory_space<semaphore_mem>>) src(%dma_wait3A_4201 : memref<10x128xf32, #tpu.memory_space<vmem>>) dst(%dma_wait3A_4197 : memref<10x128xf32, #tpu.memory_space<hbm>>)
    %dma_wait3A_4202 = arith.constant 3 : i32
    %dma_wait3A_4203 = arith.constant 3 : i32
    %dma_wait3A_4204 = arith.constant 0 : i32
    %dma_wait3A_4205 = arith.constant 0 : i32
    %dma_wait3A_4206 = tpu.memref_slice %arg9[%dma_wait3A_4202, %dma_wait3A_4204, %dma_wait3A_4205] : memref<4x10x128xf32, #tpu.memory_space<vmem>> -> memref<1x10x128xf32, #tpu.memory_space<vmem>>
    %dma_wait3A_4207 = tpu.memref_squeeze %dma_wait3A_4206 : memref<1x10x128xf32, #tpu.memory_space<vmem>> -> memref<10x128xf32, #tpu.memory_space<vmem>>
    %dma_wait3A_4208 = arith.constant 0 : i32
    %dma_wait3A_4209 = arith.constant 0 : i32
    %dma_wait3A_4210 = tpu.memref_slice %arg5[%add3A, %dma_wait3A_4203, %dma_wait3A_4208, %dma_wait3A_4209] : memref<32x4x10x128xf32, #tpu.memory_space<hbm>> -> memref<1x1x10x128xf32, #tpu.memory_space<hbm>>
    %dma_wait3A_4211 = tpu.memref_squeeze %dma_wait3A_4210 : memref<1x1x10x128xf32, #tpu.memory_space<hbm>> -> memref<10x128xf32, #tpu.memory_space<hbm>>
    %dma_wait3A_4212 = arith.constant 0 : i32
    %dma_wait3A_4213 = arith.constant 0 : i32
    %dma_wait3A_4214 = tpu.memref_slice %arg5[%add3A, %dma_wait3A_4203, %dma_wait3A_4212, %dma_wait3A_4213] : memref<32x4x10x128xf32, #tpu.memory_space<hbm>> -> memref<1x1x10x128xf32, #tpu.memory_space<hbm>>
    %dma_wait3A_4215 = tpu.memref_squeeze %dma_wait3A_4214 : memref<1x1x10x128xf32, #tpu.memory_space<hbm>> -> memref<10x128xf32, #tpu.memory_space<hbm>>
    %dma_wait3A_4216 = arith.constant 0 : i32
    %dma_wait3A_4217 = arith.constant 0 : i32
    %dma_wait3A_4218 = tpu.memref_slice %arg9[%dma_wait3A_4202, %dma_wait3A_4216, %dma_wait3A_4217] : memref<4x10x128xf32, #tpu.memory_space<vmem>> -> memref<1x10x128xf32, #tpu.memory_space<vmem>>
    %dma_wait3A_4219 = tpu.memref_squeeze %dma_wait3A_4218 : memref<1x10x128xf32, #tpu.memory_space<vmem>> -> memref<10x128xf32, #tpu.memory_space<vmem>>
    tpu.wait_dma2 semaphore(%arg15 : memref<!tpu.dma_semaphore, #tpu.memory_space<semaphore_mem>>) src(%dma_wait3A_4219 : memref<10x128xf32, #tpu.memory_space<vmem>>) dst(%dma_wait3A_4215 : memref<10x128xf32, #tpu.memory_space<hbm>>)
    return
  }
}

</mosaic_0001>

<sc_bundles>
// kernel: kernel.3.cloned.1.call-start
scs
__scs_entry_jumppad:
0x0: {  	(pc) =	sbr.rel $0x88, $3  }
0x1: {  	(tag) =	ssettag $0x0;
	lr =	simm.s32 $0x1  }
0x2: {  	[smem:$0x3F9D] =	sst lr;
	_ =	strace $0xD0000000  }
0x3: {  	_ = 	snop  }
0x4: {  	_ = 	snop  }
0x5: {  	_ = 	snop  }
0x6: {  	_ = 	snop  }
0x7: {  	_ = 	snop  }
__scs_overlays_trampoline_lowered:
0x8: {  	[smem:$0x3FAC] =	sst s0  }
0x9: {  	[smem:$0x3FAD] =	sst s1  }
0xa: {  	[smem:$0x3FAE] =	sst s2  }
0xb: {  	[smem:$0x3FAF] =	sst s3  }
0xc: {  	[smem:$0x3FB0] =	sst s4  }
0xd: {  	[smem:$0x3FB1] =	sst s5  }
0xe: {  	[smem:$0x3FB2] =	sst s6  }
0xf: {  	[smem:$0x3FB3] =	sst s7  }
0x10: {  	[smem:$0x3FB4] =	sst s8  }
0x11: {  	[smem:$0x3FB5] =	sst s9;
	s0 =	simm.s32 @!p0 $0x0  }
0x12: {  	s1 =	sld [smem:$0x3F9B];
	s0 =	simm.s32 @p0 $0x1  }
0x13: {  	[smem:$0x3FB6] =	sst s0;
	s0 =	simm.s32 @!p1 $0x0  }
0x14: {  	s2 =	sld [smem:$0x3F9A];
	s0 =	simm.s32 @p1 $0x1  }
0x15: {  	[smem:$0x3FB7] =	sst s0;
	s0 =	simm.s32 @!p2 $0x0  }
0x16: {  	s3 =	sld [smem:$0x3FDB];
	s0 =	simm.s32 @p2 $0x1  }
0x17: {  	s4 =	simm.s32 $0x1BF5;
	[smem:$0x3FB9] =	sst s0  }
0x18: {  	s0 =	sld [smem:$0x3F9C];
	_ =	swait.ge [sflag:s4], $0x0  }
0x19: {  	s7 =	sld [smem:$0x3F9D]  }
0x1a: {  	s8 =	sadd.s32 $0xFFFFE003, lr  }
0x1b: {  	s9 =	sadd.s32 $0xFFFFFEF7, lr;
	s5 =	simm.s32 $0xFFFFFFFF;
	p2 =	slt.u32 s8, $0xFFFFF086  }
0x1c: {  	p1 =	slt.u32 s9, $0xF7A;
	s5 =	simm.s32 @!p2 $0x0  }
0x1d: {  	s5 =	simm.s32 @p1 $0x1;
	p0 =	seq.s32 s7, s2  }
0x1e: {  	s7 =	smul.u32 @!p0 $0xF7A, s2;
	p2 =	seq.s32 @!p0 s5, $0x0  }
0x1f: {  	s9 =	smul.u32 $0xF7A, s1;
	s8 =	simm.s32 @!p0 $0x1BF5;
	p2 =	por !p2, p0  }
0x20: {  	[sflag:s8] =	ssyncset.s32 @!p0 $0xFFFFF086;
	s6 =	sadd.s32 @!p0 s3, s7;
	s7 =	simm.s32 @!p0 $0x108  }
0x21: {  	s3 =	sadd.s32 s3, s9;
	s6 =	sadd.s32 @!p0 $0x88, s6;
	s7 =	simm.s32 @p2 $0x1082  }
0x22: {  	[simem:s7], [sflag:s8] =	dma.local @!p0 [hbm:s6], $0xF7A  }
0x23: {  	s9 =	sor.u32 $0xD0000000, s2;
	s6 =	simm.s32 $0x108;
	_ =	swait.ge @!p0 [sflag:s8], $0x0  }
0x24: {  	s3 =	sadd.s32 $0x88, s3;
	s6 =	simm.s32 @!p1 $0x1082;
	[sflag:s4] =	ssyncset.s32 $0xFFFFF086  }
0x25: {  	[simem:s6], [sflag:s4] =	dma.local [hbm:s3], $0xF7A  }
0x26: {  	[smem:$0x3F9D] =	sst s1;
	(tag) =	ssettag s2;
	_ =	strace s9  }
0x27: {  	s1 =	sld [smem:$0x3FAD]  }
0x28: {  	s2 =	sld [smem:$0x3FAE]  }
0x29: {  	s4 =	sld [smem:$0x3FB0]  }
0x2a: {  	p0 =	seq.s32 s5, $0x0;
	s5 =	sld [smem:$0x3FB1]  }
0x2b: {  	s6 =	sld [smem:$0x3FB2]  }
0x2c: {  	s7 =	sld [smem:$0x3FB3]  }
0x2d: {  	s3 =	simm.s32 $0x108;
	s8 =	sld [smem:$0x3FB4]  }
0x2e: {  	s3 =	simm.s32 @!p0 $0x1082;
	s9 =	sld [smem:$0x3FB5]  }
0x2f: {  	lr =	sadd.s32 s0, s3;
	s0 =	sld [smem:$0x3FAC]  }
0x30: {  	s3 =	sld [smem:$0x3FAF]  }
0x31: {  	[smem:$0x3FB8] =	sst s10  }
0x32: {  	s10 =	sld [smem:$0x3FB6];
	_ =	sdelay $0x3  }
0x33: {  	p0 =	seq.s32 s10, $0x1;
	s10 =	sld [smem:$0x3FB8];
	_ =	sdelay $0x3  }
0x34: {  	[smem:$0x3FB8] =	sst s10  }
0x35: {  	s10 =	sld [smem:$0x3FB7];
	_ =	sdelay $0x3  }
0x36: {  	p1 =	seq.s32 s10, $0x1;
	s10 =	sld [smem:$0x3FB8];
	_ =	sdelay $0x3  }
0x37: {  	[smem:$0x3FB8] =	sst s10  }
0x38: {  	s10 =	sld [smem:$0x3FB9]  }
0x39: {  	_ = 	snop;
	(pc) =	sbr.ind lr, $3  }
0x3a: {  	_ = 	snop  }
0x3b: {  	_ = 	snop  }
0x3c: {  	p2 =	seq.s32 s10, $0x1;
	s10 =	sld [smem:$0x3FB8]  }
0x3d: {  	_ =	shalt  }
0x3e: {  	_ =	shalt  }
0x3f: {  	_ =	shalt  }
0x40: {  	_ =	shalt  }
0x41: {  	_ =	shalt  }
0x42: {  	_ =	shalt  }
0x43: {  	_ =	shalt  }
0x44: {  	_ =	shalt  }
0x45: {  	_ =	shalt  }
0x46: {  	_ =	shalt  }
0x47: {  	_ =	shalt  }
0x48: {  	_ =	shalt  }
0x49: {  	_ =	shalt  }
0x4a: {  	_ =	shalt  }
0x4b: {  	_ =	shalt  }
0x4c: {  	_ =	shalt  }
0x4d: {  	_ =	shalt  }
0x4e: {  	_ =	shalt  }
0x4f: {  	_ =	shalt  }
0x50: {  	_ =	shalt  }
0x51: {  	_ =	shalt  }
0x52: {  	_ =	shalt  }
0x53: {  	_ =	shalt  }
0x54: {  	_ =	shalt  }
0x55: {  	_ =	shalt  }
0x56: {  	_ =	shalt  }
0x57: {  	_ =	shalt  }
0x58: {  	_ =	shalt  }
0x59: {  	_ =	shalt  }
0x5a: {  	_ =	shalt  }
0x5b: {  	_ =	shalt  }
0x5c: {  	_ =	shalt  }
0x5d: {  	_ =	shalt  }
0x5e: {  	_ =	shalt  }
0x5f: {  	_ =	shalt  }
0x60: {  	_ =	shalt  }
0x61: {  	_ =	shalt  }
0x62: {  	_ =	shalt  }
0x63: {  	_ =	shalt  }
0x64: {  	_ =	shalt  }
0x65: {  	_ =	shalt  }
0x66: {  	_ =	shalt  }
0x67: {  	_ =	shalt  }
0x68: {  	_ =	shalt  }
0x69: {  	_ =	shalt  }
0x6a: {  	_ =	shalt  }
0x6b: {  	_ =	shalt  }
0x6c: {  	_ =	shalt  }
0x6d: {  	_ =	shalt  }
0x6e: {  	_ =	shalt  }
0x6f: {  	_ =	shalt  }
0x70: {  	_ =	shalt  }
0x71: {  	_ =	shalt  }
0x72: {  	_ =	shalt  }
0x73: {  	_ =	shalt  }
0x74: {  	_ =	shalt  }
0x75: {  	_ =	shalt  }
0x76: {  	_ =	shalt  }
0x77: {  	_ =	shalt  }
0x78: {  	_ =	shalt  }
0x79: {  	_ =	shalt  }
0x7a: {  	_ =	shalt  }
0x7b: {  	_ =	shalt  }
0x7c: {  	_ =	shalt  }
0x7d: {  	_ =	shalt  }
0x7e: {  	_ =	shalt  }
0x7f: {  	_ =	shalt  }
0x80: {  	_ =	shalt  }
0x81: {  	_ =	shalt  }
0x82: {  	_ =	shalt  }
0x83: {  	_ =	shalt  }
0x84: {  	_ =	shalt  }
0x85: {  	_ =	shalt  }
0x86: {  	_ =	shalt  }
0x87: {  	_ =	shalt  }
.Lfunc_end0:
.L_simem_size_0:
called_computation_lowered:
.L_overlay_start_0:
0x88: {  	s2 =	sld [smem:$0x3FD9]  }
0x89: {  	s3 =	sld [smem:$0x3FFE];
	_ =	sdelay $0x1  }
0x8a: {  	s1 =	srdreg.scid  }
0x8b: {  	s0 =	sand.u32 $0x1, s1  }
0x8c: {  	s17 =	sshll.u32 s0, $0xA;
	s2 =	sadd.s32 s3, s2  }
0x8d: {  	s2 =	sadd.s32 s2, s17  }
0x8e: {  	[smem:$0x3FC4] =	sst s2  }
0x8f: {  	_ = 	snop  }
0x90: {  	s2 =	sld [smem:$0x3FC9]  }
0x91: {  	s18 =	sld [smem:$0x3FC8]  }
0x92: {  	s4 =	sld [smem:$0x3FD0];
	(tm) =	ssettm $0x1  }
0x93: {  	s5 =	sld [smem:$0x3FFB];
	_ =	sdelay $0x3  }
0x94: {  	_ =	strace s5  }
0x95: {  	s5 =	sld [smem:$0x3FFC];
	_ =	sdelay $0x3  }
0x96: {  	_ =	strace s5  }
0x97: {  	s5 =	sld [smem:$0x3FFD];
	_ =	sdelay $0x3  }
0x98: {  	_ =	strace s5  }
0x99: {  	_ =	strace $0x8FFFFFFF  }
0x9a: {  	s19 =	sld [smem:$0x3FDB];
	_ =	sdelay $0x1  }
0x9b: {  	s6 =	simm.s32 $_scs_section_size  }
0x9c: {  	s7 =	simm.s32 $_size__tile_overlayer_lowered;
	s8 =	simm.s32 $_tile_overlayer_lowered  }
0x9d: {  	s22 =	simm.s32 $0x1BFF;
	s21 =	sshll.u32 s8, $0x1;
	s5 =	sadd.s32 s6, s19  }
0x9e: {  	s9 =	simm.s32 $0x0;
	s20 =	sshll.u32 s7, $0x1;
	s7 =	sadd.s32 s21, s5  }
0x9f: {  	[timem:s9], [sflag:s22] =	dma.local [hbm:s7], s20  }
0xa0: {  	_ =	swait.ge [sflag:s22], s20  }
0xa1: {  	s6 =	ssub.s32 $0x0, s20;
	[sflag:s22] =	ssyncset.done $0x0  }
0xa2: {  	[sflag:s22] =	ssyncadd.s32 s6;
	_ =	sdelay $0x1  }
0xa3: {  	s23 =	simm.s32 $0x1B8B  }
0xa4: {  	_ =	swait.ge [sflag:s23], $0x1  }
0xa5: {  	[sflag:s23] =	ssyncset.done $0x0  }
0xa6: {  	s25 =	simm.s32 $0x1B8E;
	s24 =	sld [smem:$0x3FFE];
	[sflag:s23] =	ssyncadd.s32 $0xFFFFFFFF  }
0xa7: {  	s26 =	simm.s32 $execute0_lowered;
	[smem:$0x3FD2] =	sst s25  }
0xa8: {  	s7 =	sshll.u32 s26, $0x1;
	_ =	strace $0x80000046;
	[dreg:$0x1] =	wrdreg $0xFFFFFFFF  }
0xa9: {  	s28 =	simm.s32 $_size_execute0_lowered;
	s5 =	sadd.s32 s5, s7;
	[dreg:$0x0] =	wrdreg $0x0  }
0xaa: {  	s7 =	sshll.u32 s28, $0x1;
	[dreg:$0x2] =	wrdreg s5  }
0xab: {  	[dreg:$0x3] =	wrdreg s7  }
0xac: {  	[dreg:$0x4] =	wrdreg $0xC0  }
0xad: {  	_ =	task [dreg:s9], $0x5FFFF  }
0xae: {  	[dreg:$0x1] =	wrdreg $0xFFFFFFFF  }
0xaf: {  	[dreg:$0x0] =	wrdreg $0x60  }
0xb0: {  	[dreg:$0x2] =	wrdreg s18  }
0xb1: {  	[dreg:$0x3] =	wrdreg s2  }
0xb2: {  	[dreg:$0x4] =	wrdreg s24  }
0xb3: {  	[dreg:$0x5] =	wrdreg s4  }
0xb4: {  	[dreg:$0x6] =	wrdreg $0x9  }
0xb5: {  	_ =	task.clear_ibuf [dreg:s9], $0x7FFFF;
	_ =	strace $0x90000046  }
0xb6: {  	s29 =	simm.s32 $0x9;
	_ =	strace $0x80000048  }
0xb7: {  	_ =	swait.ge [sflag:s29], $0x1  }
0xb8: {  	[sflag:s29] =	ssyncadd.s32 $0xFFFFFFFF  }
0xb9: {  	_ =	strace $0x90000048  }
0xba: {  	_ =	sfence  }
0xbb: {  	s30 =	sld [smem:$0x0];
	_ =	sdelay $0x2  }
0xbc: {  	s31 =	sshll.u32 s1, $0xD;
	s1 =	sshrl.u32 s1, $0x2  }
0xbd: {  	s3 =	sand.u32 $0x4000, s31;
	s1 =	sadd.s32 s1, s30  }
0xbe: {  	s0 =	sor.u32 s3, s0;
	s1 =	sshll.u32 s1, $0x11  }
0xbf: {  	s0 =	sor.u32 s1, s0  }
0xc0: {  	s0 =	sadd.s32 $0x8F2B, s0  }
0xc1: {  	[sflag:s0] =	ssyncadd.remote.s32 $0x1  }
0xc2: {  	_ =	sfence.sel $0xFFFF  }
0xc3: {  	[dreg:$0x0] =	wrdreg $0xFFFFFFFF;
	(pc) =	sbr.abs _section_cstart, $3  }
0xc4: {  	[dreg:$0x1] =	wrdreg $0xFFFFFFFF  }
0xc5: {  	_ =	task.clear_ibuf [dreg:s9], $0x2FFFF;
	_ =	strace $0x9FFFFFFF  }
0xc6: {  	(tm) =	ssettm $0x7FFFFFFF  }
0xc7: {  	_ =	shalt  }
tec
execute0_lowered:
.L_overlay_start_1:
0x0: {  	(tag) =	ssettag $0x1  }
0x1: {  	s1 =	rddreg [dreg:$0x0]  }
0x2: {  	s6 =	rddreg [dreg:$0x1]  }
0x3: {  	s4 =	rddreg [dreg:$0x2]  }
0x4: {  	s5 =	rddreg [dreg:$0x3]  }
0x5: {  	s0 =	rddreg [dreg:$0x4]  }
0x6: {  	s3 =	simm.s32 $0x0;
	s7 =	srdreg.scid;
	s2 =	stileid.u32  }
0x7: {  	s12 =	simm.s32 $0x7;
	s13 =	simm.s32 $0x80;
	s14 =	simm.s32 $0x200  }
0x8: {  	s15 =	simm.s32 $0x280;
	s16 =	simm.s32 $0x100;
	s17 =	simm.s32 $0x300  }
0x9: {  	s18 =	simm.s32 $0x180;
	s19 =	simm.s32 $0x380;
	s20 =	simm.s32 $0x1  }
0xa: {  	s21 =	simm.s32 $0x2;
	s22 =	simm.s32 $0x500;
	s23 =	simm.s32 $0x3  }
0xb: {  	s24 =	simm.s32 $0xD00;
	s25 =	simm.s32 $0x4;
	s26 =	simm.s32 $0x1500  }
0xc: {  	s28 =	simm.s32 $0x5;
	s29 =	simm.s32 $0x1D00;
	s30 =	simm.s32 $0x6  }
0xd: {  	[smem:$0x7FF] =	sst s3;
	s7 =	sand.u32 $0x1, s7;
	s8 =	sshll.u32 s2, $0x1  }
0xe: {  	s4 =	sadd.s32 $0x600, s4;
	s9 =	ssub.s32 $0x2, s7;
	s7 =	sor.u32 s7, s8  }
0xf: {  	_ =	strace $0x80000047;
	s31 =	sshrl.u32 s9, $0x1;
	s10 =	sshll.u32 s7, $0xA  }
0x10: {  	s7 =	sshll.u32 s7, $0x6;
	s11 =	ssub.s32 s9, s31;
	s5 =	sadd.s32 s5, s10  }
0x11: {  	s6 =	sadd.s32 s6, s7;
	s7 =	sadd.s32 $0x100, s5;
	s8 =	sadd.s32 $0x200, s5  }
0x12: {  	s9 =	sadd.s32 $0x300, s5;
	s10 =	smax.u32 s11, $0x1;
	s11 =	simm.s32 $0x400  }
.LBB2_1:
0x13: {  	[tilespmem:s11], [sflag:$0x1] =	stream.linear.gather [hbm4b:s4+s3], $0x100, $0x38;
	[tilespmem:$0x2500] =	vst v63  }
0x14: {  	_ = 	snop  }
0x15: {  	[tilespmem:s3], [sflag:$0x7] =	stream.linear.gather [hbm4b:s6+s3], $0x200, $0x38;
	[tilespmem:$0x2500] =	vst v63  }
0x16: {  	_ =	swait.ge [sflag:s12], $0x200  }
0x17: {  	[sflag:s12] =	ssyncset.done $0x0  }
0x18: {  	[sflag:s12] =	ssyncadd.s32 $0xFFFFFE00  }
0x19: {  	[tilespmem:s14], [sflag:$0x2] =	stream.indirect.gather [hbm4b:s1+s13], $0x1, s3, s13, $0xb8;
	[tilespmem:$0x2500] =	vst v63  }
0x1a: {  	_ = 	snop  }
0x1b: {  	[tilespmem:s15], [sflag:$0x3] =	stream.indirect.gather [hbm4b:s1+s13], $0x1, s13, s13, $0xb8;
	[tilespmem:$0x2500] =	vst v63  }
0x1c: {  	_ = 	snop  }
0x1d: {  	[tilespmem:s17], [sflag:$0x4] =	stream.indirect.gather [hbm4b:s1+s13], $0x1, s16, s13, $0xb8;
	[tilespmem:$0x2500] =	vst v63  }
0x1e: {  	_ = 	snop  }
0x1f: {  	[tilespmem:s19], [sflag:$0x5] =	stream.indirect.gather [hbm4b:s1+s13], $0x1, s18, s13, $0xb8;
	[tilespmem:$0x2500] =	vst v63  }
0x20: {  	_ =	swait.ge [sflag:s20], $0x100  }
0x21: {  	[sflag:s20] =	ssyncset.done $0x0  }
0x22: {  	[sflag:s20] =	ssyncadd.s32 $0xFFFFFF00  }
0x23: {  	v17 =	vld [tilespmem:$0x400]  }
0x24: {  	v19 =	vld [tilespmem:$0x480];
	_ =	swait.ge [sflag:s21], $0x80  }
0x25: {  	[sflag:s21] =	ssyncset.done $0x0  }
0x26: {  	[sflag:s21] =	ssyncadd.s32 $0xFFFFFF80  }
0x27: {  	v0 =	vld [tilespmem:$0x200];
	_ =	sdelay $0x3  }
0x28: {  	v22 =	vld [tilespmem:$0x210];
	v11 =	vbroadcast v17, $0x0;
	v6 =	vbroadcast v17, $0x1  }
0x29: {  	v2 =	vbroadcast v17, $0x2;
	v20 =	vcvt.s32.f32 v0  }
0x2a: {  	v1 =	vbroadcast v19, $0x1;
	v7 =	vbroadcast v17, $0x3  }
0x2b: {  	v0 =	vbroadcast v19, $0x0;
	v8 =	vmul.f32 v20, v11  }
0x2c: {  	v3 =	vbroadcast v19, $0x2;
	v12 =	vmul.f32 v20, v6  }
0x2d: {  	v22 =	vcvt.s32.f32 v22;
	v13 =	vmul.f32 v20, v2;
	v15 =	vadd.f32 v8, v0  }
0x2e: {  	v4 =	vbroadcast v19, $0x3;
	v14 =	vmul.f32 v20, v7;
	v18 =	vadd.f32 v12, v1  }
0x2f: {  	v34 =	vmul.f32 v22, v11;
	v23 =	vadd.f32 v13, v3;
	[tilespmem:$0x500] =	vst v15  }
0x30: {  	v5 =	vbroadcast v17, $0x4;
	v35 =	vmul.f32 v22, v6;
	v29 =	vadd.f32 v14, v4;
	[tilespmem:$0x580] =	vst v18  }
0x31: {  	v9 =	vbroadcast v17, $0x5;
	v37 =	vmul.f32 v22, v2;
	v36 =	vadd.f32 v34, v0;
	[tilespmem:$0x600] =	vst v23  }
0x32: {  	v10 =	vbroadcast v17, $0x6;
	v39 =	vmul.f32 v22, v7;
	v38 =	vadd.f32 v35, v1;
	[tilespmem:$0x680] =	vst v29  }
0x33: {  	v16 =	vmul.f32 v20, v5;
	v8 =	vbroadcast v19, $0x4;
	v41 =	vadd.f32 v37, v3;
	[tilespmem:$0x510] =	vst v36  }
0x34: {  	v21 =	vmul.f32 v20, v9;
	v12 =	vbroadcast v19, $0x5;
	v43 =	vadd.f32 v39, v4;
	[tilespmem:$0x590] =	vst v38  }
0x35: {  	v24 =	vmul.f32 v20, v10;
	v14 =	vbroadcast v19, $0x6;
	v30 =	vadd.f32 v16, v8;
	[tilespmem:$0x610] =	vst v41  }
0x36: {  	v42 =	vmul.f32 v22, v5;
	v21 =	vadd.f32 v21, v12;
	[tilespmem:$0x690] =	vst v43  }
0x37: {  	v44 =	vmul.f32 v22, v9;
	v13 =	vbroadcast v17, $0x7;
	v31 =	vadd.f32 v24, v14;
	[tilespmem:$0x700] =	vst v30  }
0x38: {  	v61 =	vld [tilespmem:$0x230];
	v46 =	vmul.f32 v22, v10;
	v15 =	vbroadcast v17, $0x8;
	v45 =	vadd.f32 v42, v8;
	[tilespmem:$0x780] =	vst v21  }
0x39: {  	v25 =	vmul.f32 v20, v13;
	v16 =	vbroadcast v19, $0x7;
	v47 =	vadd.f32 v44, v12;
	[tilespmem:$0x800] =	vst v31  }
0x3a: {  	v17 =	vbroadcast v17, $0x9;
	v48 =	vmul.f32 v22, v13;
	v49 =	vadd.f32 v46, v14;
	[tilespmem:$0x710] =	vst v45  }
0x3b: {  	v18 =	vbroadcast v19, $0x8;
	v26 =	vmul.f32 v20, v15;
	v32 =	vadd.f32 v25, v16;
	[tilespmem:$0x790] =	vst v47  }
0x3c: {  	v40 =	vld [tilespmem:$0x220];
	v19 =	vbroadcast v19, $0x9;
	v20 =	vmul.f32 v20, v17;
	v51 =	vadd.f32 v48, v16;
	[tilespmem:$0x810] =	vst v49  }
0x3d: {  	v24 =	vcvt.s32.f32 v61;
	v50 =	vmul.f32 v22, v15;
	v33 =	vadd.f32 v26, v18;
	[tilespmem:$0x880] =	vst v32  }
0x3e: {  	v52 =	vmul.f32 v22, v17;
	v20 =	vadd.f32 v20, v19;
	[tilespmem:$0x890] =	vst v51  }
0x3f: {  	v37 =	vmul.f32 v24, v11;
	v53 =	vadd.f32 v50, v18;
	[tilespmem:$0x900] =	vst v33  }
0x40: {  	v39 =	vmul.f32 v24, v6;
	v55 =	vadd.f32 v52, v19;
	[tilespmem:$0x980] =	vst v20  }
0x41: {  	v25 =	vcvt.s32.f32 v40;
	v41 =	vmul.f32 v24, v2;
	v40 =	vadd.f32 v37, v0;
	[tilespmem:$0x910] =	vst v53  }
0x42: {  	v43 =	vmul.f32 v24, v7;
	v42 =	vadd.f32 v39, v1;
	[tilespmem:$0x990] =	vst v55  }
0x43: {  	v46 =	vmul.f32 v24, v5;
	v45 =	vadd.f32 v41, v3;
	[tilespmem:$0x530] =	vst v40  }
0x44: {  	v48 =	vmul.f32 v24, v9;
	v47 =	vadd.f32 v43, v4;
	[tilespmem:$0x5B0] =	vst v42  }
0x45: {  	v54 =	vmul.f32 v25, v11;
	v49 =	vadd.f32 v46, v8;
	[tilespmem:$0x630] =	vst v45  }
0x46: {  	v56 =	vmul.f32 v25, v6;
	v51 =	vadd.f32 v48, v12;
	[tilespmem:$0x6B0] =	vst v47  }
0x47: {  	v58 =	vmul.f32 v25, v2;
	v57 =	vadd.f32 v54, v0;
	[tilespmem:$0x730] =	vst v49  }
0x48: {  	v60 =	vmul.f32 v25, v7;
	v59 =	vadd.f32 v56, v1;
	[tilespmem:$0x7B0] =	vst v51  }
0x49: {  	v63 =	vmul.f32 v25, v5;
	v62 =	vadd.f32 v58, v3;
	[tilespmem:$0x520] =	vst v57  }
0x4a: {  	v27 =	vmul.f32 v25, v9;
	v26 =	vadd.f32 v60, v4;
	[tilespmem:$0x5A0] =	vst v59  }
0x4b: {  	v29 =	vmul.f32 v25, v10;
	v28 =	vadd.f32 v63, v8;
	[tilespmem:$0x620] =	vst v62  }
0x4c: {  	v44 =	vld [tilespmem:$0x240];
	v31 =	vmul.f32 v25, v13;
	v30 =	vadd.f32 v27, v12;
	[tilespmem:$0x6A0] =	vst v26  }
0x4d: {  	v35 =	vmul.f32 v25, v17;
	v32 =	vadd.f32 v29, v14;
	[tilespmem:$0x720] =	vst v28  }
0x4e: {  	v50 =	vmul.f32 v24, v10;
	v34 =	vadd.f32 v31, v16;
	[tilespmem:$0x7A0] =	vst v30  }
0x4f: {  	v52 =	vmul.f32 v24, v13;
	v38 =	vadd.f32 v35, v19;
	[tilespmem:$0x820] =	vst v32  }
0x50: {  	v33 =	vmul.f32 v25, v15;
	v53 =	vadd.f32 v50, v14;
	[tilespmem:$0x8A0] =	vst v34  }
0x51: {  	v54 =	vmul.f32 v24, v15;
	v25 =	vcvt.s32.f32 v44;
	v55 =	vadd.f32 v52, v16;
	[tilespmem:$0x9A0] =	vst v38  }
0x52: {  	v56 =	vmul.f32 v24, v17;
	v36 =	vadd.f32 v33, v18;
	[tilespmem:$0x830] =	vst v53  }
0x53: {  	v57 =	vadd.f32 v54, v18;
	v58 =	vmul.f32 v25, v11;
	[tilespmem:$0x8B0] =	vst v55  }
0x54: {  	v59 =	vadd.f32 v56, v19;
	v60 =	vmul.f32 v25, v6;
	[tilespmem:$0x920] =	vst v36  }
0x55: {  	v62 =	vmul.f32 v25, v2;
	[tilespmem:$0x930] =	vst v57;
	v61 =	vadd.f32 v58, v0  }
0x56: {  	v29 =	vld [tilespmem:$0x250];
	v28 =	vmul.f32 v25, v7;
	[tilespmem:$0x9B0] =	vst v59;
	v63 =	vadd.f32 v60, v1  }
0x57: {  	v31 =	vmul.f32 v25, v5;
	v30 =	vadd.f32 v62, v3;
	[tilespmem:$0x540] =	vst v61  }
0x58: {  	v33 =	vmul.f32 v25, v9;
	v32 =	vadd.f32 v28, v4;
	[tilespmem:$0x5C0] =	vst v63  }
0x59: {  	v35 =	vmul.f32 v25, v10;
	v34 =	vadd.f32 v31, v8;
	[tilespmem:$0x640] =	vst v30  }
0x5a: {  	v37 =	vmul.f32 v25, v13;
	v36 =	vadd.f32 v33, v12;
	[tilespmem:$0x6C0] =	vst v32  }
0x5b: {  	v39 =	vmul.f32 v25, v15;
	v38 =	vadd.f32 v35, v14;
	v24 =	vcvt.s32.f32 v29;
	[tilespmem:$0x740] =	vst v34  }
0x5c: {  	v41 =	vmul.f32 v25, v17;
	v40 =	vadd.f32 v37, v16;
	[tilespmem:$0x7C0] =	vst v36  }
0x5d: {  	v42 =	vadd.f32 v39, v18;
	[tilespmem:$0x840] =	vst v38;
	v43 =	vmul.f32 v24, v11  }
0x5e: {  	v44 =	vadd.f32 v41, v19;
	[tilespmem:$0x8C0] =	vst v40;
	v45 =	vmul.f32 v24, v6  }
0x5f: {  	[tilespmem:$0x940] =	vst v42;
	v47 =	vmul.f32 v24, v2;
	v46 =	vadd.f32 v43, v0  }
0x60: {  	v50 =	vld [tilespmem:$0x260];
	[tilespmem:$0x9C0] =	vst v44;
	v49 =	vmul.f32 v24, v7;
	v48 =	vadd.f32 v45, v1  }
0x61: {  	v52 =	vmul.f32 v24, v5;
	v51 =	vadd.f32 v47, v3;
	[tilespmem:$0x550] =	vst v46  }
0x62: {  	v54 =	vmul.f32 v24, v9;
	v53 =	vadd.f32 v49, v4;
	[tilespmem:$0x5D0] =	vst v48  }
0x63: {  	v56 =	vmul.f32 v24, v10;
	v55 =	vadd.f32 v52, v8;
	[tilespmem:$0x650] =	vst v51  }
0x64: {  	v58 =	vmul.f32 v24, v13;
	v57 =	vadd.f32 v54, v12;
	[tilespmem:$0x6D0] =	vst v53  }
0x65: {  	v25 =	vcvt.s32.f32 v50;
	v60 =	vmul.f32 v24, v15;
	v59 =	vadd.f32 v56, v14;
	[tilespmem:$0x750] =	vst v55  }
0x66: {  	v62 =	vmul.f32 v24, v17;
	v61 =	vadd.f32 v58, v16;
	[tilespmem:$0x7D0] =	vst v57  }
0x67: {  	v24 =	vmul.f32 v25, v11;
	v63 =	vadd.f32 v60, v18;
	[tilespmem:$0x850] =	vst v59  }
0x68: {  	v27 =	vmul.f32 v25, v6;
	v26 =	vadd.f32 v62, v19;
	[tilespmem:$0x8D0] =	vst v61  }
0x69: {  	v29 =	vmul.f32 v25, v2;
	v28 =	vadd.f32 v24, v0;
	[tilespmem:$0x950] =	vst v63  }
0x6a: {  	v32 =	vld [tilespmem:$0x270];
	v31 =	vmul.f32 v25, v7;
	v30 =	vadd.f32 v27, v1;
	[tilespmem:$0x9D0] =	vst v26  }
0x6b: {  	v34 =	vmul.f32 v25, v5;
	v33 =	vadd.f32 v29, v3;
	[tilespmem:$0x560] =	vst v28  }
0x6c: {  	v36 =	vmul.f32 v25, v9;
	v35 =	vadd.f32 v31, v4;
	[tilespmem:$0x5E0] =	vst v30  }
0x6d: {  	v38 =	vmul.f32 v25, v10;
	v37 =	vadd.f32 v34, v8;
	[tilespmem:$0x660] =	vst v33  }
0x6e: {  	v40 =	vmul.f32 v25, v13;
	v39 =	vadd.f32 v36, v12;
	[tilespmem:$0x6E0] =	vst v35  }
0x6f: {  	v42 =	vmul.f32 v25, v15;
	v41 =	vadd.f32 v38, v14;
	[tilespmem:$0x760] =	vst v37;
	v24 =	vcvt.s32.f32 v32  }
0x70: {  	v44 =	vmul.f32 v25, v17;
	v43 =	vadd.f32 v40, v16;
	[tilespmem:$0x7E0] =	vst v39  }
0x71: {  	v45 =	vadd.f32 v42, v18;
	[tilespmem:$0x860] =	vst v41;
	v46 =	vmul.f32 v24, v11  }
0x72: {  	v47 =	vadd.f32 v44, v19;
	[tilespmem:$0x8E0] =	vst v43;
	v48 =	vmul.f32 v24, v6  }
0x73: {  	[tilespmem:$0x960] =	vst v45;
	v50 =	vmul.f32 v24, v2;
	v49 =	vadd.f32 v46, v0  }
0x74: {  	[tilespmem:$0x9E0] =	vst v47;
	v52 =	vmul.f32 v24, v7;
	v51 =	vadd.f32 v48, v1  }
0x75: {  	v54 =	vmul.f32 v24, v5;
	v53 =	vadd.f32 v50, v3;
	[tilespmem:$0x570] =	vst v49  }
0x76: {  	v56 =	vmul.f32 v24, v9;
	v55 =	vadd.f32 v52, v4;
	[tilespmem:$0x5F0] =	vst v51  }
0x77: {  	v58 =	vmul.f32 v24, v10;
	v57 =	vadd.f32 v54, v8;
	[tilespmem:$0x670] =	vst v53  }
0x78: {  	v60 =	vmul.f32 v24, v13;
	v59 =	vadd.f32 v56, v12;
	[tilespmem:$0x6F0] =	vst v55  }
0x79: {  	v62 =	vmul.f32 v24, v15;
	v61 =	vadd.f32 v58, v14;
	[tilespmem:$0x770] =	vst v57  }
0x7a: {  	v24 =	vmul.f32 v24, v17;
	v63 =	vadd.f32 v60, v16;
	[tilespmem:$0x7F0] =	vst v59  }
0x7b: {  	v25 =	vadd.f32 v62, v18;
	[tilespmem:$0x870] =	vst v61  }
0x7c: {  	v26 =	vadd.f32 v24, v19;
	[tilespmem:$0x8F0] =	vst v63  }
0x7d: {  	[tilespmem:$0x970] =	vst v25  }
0x7e: {  	[tilespmem:$0x9F0] =	vst v26  }
0x7f: {  	[hbm4b:s5+s3] =	stream.linear.scatter [tilespmem:s22], [sflag:$0x6], $0x500, $0x38;
	[tilespmem:$0x2500] =	vst v63  }
0x80: {  	_ =	swait.ge [sflag:s23], $0x80  }
0x81: {  	[sflag:s23] =	ssyncset.done $0x0  }
0x82: {  	[sflag:s23] =	ssyncadd.s32 $0xFFFFFF80  }
0x83: {  	v27 =	vld [tilespmem:$0x280];
	_ =	sdelay $0x4  }
0x84: {  	v20 =	vcvt.s32.f32 v27;
	_ =	sdelay $0x1  }
0x85: {  	v28 =	vmul.f32 v20, v11  }
0x86: {  	v29 =	vmul.f32 v20, v6  }
0x87: {  	v30 =	vmul.f32 v20, v2;
	v21 =	vadd.f32 v28, v0  }
0x88: {  	v32 =	vld [tilespmem:$0x290];
	v31 =	vmul.f32 v20, v7;
	v22 =	vadd.f32 v29, v1  }
0x89: {  	v34 =	vmul.f32 v20, v5;
	v33 =	vadd.f32 v30, v3;
	[tilespmem:$0xD00] =	vst v21  }
0x8a: {  	v36 =	vmul.f32 v20, v9;
	v35 =	vadd.f32 v31, v4;
	[tilespmem:$0xD80] =	vst v22  }
0x8b: {  	v38 =	vmul.f32 v20, v10;
	v37 =	vadd.f32 v34, v8;
	[tilespmem:$0xE00] =	vst v33  }
0x8c: {  	v40 =	vmul.f32 v20, v13;
	v39 =	vadd.f32 v36, v12;
	[tilespmem:$0xE80] =	vst v35  }
0x8d: {  	v25 =	vcvt.s32.f32 v32;
	v42 =	vmul.f32 v20, v15;
	v41 =	vadd.f32 v38, v14;
	[tilespmem:$0xF00] =	vst v37  }
0x8e: {  	v20 =	vmul.f32 v20, v17;
	v43 =	vadd.f32 v40, v16;
	[tilespmem:$0xF80] =	vst v39  }
0x8f: {  	v45 =	vmul.f32 v25, v11;
	v44 =	vadd.f32 v42, v18;
	[tilespmem:$0x1000] =	vst v41  }
0x90: {  	v46 =	vmul.f32 v25, v6;
	v20 =	vadd.f32 v20, v19;
	[tilespmem:$0x1080] =	vst v43  }
0x91: {  	v48 =	vmul.f32 v25, v2;
	v47 =	vadd.f32 v45, v0;
	[tilespmem:$0x1100] =	vst v44  }
0x92: {  	v51 =	vld [tilespmem:$0x2A0];
	v50 =	vmul.f32 v25, v7;
	v49 =	vadd.f32 v46, v1;
	[tilespmem:$0x1180] =	vst v20  }
0x93: {  	v53 =	vmul.f32 v25, v5;
	v52 =	vadd.f32 v48, v3;
	[tilespmem:$0xD10] =	vst v47  }
0x94: {  	v55 =	vmul.f32 v25, v9;
	v54 =	vadd.f32 v50, v4;
	[tilespmem:$0xD90] =	vst v49  }
0x95: {  	v57 =	vmul.f32 v25, v10;
	v56 =	vadd.f32 v53, v8;
	[tilespmem:$0xE10] =	vst v52  }
0x96: {  	v59 =	vmul.f32 v25, v13;
	v58 =	vadd.f32 v55, v12;
	[tilespmem:$0xE90] =	vst v54  }
0x97: {  	v24 =	vcvt.s32.f32 v51;
	v61 =	vmul.f32 v25, v15;
	v60 =	vadd.f32 v57, v14;
	[tilespmem:$0xF10] =	vst v56  }
0x98: {  	v63 =	vmul.f32 v25, v17;
	v62 =	vadd.f32 v59, v16;
	[tilespmem:$0xF90] =	vst v58  }
0x99: {  	v26 =	vmul.f32 v24, v11;
	v25 =	vadd.f32 v61, v18;
	[tilespmem:$0x1010] =	vst v60  }
0x9a: {  	v32 =	vmul.f32 v24, v7;
	v27 =	vadd.f32 v63, v19;
	[tilespmem:$0x1090] =	vst v62  }
0x9b: {  	v28 =	vmul.f32 v24, v6;
	v29 =	vadd.f32 v26, v0;
	[tilespmem:$0x1110] =	vst v25  }
0x9c: {  	v30 =	vmul.f32 v24, v2;
	v36 =	vadd.f32 v32, v4;
	[tilespmem:$0x1190] =	vst v27;
	v33 =	vld [tilespmem:$0x2B0]  }
0x9d: {  	v45 =	vmul.f32 v24, v17;
	v31 =	vadd.f32 v28, v1;
	[tilespmem:$0xD20] =	vst v29  }
0x9e: {  	v34 =	vadd.f32 v30, v3;
	v35 =	vmul.f32 v24, v5;
	[tilespmem:$0xEA0] =	vst v36  }
0x9f: {  	v37 =	vmul.f32 v24, v9;
	v48 =	vadd.f32 v45, v19;
	[tilespmem:$0xDA0] =	vst v31  }
0xa0: {  	v39 =	vmul.f32 v24, v10;
	[tilespmem:$0xE20] =	vst v34;
	v38 =	vadd.f32 v35, v8  }
0xa1: {  	v41 =	vmul.f32 v24, v13;
	v40 =	vadd.f32 v37, v12;
	[tilespmem:$0x11A0] =	vst v48;
	v25 =	vcvt.s32.f32 v33  }
0xa2: {  	v43 =	vmul.f32 v24, v15;
	v42 =	vadd.f32 v39, v14;
	[tilespmem:$0xF20] =	vst v38  }
0xa3: {  	v44 =	vadd.f32 v41, v16;
	[tilespmem:$0xFA0] =	vst v40;
	v47 =	vmul.f32 v25, v11  }
0xa4: {  	v46 =	vadd.f32 v43, v18;
	[tilespmem:$0x1020] =	vst v42;
	v49 =	vmul.f32 v25, v6  }
0xa5: {  	[tilespmem:$0x10A0] =	vst v44;
	v51 =	vmul.f32 v25, v2;
	v50 =	vadd.f32 v47, v0  }
0xa6: {  	v54 =	vld [tilespmem:$0x2C0];
	[tilespmem:$0x1120] =	vst v46;
	v53 =	vmul.f32 v25, v7;
	v52 =	vadd.f32 v49, v1  }
0xa7: {  	v56 =	vmul.f32 v25, v5;
	v55 =	vadd.f32 v51, v3;
	[tilespmem:$0xD30] =	vst v50  }
0xa8: {  	v58 =	vmul.f32 v25, v9;
	v57 =	vadd.f32 v53, v4;
	[tilespmem:$0xDB0] =	vst v52  }
0xa9: {  	v60 =	vmul.f32 v25, v10;
	v59 =	vadd.f32 v56, v8;
	[tilespmem:$0xE30] =	vst v55  }
0xaa: {  	v62 =	vmul.f32 v25, v13;
	v61 =	vadd.f32 v58, v12;
	[tilespmem:$0xEB0] =	vst v57  }
0xab: {  	v24 =	vcvt.s32.f32 v54;
	v28 =	vmul.f32 v25, v15;
	v63 =	vadd.f32 v60, v14;
	[tilespmem:$0xF30] =	vst v59  }
0xac: {  	v30 =	vmul.f32 v25, v17;
	v29 =	vadd.f32 v62, v16;
	[tilespmem:$0xFB0] =	vst v61  }
0xad: {  	v32 =	vmul.f32 v24, v11;
	v31 =	vadd.f32 v28, v18;
	[tilespmem:$0x1030] =	vst v63  }
0xae: {  	v34 =	vmul.f32 v24, v6;
	v33 =	vadd.f32 v30, v19;
	[tilespmem:$0x10B0] =	vst v29  }
0xaf: {  	v36 =	vmul.f32 v24, v2;
	v35 =	vadd.f32 v32, v0;
	[tilespmem:$0x1130] =	vst v31  }
0xb0: {  	v39 =	vld [tilespmem:$0x2D0];
	v38 =	vmul.f32 v24, v7;
	v37 =	vadd.f32 v34, v1;
	[tilespmem:$0x11B0] =	vst v33  }
0xb1: {  	v41 =	vmul.f32 v24, v5;
	v40 =	vadd.f32 v36, v3;
	[tilespmem:$0xD40] =	vst v35  }
0xb2: {  	v43 =	vmul.f32 v24, v9;
	v42 =	vadd.f32 v38, v4;
	[tilespmem:$0xDC0] =	vst v37  }
0xb3: {  	v45 =	vmul.f32 v24, v10;
	v44 =	vadd.f32 v41, v8;
	[tilespmem:$0xE40] =	vst v40  }
0xb4: {  	v46 =	vadd.f32 v43, v12;
	v47 =	vmul.f32 v24, v13;
	[tilespmem:$0xEC0] =	vst v42  }
0xb5: {  	v25 =	vcvt.s32.f32 v39;
	v48 =	vadd.f32 v45, v14;
	v49 =	vmul.f32 v24, v15;
	[tilespmem:$0xF40] =	vst v44  }
0xb6: {  	v51 =	vmul.f32 v24, v17;
	[tilespmem:$0xFC0] =	vst v46;
	v50 =	vadd.f32 v47, v16  }
0xb7: {  	v53 =	vmul.f32 v25, v11;
	[tilespmem:$0x1040] =	vst v48;
	v52 =	vadd.f32 v49, v18  }
0xb8: {  	v62 =	vmul.f32 v25, v5;
	v54 =	vadd.f32 v51, v19;
	[tilespmem:$0x10C0] =	vst v50  }
0xb9: {  	v26 =	vmul.f32 v25, v9;
	v56 =	vadd.f32 v53, v0;
	[tilespmem:$0x1140] =	vst v52  }
0xba: {  	v60 =	vld [tilespmem:$0x2E0];
	v28 =	vmul.f32 v25, v10;
	v27 =	vadd.f32 v62, v8;
	[tilespmem:$0x11C0] =	vst v54  }
0xbb: {  	v30 =	vmul.f32 v25, v13;
	v29 =	vadd.f32 v26, v12;
	[tilespmem:$0xD50] =	vst v56  }
0xbc: {  	v32 =	vmul.f32 v25, v15;
	v31 =	vadd.f32 v28, v14;
	[tilespmem:$0xF50] =	vst v27  }
0xbd: {  	v34 =	vmul.f32 v25, v17;
	v33 =	vadd.f32 v30, v16;
	[tilespmem:$0xFD0] =	vst v29  }
0xbe: {  	v55 =	vmul.f32 v25, v6;
	v35 =	vadd.f32 v32, v18;
	[tilespmem:$0x1050] =	vst v31  }
0xbf: {  	v57 =	vmul.f32 v25, v2;
	v37 =	vadd.f32 v34, v19;
	[tilespmem:$0x10D0] =	vst v33;
	v24 =	vcvt.s32.f32 v60  }
0xc0: {  	v59 =	vmul.f32 v25, v7;
	v58 =	vadd.f32 v55, v1;
	[tilespmem:$0x1150] =	vst v35  }
0xc1: {  	v61 =	vadd.f32 v57, v3;
	[tilespmem:$0x11D0] =	vst v37;
	v36 =	vmul.f32 v24, v11  }
0xc2: {  	v63 =	vadd.f32 v59, v4;
	[tilespmem:$0xDD0] =	vst v58;
	v38 =	vmul.f32 v24, v6  }
0xc3: {  	[tilespmem:$0xE50] =	vst v61;
	v40 =	vmul.f32 v24, v2;
	v39 =	vadd.f32 v36, v0  }
0xc4: {  	v43 =	vld [tilespmem:$0x2F0];
	[tilespmem:$0xED0] =	vst v63;
	v42 =	vmul.f32 v24, v7;
	v41 =	vadd.f32 v38, v1  }
0xc5: {  	v45 =	vmul.f32 v24, v5;
	v44 =	vadd.f32 v40, v3;
	[tilespmem:$0xD60] =	vst v39  }
0xc6: {  	v47 =	vmul.f32 v24, v9;
	v46 =	vadd.f32 v42, v4;
	[tilespmem:$0xDE0] =	vst v41  }
0xc7: {  	v49 =	vmul.f32 v24, v10;
	v48 =	vadd.f32 v45, v8;
	[tilespmem:$0xE60] =	vst v44  }
0xc8: {  	v51 =	vmul.f32 v24, v13;
	v50 =	vadd.f32 v47, v12;
	[tilespmem:$0xEE0] =	vst v46  }
0xc9: {  	v25 =	vcvt.s32.f32 v43;
	v53 =	vmul.f32 v24, v15;
	v52 =	vadd.f32 v49, v14;
	[tilespmem:$0xF60] =	vst v48  }
0xca: {  	v55 =	vmul.f32 v24, v17;
	v54 =	vadd.f32 v51, v16;
	[tilespmem:$0xFE0] =	vst v50  }
0xcb: {  	v57 =	vmul.f32 v25, v11;
	v56 =	vadd.f32 v53, v18;
	[tilespmem:$0x1060] =	vst v52  }
0xcc: {  	v59 =	vmul.f32 v25, v6;
	v58 =	vadd.f32 v55, v19;
	[tilespmem:$0x10E0] =	vst v54  }
0xcd: {  	v61 =	vmul.f32 v25, v2;
	v60 =	vadd.f32 v57, v0;
	[tilespmem:$0x1160] =	vst v56  }
0xce: {  	v63 =	vmul.f32 v25, v7;
	v62 =	vadd.f32 v59, v1;
	[tilespmem:$0x11E0] =	vst v58  }
0xcf: {  	v26 =	vmul.f32 v25, v5;
	v24 =	vadd.f32 v61, v3;
	[tilespmem:$0xD70] =	vst v60  }
0xd0: {  	v28 =	vmul.f32 v25, v9;
	v27 =	vadd.f32 v63, v4;
	[tilespmem:$0xDF0] =	vst v62  }
0xd1: {  	v30 =	vmul.f32 v25, v10;
	v29 =	vadd.f32 v26, v8;
	[tilespmem:$0xE70] =	vst v24  }
0xd2: {  	v32 =	vmul.f32 v25, v13;
	v31 =	vadd.f32 v28, v12;
	[tilespmem:$0xEF0] =	vst v27  }
0xd3: {  	v34 =	vmul.f32 v25, v15;
	v33 =	vadd.f32 v30, v14;
	[tilespmem:$0xF70] =	vst v29  }
0xd4: {  	v35 =	vadd.f32 v32, v16;
	v36 =	vmul.f32 v25, v17;
	[tilespmem:$0xFF0] =	vst v31  }
0xd5: {  	v37 =	vadd.f32 v34, v18;
	[tilespmem:$0x1070] =	vst v33  }
0xd6: {  	[tilespmem:$0x10F0] =	vst v35;
	v38 =	vadd.f32 v36, v19  }
0xd7: {  	[tilespmem:$0x1170] =	vst v37  }
0xd8: {  	[tilespmem:$0x11F0] =	vst v38  }
0xd9: {  	[hbm4b:s7+s3] =	stream.linear.scatter [tilespmem:s24], [sflag:$0x6], $0x500, $0x38;
	[tilespmem:$0x2500] =	vst v63  }
0xda: {  	_ =	swait.ge [sflag:s25], $0x80  }
0xdb: {  	[sflag:s25] =	ssyncset.done $0x0  }
0xdc: {  	[sflag:s25] =	ssyncadd.s32 $0xFFFFFF80  }
0xdd: {  	v39 =	vld [tilespmem:$0x300];
	_ =	sdelay $0x4  }
0xde: {  	v20 =	vcvt.s32.f32 v39;
	_ =	sdelay $0x1  }
0xdf: {  	v40 =	vmul.f32 v20, v11  }
0xe0: {  	v41 =	vmul.f32 v20, v6  }
0xe1: {  	v42 =	vmul.f32 v20, v2;
	v21 =	vadd.f32 v40, v0  }
0xe2: {  	v44 =	vld [tilespmem:$0x310];
	v43 =	vmul.f32 v20, v7;
	v22 =	vadd.f32 v41, v1  }
0xe3: {  	v46 =	vmul.f32 v20, v5;
	v45 =	vadd.f32 v42, v3;
	[tilespmem:$0x1500] =	vst v21  }
0xe4: {  	v48 =	vmul.f32 v20, v9;
	v47 =	vadd.f32 v43, v4;
	[tilespmem:$0x1580] =	vst v22  }
0xe5: {  	v50 =	vmul.f32 v20, v10;
	v49 =	vadd.f32 v46, v8;
	[tilespmem:$0x1600] =	vst v45  }
0xe6: {  	v52 =	vmul.f32 v20, v13;
	v51 =	vadd.f32 v48, v12;
	[tilespmem:$0x1680] =	vst v47  }
0xe7: {  	v25 =	vcvt.s32.f32 v44;
	v54 =	vmul.f32 v20, v15;
	v53 =	vadd.f32 v50, v14;
	[tilespmem:$0x1700] =	vst v49  }
0xe8: {  	v20 =	vmul.f32 v20, v17;
	v55 =	vadd.f32 v52, v16;
	[tilespmem:$0x1780] =	vst v51  }
0xe9: {  	v57 =	vmul.f32 v25, v11;
	v56 =	vadd.f32 v54, v18;
	[tilespmem:$0x1800] =	vst v53  }
0xea: {  	v58 =	vmul.f32 v25, v6;
	v20 =	vadd.f32 v20, v19;
	[tilespmem:$0x1880] =	vst v55  }
0xeb: {  	v60 =	vmul.f32 v25, v2;
	v59 =	vadd.f32 v57, v0;
	[tilespmem:$0x1900] =	vst v56  }
0xec: {  	v63 =	vld [tilespmem:$0x320];
	v62 =	vmul.f32 v25, v7;
	v61 =	vadd.f32 v58, v1;
	[tilespmem:$0x1980] =	vst v20  }
0xed: {  	v27 =	vmul.f32 v25, v5;
	v26 =	vadd.f32 v60, v3;
	[tilespmem:$0x1510] =	vst v59  }
0xee: {  	v29 =	vmul.f32 v25, v9;
	v28 =	vadd.f32 v62, v4;
	[tilespmem:$0x1590] =	vst v61  }
0xef: {  	v31 =	vmul.f32 v25, v10;
	v30 =	vadd.f32 v27, v8;
	[tilespmem:$0x1610] =	vst v26  }
0xf0: {  	v33 =	vmul.f32 v25, v13;
	v32 =	vadd.f32 v29, v12;
	[tilespmem:$0x1690] =	vst v28  }
0xf1: {  	v24 =	vcvt.s32.f32 v63;
	v35 =	vmul.f32 v25, v15;
	v34 =	vadd.f32 v31, v14;
	[tilespmem:$0x1710] =	vst v30  }
0xf2: {  	v37 =	vmul.f32 v25, v17;
	v36 =	vadd.f32 v33, v16;
	[tilespmem:$0x1790] =	vst v32  }
0xf3: {  	v39 =	vmul.f32 v24, v11;
	v38 =	vadd.f32 v35, v18;
	[tilespmem:$0x1810] =	vst v34  }
0xf4: {  	v40 =	vadd.f32 v37, v19;
	v41 =	vmul.f32 v24, v6;
	[tilespmem:$0x1890] =	vst v36  }
0xf5: {  	v42 =	vadd.f32 v39, v0;
	v43 =	vmul.f32 v24, v2;
	[tilespmem:$0x1910] =	vst v38  }
0xf6: {  	v46 =	vld [tilespmem:$0x330];
	v48 =	vmul.f32 v24, v5;
	[tilespmem:$0x1990] =	vst v40;
	v44 =	vadd.f32 v41, v1  }
0xf7: {  	v50 =	vmul.f32 v24, v9;
	[tilespmem:$0x1520] =	vst v42;
	v47 =	vadd.f32 v43, v3  }
0xf8: {  	v52 =	vmul.f32 v24, v10;
	v51 =	vadd.f32 v48, v8;
	[tilespmem:$0x15A0] =	vst v44  }
0xf9: {  	v54 =	vmul.f32 v24, v13;
	v53 =	vadd.f32 v50, v12;
	[tilespmem:$0x1620] =	vst v47  }
0xfa: {  	v58 =	vmul.f32 v24, v17;
	v55 =	vadd.f32 v52, v14;
	[tilespmem:$0x1720] =	vst v51  }
0xfb: {  	v45 =	vmul.f32 v24, v7;
	v57 =	vadd.f32 v54, v16;
	[tilespmem:$0x17A0] =	vst v53;
	v25 =	vcvt.s32.f32 v46  }
0xfc: {  	v56 =	vmul.f32 v24, v15;
	v61 =	vadd.f32 v58, v19;
	[tilespmem:$0x1820] =	vst v55  }
0xfd: {  	v49 =	vadd.f32 v45, v4;
	[tilespmem:$0x18A0] =	vst v57;
	v60 =	vmul.f32 v25, v11  }
0xfe: {  	v59 =	vadd.f32 v56, v18;
	[tilespmem:$0x19A0] =	vst v61;
	v62 =	vmul.f32 v25, v6  }
0xff: {  	[tilespmem:$0x16A0] =	vst v49;
	v28 =	vmul.f32 v25, v2;
	v63 =	vadd.f32 v60, v0  }
0x100: {  	v31 =	vld [tilespmem:$0x340];
	[tilespmem:$0x1920] =	vst v59;
	v30 =	vmul.f32 v25, v7;
	v29 =	vadd.f32 v62, v1  }
0x101: {  	v33 =	vmul.f32 v25, v5;
	v32 =	vadd.f32 v28, v3;
	[tilespmem:$0x1530] =	vst v63  }
0x102: {  	v35 =	vmul.f32 v25, v9;
	v34 =	vadd.f32 v30, v4;
	[tilespmem:$0x15B0] =	vst v29  }
0x103: {  	v37 =	vmul.f32 v25, v10;
	v36 =	vadd.f32 v33, v8;
	[tilespmem:$0x1630] =	vst v32  }
0x104: {  	v39 =	vmul.f32 v25, v13;
	v38 =	vadd.f32 v35, v12;
	[tilespmem:$0x16B0] =	vst v34  }
0x105: {  	v24 =	vcvt.s32.f32 v31;
	v41 =	vmul.f32 v25, v15;
	v40 =	vadd.f32 v37, v14;
	[tilespmem:$0x1730] =	vst v36  }
0x106: {  	v43 =	vmul.f32 v25, v17;
	v42 =	vadd.f32 v39, v16;
	[tilespmem:$0x17B0] =	vst v38  }
0x107: {  	v45 =	vmul.f32 v24, v11;
	v44 =	vadd.f32 v41, v18;
	[tilespmem:$0x1830] =	vst v40  }
0x108: {  	v47 =	vmul.f32 v24, v6;
	v46 =	vadd.f32 v43, v19;
	[tilespmem:$0x18B0] =	vst v42  }
0x109: {  	v49 =	vmul.f32 v24, v2;
	v48 =	vadd.f32 v45, v0;
	[tilespmem:$0x1930] =	vst v44  }
0x10a: {  	v52 =	vld [tilespmem:$0x350];
	v51 =	vmul.f32 v24, v7;
	v50 =	vadd.f32 v47, v1;
	[tilespmem:$0x19B0] =	vst v46  }
0x10b: {  	v54 =	vmul.f32 v24, v5;
	v53 =	vadd.f32 v49, v3;
	[tilespmem:$0x1540] =	vst v48  }
0x10c: {  	v56 =	vmul.f32 v24, v9;
	v55 =	vadd.f32 v51, v4;
	[tilespmem:$0x15C0] =	vst v50  }
0x10d: {  	v58 =	vmul.f32 v24, v10;
	v57 =	vadd.f32 v54, v8;
	[tilespmem:$0x1640] =	vst v53  }
0x10e: {  	v59 =	vadd.f32 v56, v12;
	v60 =	vmul.f32 v24, v13;
	[tilespmem:$0x16C0] =	vst v55  }
0x10f: {  	v25 =	vcvt.s32.f32 v52;
	v61 =	vadd.f32 v58, v14;
	v62 =	vmul.f32 v24, v15;
	[tilespmem:$0x1740] =	vst v57  }
0x110: {  	v24 =	vmul.f32 v24, v17;
	[tilespmem:$0x17C0] =	vst v59;
	v63 =	vadd.f32 v60, v16  }
0x111: {  	v27 =	vmul.f32 v25, v11;
	[tilespmem:$0x1840] =	vst v61;
	v26 =	vadd.f32 v62, v18  }
0x112: {  	v31 =	vmul.f32 v25, v2;
	v28 =	vadd.f32 v24, v19;
	[tilespmem:$0x18C0] =	vst v63  }
0x113: {  	v33 =	vmul.f32 v25, v7;
	v30 =	vadd.f32 v27, v0;
	[tilespmem:$0x1940] =	vst v26  }
0x114: {  	v29 =	vmul.f32 v25, v6;
	v34 =	vld [tilespmem:$0x360];
	v35 =	vadd.f32 v31, v3;
	[tilespmem:$0x19C0] =	vst v28  }
0x115: {  	v36 =	vmul.f32 v25, v5;
	v37 =	vadd.f32 v33, v4;
	[tilespmem:$0x1550] =	vst v30  }
0x116: {  	v38 =	vmul.f32 v25, v9;
	v32 =	vadd.f32 v29, v1;
	[tilespmem:$0x1650] =	vst v35  }
0x117: {  	v40 =	vmul.f32 v25, v10;
	v39 =	vadd.f32 v36, v8;
	[tilespmem:$0x16D0] =	vst v37  }
0x118: {  	v42 =	vmul.f32 v25, v13;
	v41 =	vadd.f32 v38, v12;
	[tilespmem:$0x15D0] =	vst v32  }
0x119: {  	v44 =	vmul.f32 v25, v15;
	v43 =	vadd.f32 v40, v14;
	[tilespmem:$0x1750] =	vst v39;
	v24 =	vcvt.s32.f32 v34  }
0x11a: {  	v46 =	vmul.f32 v25, v17;
	v45 =	vadd.f32 v42, v16;
	[tilespmem:$0x17D0] =	vst v41  }
0x11b: {  	v47 =	vadd.f32 v44, v18;
	[tilespmem:$0x1850] =	vst v43;
	v48 =	vmul.f32 v24, v11  }
0x11c: {  	v49 =	vadd.f32 v46, v19;
	[tilespmem:$0x18D0] =	vst v45;
	v50 =	vmul.f32 v24, v6  }
0x11d: {  	[tilespmem:$0x1950] =	vst v47;
	v52 =	vmul.f32 v24, v2;
	v51 =	vadd.f32 v48, v0  }
0x11e: {  	v55 =	vld [tilespmem:$0x370];
	[tilespmem:$0x19D0] =	vst v49;
	v54 =	vmul.f32 v24, v7;
	v53 =	vadd.f32 v50, v1  }
0x11f: {  	v57 =	vmul.f32 v24, v5;
	v56 =	vadd.f32 v52, v3;
	[tilespmem:$0x1560] =	vst v51  }
0x120: {  	v59 =	vmul.f32 v24, v9;
	v58 =	vadd.f32 v54, v4;
	[tilespmem:$0x15E0] =	vst v53  }
0x121: {  	v61 =	vmul.f32 v24, v10;
	v60 =	vadd.f32 v57, v8;
	[tilespmem:$0x1660] =	vst v56  }
0x122: {  	v63 =	vmul.f32 v24, v13;
	v62 =	vadd.f32 v59, v12;
	[tilespmem:$0x16E0] =	vst v58  }
0x123: {  	v25 =	vcvt.s32.f32 v55;
	v29 =	vmul.f32 v24, v15;
	v28 =	vadd.f32 v61, v14;
	[tilespmem:$0x1760] =	vst v60  }
0x124: {  	v31 =	vmul.f32 v24, v17;
	v30 =	vadd.f32 v63, v16;
	[tilespmem:$0x17E0] =	vst v62  }
0x125: {  	v33 =	vmul.f32 v25, v11;
	v32 =	vadd.f32 v29, v18;
	[tilespmem:$0x1860] =	vst v28  }
0x126: {  	v35 =	vmul.f32 v25, v6;
	v34 =	vadd.f32 v31, v19;
	[tilespmem:$0x18E0] =	vst v30  }
0x127: {  	v37 =	vmul.f32 v25, v2;
	v36 =	vadd.f32 v33, v0;
	[tilespmem:$0x1960] =	vst v32  }
0x128: {  	v39 =	vmul.f32 v25, v7;
	v38 =	vadd.f32 v35, v1;
	[tilespmem:$0x19E0] =	vst v34  }
0x129: {  	v41 =	vmul.f32 v25, v5;
	v40 =	vadd.f32 v37, v3;
	[tilespmem:$0x1570] =	vst v36  }
0x12a: {  	v43 =	vmul.f32 v25, v9;
	v42 =	vadd.f32 v39, v4;
	[tilespmem:$0x15F0] =	vst v38  }
0x12b: {  	v45 =	vmul.f32 v25, v10;
	v44 =	vadd.f32 v41, v8;
	[tilespmem:$0x1670] =	vst v40  }
0x12c: {  	v47 =	vmul.f32 v25, v13;
	v46 =	vadd.f32 v43, v12;
	[tilespmem:$0x16F0] =	vst v42  }
0x12d: {  	v49 =	vmul.f32 v25, v15;
	v48 =	vadd.f32 v45, v14;
	[tilespmem:$0x1770] =	vst v44  }
0x12e: {  	v50 =	vadd.f32 v47, v16;
	[tilespmem:$0x17F0] =	vst v46;
	v51 =	vmul.f32 v25, v17  }
0x12f: {  	v52 =	vadd.f32 v49, v18;
	[tilespmem:$0x1870] =	vst v48  }
0x130: {  	[tilespmem:$0x18F0] =	vst v50;
	v53 =	vadd.f32 v51, v19  }
0x131: {  	[tilespmem:$0x1970] =	vst v52  }
0x132: {  	[tilespmem:$0x19F0] =	vst v53  }
0x133: {  	[hbm4b:s8+s3] =	stream.linear.scatter [tilespmem:s26], [sflag:$0x6], $0x500, $0x38;
	[tilespmem:$0x2500] =	vst v63  }
0x134: {  	_ =	swait.ge [sflag:s28], $0x80  }
0x135: {  	[sflag:s28] =	ssyncset.done $0x0  }
0x136: {  	[sflag:s28] =	ssyncadd.s32 $0xFFFFFF80  }
0x137: {  	v54 =	vld [tilespmem:$0x380];
	_ =	sdelay $0x4  }
0x138: {  	v20 =	vcvt.s32.f32 v54;
	_ =	sdelay $0x1  }
0x139: {  	v55 =	vmul.f32 v20, v11  }
0x13a: {  	v56 =	vmul.f32 v20, v6  }
0x13b: {  	v57 =	vmul.f32 v20, v2;
	v21 =	vadd.f32 v55, v0  }
0x13c: {  	v59 =	vld [tilespmem:$0x390];
	v58 =	vmul.f32 v20, v7;
	v22 =	vadd.f32 v56, v1  }
0x13d: {  	v61 =	vmul.f32 v20, v5;
	v60 =	vadd.f32 v57, v3;
	[tilespmem:$0x1D00] =	vst v21  }
0x13e: {  	v63 =	vmul.f32 v20, v9;
	v62 =	vadd.f32 v58, v4;
	[tilespmem:$0x1D80] =	vst v22  }
0x13f: {  	v29 =	vmul.f32 v20, v10;
	v28 =	vadd.f32 v61, v8;
	[tilespmem:$0x1E00] =	vst v60  }
0x140: {  	v31 =	vmul.f32 v20, v13;
	v30 =	vadd.f32 v63, v12;
	[tilespmem:$0x1E80] =	vst v62  }
0x141: {  	v25 =	vcvt.s32.f32 v59;
	v33 =	vmul.f32 v20, v15;
	v32 =	vadd.f32 v29, v14;
	[tilespmem:$0x1F00] =	vst v28  }
0x142: {  	v20 =	vmul.f32 v20, v17;
	v34 =	vadd.f32 v31, v16;
	[tilespmem:$0x1F80] =	vst v30  }
0x143: {  	v36 =	vmul.f32 v25, v11;
	v35 =	vadd.f32 v33, v18;
	[tilespmem:$0x2000] =	vst v32  }
0x144: {  	v37 =	vmul.f32 v25, v6;
	v20 =	vadd.f32 v20, v19;
	[tilespmem:$0x2080] =	vst v34  }
0x145: {  	v39 =	vmul.f32 v25, v2;
	v38 =	vadd.f32 v36, v0;
	[tilespmem:$0x2100] =	vst v35  }
0x146: {  	v42 =	vld [tilespmem:$0x3A0];
	v41 =	vmul.f32 v25, v7;
	v40 =	vadd.f32 v37, v1;
	[tilespmem:$0x2180] =	vst v20  }
0x147: {  	v44 =	vmul.f32 v25, v5;
	v43 =	vadd.f32 v39, v3;
	[tilespmem:$0x1D10] =	vst v38  }
0x148: {  	v46 =	vmul.f32 v25, v9;
	v45 =	vadd.f32 v41, v4;
	[tilespmem:$0x1D90] =	vst v40  }
0x149: {  	v48 =	vmul.f32 v25, v10;
	v47 =	vadd.f32 v44, v8;
	[tilespmem:$0x1E10] =	vst v43  }
0x14a: {  	v50 =	vmul.f32 v25, v13;
	v49 =	vadd.f32 v46, v12;
	[tilespmem:$0x1E90] =	vst v45  }
0x14b: {  	v24 =	vcvt.s32.f32 v42;
	v52 =	vmul.f32 v25, v15;
	v51 =	vadd.f32 v48, v14;
	[tilespmem:$0x1F10] =	vst v47  }
0x14c: {  	v54 =	vmul.f32 v25, v17;
	v53 =	vadd.f32 v50, v16;
	[tilespmem:$0x1F90] =	vst v49  }
0x14d: {  	v55 =	vadd.f32 v52, v18;
	v56 =	vmul.f32 v24, v11;
	[tilespmem:$0x2010] =	vst v51  }
0x14e: {  	v57 =	vadd.f32 v54, v19;
	v58 =	vmul.f32 v24, v6;
	[tilespmem:$0x2090] =	vst v53  }
0x14f: {  	v27 =	vmul.f32 v24, v5;
	[tilespmem:$0x2110] =	vst v55;
	v59 =	vadd.f32 v56, v0  }
0x150: {  	v63 =	vld [tilespmem:$0x3B0];
	v29 =	vmul.f32 v24, v9;
	[tilespmem:$0x2190] =	vst v57;
	v61 =	vadd.f32 v58, v1  }
0x151: {  	v31 =	vmul.f32 v24, v10;
	v30 =	vadd.f32 v27, v8;
	[tilespmem:$0x1D20] =	vst v59  }
0x152: {  	v33 =	vmul.f32 v24, v13;
	v32 =	vadd.f32 v29, v12;
	[tilespmem:$0x1DA0] =	vst v61  }
0x153: {  	v37 =	vmul.f32 v24, v17;
	v34 =	vadd.f32 v31, v14;
	[tilespmem:$0x1F20] =	vst v30  }
0x154: {  	v60 =	vmul.f32 v24, v2;
	v36 =	vadd.f32 v33, v16;
	[tilespmem:$0x1FA0] =	vst v32  }
0x155: {  	v62 =	vmul.f32 v24, v7;
	v40 =	vadd.f32 v37, v19;
	[tilespmem:$0x2020] =	vst v34;
	v25 =	vcvt.s32.f32 v63  }
0x156: {  	v35 =	vmul.f32 v24, v15;
	v26 =	vadd.f32 v60, v3;
	[tilespmem:$0x20A0] =	vst v36  }
0x157: {  	v28 =	vadd.f32 v62, v4;
	[tilespmem:$0x21A0] =	vst v40;
	v39 =	vmul.f32 v25, v11  }
0x158: {  	v38 =	vadd.f32 v35, v18;
	[tilespmem:$0x1E20] =	vst v26;
	v41 =	vmul.f32 v25, v6  }
0x159: {  	[tilespmem:$0x1EA0] =	vst v28;
	v43 =	vmul.f32 v25, v2;
	v42 =	vadd.f32 v39, v0  }
0x15a: {  	v46 =	vld [tilespmem:$0x3C0];
	[tilespmem:$0x2120] =	vst v38;
	v45 =	vmul.f32 v25, v7;
	v44 =	vadd.f32 v41, v1  }
0x15b: {  	v48 =	vmul.f32 v25, v5;
	v47 =	vadd.f32 v43, v3;
	[tilespmem:$0x1D30] =	vst v42  }
0x15c: {  	v50 =	vmul.f32 v25, v9;
	v49 =	vadd.f32 v45, v4;
	[tilespmem:$0x1DB0] =	vst v44  }
0x15d: {  	v52 =	vmul.f32 v25, v10;
	v51 =	vadd.f32 v48, v8;
	[tilespmem:$0x1E30] =	vst v47  }
0x15e: {  	v54 =	vmul.f32 v25, v13;
	v53 =	vadd.f32 v50, v12;
	[tilespmem:$0x1EB0] =	vst v49  }
0x15f: {  	v24 =	vcvt.s32.f32 v46;
	v56 =	vmul.f32 v25, v15;
	v55 =	vadd.f32 v52, v14;
	[tilespmem:$0x1F30] =	vst v51  }
0x160: {  	v58 =	vmul.f32 v25, v17;
	v57 =	vadd.f32 v54, v16;
	[tilespmem:$0x1FB0] =	vst v53  }
0x161: {  	v60 =	vmul.f32 v24, v11;
	v59 =	vadd.f32 v56, v18;
	[tilespmem:$0x2030] =	vst v55  }
0x162: {  	v62 =	vmul.f32 v24, v6;
	v61 =	vadd.f32 v58, v19;
	[tilespmem:$0x20B0] =	vst v57  }
0x163: {  	v28 =	vmul.f32 v24, v2;
	v63 =	vadd.f32 v60, v0;
	[tilespmem:$0x2130] =	vst v59  }
0x164: {  	v31 =	vld [tilespmem:$0x3D0];
	v30 =	vmul.f32 v24, v7;
	v29 =	vadd.f32 v62, v1;
	[tilespmem:$0x21B0] =	vst v61  }
0x165: {  	v33 =	vmul.f32 v24, v5;
	v32 =	vadd.f32 v28, v3;
	[tilespmem:$0x1D40] =	vst v63  }
0x166: {  	v35 =	vmul.f32 v24, v9;
	v34 =	vadd.f32 v30, v4;
	[tilespmem:$0x1DC0] =	vst v29  }
0x167: {  	v37 =	vmul.f32 v24, v10;
	v36 =	vadd.f32 v33, v8;
	[tilespmem:$0x1E40] =	vst v32  }
0x168: {  	v38 =	vadd.f32 v35, v12;
	v39 =	vmul.f32 v24, v13;
	[tilespmem:$0x1EC0] =	vst v34  }
0x169: {  	v25 =	vcvt.s32.f32 v31;
	v40 =	vadd.f32 v37, v14;
	v41 =	vmul.f32 v24, v15;
	[tilespmem:$0x1F40] =	vst v36  }
0x16a: {  	v43 =	vmul.f32 v24, v17;
	[tilespmem:$0x1FC0] =	vst v38;
	v42 =	vadd.f32 v39, v16  }
0x16b: {  	v45 =	vmul.f32 v25, v11;
	[tilespmem:$0x2040] =	vst v40;
	v44 =	vadd.f32 v41, v18  }
0x16c: {  	v54 =	vmul.f32 v25, v5;
	v46 =	vadd.f32 v43, v19;
	[tilespmem:$0x20C0] =	vst v42  }
0x16d: {  	v56 =	vmul.f32 v25, v9;
	v48 =	vadd.f32 v45, v0;
	[tilespmem:$0x2140] =	vst v44  }
0x16e: {  	v52 =	vld [tilespmem:$0x3E0];
	v58 =	vmul.f32 v25, v10;
	v57 =	vadd.f32 v54, v8;
	[tilespmem:$0x21C0] =	vst v46  }
0x16f: {  	v60 =	vmul.f32 v25, v13;
	v59 =	vadd.f32 v56, v12;
	[tilespmem:$0x1D50] =	vst v48  }
0x170: {  	v62 =	vmul.f32 v25, v15;
	v61 =	vadd.f32 v58, v14;
	[tilespmem:$0x1F50] =	vst v57  }
0x171: {  	v47 =	vmul.f32 v25, v6;
	v63 =	vadd.f32 v60, v16;
	[tilespmem:$0x1FD0] =	vst v59  }
0x172: {  	v49 =	vmul.f32 v25, v2;
	v26 =	vadd.f32 v62, v18;
	[tilespmem:$0x2050] =	vst v61  }
0x173: {  	v51 =	vmul.f32 v25, v7;
	v50 =	vadd.f32 v47, v1;
	[tilespmem:$0x20D0] =	vst v63;
	v24 =	vcvt.s32.f32 v52  }
0x174: {  	v25 =	vmul.f32 v25, v17;
	v53 =	vadd.f32 v49, v3;
	[tilespmem:$0x2150] =	vst v26  }
0x175: {  	v55 =	vadd.f32 v51, v4;
	[tilespmem:$0x1DD0] =	vst v50;
	v27 =	vmul.f32 v24, v11  }
0x176: {  	v28 =	vadd.f32 v25, v19;
	[tilespmem:$0x1E50] =	vst v53;
	v29 =	vmul.f32 v24, v6  }
0x177: {  	[tilespmem:$0x1ED0] =	vst v55;
	v31 =	vmul.f32 v24, v2;
	v30 =	vadd.f32 v27, v0  }
0x178: {  	v34 =	vld [tilespmem:$0x3F0];
	[tilespmem:$0x21D0] =	vst v28;
	v33 =	vmul.f32 v24, v7;
	v32 =	vadd.f32 v29, v1  }
0x179: {  	v36 =	vmul.f32 v24, v5;
	v35 =	vadd.f32 v31, v3;
	[tilespmem:$0x1D60] =	vst v30  }
0x17a: {  	v38 =	vmul.f32 v24, v9;
	v37 =	vadd.f32 v33, v4;
	[tilespmem:$0x1DE0] =	vst v32  }
0x17b: {  	v40 =	vmul.f32 v24, v10;
	v39 =	vadd.f32 v36, v8;
	[tilespmem:$0x1E60] =	vst v35  }
0x17c: {  	v42 =	vmul.f32 v24, v13;
	v41 =	vadd.f32 v38, v12;
	[tilespmem:$0x1EE0] =	vst v37  }
0x17d: {  	v44 =	vmul.f32 v24, v15;
	v25 =	vcvt.s32.f32 v34;
	v43 =	vadd.f32 v40, v14;
	[tilespmem:$0x1F60] =	vst v39  }
0x17e: {  	v46 =	vmul.f32 v24, v17;
	v45 =	vadd.f32 v42, v16;
	[tilespmem:$0x1FE0] =	vst v41  }
0x17f: {  	v47 =	vadd.f32 v44, v18;
	v11 =	vmul.f32 v25, v11;
	[tilespmem:$0x2060] =	vst v43  }
0x180: {  	v48 =	vadd.f32 v46, v19;
	v6 =	vmul.f32 v25, v6;
	[tilespmem:$0x20E0] =	vst v45  }
0x181: {  	v2 =	vmul.f32 v25, v2;
	[tilespmem:$0x2160] =	vst v47;
	v0 =	vadd.f32 v11, v0  }
0x182: {  	v49 =	vmul.f32 v25, v7;
	[tilespmem:$0x21E0] =	vst v48;
	v1 =	vadd.f32 v6, v1  }
0x183: {  	v51 =	vmul.f32 v25, v5;
	v50 =	vadd.f32 v2, v3;
	[tilespmem:$0x1D70] =	vst v0  }
0x184: {  	v53 =	vmul.f32 v25, v9;
	v52 =	vadd.f32 v49, v4;
	[tilespmem:$0x1DF0] =	vst v1  }
0x185: {  	v55 =	vmul.f32 v25, v10;
	v54 =	vadd.f32 v51, v8;
	[tilespmem:$0x1E70] =	vst v50  }
0x186: {  	v57 =	vmul.f32 v25, v13;
	v56 =	vadd.f32 v53, v12;
	[tilespmem:$0x1EF0] =	vst v52  }
0x187: {  	v59 =	vmul.f32 v25, v15;
	v58 =	vadd.f32 v55, v14;
	[tilespmem:$0x1F70] =	vst v54  }
0x188: {  	v61 =	vmul.f32 v25, v17;
	v60 =	vadd.f32 v57, v16;
	[tilespmem:$0x1FF0] =	vst v56  }
0x189: {  	v62 =	vadd.f32 v59, v18;
	[tilespmem:$0x2070] =	vst v58  }
0x18a: {  	v63 =	vadd.f32 v61, v19;
	[tilespmem:$0x20F0] =	vst v60  }
0x18b: {  	[tilespmem:$0x2170] =	vst v62  }
0x18c: {  	[tilespmem:$0x21F0] =	vst v63  }
0x18d: {  	[hbm4b:s9+s3] =	stream.linear.scatter [tilespmem:s29], [sflag:$0x6], $0x500, $0x38;
	[tilespmem:$0x2500] =	vst v63  }
0x18e: {  	_ =	swait.ge [sflag:s30], $0x500  }
0x18f: {  	[sflag:s30] =	ssyncset.done $0x0  }
0x190: {  	[sflag:s30] =	ssyncadd.s32 $0xFFFFFB00  }
0x191: {  	_ =	swait.ge [sflag:s30], $0x500  }
0x192: {  	[sflag:s30] =	ssyncset.done $0x0  }
0x193: {  	[sflag:s30] =	ssyncadd.s32 $0xFFFFFB00  }
0x194: {  	p0 =	sne.s32 s10, $0x1;
	_ =	swait.ge [sflag:s30], $0x500  }
.Ltmp0:
0x195: {  	[sflag:s30] =	ssyncset.done $0x0;
	(pc) =	sbr.rel @p0 .LBB2_1-.Ltmp0, $4  }
0x196: {  	[sflag:s30] =	ssyncadd.s32 $0xFFFFFB00  }
0x197: {  	_ =	swait.ge [sflag:s30], $0x500  }
0x198: {  	[sflag:s30] =	ssyncset.done $0x0  }
0x199: {  	s10 =	sadd.s32 $0xFFFFFFFF, s10;
	[sflag:s30] =	ssyncadd.s32 $0xFFFFFB00  }
0x19a: {  	_ =	sfence.sel $0x180000  }
0x19b: {  	[bflag:$0x0] =	sbarrier.arrive $0xFFFF  }
0x19c: {  	p0 =	sne.s32 s2, $0x0;
	_ =	strace $0x90000047  }
0x19d: {  	s0 =	sadd.s32 @!p0 $0x100000, s0;
	[bflag:$0x2] =	sbarrier.arrive $0xFFFF  }
0x19e: {  	[sflag:s0] =	ssyncadd.tile.s32 @!p0 $0x1;
	_ =	shalt  }
.Lfunc_end2:
_tile_overlayer_lowered:
.L_overlay_start_2:
0x19f: {  	(tag) =	ssettag $0x2  }
0x1a0: {  	s0 =	rddreg [dreg:$0x0];
	s2 =	stileid.u32  }
0x1a1: {  	s1 =	rddreg [dreg:$0x1];
	p0 =	sne.s32 s2, $0x0  }
0x1a2: {  	s3 =	rddreg [dreg:$0x2];
	[bflag:$0x3] =	sbarrier.arrive $0xFFFF;
	s2 =	simm.s32 @!p0 $0x1C07  }
0x1a3: {  	[timem:s3], [sflag:s2] =	dma.local @!p0 [hbm:s0], s1  }
0x1a4: {  	s0 =	simm.s32 @!p0 $0x7  }
0x1a5: {  	_ =	swait.ge @!p0 [sflag:s0], s1  }
0x1a6: {  	s1 =	ssub.s32 @!p0 $0x0, s1;
	[sflag:s0] =	ssyncset.done @!p0 $0x0  }
0x1a7: {  	[sflag:s0] =	ssyncadd.s32 @!p0 s1  }
0x1a8: {  	[bflag:$0x3] =	sbarrier.arrive $0xFFFF  }
0x1a9: {  	_ =	shalt  }

</sc_bundles>
